<compile_context>
chip_gen: v7x
topology: tpu7x:2x2x1
jax: 0.10.2.dev20260603
libtpu: 0.0.44.dev20260713+nightly
codegen_flags: <defaults>
</compile_context>

<pallas_src>
import jax
import jax.numpy as jnp
from jax import lax
from jax.experimental import pallas as pl
from jax.experimental.pallas import tpu as pltpu
from jax.experimental.pallas import tpu_sc as plsc

NUM_EMB = 1000000
DIM = 64
BATCH = 4096
HIST = 50

_info = plsc.get_sparse_core_info()
NC, NS = _info.num_cores, _info.num_subcores
NW = NC * NS
TOTAL = BATCH * HIST
PER_W = TOTAL // NW
B_PER_W = BATCH // NW
GB = 8
GROUP = GB * HIST
NGROUP = B_PER_W // GB
NBUF = 2
HPAD = 64


def _gather_kernel(table_hbm, idx_hbm, out_hbm, idx_v, rows_v, sem_g, sem_o):
    wid = lax.axis_index("s") * NC + lax.axis_index("c")
    bbase = wid * B_PER_W
    pltpu.sync_copy(idx_hbm.at[pl.ds(bbase * HPAD, B_PER_W * HPAD)], idx_v)

    def fire(g, b):
        def batchp(p, c):
            for hc in range(4):
                vec = idx_v[pl.ds((g * GB + p) * HPAD + hc * 16, 16)]
                for l in range(16 if hc < 3 else HIST - 48):
                    tok = vec[l]
                    pltpu.make_async_copy(
                        table_hbm.at[pl.ds(tok, 1)],
                        rows_v.at[b, p, pl.ds(hc * 16 + l, 1)],
                        sem_g.at[b],
                    ).start()
            return c

        lax.fori_loop(0, GB, batchp, 0, unroll=False)

    def drain_gather(b):
        pltpu.make_async_copy(
            out_hbm.at[pl.ds(bbase, GB)], rows_v.at[b], sem_g.at[b]
        ).wait()

    def out_start(g, b):
        pltpu.make_async_copy(
            rows_v.at[b], out_hbm.at[pl.ds(bbase + g * GB, GB)], sem_o.at[b]
        ).start()

    def out_drain(b):
        pltpu.make_async_copy(
            rows_v.at[b], out_hbm.at[pl.ds(bbase, GB)], sem_o.at[b]
        ).wait()

    fire(0, 0)

    def body(g, carry):
        b = lax.rem(g, NBUF)
        gn = g + 1
        bn = lax.rem(gn, NBUF)

        @pl.when(gn < NGROUP)
        def _():
            @pl.when(gn >= NBUF)
            def _():
                out_drain(bn)

            fire(gn, bn)

        drain_gather(b)
        out_start(g, b)
        return carry

    lax.fori_loop(0, NGROUP, body, 0, unroll=False)

    for b in range(min(NBUF, NGROUP)):
        out_drain(b)


@jax.jit
def kernel(token_ids, weights):
    idx = jnp.pad(
        token_ids.astype(jnp.int32), ((0, 0), (0, HPAD - HIST))
    ).reshape(BATCH * HPAD)
    mesh = plsc.VectorSubcoreMesh(core_axis_name="c", subcore_axis_name="s")
    out = pl.kernel(
        _gather_kernel,
        out_type=jax.ShapeDtypeStruct((BATCH, HIST, DIM), jnp.float32),
        mesh=mesh,
        scratch_types=[
            pltpu.VMEM((B_PER_W * HPAD,), jnp.int32),
            pltpu.VMEM((NBUF, GB, HIST, DIM), jnp.float32),
            pltpu.SemaphoreType.DMA((NBUF,)),
            pltpu.SemaphoreType.DMA((NBUF,)),
        ],
    )(weights, idx)
    return out

# --- scband reference (transcript-rebuilt; emitter-appended) ---
"""Pipeline reference for scband-embedding-8701603742129 (READ-ONLY COPY).

The authoritative reference and input builder live on the scoring server;
editing this copy changes nothing except your own understanding.
"""

import jax, jax.numpy as jnp
import numpy as np

NUM_EMBEDDINGS = 1000000
EMBEDDING_DIM = 64
BATCH = 4096
HIST_LEN = 50


def setup_inputs(seed: int = 0) -> dict:
    key = jax.random.key(seed)
    k_idx, k_w = jax.random.split(key)
    token_ids = jax.random.randint(k_idx, (BATCH, HIST_LEN), 0, NUM_EMBEDDINGS, dtype=jnp.int64 if jax.config.jax_enable_x64 else jnp.int32)
    # trunc_normal_(mean=0, std=1, a=-3, b=3)
    weights = jax.random.truncated_normal(k_w, -3.0, 3.0, (NUM_EMBEDDINGS, EMBEDDING_DIM), dtype=jnp.float32)
    return {"token_ids": token_ids, "weights": weights}


def reference(token_ids, weights):
    # Faithful translation of: return self.weights[token_ids]
    return jnp.take(weights, token_ids, axis=0)

if __name__ == "__main__":
    import jax
    _d = setup_inputs()
    print(jax.jit(kernel)(*tuple(_d.values())))

</pallas_src>

<mosaic_0001>
#map = affine_map<(d0, d1) -> (0, 0)>
#map1 = affine_map<(d0, d1) -> (0)>
#map2 = affine_map<(d0, d1) -> (0, 0, 0)>
module attributes {stable_mosaic.version = 14 : i64} {
  func.func @_gather_kernel(%arg0: i32, %arg1: i32, %arg2: memref<1000000x64xf32, #tpu.memory_space<hbm>>, %arg3: memref<262144xi32, #tpu.memory_space<hbm>>, %arg4: memref<4096x50x64xf32, #tpu.memory_space<hbm>>, %arg5: memref<8192xi32, #tpu.memory_space<vmem>>, %arg6: memref<2x8x50x64xf32, #tpu.memory_space<vmem>>, %arg7: memref<2x!tpu.dma_semaphore, #tpu.memory_space<semaphore_mem>>, %arg8: memref<2x!tpu.dma_semaphore, #tpu.memory_space<semaphore_mem>>) attributes {dimension_semantics = [#tpu.dimension_semantics<core_parallel>, #tpu.dimension_semantics<subcore_parallel>], iteration_bounds = array<i64: 2, 16>, scalar_prefetch = 0 : i64, scratch_operands = 4 : i64, tpu.core_type = #tpu.core_type<sc_vector_subcore>, window_params = [{transform_indices = #map}, {transform_indices = #map1}, {transform_indices = #map2}]} {
    %mul3A = arith.constant 2 : i32
    %mul3A_0 = arith.muli %arg1, %mul3A : i32
    %add3A = arith.addi %mul3A_0, %arg0 : i32
    %mul3A_1 = arith.constant 128 : i32
    %mul3A_2 = arith.muli %add3A, %mul3A_1 : i32
    %mul3A_3 = arith.constant 64 : i32
    %mul3A_4 = arith.muli %mul3A_2, %mul3A_3 : i32
    "tpu.region"() ({
      %run_scoped3A = tpu.sem_alloc : memref<!tpu.dma_semaphore, #tpu.memory_space<semaphore_mem>>
      %dma_start3A = tpu.memref_slice %arg3[%mul3A_4] : memref<262144xi32, #tpu.memory_space<hbm>> -> memref<8192xi32, #tpu.memory_space<hbm>>
      %dma_start3A_55 = tpu.memref_slice %arg3[%mul3A_4] : memref<262144xi32, #tpu.memory_space<hbm>> -> memref<8192xi32, #tpu.memory_space<hbm>>
      tpu.enqueue_dma source(%dma_start3A_55 : memref<8192xi32, #tpu.memory_space<hbm>>) target(%arg5 : memref<8192xi32, #tpu.memory_space<vmem>>) target_semaphore(%run_scoped3A : memref<!tpu.dma_semaphore, #tpu.memory_space<semaphore_mem>>)
      %dma_wait3A_56 = tpu.memref_slice %arg3[%mul3A_4] : memref<262144xi32, #tpu.memory_space<hbm>> -> memref<8192xi32, #tpu.memory_space<hbm>>
      %dma_wait3A_57 = tpu.memref_slice %arg3[%mul3A_4] : memref<262144xi32, #tpu.memory_space<hbm>> -> memref<8192xi32, #tpu.memory_space<hbm>>
      tpu.wait_dma2 semaphore(%run_scoped3A : memref<!tpu.dma_semaphore, #tpu.memory_space<semaphore_mem>>) src(%dma_wait3A_57 : memref<8192xi32, #tpu.memory_space<hbm>>) dst(%arg5 : memref<8192xi32, #tpu.memory_space<vmem>>)
      tpu.yield
    }) : () -> ()
    %scan3A = arith.constant 0 : i32
    %scan3A_5 = arith.constant 0 : i32
    %scan3A_6 = arith.constant 8 : i32
    %scan3A_7 = arith.addi %scan3A_5, %scan3A_6 : i32
    %scan3A_8 = arith.constant 1 : i32
    scf.for %scan3A_55 = %scan3A_5 to %scan3A_7 step %scan3A_8  : i32 {
      %add3A_56 = arith.constant 0 : i32
      %add3A_57 = arith.addi %add3A_56, %scan3A_55 : i32
      %mul3A_58 = arith.constant 64 : i32
      %mul3A_59 = arith.muli %add3A_57, %mul3A_58 : i32
      %add3A_60 = arith.constant 0 : i32
      %add3A_61 = arith.addi %mul3A_59, %add3A_60 : i32
      %get3A = arith.index_cast %add3A_61 : i32 to index
      %get3A_62 = tpu.vector_load %arg5[%get3A] {strides = array<i32>} : memref<8192xi32, #tpu.memory_space<vmem>>, vector<16xi32>,
      %get3A_63 = vector.shape_cast %get3A_62 : vector<16xi32> to vector<16xi32>
      %slice3A = vector.extract_strided_slice %get3A_63 {offsets = [0], sizes = [1], strides = [1]} : vector<16xi32> to vector<1xi32>
      %squeeze3A = vector.extract %slice3A[0] : i32 from vector<1xi32>
      %dma_start3A = arith.constant 0 : i32
      %dma_start3A_64 = arith.constant 0 : i32
      %dma_start3A_65 = arith.constant 0 : i32
      %dma_start3A_66 = arith.constant 0 : i32
      %dma_start3A_67 = tpu.memref_slice %arg6[%dma_start3A, %scan3A_55, %dma_start3A_65, %dma_start3A_66] : memref<2x8x50x64xf32, #tpu.memory_space<vmem>> -> memref<1x1x1x64xf32, #tpu.memory_space<vmem>>
      %dma_start3A_68 = tpu.memref_squeeze %dma_start3A_67 : memref<1x1x1x64xf32, #tpu.memory_space<vmem>> -> memref<1x64xf32, #tpu.memory_space<vmem>>
      %dma_start3A_69 = arith.constant 0 : i32
      %dma_start3A_70 = tpu.memref_slice %arg2[%squeeze3A, %dma_start3A_69] : memref<1000000x64xf32, #tpu.memory_space<hbm>> -> memref<1x64xf32, #tpu.memory_space<hbm>>
      %dma_start3A_71 = tpu.memref_slice %arg7[%dma_start3A_64] : memref<2x!tpu.dma_semaphore, #tpu.memory_space<semaphore_mem>> -> memref<1x!tpu.dma_semaphore, #tpu.memory_space<semaphore_mem>>
      %dma_start3A_72 = tpu.memref_squeeze %dma_start3A_71 : memref<1x!tpu.dma_semaphore, #tpu.memory_space<semaphore_mem>> -> memref<!tpu.dma_semaphore, #tpu.memory_space<semaphore_mem>>
      %dma_start3A_73 = arith.constant 0 : i32
      %dma_start3A_74 = arith.constant 0 : i32
      %dma_start3A_75 = tpu.memref_slice %arg6[%dma_start3A, %scan3A_55, %dma_start3A_73, %dma_start3A_74] : memref<2x8x50x64xf32, #tpu.memory_space<vmem>> -> memref<1x1x1x64xf32, #tpu.memory_space<vmem>>
      %dma_start3A_76 = tpu.memref_squeeze %dma_start3A_75 : memref<1x1x1x64xf32, #tpu.memory_space<vmem>> -> memref<1x64xf32, #tpu.memory_space<vmem>>
      %dma_start3A_77 = arith.constant 0 : i32
      %dma_start3A_78 = tpu.memref_slice %arg2[%squeeze3A, %dma_start3A_77] : memref<1000000x64xf32, #tpu.memory_space<hbm>> -> memref<1x64xf32, #tpu.memory_space<hbm>>
      tpu.enqueue_dma source(%dma_start3A_78 : memref<1x64xf32, #tpu.memory_space<hbm>>) target(%dma_start3A_76 : memref<1x64xf32, #tpu.memory_space<vmem>>) target_semaphore(%dma_start3A_72 : memref<!tpu.dma_semaphore, #tpu.memory_space<semaphore_mem>>)
      %slice3A_79 = vector.extract_strided_slice %get3A_63 {offsets = [1], sizes = [1], strides = [1]} : vector<16xi32> to vector<1xi32>
      %squeeze3A_80 = vector.extract %slice3A_79[0] : i32 from vector<1xi32>
      %dma_start3A_81 = arith.constant 0 : i32
      %dma_start3A_82 = arith.constant 0 : i32
      %dma_start3A_83 = arith.constant 1 : i32
      %dma_start3A_84 = arith.constant 0 : i32
      %dma_start3A_85 = tpu.memref_slice %arg6[%dma_start3A_81, %scan3A_55, %dma_start3A_83, %dma_start3A_84] : memref<2x8x50x64xf32, #tpu.memory_space<vmem>> -> memref<1x1x1x64xf32, #tpu.memory_space<vmem>>
      %dma_start3A_86 = tpu.memref_squeeze %dma_start3A_85 : memref<1x1x1x64xf32, #tpu.memory_space<vmem>> -> memref<1x64xf32, #tpu.memory_space<vmem>>
      %dma_start3A_87 = arith.constant 0 : i32
      %dma_start3A_88 = tpu.memref_slice %arg2[%squeeze3A_80, %dma_start3A_87] : memref<1000000x64xf32, #tpu.memory_space<hbm>> -> memref<1x64xf32, #tpu.memory_space<hbm>>
      %dma_start3A_89 = tpu.memref_slice %arg7[%dma_start3A_82] : memref<2x!tpu.dma_semaphore, #tpu.memory_space<semaphore_mem>> -> memref<1x!tpu.dma_semaphore, #tpu.memory_space<semaphore_mem>>
      %dma_start3A_90 = tpu.memref_squeeze %dma_start3A_89 : memref<1x!tpu.dma_semaphore, #tpu.memory_space<semaphore_mem>> -> memref<!tpu.dma_semaphore, #tpu.memory_space<semaphore_mem>>
      %dma_start3A_91 = arith.constant 1 : i32
      %dma_start3A_92 = arith.constant 0 : i32
      %dma_start3A_93 = tpu.memref_slice %arg6[%dma_start3A_81, %scan3A_55, %dma_start3A_91, %dma_start3A_92] : memref<2x8x50x64xf32, #tpu.memory_space<vmem>> -> memref<1x1x1x64xf32, #tpu.memory_space<vmem>>
      %dma_start3A_94 = tpu.memref_squeeze %dma_start3A_93 : memref<1x1x1x64xf32, #tpu.memory_space<vmem>> -> memref<1x64xf32, #tpu.memory_space<vmem>>
      %dma_start3A_95 = arith.constant 0 : i32
      %dma_start3A_96 = tpu.memref_slice %arg2[%squeeze3A_80, %dma_start3A_95] : memref<1000000x64xf32, #tpu.memory_space<hbm>> -> memref<1x64xf32, #tpu.memory_space<hbm>>
      tpu.enqueue_dma source(%dma_start3A_96 : memref<1x64xf32, #tpu.memory_space<hbm>>) target(%dma_start3A_94 : memref<1x64xf32, #tpu.memory_space<vmem>>) target_semaphore(%dma_start3A_90 : memref<!tpu.dma_semaphore, #tpu.memory_space<semaphore_mem>>)
      %slice3A_97 = vector.extract_strided_slice %get3A_63 {offsets = [2], sizes = [1], strides = [1]} : vector<16xi32> to vector<1xi32>
      %squeeze3A_98 = vector.extract %slice3A_97[0] : i32 from vector<1xi32>
      %dma_start3A_99 = arith.constant 0 : i32
      %dma_start3A_100 = arith.constant 0 : i32
      %dma_start3A_101 = arith.constant 2 : i32
      %dma_start3A_102 = arith.constant 0 : i32
      %dma_start3A_103 = tpu.memref_slice %arg6[%dma_start3A_99, %scan3A_55, %dma_start3A_101, %dma_start3A_102] : memref<2x8x50x64xf32, #tpu.memory_space<vmem>> -> memref<1x1x1x64xf32, #tpu.memory_space<vmem>>
      %dma_start3A_104 = tpu.memref_squeeze %dma_start3A_103 : memref<1x1x1x64xf32, #tpu.memory_space<vmem>> -> memref<1x64xf32, #tpu.memory_space<vmem>>
      %dma_start3A_105 = arith.constant 0 : i32
      %dma_start3A_106 = tpu.memref_slice %arg2[%squeeze3A_98, %dma_start3A_105] : memref<1000000x64xf32, #tpu.memory_space<hbm>> -> memref<1x64xf32, #tpu.memory_space<hbm>>
      %dma_start3A_107 = tpu.memref_slice %arg7[%dma_start3A_100] : memref<2x!tpu.dma_semaphore, #tpu.memory_space<semaphore_mem>> -> memref<1x!tpu.dma_semaphore, #tpu.memory_space<semaphore_mem>>
      %dma_start3A_108 = tpu.memref_squeeze %dma_start3A_107 : memref<1x!tpu.dma_semaphore, #tpu.memory_space<semaphore_mem>> -> memref<!tpu.dma_semaphore, #tpu.memory_space<semaphore_mem>>
      %dma_start3A_109 = arith.constant 2 : i32
      %dma_start3A_110 = arith.constant 0 : i32
      %dma_start3A_111 = tpu.memref_slice %arg6[%dma_start3A_99, %scan3A_55, %dma_start3A_109, %dma_start3A_110] : memref<2x8x50x64xf32, #tpu.memory_space<vmem>> -> memref<1x1x1x64xf32, #tpu.memory_space<vmem>>
      %dma_start3A_112 = tpu.memref_squeeze %dma_start3A_111 : memref<1x1x1x64xf32, #tpu.memory_space<vmem>> -> memref<1x64xf32, #tpu.memory_space<vmem>>
      %dma_start3A_113 = arith.constant 0 : i32
      %dma_start3A_114 = tpu.memref_slice %arg2[%squeeze3A_98, %dma_start3A_113] : memref<1000000x64xf32, #tpu.memory_space<hbm>> -> memref<1x64xf32, #tpu.memory_space<hbm>>
      tpu.enqueue_dma source(%dma_start3A_114 : memref<1x64xf32, #tpu.memory_space<hbm>>) target(%dma_start3A_112 : memref<1x64xf32, #tpu.memory_space<vmem>>) target_semaphore(%dma_start3A_108 : memref<!tpu.dma_semaphore, #tpu.memory_space<semaphore_mem>>)
      %slice3A_115 = vector.extract_strided_slice %get3A_63 {offsets = [3], sizes = [1], strides = [1]} : vector<16xi32> to vector<1xi32>
      %squeeze3A_116 = vector.extract %slice3A_115[0] : i32 from vector<1xi32>
      %dma_start3A_117 = arith.constant 0 : i32
      %dma_start3A_118 = arith.constant 0 : i32
      %dma_start3A_119 = arith.constant 3 : i32
      %dma_start3A_120 = arith.constant 0 : i32
      %dma_start3A_121 = tpu.memref_slice %arg6[%dma_start3A_117, %scan3A_55, %dma_start3A_119, %dma_start3A_120] : memref<2x8x50x64xf32, #tpu.memory_space<vmem>> -> memref<1x1x1x64xf32, #tpu.memory_space<vmem>>
      %dma_start3A_122 = tpu.memref_squeeze %dma_start3A_121 : memref<1x1x1x64xf32, #tpu.memory_space<vmem>> -> memref<1x64xf32, #tpu.memory_space<vmem>>
      %dma_start3A_123 = arith.constant 0 : i32
      %dma_start3A_124 = tpu.memref_slice %arg2[%squeeze3A_116, %dma_start3A_123] : memref<1000000x64xf32, #tpu.memory_space<hbm>> -> memref<1x64xf32, #tpu.memory_space<hbm>>
      %dma_start3A_125 = tpu.memref_slice %arg7[%dma_start3A_118] : memref<2x!tpu.dma_semaphore, #tpu.memory_space<semaphore_mem>> -> memref<1x!tpu.dma_semaphore, #tpu.memory_space<semaphore_mem>>
      %dma_start3A_126 = tpu.memref_squeeze %dma_start3A_125 : memref<1x!tpu.dma_semaphore, #tpu.memory_space<semaphore_mem>> -> memref<!tpu.dma_semaphore, #tpu.memory_space<semaphore_mem>>
      %dma_start3A_127 = arith.constant 3 : i32
      %dma_start3A_128 = arith.constant 0 : i32
      %dma_start3A_129 = tpu.memref_slice %arg6[%dma_start3A_117, %scan3A_55, %dma_start3A_127, %dma_start3A_128] : memref<2x8x50x64xf32, #tpu.memory_space<vmem>> -> memref<1x1x1x64xf32, #tpu.memory_space<vmem>>
      %dma_start3A_130 = tpu.memref_squeeze %dma_start3A_129 : memref<1x1x1x64xf32, #tpu.memory_space<vmem>> -> memref<1x64xf32, #tpu.memory_space<vmem>>
      %dma_start3A_131 = arith.constant 0 : i32
      %dma_start3A_132 = tpu.memref_slice %arg2[%squeeze3A_116, %dma_start3A_131] : memref<1000000x64xf32, #tpu.memory_space<hbm>> -> memref<1x64xf32, #tpu.memory_space<hbm>>
      tpu.enqueue_dma source(%dma_start3A_132 : memref<1x64xf32, #tpu.memory_space<hbm>>) target(%dma_start3A_130 : memref<1x64xf32, #tpu.memory_space<vmem>>) target_semaphore(%dma_start3A_126 : memref<!tpu.dma_semaphore, #tpu.memory_space<semaphore_mem>>)
      %slice3A_133 = vector.extract_strided_slice %get3A_63 {offsets = [4], sizes = [1], strides = [1]} : vector<16xi32> to vector<1xi32>
      %squeeze3A_134 = vector.extract %slice3A_133[0] : i32 from vector<1xi32>
      %dma_start3A_135 = arith.constant 0 : i32
      %dma_start3A_136 = arith.constant 0 : i32
      %dma_start3A_137 = arith.constant 4 : i32
      %dma_start3A_138 = arith.constant 0 : i32
      %dma_start3A_139 = tpu.memref_slice %arg6[%dma_start3A_135, %scan3A_55, %dma_start3A_137, %dma_start3A_138] : memref<2x8x50x64xf32, #tpu.memory_space<vmem>> -> memref<1x1x1x64xf32, #tpu.memory_space<vmem>>
      %dma_start3A_140 = tpu.memref_squeeze %dma_start3A_139 : memref<1x1x1x64xf32, #tpu.memory_space<vmem>> -> memref<1x64xf32, #tpu.memory_space<vmem>>
      %dma_start3A_141 = arith.constant 0 : i32
      %dma_start3A_142 = tpu.memref_slice %arg2[%squeeze3A_134, %dma_start3A_141] : memref<1000000x64xf32, #tpu.memory_space<hbm>> -> memref<1x64xf32, #tpu.memory_space<hbm>>
      %dma_start3A_143 = tpu.memref_slice %arg7[%dma_start3A_136] : memref<2x!tpu.dma_semaphore, #tpu.memory_space<semaphore_mem>> -> memref<1x!tpu.dma_semaphore, #tpu.memory_space<semaphore_mem>>
      %dma_start3A_144 = tpu.memref_squeeze %dma_start3A_143 : memref<1x!tpu.dma_semaphore, #tpu.memory_space<semaphore_mem>> -> memref<!tpu.dma_semaphore, #tpu.memory_space<semaphore_mem>>
      %dma_start3A_145 = arith.constant 4 : i32
      %dma_start3A_146 = arith.constant 0 : i32
      %dma_start3A_147 = tpu.memref_slice %arg6[%dma_start3A_135, %scan3A_55, %dma_start3A_145, %dma_start3A_146] : memref<2x8x50x64xf32, #tpu.memory_space<vmem>> -> memref<1x1x1x64xf32, #tpu.memory_space<vmem>>
      %dma_start3A_148 = tpu.memref_squeeze %dma_start3A_147 : memref<1x1x1x64xf32, #tpu.memory_space<vmem>> -> memref<1x64xf32, #tpu.memory_space<vmem>>
      %dma_start3A_149 = arith.constant 0 : i32
      %dma_start3A_150 = tpu.memref_slice %arg2[%squeeze3A_134, %dma_start3A_149] : memref<1000000x64xf32, #tpu.memory_space<hbm>> -> memref<1x64xf32, #tpu.memory_space<hbm>>
      tpu.enqueue_dma source(%dma_start3A_150 : memref<1x64xf32, #tpu.memory_space<hbm>>) target(%dma_start3A_148 : memref<1x64xf32, #tpu.memory_space<vmem>>) target_semaphore(%dma_start3A_144 : memref<!tpu.dma_semaphore, #tpu.memory_space<semaphore_mem>>)
      %slice3A_151 = vector.extract_strided_slice %get3A_63 {offsets = [5], sizes = [1], strides = [1]} : vector<16xi32> to vector<1xi32>
      %squeeze3A_152 = vector.extract %slice3A_151[0] : i32 from vector<1xi32>
      %dma_start3A_153 = arith.constant 0 : i32
      %dma_start3A_154 = arith.constant 0 : i32
      %dma_start3A_155 = arith.constant 5 : i32
      %dma_start3A_156 = arith.constant 0 : i32
      %dma_start3A_157 = tpu.memref_slice %arg6[%dma_start3A_153, %scan3A_55, %dma_start3A_155, %dma_start3A_156] : memref<2x8x50x64xf32, #tpu.memory_space<vmem>> -> memref<1x1x1x64xf32, #tpu.memory_space<vmem>>
      %dma_start3A_158 = tpu.memref_squeeze %dma_start3A_157 : memref<1x1x1x64xf32, #tpu.memory_space<vmem>> -> memref<1x64xf32, #tpu.memory_space<vmem>>
      %dma_start3A_159 = arith.constant 0 : i32
      %dma_start3A_160 = tpu.memref_slice %arg2[%squeeze3A_152, %dma_start3A_159] : memref<1000000x64xf32, #tpu.memory_space<hbm>> -> memref<1x64xf32, #tpu.memory_space<hbm>>
      %dma_start3A_161 = tpu.memref_slice %arg7[%dma_start3A_154] : memref<2x!tpu.dma_semaphore, #tpu.memory_space<semaphore_mem>> -> memref<1x!tpu.dma_semaphore, #tpu.memory_space<semaphore_mem>>
      %dma_start3A_162 = tpu.memref_squeeze %dma_start3A_161 : memref<1x!tpu.dma_semaphore, #tpu.memory_space<semaphore_mem>> -> memref<!tpu.dma_semaphore, #tpu.memory_space<semaphore_mem>>
      %dma_start3A_163 = arith.constant 5 : i32
      %dma_start3A_164 = arith.constant 0 : i32
      %dma_start3A_165 = tpu.memref_slice %arg6[%dma_start3A_153, %scan3A_55, %dma_start3A_163, %dma_start3A_164] : memref<2x8x50x64xf32, #tpu.memory_space<vmem>> -> memref<1x1x1x64xf32, #tpu.memory_space<vmem>>
      %dma_start3A_166 = tpu.memref_squeeze %dma_start3A_165 : memref<1x1x1x64xf32, #tpu.memory_space<vmem>> -> memref<1x64xf32, #tpu.memory_space<vmem>>
      %dma_start3A_167 = arith.constant 0 : i32
      %dma_start3A_168 = tpu.memref_slice %arg2[%squeeze3A_152, %dma_start3A_167] : memref<1000000x64xf32, #tpu.memory_space<hbm>> -> memref<1x64xf32, #tpu.memory_space<hbm>>
      tpu.enqueue_dma source(%dma_start3A_168 : memref<1x64xf32, #tpu.memory_space<hbm>>) target(%dma_start3A_166 : memref<1x64xf32, #tpu.memory_space<vmem>>) target_semaphore(%dma_start3A_162 : memref<!tpu.dma_semaphore, #tpu.memory_space<semaphore_mem>>)
      %slice3A_169 = vector.extract_strided_slice %get3A_63 {offsets = [6], sizes = [1], strides = [1]} : vector<16xi32> to vector<1xi32>
      %squeeze3A_170 = vector.extract %slice3A_169[0] : i32 from vector<1xi32>
      %dma_start3A_171 = arith.constant 0 : i32
      %dma_start3A_172 = arith.constant 0 : i32
      %dma_start3A_173 = arith.constant 6 : i32
      %dma_start3A_174 = arith.constant 0 : i32
      %dma_start3A_175 = tpu.memref_slice %arg6[%dma_start3A_171, %scan3A_55, %dma_start3A_173, %dma_start3A_174] : memref<2x8x50x64xf32, #tpu.memory_space<vmem>> -> memref<1x1x1x64xf32, #tpu.memory_space<vmem>>
      %dma_start3A_176 = tpu.memref_squeeze %dma_start3A_175 : memref<1x1x1x64xf32, #tpu.memory_space<vmem>> -> memref<1x64xf32, #tpu.memory_space<vmem>>
      %dma_start3A_177 = arith.constant 0 : i32
      %dma_start3A_178 = tpu.memref_slice %arg2[%squeeze3A_170, %dma_start3A_177] : memref<1000000x64xf32, #tpu.memory_space<hbm>> -> memref<1x64xf32, #tpu.memory_space<hbm>>
      %dma_start3A_179 = tpu.memref_slice %arg7[%dma_start3A_172] : memref<2x!tpu.dma_semaphore, #tpu.memory_space<semaphore_mem>> -> memref<1x!tpu.dma_semaphore, #tpu.memory_space<semaphore_mem>>
      %dma_start3A_180 = tpu.memref_squeeze %dma_start3A_179 : memref<1x!tpu.dma_semaphore, #tpu.memory_space<semaphore_mem>> -> memref<!tpu.dma_semaphore, #tpu.memory_space<semaphore_mem>>
      %dma_start3A_181 = arith.constant 6 : i32
      %dma_start3A_182 = arith.constant 0 : i32
      %dma_start3A_183 = tpu.memref_slice %arg6[%dma_start3A_171, %scan3A_55, %dma_start3A_181, %dma_start3A_182] : memref<2x8x50x64xf32, #tpu.memory_space<vmem>> -> memref<1x1x1x64xf32, #tpu.memory_space<vmem>>
      %dma_start3A_184 = tpu.memref_squeeze %dma_start3A_183 : memref<1x1x1x64xf32, #tpu.memory_space<vmem>> -> memref<1x64xf32, #tpu.memory_space<vmem>>
      %dma_start3A_185 = arith.constant 0 : i32
      %dma_start3A_186 = tpu.memref_slice %arg2[%squeeze3A_170, %dma_start3A_185] : memref<1000000x64xf32, #tpu.memory_space<hbm>> -> memref<1x64xf32, #tpu.memory_space<hbm>>
      tpu.enqueue_dma source(%dma_start3A_186 : memref<1x64xf32, #tpu.memory_space<hbm>>) target(%dma_start3A_184 : memref<1x64xf32, #tpu.memory_space<vmem>>) target_semaphore(%dma_start3A_180 : memref<!tpu.dma_semaphore, #tpu.memory_space<semaphore_mem>>)
      %slice3A_187 = vector.extract_strided_slice %get3A_63 {offsets = [7], sizes = [1], strides = [1]} : vector<16xi32> to vector<1xi32>
      %squeeze3A_188 = vector.extract %slice3A_187[0] : i32 from vector<1xi32>
      %dma_start3A_189 = arith.constant 0 : i32
      %dma_start3A_190 = arith.constant 0 : i32
      %dma_start3A_191 = arith.constant 7 : i32
      %dma_start3A_192 = arith.constant 0 : i32
      %dma_start3A_193 = tpu.memref_slice %arg6[%dma_start3A_189, %scan3A_55, %dma_start3A_191, %dma_start3A_192] : memref<2x8x50x64xf32, #tpu.memory_space<vmem>> -> memref<1x1x1x64xf32, #tpu.memory_space<vmem>>
      %dma_start3A_194 = tpu.memref_squeeze %dma_start3A_193 : memref<1x1x1x64xf32, #tpu.memory_space<vmem>> -> memref<1x64xf32, #tpu.memory_space<vmem>>
      %dma_start3A_195 = arith.constant 0 : i32
      %dma_start3A_196 = tpu.memref_slice %arg2[%squeeze3A_188, %dma_start3A_195] : memref<1000000x64xf32, #tpu.memory_space<hbm>> -> memref<1x64xf32, #tpu.memory_space<hbm>>
      %dma_start3A_197 = tpu.memref_slice %arg7[%dma_start3A_190] : memref<2x!tpu.dma_semaphore, #tpu.memory_space<semaphore_mem>> -> memref<1x!tpu.dma_semaphore, #tpu.memory_space<semaphore_mem>>
      %dma_start3A_198 = tpu.memref_squeeze %dma_start3A_197 : memref<1x!tpu.dma_semaphore, #tpu.memory_space<semaphore_mem>> -> memref<!tpu.dma_semaphore, #tpu.memory_space<semaphore_mem>>
      %dma_start3A_199 = arith.constant 7 : i32
      %dma_start3A_200 = arith.constant 0 : i32
      %dma_start3A_201 = tpu.memref_slice %arg6[%dma_start3A_189, %scan3A_55, %dma_start3A_199, %dma_start3A_200] : memref<2x8x50x64xf32, #tpu.memory_space<vmem>> -> memref<1x1x1x64xf32, #tpu.memory_space<vmem>>
      %dma_start3A_202 = tpu.memref_squeeze %dma_start3A_201 : memref<1x1x1x64xf32, #tpu.memory_space<vmem>> -> memref<1x64xf32, #tpu.memory_space<vmem>>
      %dma_start3A_203 = arith.constant 0 : i32
      %dma_start3A_204 = tpu.memref_slice %arg2[%squeeze3A_188, %dma_start3A_203] : memref<1000000x64xf32, #tpu.memory_space<hbm>> -> memref<1x64xf32, #tpu.memory_space<hbm>>
      tpu.enqueue_dma source(%dma_start3A_204 : memref<1x64xf32, #tpu.memory_space<hbm>>) target(%dma_start3A_202 : memref<1x64xf32, #tpu.memory_space<vmem>>) target_semaphore(%dma_start3A_198 : memref<!tpu.dma_semaphore, #tpu.memory_space<semaphore_mem>>)
      %slice3A_205 = vector.extract_strided_slice %get3A_63 {offsets = [8], sizes = [1], strides = [1]} : vector<16xi32> to vector<1xi32>
      %squeeze3A_206 = vector.extract %slice3A_205[0] : i32 from vector<1xi32>
      %dma_start3A_207 = arith.constant 0 : i32
      %dma_start3A_208 = arith.constant 0 : i32
      %dma_start3A_209 = arith.constant 8 : i32
      %dma_start3A_210 = arith.constant 0 : i32
      %dma_start3A_211 = tpu.memref_slice %arg6[%dma_start3A_207, %scan3A_55, %dma_start3A_209, %dma_start3A_210] : memref<2x8x50x64xf32, #tpu.memory_space<vmem>> -> memref<1x1x1x64xf32, #tpu.memory_space<vmem>>
      %dma_start3A_212 = tpu.memref_squeeze %dma_start3A_211 : memref<1x1x1x64xf32, #tpu.memory_space<vmem>> -> memref<1x64xf32, #tpu.memory_space<vmem>>
      %dma_start3A_213 = arith.constant 0 : i32
      %dma_start3A_214 = tpu.memref_slice %arg2[%squeeze3A_206, %dma_start3A_213] : memref<1000000x64xf32, #tpu.memory_space<hbm>> -> memref<1x64xf32, #tpu.memory_space<hbm>>
      %dma_start3A_215 = tpu.memref_slice %arg7[%dma_start3A_208] : memref<2x!tpu.dma_semaphore, #tpu.memory_space<semaphore_mem>> -> memref<1x!tpu.dma_semaphore, #tpu.memory_space<semaphore_mem>>
      %dma_start3A_216 = tpu.memref_squeeze %dma_start3A_215 : memref<1x!tpu.dma_semaphore, #tpu.memory_space<semaphore_mem>> -> memref<!tpu.dma_semaphore, #tpu.memory_space<semaphore_mem>>
      %dma_start3A_217 = arith.constant 8 : i32
      %dma_start3A_218 = arith.constant 0 : i32
      %dma_start3A_219 = tpu.memref_slice %arg6[%dma_start3A_207, %scan3A_55, %dma_start3A_217, %dma_start3A_218] : memref<2x8x50x64xf32, #tpu.memory_space<vmem>> -> memref<1x1x1x64xf32, #tpu.memory_space<vmem>>
      %dma_start3A_220 = tpu.memref_squeeze %dma_start3A_219 : memref<1x1x1x64xf32, #tpu.memory_space<vmem>> -> memref<1x64xf32, #tpu.memory_space<vmem>>
      %dma_start3A_221 = arith.constant 0 : i32
      %dma_start3A_222 = tpu.memref_slice %arg2[%squeeze3A_206, %dma_start3A_221] : memref<1000000x64xf32, #tpu.memory_space<hbm>> -> memref<1x64xf32, #tpu.memory_space<hbm>>
      tpu.enqueue_dma source(%dma_start3A_222 : memref<1x64xf32, #tpu.memory_space<hbm>>) target(%dma_start3A_220 : memref<1x64xf32, #tpu.memory_space<vmem>>) target_semaphore(%dma_start3A_216 : memref<!tpu.dma_semaphore, #tpu.memory_space<semaphore_mem>>)
      %slice3A_223 = vector.extract_strided_slice %get3A_63 {offsets = [9], sizes = [1], strides = [1]} : vector<16xi32> to vector<1xi32>
      %squeeze3A_224 = vector.extract %slice3A_223[0] : i32 from vector<1xi32>
      %dma_start3A_225 = arith.constant 0 : i32
      %dma_start3A_226 = arith.constant 0 : i32
      %dma_start3A_227 = arith.constant 9 : i32
      %dma_start3A_228 = arith.constant 0 : i32
      %dma_start3A_229 = tpu.memref_slice %arg6[%dma_start3A_225, %scan3A_55, %dma_start3A_227, %dma_start3A_228] : memref<2x8x50x64xf32, #tpu.memory_space<vmem>> -> memref<1x1x1x64xf32, #tpu.memory_space<vmem>>
      %dma_start3A_230 = tpu.memref_squeeze %dma_start3A_229 : memref<1x1x1x64xf32, #tpu.memory_space<vmem>> -> memref<1x64xf32, #tpu.memory_space<vmem>>
      %dma_start3A_231 = arith.constant 0 : i32
      %dma_start3A_232 = tpu.memref_slice %arg2[%squeeze3A_224, %dma_start3A_231] : memref<1000000x64xf32, #tpu.memory_space<hbm>> -> memref<1x64xf32, #tpu.memory_space<hbm>>
      %dma_start3A_233 = tpu.memref_slice %arg7[%dma_start3A_226] : memref<2x!tpu.dma_semaphore, #tpu.memory_space<semaphore_mem>> -> memref<1x!tpu.dma_semaphore, #tpu.memory_space<semaphore_mem>>
      %dma_start3A_234 = tpu.memref_squeeze %dma_start3A_233 : memref<1x!tpu.dma_semaphore, #tpu.memory_space<semaphore_mem>> -> memref<!tpu.dma_semaphore, #tpu.memory_space<semaphore_mem>>
      %dma_start3A_235 = arith.constant 9 : i32
      %dma_start3A_236 = arith.constant 0 : i32
      %dma_start3A_237 = tpu.memref_slice %arg6[%dma_start3A_225, %scan3A_55, %dma_start3A_235, %dma_start3A_236] : memref<2x8x50x64xf32, #tpu.memory_space<vmem>> -> memref<1x1x1x64xf32, #tpu.memory_space<vmem>>
      %dma_start3A_238 = tpu.memref_squeeze %dma_start3A_237 : memref<1x1x1x64xf32, #tpu.memory_space<vmem>> -> memref<1x64xf32, #tpu.memory_space<vmem>>
      %dma_start3A_239 = arith.constant 0 : i32
      %dma_start3A_240 = tpu.memref_slice %arg2[%squeeze3A_224, %dma_start3A_239] : memref<1000000x64xf32, #tpu.memory_space<hbm>> -> memref<1x64xf32, #tpu.memory_space<hbm>>
      tpu.enqueue_dma source(%dma_start3A_240 : memref<1x64xf32, #tpu.memory_space<hbm>>) target(%dma_start3A_238 : memref<1x64xf32, #tpu.memory_space<vmem>>) target_semaphore(%dma_start3A_234 : memref<!tpu.dma_semaphore, #tpu.memory_space<semaphore_mem>>)
      %slice3A_241 = vector.extract_strided_slice %get3A_63 {offsets = [10], sizes = [1], strides = [1]} : vector<16xi32> to vector<1xi32>
      %squeeze3A_242 = vector.extract %slice3A_241[0] : i32 from vector<1xi32>
      %dma_start3A_243 = arith.constant 0 : i32
      %dma_start3A_244 = arith.constant 0 : i32
      %dma_start3A_245 = arith.constant 10 : i32
      %dma_start3A_246 = arith.constant 0 : i32
      %dma_start3A_247 = tpu.memref_slice %arg6[%dma_start3A_243, %scan3A_55, %dma_start3A_245, %dma_start3A_246] : memref<2x8x50x64xf32, #tpu.memory_space<vmem>> -> memref<1x1x1x64xf32, #tpu.memory_space<vmem>>
      %dma_start3A_248 = tpu.memref_squeeze %dma_start3A_247 : memref<1x1x1x64xf32, #tpu.memory_space<vmem>> -> memref<1x64xf32, #tpu.memory_space<vmem>>
      %dma_start3A_249 = arith.constant 0 : i32
      %dma_start3A_250 = tpu.memref_slice %arg2[%squeeze3A_242, %dma_start3A_249] : memref<1000000x64xf32, #tpu.memory_space<hbm>> -> memref<1x64xf32, #tpu.memory_space<hbm>>
      %dma_start3A_251 = tpu.memref_slice %arg7[%dma_start3A_244] : memref<2x!tpu.dma_semaphore, #tpu.memory_space<semaphore_mem>> -> memref<1x!tpu.dma_semaphore, #tpu.memory_space<semaphore_mem>>
      %dma_start3A_252 = tpu.memref_squeeze %dma_start3A_251 : memref<1x!tpu.dma_semaphore, #tpu.memory_space<semaphore_mem>> -> memref<!tpu.dma_semaphore, #tpu.memory_space<semaphore_mem>>
      %dma_start3A_253 = arith.constant 10 : i32
      %dma_start3A_254 = arith.constant 0 : i32
      %dma_start3A_255 = tpu.memref_slice %arg6[%dma_start3A_243, %scan3A_55, %dma_start3A_253, %dma_start3A_254] : memref<2x8x50x64xf32, #tpu.memory_space<vmem>> -> memref<1x1x1x64xf32, #tpu.memory_space<vmem>>
      %dma_start3A_256 = tpu.memref_squeeze %dma_start3A_255 : memref<1x1x1x64xf32, #tpu.memory_space<vmem>> -> memref<1x64xf32, #tpu.memory_space<vmem>>
      %dma_start3A_257 = arith.constant 0 : i32
      %dma_start3A_258 = tpu.memref_slice %arg2[%squeeze3A_242, %dma_start3A_257] : memref<1000000x64xf32, #tpu.memory_space<hbm>> -> memref<1x64xf32, #tpu.memory_space<hbm>>
      tpu.enqueue_dma source(%dma_start3A_258 : memref<1x64xf32, #tpu.memory_space<hbm>>) target(%dma_start3A_256 : memref<1x64xf32, #tpu.memory_space<vmem>>) target_semaphore(%dma_start3A_252 : memref<!tpu.dma_semaphore, #tpu.memory_space<semaphore_mem>>)
      %slice3A_259 = vector.extract_strided_slice %get3A_63 {offsets = [11], sizes = [1], strides = [1]} : vector<16xi32> to vector<1xi32>
      %squeeze3A_260 = vector.extract %slice3A_259[0] : i32 from vector<1xi32>
      %dma_start3A_261 = arith.constant 0 : i32
      %dma_start3A_262 = arith.constant 0 : i32
      %dma_start3A_263 = arith.constant 11 : i32
      %dma_start3A_264 = arith.constant 0 : i32
      %dma_start3A_265 = tpu.memref_slice %arg6[%dma_start3A_261, %scan3A_55, %dma_start3A_263, %dma_start3A_264] : memref<2x8x50x64xf32, #tpu.memory_space<vmem>> -> memref<1x1x1x64xf32, #tpu.memory_space<vmem>>
      %dma_start3A_266 = tpu.memref_squeeze %dma_start3A_265 : memref<1x1x1x64xf32, #tpu.memory_space<vmem>> -> memref<1x64xf32, #tpu.memory_space<vmem>>
      %dma_start3A_267 = arith.constant 0 : i32
      %dma_start3A_268 = tpu.memref_slice %arg2[%squeeze3A_260, %dma_start3A_267] : memref<1000000x64xf32, #tpu.memory_space<hbm>> -> memref<1x64xf32, #tpu.memory_space<hbm>>
      %dma_start3A_269 = tpu.memref_slice %arg7[%dma_start3A_262] : memref<2x!tpu.dma_semaphore, #tpu.memory_space<semaphore_mem>> -> memref<1x!tpu.dma_semaphore, #tpu.memory_space<semaphore_mem>>
      %dma_start3A_270 = tpu.memref_squeeze %dma_start3A_269 : memref<1x!tpu.dma_semaphore, #tpu.memory_space<semaphore_mem>> -> memref<!tpu.dma_semaphore, #tpu.memory_space<semaphore_mem>>
      %dma_start3A_271 = arith.constant 11 : i32
      %dma_start3A_272 = arith.constant 0 : i32
      %dma_start3A_273 = tpu.memref_slice %arg6[%dma_start3A_261, %scan3A_55, %dma_start3A_271, %dma_start3A_272] : memref<2x8x50x64xf32, #tpu.memory_space<vmem>> -> memref<1x1x1x64xf32, #tpu.memory_space<vmem>>
      %dma_start3A_274 = tpu.memref_squeeze %dma_start3A_273 : memref<1x1x1x64xf32, #tpu.memory_space<vmem>> -> memref<1x64xf32, #tpu.memory_space<vmem>>
      %dma_start3A_275 = arith.constant 0 : i32
      %dma_start3A_276 = tpu.memref_slice %arg2[%squeeze3A_260, %dma_start3A_275] : memref<1000000x64xf32, #tpu.memory_space<hbm>> -> memref<1x64xf32, #tpu.memory_space<hbm>>
      tpu.enqueue_dma source(%dma_start3A_276 : memref<1x64xf32, #tpu.memory_space<hbm>>) target(%dma_start3A_274 : memref<1x64xf32, #tpu.memory_space<vmem>>) target_semaphore(%dma_start3A_270 : memref<!tpu.dma_semaphore, #tpu.memory_space<semaphore_mem>>)
      %slice3A_277 = vector.extract_strided_slice %get3A_63 {offsets = [12], sizes = [1], strides = [1]} : vector<16xi32> to vector<1xi32>
      %squeeze3A_278 = vector.extract %slice3A_277[0] : i32 from vector<1xi32>
      %dma_start3A_279 = arith.constant 0 : i32
      %dma_start3A_280 = arith.constant 0 : i32
      %dma_start3A_281 = arith.constant 12 : i32
      %dma_start3A_282 = arith.constant 0 : i32
      %dma_start3A_283 = tpu.memref_slice %arg6[%dma_start3A_279, %scan3A_55, %dma_start3A_281, %dma_start3A_282] : memref<2x8x50x64xf32, #tpu.memory_space<vmem>> -> memref<1x1x1x64xf32, #tpu.memory_space<vmem>>
      %dma_start3A_284 = tpu.memref_squeeze %dma_start3A_283 : memref<1x1x1x64xf32, #tpu.memory_space<vmem>> -> memref<1x64xf32, #tpu.memory_space<vmem>>
      %dma_start3A_285 = arith.constant 0 : i32
      %dma_start3A_286 = tpu.memref_slice %arg2[%squeeze3A_278, %dma_start3A_285] : memref<1000000x64xf32, #tpu.memory_space<hbm>> -> memref<1x64xf32, #tpu.memory_space<hbm>>
      %dma_start3A_287 = tpu.memref_slice %arg7[%dma_start3A_280] : memref<2x!tpu.dma_semaphore, #tpu.memory_space<semaphore_mem>> -> memref<1x!tpu.dma_semaphore, #tpu.memory_space<semaphore_mem>>
      %dma_start3A_288 = tpu.memref_squeeze %dma_start3A_287 : memref<1x!tpu.dma_semaphore, #tpu.memory_space<semaphore_mem>> -> memref<!tpu.dma_semaphore, #tpu.memory_space<semaphore_mem>>
      %dma_start3A_289 = arith.constant 12 : i32
      %dma_start3A_290 = arith.constant 0 : i32
      %dma_start3A_291 = tpu.memref_slice %arg6[%dma_start3A_279, %scan3A_55, %dma_start3A_289, %dma_start3A_290] : memref<2x8x50x64xf32, #tpu.memory_space<vmem>> -> memref<1x1x1x64xf32, #tpu.memory_space<vmem>>
      %dma_start3A_292 = tpu.memref_squeeze %dma_start3A_291 : memref<1x1x1x64xf32, #tpu.memory_space<vmem>> -> memref<1x64xf32, #tpu.memory_space<vmem>>
      %dma_start3A_293 = arith.constant 0 : i32
      %dma_start3A_294 = tpu.memref_slice %arg2[%squeeze3A_278, %dma_start3A_293] : memref<1000000x64xf32, #tpu.memory_space<hbm>> -> memref<1x64xf32, #tpu.memory_space<hbm>>
      tpu.enqueue_dma source(%dma_start3A_294 : memref<1x64xf32, #tpu.memory_space<hbm>>) target(%dma_start3A_292 : memref<1x64xf32, #tpu.memory_space<vmem>>) target_semaphore(%dma_start3A_288 : memref<!tpu.dma_semaphore, #tpu.memory_space<semaphore_mem>>)
      %slice3A_295 = vector.extract_strided_slice %get3A_63 {offsets = [13], sizes = [1], strides = [1]} : vector<16xi32> to vector<1xi32>
      %squeeze3A_296 = vector.extract %slice3A_295[0] : i32 from vector<1xi32>
      %dma_start3A_297 = arith.constant 0 : i32
      %dma_start3A_298 = arith.constant 0 : i32
      %dma_start3A_299 = arith.constant 13 : i32
      %dma_start3A_300 = arith.constant 0 : i32
      %dma_start3A_301 = tpu.memref_slice %arg6[%dma_start3A_297, %scan3A_55, %dma_start3A_299, %dma_start3A_300] : memref<2x8x50x64xf32, #tpu.memory_space<vmem>> -> memref<1x1x1x64xf32, #tpu.memory_space<vmem>>
      %dma_start3A_302 = tpu.memref_squeeze %dma_start3A_301 : memref<1x1x1x64xf32, #tpu.memory_space<vmem>> -> memref<1x64xf32, #tpu.memory_space<vmem>>
      %dma_start3A_303 = arith.constant 0 : i32
      %dma_start3A_304 = tpu.memref_slice %arg2[%squeeze3A_296, %dma_start3A_303] : memref<1000000x64xf32, #tpu.memory_space<hbm>> -> memref<1x64xf32, #tpu.memory_space<hbm>>
      %dma_start3A_305 = tpu.memref_slice %arg7[%dma_start3A_298] : memref<2x!tpu.dma_semaphore, #tpu.memory_space<semaphore_mem>> -> memref<1x!tpu.dma_semaphore, #tpu.memory_space<semaphore_mem>>
      %dma_start3A_306 = tpu.memref_squeeze %dma_start3A_305 : memref<1x!tpu.dma_semaphore, #tpu.memory_space<semaphore_mem>> -> memref<!tpu.dma_semaphore, #tpu.memory_space<semaphore_mem>>
      %dma_start3A_307 = arith.constant 13 : i32
      %dma_start3A_308 = arith.constant 0 : i32
      %dma_start3A_309 = tpu.memref_slice %arg6[%dma_start3A_297, %scan3A_55, %dma_start3A_307, %dma_start3A_308] : memref<2x8x50x64xf32, #tpu.memory_space<vmem>> -> memref<1x1x1x64xf32, #tpu.memory_space<vmem>>
      %dma_start3A_310 = tpu.memref_squeeze %dma_start3A_309 : memref<1x1x1x64xf32, #tpu.memory_space<vmem>> -> memref<1x64xf32, #tpu.memory_space<vmem>>
      %dma_start3A_311 = arith.constant 0 : i32
      %dma_start3A_312 = tpu.memref_slice %arg2[%squeeze3A_296, %dma_start3A_311] : memref<1000000x64xf32, #tpu.memory_space<hbm>> -> memref<1x64xf32, #tpu.memory_space<hbm>>
      tpu.enqueue_dma source(%dma_start3A_312 : memref<1x64xf32, #tpu.memory_space<hbm>>) target(%dma_start3A_310 : memref<1x64xf32, #tpu.memory_space<vmem>>) target_semaphore(%dma_start3A_306 : memref<!tpu.dma_semaphore, #tpu.memory_space<semaphore_mem>>)
      %slice3A_313 = vector.extract_strided_slice %get3A_63 {offsets = [14], sizes = [1], strides = [1]} : vector<16xi32> to vector<1xi32>
      %squeeze3A_314 = vector.extract %slice3A_313[0] : i32 from vector<1xi32>
      %dma_start3A_315 = arith.constant 0 : i32
      %dma_start3A_316 = arith.constant 0 : i32
      %dma_start3A_317 = arith.constant 14 : i32
      %dma_start3A_318 = arith.constant 0 : i32
      %dma_start3A_319 = tpu.memref_slice %arg6[%dma_start3A_315, %scan3A_55, %dma_start3A_317, %dma_start3A_318] : memref<2x8x50x64xf32, #tpu.memory_space<vmem>> -> memref<1x1x1x64xf32, #tpu.memory_space<vmem>>
      %dma_start3A_320 = tpu.memref_squeeze %dma_start3A_319 : memref<1x1x1x64xf32, #tpu.memory_space<vmem>> -> memref<1x64xf32, #tpu.memory_space<vmem>>
      %dma_start3A_321 = arith.constant 0 : i32
      %dma_start3A_322 = tpu.memref_slice %arg2[%squeeze3A_314, %dma_start3A_321] : memref<1000000x64xf32, #tpu.memory_space<hbm>> -> memref<1x64xf32, #tpu.memory_space<hbm>>
      %dma_start3A_323 = tpu.memref_slice %arg7[%dma_start3A_316] : memref<2x!tpu.dma_semaphore, #tpu.memory_space<semaphore_mem>> -> memref<1x!tpu.dma_semaphore, #tpu.memory_space<semaphore_mem>>
      %dma_start3A_324 = tpu.memref_squeeze %dma_start3A_323 : memref<1x!tpu.dma_semaphore, #tpu.memory_space<semaphore_mem>> -> memref<!tpu.dma_semaphore, #tpu.memory_space<semaphore_mem>>
      %dma_start3A_325 = arith.constant 14 : i32
      %dma_start3A_326 = arith.constant 0 : i32
      %dma_start3A_327 = tpu.memref_slice %arg6[%dma_start3A_315, %scan3A_55, %dma_start3A_325, %dma_start3A_326] : memref<2x8x50x64xf32, #tpu.memory_space<vmem>> -> memref<1x1x1x64xf32, #tpu.memory_space<vmem>>
      %dma_start3A_328 = tpu.memref_squeeze %dma_start3A_327 : memref<1x1x1x64xf32, #tpu.memory_space<vmem>> -> memref<1x64xf32, #tpu.memory_space<vmem>>
      %dma_start3A_329 = arith.constant 0 : i32
      %dma_start3A_330 = tpu.memref_slice %arg2[%squeeze3A_314, %dma_start3A_329] : memref<1000000x64xf32, #tpu.memory_space<hbm>> -> memref<1x64xf32, #tpu.memory_space<hbm>>
      tpu.enqueue_dma source(%dma_start3A_330 : memref<1x64xf32, #tpu.memory_space<hbm>>) target(%dma_start3A_328 : memref<1x64xf32, #tpu.memory_space<vmem>>) target_semaphore(%dma_start3A_324 : memref<!tpu.dma_semaphore, #tpu.memory_space<semaphore_mem>>)
      %slice3A_331 = vector.extract_strided_slice %get3A_63 {offsets = [15], sizes = [1], strides = [1]} : vector<16xi32> to vector<1xi32>
      %squeeze3A_332 = vector.extract %slice3A_331[0] : i32 from vector<1xi32>
      %dma_start3A_333 = arith.constant 0 : i32
      %dma_start3A_334 = arith.constant 0 : i32
      %dma_start3A_335 = arith.constant 15 : i32
      %dma_start3A_336 = arith.constant 0 : i32
      %dma_start3A_337 = tpu.memref_slice %arg6[%dma_start3A_333, %scan3A_55, %dma_start3A_335, %dma_start3A_336] : memref<2x8x50x64xf32, #tpu.memory_space<vmem>> -> memref<1x1x1x64xf32, #tpu.memory_space<vmem>>
      %dma_start3A_338 = tpu.memref_squeeze %dma_start3A_337 : memref<1x1x1x64xf32, #tpu.memory_space<vmem>> -> memref<1x64xf32, #tpu.memory_space<vmem>>
      %dma_start3A_339 = arith.constant 0 : i32
      %dma_start3A_340 = tpu.memref_slice %arg2[%squeeze3A_332, %dma_start3A_339] : memref<1000000x64xf32, #tpu.memory_space<hbm>> -> memref<1x64xf32, #tpu.memory_space<hbm>>
      %dma_start3A_341 = tpu.memref_slice %arg7[%dma_start3A_334] : memref<2x!tpu.dma_semaphore, #tpu.memory_space<semaphore_mem>> -> memref<1x!tpu.dma_semaphore, #tpu.memory_space<semaphore_mem>>
      %dma_start3A_342 = tpu.memref_squeeze %dma_start3A_341 : memref<1x!tpu.dma_semaphore, #tpu.memory_space<semaphore_mem>> -> memref<!tpu.dma_semaphore, #tpu.memory_space<semaphore_mem>>
      %dma_start3A_343 = arith.constant 15 : i32
      %dma_start3A_344 = arith.constant 0 : i32
      %dma_start3A_345 = tpu.memref_slice %arg6[%dma_start3A_333, %scan3A_55, %dma_start3A_343, %dma_start3A_344] : memref<2x8x50x64xf32, #tpu.memory_space<vmem>> -> memref<1x1x1x64xf32, #tpu.memory_space<vmem>>
      %dma_start3A_346 = tpu.memref_squeeze %dma_start3A_345 : memref<1x1x1x64xf32, #tpu.memory_space<vmem>> -> memref<1x64xf32, #tpu.memory_space<vmem>>
      %dma_start3A_347 = arith.constant 0 : i32
      %dma_start3A_348 = tpu.memref_slice %arg2[%squeeze3A_332, %dma_start3A_347] : memref<1000000x64xf32, #tpu.memory_space<hbm>> -> memref<1x64xf32, #tpu.memory_space<hbm>>
      tpu.enqueue_dma source(%dma_start3A_348 : memref<1x64xf32, #tpu.memory_space<hbm>>) target(%dma_start3A_346 : memref<1x64xf32, #tpu.memory_space<vmem>>) target_semaphore(%dma_start3A_342 : memref<!tpu.dma_semaphore, #tpu.memory_space<semaphore_mem>>)
      %add3A_349 = arith.constant 0 : i32
      %add3A_350 = arith.addi %add3A_349, %scan3A_55 : i32
      %mul3A_351 = arith.constant 64 : i32
      %mul3A_352 = arith.muli %add3A_350, %mul3A_351 : i32
      %add3A_353 = arith.constant 16 : i32
      %add3A_354 = arith.addi %mul3A_352, %add3A_353 : i32
      %get3A_355 = arith.index_cast %add3A_354 : i32 to index
      %get3A_356 = tpu.vector_load %arg5[%get3A_355] {strides = array<i32>} : memref<8192xi32, #tpu.memory_space<vmem>>, vector<16xi32>,
      %get3A_357 = vector.shape_cast %get3A_356 : vector<16xi32> to vector<16xi32>
      %slice3A_358 = vector.extract_strided_slice %get3A_357 {offsets = [0], sizes = [1], strides = [1]} : vector<16xi32> to vector<1xi32>
      %squeeze3A_359 = vector.extract %slice3A_358[0] : i32 from vector<1xi32>
      %dma_start3A_360 = arith.constant 0 : i32
      %dma_start3A_361 = arith.constant 0 : i32
      %dma_start3A_362 = arith.constant 16 : i32
      %dma_start3A_363 = arith.constant 0 : i32
      %dma_start3A_364 = tpu.memref_slice %arg6[%dma_start3A_360, %scan3A_55, %dma_start3A_362, %dma_start3A_363] : memref<2x8x50x64xf32, #tpu.memory_space<vmem>> -> memref<1x1x1x64xf32, #tpu.memory_space<vmem>>
      %dma_start3A_365 = tpu.memref_squeeze %dma_start3A_364 : memref<1x1x1x64xf32, #tpu.memory_space<vmem>> -> memref<1x64xf32, #tpu.memory_space<vmem>>
      %dma_start3A_366 = arith.constant 0 : i32
      %dma_start3A_367 = tpu.memref_slice %arg2[%squeeze3A_359, %dma_start3A_366] : memref<1000000x64xf32, #tpu.memory_space<hbm>> -> memref<1x64xf32, #tpu.memory_space<hbm>>
      %dma_start3A_368 = tpu.memref_slice %arg7[%dma_start3A_361] : memref<2x!tpu.dma_semaphore, #tpu.memory_space<semaphore_mem>> -> memref<1x!tpu.dma_semaphore, #tpu.memory_space<semaphore_mem>>
      %dma_start3A_369 = tpu.memref_squeeze %dma_start3A_368 : memref<1x!tpu.dma_semaphore, #tpu.memory_space<semaphore_mem>> -> memref<!tpu.dma_semaphore, #tpu.memory_space<semaphore_mem>>
      %dma_start3A_370 = arith.constant 16 : i32
      %dma_start3A_371 = arith.constant 0 : i32
      %dma_start3A_372 = tpu.memref_slice %arg6[%dma_start3A_360, %scan3A_55, %dma_start3A_370, %dma_start3A_371] : memref<2x8x50x64xf32, #tpu.memory_space<vmem>> -> memref<1x1x1x64xf32, #tpu.memory_space<vmem>>
      %dma_start3A_373 = tpu.memref_squeeze %dma_start3A_372 : memref<1x1x1x64xf32, #tpu.memory_space<vmem>> -> memref<1x64xf32, #tpu.memory_space<vmem>>
      %dma_start3A_374 = arith.constant 0 : i32
      %dma_start3A_375 = tpu.memref_slice %arg2[%squeeze3A_359, %dma_start3A_374] : memref<1000000x64xf32, #tpu.memory_space<hbm>> -> memref<1x64xf32, #tpu.memory_space<hbm>>
      tpu.enqueue_dma source(%dma_start3A_375 : memref<1x64xf32, #tpu.memory_space<hbm>>) target(%dma_start3A_373 : memref<1x64xf32, #tpu.memory_space<vmem>>) target_semaphore(%dma_start3A_369 : memref<!tpu.dma_semaphore, #tpu.memory_space<semaphore_mem>>)
      %slice3A_376 = vector.extract_strided_slice %get3A_357 {offsets = [1], sizes = [1], strides = [1]} : vector<16xi32> to vector<1xi32>
      %squeeze3A_377 = vector.extract %slice3A_376[0] : i32 from vector<1xi32>
      %dma_start3A_378 = arith.constant 0 : i32
      %dma_start3A_379 = arith.constant 0 : i32
      %dma_start3A_380 = arith.constant 17 : i32
      %dma_start3A_381 = arith.constant 0 : i32
      %dma_start3A_382 = tpu.memref_slice %arg6[%dma_start3A_378, %scan3A_55, %dma_start3A_380, %dma_start3A_381] : memref<2x8x50x64xf32, #tpu.memory_space<vmem>> -> memref<1x1x1x64xf32, #tpu.memory_space<vmem>>
      %dma_start3A_383 = tpu.memref_squeeze %dma_start3A_382 : memref<1x1x1x64xf32, #tpu.memory_space<vmem>> -> memref<1x64xf32, #tpu.memory_space<vmem>>
      %dma_start3A_384 = arith.constant 0 : i32
      %dma_start3A_385 = tpu.memref_slice %arg2[%squeeze3A_377, %dma_start3A_384] : memref<1000000x64xf32, #tpu.memory_space<hbm>> -> memref<1x64xf32, #tpu.memory_space<hbm>>
      %dma_start3A_386 = tpu.memref_slice %arg7[%dma_start3A_379] : memref<2x!tpu.dma_semaphore, #tpu.memory_space<semaphore_mem>> -> memref<1x!tpu.dma_semaphore, #tpu.memory_space<semaphore_mem>>
      %dma_start3A_387 = tpu.memref_squeeze %dma_start3A_386 : memref<1x!tpu.dma_semaphore, #tpu.memory_space<semaphore_mem>> -> memref<!tpu.dma_semaphore, #tpu.memory_space<semaphore_mem>>
      %dma_start3A_388 = arith.constant 17 : i32
      %dma_start3A_389 = arith.constant 0 : i32
      %dma_start3A_390 = tpu.memref_slice %arg6[%dma_start3A_378, %scan3A_55, %dma_start3A_388, %dma_start3A_389] : memref<2x8x50x64xf32, #tpu.memory_space<vmem>> -> memref<1x1x1x64xf32, #tpu.memory_space<vmem>>
      %dma_start3A_391 = tpu.memref_squeeze %dma_start3A_390 : memref<1x1x1x64xf32, #tpu.memory_space<vmem>> -> memref<1x64xf32, #tpu.memory_space<vmem>>
      %dma_start3A_392 = arith.constant 0 : i32
      %dma_start3A_393 = tpu.memref_slice %arg2[%squeeze3A_377, %dma_start3A_392] : memref<1000000x64xf32, #tpu.memory_space<hbm>> -> memref<1x64xf32, #tpu.memory_space<hbm>>
      tpu.enqueue_dma source(%dma_start3A_393 : memref<1x64xf32, #tpu.memory_space<hbm>>) target(%dma_start3A_391 : memref<1x64xf32, #tpu.memory_space<vmem>>) target_semaphore(%dma_start3A_387 : memref<!tpu.dma_semaphore, #tpu.memory_space<semaphore_mem>>)
      %slice3A_394 = vector.extract_strided_slice %get3A_357 {offsets = [2], sizes = [1], strides = [1]} : vector<16xi32> to vector<1xi32>
      %squeeze3A_395 = vector.extract %slice3A_394[0] : i32 from vector<1xi32>
      %dma_start3A_396 = arith.constant 0 : i32
      %dma_start3A_397 = arith.constant 0 : i32
      %dma_start3A_398 = arith.constant 18 : i32
      %dma_start3A_399 = arith.constant 0 : i32
      %dma_start3A_400 = tpu.memref_slice %arg6[%dma_start3A_396, %scan3A_55, %dma_start3A_398, %dma_start3A_399] : memref<2x8x50x64xf32, #tpu.memory_space<vmem>> -> memref<1x1x1x64xf32, #tpu.memory_space<vmem>>
      %dma_start3A_401 = tpu.memref_squeeze %dma_start3A_400 : memref<1x1x1x64xf32, #tpu.memory_space<vmem>> -> memref<1x64xf32, #tpu.memory_space<vmem>>
      %dma_start3A_402 = arith.constant 0 : i32
      %dma_start3A_403 = tpu.memref_slice %arg2[%squeeze3A_395, %dma_start3A_402] : memref<1000000x64xf32, #tpu.memory_space<hbm>> -> memref<1x64xf32, #tpu.memory_space<hbm>>
      %dma_start3A_404 = tpu.memref_slice %arg7[%dma_start3A_397] : memref<2x!tpu.dma_semaphore, #tpu.memory_space<semaphore_mem>> -> memref<1x!tpu.dma_semaphore, #tpu.memory_space<semaphore_mem>>
      %dma_start3A_405 = tpu.memref_squeeze %dma_start3A_404 : memref<1x!tpu.dma_semaphore, #tpu.memory_space<semaphore_mem>> -> memref<!tpu.dma_semaphore, #tpu.memory_space<semaphore_mem>>
      %dma_start3A_406 = arith.constant 18 : i32
      %dma_start3A_407 = arith.constant 0 : i32
      %dma_start3A_408 = tpu.memref_slice %arg6[%dma_start3A_396, %scan3A_55, %dma_start3A_406, %dma_start3A_407] : memref<2x8x50x64xf32, #tpu.memory_space<vmem>> -> memref<1x1x1x64xf32, #tpu.memory_space<vmem>>
      %dma_start3A_409 = tpu.memref_squeeze %dma_start3A_408 : memref<1x1x1x64xf32, #tpu.memory_space<vmem>> -> memref<1x64xf32, #tpu.memory_space<vmem>>
      %dma_start3A_410 = arith.constant 0 : i32
      %dma_start3A_411 = tpu.memref_slice %arg2[%squeeze3A_395, %dma_start3A_410] : memref<1000000x64xf32, #tpu.memory_space<hbm>> -> memref<1x64xf32, #tpu.memory_space<hbm>>
      tpu.enqueue_dma source(%dma_start3A_411 : memref<1x64xf32, #tpu.memory_space<hbm>>) target(%dma_start3A_409 : memref<1x64xf32, #tpu.memory_space<vmem>>) target_semaphore(%dma_start3A_405 : memref<!tpu.dma_semaphore, #tpu.memory_space<semaphore_mem>>)
      %slice3A_412 = vector.extract_strided_slice %get3A_357 {offsets = [3], sizes = [1], strides = [1]} : vector<16xi32> to vector<1xi32>
      %squeeze3A_413 = vector.extract %slice3A_412[0] : i32 from vector<1xi32>
      %dma_start3A_414 = arith.constant 0 : i32
      %dma_start3A_415 = arith.constant 0 : i32
      %dma_start3A_416 = arith.constant 19 : i32
      %dma_start3A_417 = arith.constant 0 : i32
      %dma_start3A_418 = tpu.memref_slice %arg6[%dma_start3A_414, %scan3A_55, %dma_start3A_416, %dma_start3A_417] : memref<2x8x50x64xf32, #tpu.memory_space<vmem>> -> memref<1x1x1x64xf32, #tpu.memory_space<vmem>>
      %dma_start3A_419 = tpu.memref_squeeze %dma_start3A_418 : memref<1x1x1x64xf32, #tpu.memory_space<vmem>> -> memref<1x64xf32, #tpu.memory_space<vmem>>
      %dma_start3A_420 = arith.constant 0 : i32
      %dma_start3A_421 = tpu.memref_slice %arg2[%squeeze3A_413, %dma_start3A_420] : memref<1000000x64xf32, #tpu.memory_space<hbm>> -> memref<1x64xf32, #tpu.memory_space<hbm>>
      %dma_start3A_422 = tpu.memref_slice %arg7[%dma_start3A_415] : memref<2x!tpu.dma_semaphore, #tpu.memory_space<semaphore_mem>> -> memref<1x!tpu.dma_semaphore, #tpu.memory_space<semaphore_mem>>
      %dma_start3A_423 = tpu.memref_squeeze %dma_start3A_422 : memref<1x!tpu.dma_semaphore, #tpu.memory_space<semaphore_mem>> -> memref<!tpu.dma_semaphore, #tpu.memory_space<semaphore_mem>>
      %dma_start3A_424 = arith.constant 19 : i32
      %dma_start3A_425 = arith.constant 0 : i32
      %dma_start3A_426 = tpu.memref_slice %arg6[%dma_start3A_414, %scan3A_55, %dma_start3A_424, %dma_start3A_425] : memref<2x8x50x64xf32, #tpu.memory_space<vmem>> -> memref<1x1x1x64xf32, #tpu.memory_space<vmem>>
      %dma_start3A_427 = tpu.memref_squeeze %dma_start3A_426 : memref<1x1x1x64xf32, #tpu.memory_space<vmem>> -> memref<1x64xf32, #tpu.memory_space<vmem>>
      %dma_start3A_428 = arith.constant 0 : i32
      %dma_start3A_429 = tpu.memref_slice %arg2[%squeeze3A_413, %dma_start3A_428] : memref<1000000x64xf32, #tpu.memory_space<hbm>> -> memref<1x64xf32, #tpu.memory_space<hbm>>
      tpu.enqueue_dma source(%dma_start3A_429 : memref<1x64xf32, #tpu.memory_space<hbm>>) target(%dma_start3A_427 : memref<1x64xf32, #tpu.memory_space<vmem>>) target_semaphore(%dma_start3A_423 : memref<!tpu.dma_semaphore, #tpu.memory_space<semaphore_mem>>)
      %slice3A_430 = vector.extract_strided_slice %get3A_357 {offsets = [4], sizes = [1], strides = [1]} : vector<16xi32> to vector<1xi32>
      %squeeze3A_431 = vector.extract %slice3A_430[0] : i32 from vector<1xi32>
      %dma_start3A_432 = arith.constant 0 : i32
      %dma_start3A_433 = arith.constant 0 : i32
      %dma_start3A_434 = arith.constant 20 : i32
      %dma_start3A_435 = arith.constant 0 : i32
      %dma_start3A_436 = tpu.memref_slice %arg6[%dma_start3A_432, %scan3A_55, %dma_start3A_434, %dma_start3A_435] : memref<2x8x50x64xf32, #tpu.memory_space<vmem>> -> memref<1x1x1x64xf32, #tpu.memory_space<vmem>>
      %dma_start3A_437 = tpu.memref_squeeze %dma_start3A_436 : memref<1x1x1x64xf32, #tpu.memory_space<vmem>> -> memref<1x64xf32, #tpu.memory_space<vmem>>
      %dma_start3A_438 = arith.constant 0 : i32
      %dma_start3A_439 = tpu.memref_slice %arg2[%squeeze3A_431, %dma_start3A_438] : memref<1000000x64xf32, #tpu.memory_space<hbm>> -> memref<1x64xf32, #tpu.memory_space<hbm>>
      %dma_start3A_440 = tpu.memref_slice %arg7[%dma_start3A_433] : memref<2x!tpu.dma_semaphore, #tpu.memory_space<semaphore_mem>> -> memref<1x!tpu.dma_semaphore, #tpu.memory_space<semaphore_mem>>
      %dma_start3A_441 = tpu.memref_squeeze %dma_start3A_440 : memref<1x!tpu.dma_semaphore, #tpu.memory_space<semaphore_mem>> -> memref<!tpu.dma_semaphore, #tpu.memory_space<semaphore_mem>>
      %dma_start3A_442 = arith.constant 20 : i32
      %dma_start3A_443 = arith.constant 0 : i32
      %dma_start3A_444 = tpu.memref_slice %arg6[%dma_start3A_432, %scan3A_55, %dma_start3A_442, %dma_start3A_443] : memref<2x8x50x64xf32, #tpu.memory_space<vmem>> -> memref<1x1x1x64xf32, #tpu.memory_space<vmem>>
      %dma_start3A_445 = tpu.memref_squeeze %dma_start3A_444 : memref<1x1x1x64xf32, #tpu.memory_space<vmem>> -> memref<1x64xf32, #tpu.memory_space<vmem>>
      %dma_start3A_446 = arith.constant 0 : i32
      %dma_start3A_447 = tpu.memref_slice %arg2[%squeeze3A_431, %dma_start3A_446] : memref<1000000x64xf32, #tpu.memory_space<hbm>> -> memref<1x64xf32, #tpu.memory_space<hbm>>
      tpu.enqueue_dma source(%dma_start3A_447 : memref<1x64xf32, #tpu.memory_space<hbm>>) target(%dma_start3A_445 : memref<1x64xf32, #tpu.memory_space<vmem>>) target_semaphore(%dma_start3A_441 : memref<!tpu.dma_semaphore, #tpu.memory_space<semaphore_mem>>)
      %slice3A_448 = vector.extract_strided_slice %get3A_357 {offsets = [5], sizes = [1], strides = [1]} : vector<16xi32> to vector<1xi32>
      %squeeze3A_449 = vector.extract %slice3A_448[0] : i32 from vector<1xi32>
      %dma_start3A_450 = arith.constant 0 : i32
      %dma_start3A_451 = arith.constant 0 : i32
      %dma_start3A_452 = arith.constant 21 : i32
      %dma_start3A_453 = arith.constant 0 : i32
      %dma_start3A_454 = tpu.memref_slice %arg6[%dma_start3A_450, %scan3A_55, %dma_start3A_452, %dma_start3A_453] : memref<2x8x50x64xf32, #tpu.memory_space<vmem>> -> memref<1x1x1x64xf32, #tpu.memory_space<vmem>>
      %dma_start3A_455 = tpu.memref_squeeze %dma_start3A_454 : memref<1x1x1x64xf32, #tpu.memory_space<vmem>> -> memref<1x64xf32, #tpu.memory_space<vmem>>
      %dma_start3A_456 = arith.constant 0 : i32
      %dma_start3A_457 = tpu.memref_slice %arg2[%squeeze3A_449, %dma_start3A_456] : memref<1000000x64xf32, #tpu.memory_space<hbm>> -> memref<1x64xf32, #tpu.memory_space<hbm>>
      %dma_start3A_458 = tpu.memref_slice %arg7[%dma_start3A_451] : memref<2x!tpu.dma_semaphore, #tpu.memory_space<semaphore_mem>> -> memref<1x!tpu.dma_semaphore, #tpu.memory_space<semaphore_mem>>
      %dma_start3A_459 = tpu.memref_squeeze %dma_start3A_458 : memref<1x!tpu.dma_semaphore, #tpu.memory_space<semaphore_mem>> -> memref<!tpu.dma_semaphore, #tpu.memory_space<semaphore_mem>>
      %dma_start3A_460 = arith.constant 21 : i32
      %dma_start3A_461 = arith.constant 0 : i32
      %dma_start3A_462 = tpu.memref_slice %arg6[%dma_start3A_450, %scan3A_55, %dma_start3A_460, %dma_start3A_461] : memref<2x8x50x64xf32, #tpu.memory_space<vmem>> -> memref<1x1x1x64xf32, #tpu.memory_space<vmem>>
      %dma_start3A_463 = tpu.memref_squeeze %dma_start3A_462 : memref<1x1x1x64xf32, #tpu.memory_space<vmem>> -> memref<1x64xf32, #tpu.memory_space<vmem>>
      %dma_start3A_464 = arith.constant 0 : i32
      %dma_start3A_465 = tpu.memref_slice %arg2[%squeeze3A_449, %dma_start3A_464] : memref<1000000x64xf32, #tpu.memory_space<hbm>> -> memref<1x64xf32, #tpu.memory_space<hbm>>
      tpu.enqueue_dma source(%dma_start3A_465 : memref<1x64xf32, #tpu.memory_space<hbm>>) target(%dma_start3A_463 : memref<1x64xf32, #tpu.memory_space<vmem>>) target_semaphore(%dma_start3A_459 : memref<!tpu.dma_semaphore, #tpu.memory_space<semaphore_mem>>)
      %slice3A_466 = vector.extract_strided_slice %get3A_357 {offsets = [6], sizes = [1], strides = [1]} : vector<16xi32> to vector<1xi32>
      %squeeze3A_467 = vector.extract %slice3A_466[0] : i32 from vector<1xi32>
      %dma_start3A_468 = arith.constant 0 : i32
      %dma_start3A_469 = arith.constant 0 : i32
      %dma_start3A_470 = arith.constant 22 : i32
      %dma_start3A_471 = arith.constant 0 : i32
      %dma_start3A_472 = tpu.memref_slice %arg6[%dma_start3A_468, %scan3A_55, %dma_start3A_470, %dma_start3A_471] : memref<2x8x50x64xf32, #tpu.memory_space<vmem>> -> memref<1x1x1x64xf32, #tpu.memory_space<vmem>>
      %dma_start3A_473 = tpu.memref_squeeze %dma_start3A_472 : memref<1x1x1x64xf32, #tpu.memory_space<vmem>> -> memref<1x64xf32, #tpu.memory_space<vmem>>
      %dma_start3A_474 = arith.constant 0 : i32
      %dma_start3A_475 = tpu.memref_slice %arg2[%squeeze3A_467, %dma_start3A_474] : memref<1000000x64xf32, #tpu.memory_space<hbm>> -> memref<1x64xf32, #tpu.memory_space<hbm>>
      %dma_start3A_476 = tpu.memref_slice %arg7[%dma_start3A_469] : memref<2x!tpu.dma_semaphore, #tpu.memory_space<semaphore_mem>> -> memref<1x!tpu.dma_semaphore, #tpu.memory_space<semaphore_mem>>
      %dma_start3A_477 = tpu.memref_squeeze %dma_start3A_476 : memref<1x!tpu.dma_semaphore, #tpu.memory_space<semaphore_mem>> -> memref<!tpu.dma_semaphore, #tpu.memory_space<semaphore_mem>>
      %dma_start3A_478 = arith.constant 22 : i32
      %dma_start3A_479 = arith.constant 0 : i32
      %dma_start3A_480 = tpu.memref_slice %arg6[%dma_start3A_468, %scan3A_55, %dma_start3A_478, %dma_start3A_479] : memref<2x8x50x64xf32, #tpu.memory_space<vmem>> -> memref<1x1x1x64xf32, #tpu.memory_space<vmem>>
      %dma_start3A_481 = tpu.memref_squeeze %dma_start3A_480 : memref<1x1x1x64xf32, #tpu.memory_space<vmem>> -> memref<1x64xf32, #tpu.memory_space<vmem>>
      %dma_start3A_482 = arith.constant 0 : i32
      %dma_start3A_483 = tpu.memref_slice %arg2[%squeeze3A_467, %dma_start3A_482] : memref<1000000x64xf32, #tpu.memory_space<hbm>> -> memref<1x64xf32, #tpu.memory_space<hbm>>
      tpu.enqueue_dma source(%dma_start3A_483 : memref<1x64xf32, #tpu.memory_space<hbm>>) target(%dma_start3A_481 : memref<1x64xf32, #tpu.memory_space<vmem>>) target_semaphore(%dma_start3A_477 : memref<!tpu.dma_semaphore, #tpu.memory_space<semaphore_mem>>)
      %slice3A_484 = vector.extract_strided_slice %get3A_357 {offsets = [7], sizes = [1], strides = [1]} : vector<16xi32> to vector<1xi32>
      %squeeze3A_485 = vector.extract %slice3A_484[0] : i32 from vector<1xi32>
      %dma_start3A_486 = arith.constant 0 : i32
      %dma_start3A_487 = arith.constant 0 : i32
      %dma_start3A_488 = arith.constant 23 : i32
      %dma_start3A_489 = arith.constant 0 : i32
      %dma_start3A_490 = tpu.memref_slice %arg6[%dma_start3A_486, %scan3A_55, %dma_start3A_488, %dma_start3A_489] : memref<2x8x50x64xf32, #tpu.memory_space<vmem>> -> memref<1x1x1x64xf32, #tpu.memory_space<vmem>>
      %dma_start3A_491 = tpu.memref_squeeze %dma_start3A_490 : memref<1x1x1x64xf32, #tpu.memory_space<vmem>> -> memref<1x64xf32, #tpu.memory_space<vmem>>
      %dma_start3A_492 = arith.constant 0 : i32
      %dma_start3A_493 = tpu.memref_slice %arg2[%squeeze3A_485, %dma_start3A_492] : memref<1000000x64xf32, #tpu.memory_space<hbm>> -> memref<1x64xf32, #tpu.memory_space<hbm>>
      %dma_start3A_494 = tpu.memref_slice %arg7[%dma_start3A_487] : memref<2x!tpu.dma_semaphore, #tpu.memory_space<semaphore_mem>> -> memref<1x!tpu.dma_semaphore, #tpu.memory_space<semaphore_mem>>
      %dma_start3A_495 = tpu.memref_squeeze %dma_start3A_494 : memref<1x!tpu.dma_semaphore, #tpu.memory_space<semaphore_mem>> -> memref<!tpu.dma_semaphore, #tpu.memory_space<semaphore_mem>>
      %dma_start3A_496 = arith.constant 23 : i32
      %dma_start3A_497 = arith.constant 0 : i32
      %dma_start3A_498 = tpu.memref_slice %arg6[%dma_start3A_486, %scan3A_55, %dma_start3A_496, %dma_start3A_497] : memref<2x8x50x64xf32, #tpu.memory_space<vmem>> -> memref<1x1x1x64xf32, #tpu.memory_space<vmem>>
      %dma_start3A_499 = tpu.memref_squeeze %dma_start3A_498 : memref<1x1x1x64xf32, #tpu.memory_space<vmem>> -> memref<1x64xf32, #tpu.memory_space<vmem>>
      %dma_start3A_500 = arith.constant 0 : i32
      %dma_start3A_501 = tpu.memref_slice %arg2[%squeeze3A_485, %dma_start3A_500] : memref<1000000x64xf32, #tpu.memory_space<hbm>> -> memref<1x64xf32, #tpu.memory_space<hbm>>
      tpu.enqueue_dma source(%dma_start3A_501 : memref<1x64xf32, #tpu.memory_space<hbm>>) target(%dma_start3A_499 : memref<1x64xf32, #tpu.memory_space<vmem>>) target_semaphore(%dma_start3A_495 : memref<!tpu.dma_semaphore, #tpu.memory_space<semaphore_mem>>)
      %slice3A_502 = vector.extract_strided_slice %get3A_357 {offsets = [8], sizes = [1], strides = [1]} : vector<16xi32> to vector<1xi32>
      %squeeze3A_503 = vector.extract %slice3A_502[0] : i32 from vector<1xi32>
      %dma_start3A_504 = arith.constant 0 : i32
      %dma_start3A_505 = arith.constant 0 : i32
      %dma_start3A_506 = arith.constant 24 : i32
      %dma_start3A_507 = arith.constant 0 : i32
      %dma_start3A_508 = tpu.memref_slice %arg6[%dma_start3A_504, %scan3A_55, %dma_start3A_506, %dma_start3A_507] : memref<2x8x50x64xf32, #tpu.memory_space<vmem>> -> memref<1x1x1x64xf32, #tpu.memory_space<vmem>>
      %dma_start3A_509 = tpu.memref_squeeze %dma_start3A_508 : memref<1x1x1x64xf32, #tpu.memory_space<vmem>> -> memref<1x64xf32, #tpu.memory_space<vmem>>
      %dma_start3A_510 = arith.constant 0 : i32
      %dma_start3A_511 = tpu.memref_slice %arg2[%squeeze3A_503, %dma_start3A_510] : memref<1000000x64xf32, #tpu.memory_space<hbm>> -> memref<1x64xf32, #tpu.memory_space<hbm>>
      %dma_start3A_512 = tpu.memref_slice %arg7[%dma_start3A_505] : memref<2x!tpu.dma_semaphore, #tpu.memory_space<semaphore_mem>> -> memref<1x!tpu.dma_semaphore, #tpu.memory_space<semaphore_mem>>
      %dma_start3A_513 = tpu.memref_squeeze %dma_start3A_512 : memref<1x!tpu.dma_semaphore, #tpu.memory_space<semaphore_mem>> -> memref<!tpu.dma_semaphore, #tpu.memory_space<semaphore_mem>>
      %dma_start3A_514 = arith.constant 24 : i32
      %dma_start3A_515 = arith.constant 0 : i32
      %dma_start3A_516 = tpu.memref_slice %arg6[%dma_start3A_504, %scan3A_55, %dma_start3A_514, %dma_start3A_515] : memref<2x8x50x64xf32, #tpu.memory_space<vmem>> -> memref<1x1x1x64xf32, #tpu.memory_space<vmem>>
      %dma_start3A_517 = tpu.memref_squeeze %dma_start3A_516 : memref<1x1x1x64xf32, #tpu.memory_space<vmem>> -> memref<1x64xf32, #tpu.memory_space<vmem>>
      %dma_start3A_518 = arith.constant 0 : i32
      %dma_start3A_519 = tpu.memref_slice %arg2[%squeeze3A_503, %dma_start3A_518] : memref<1000000x64xf32, #tpu.memory_space<hbm>> -> memref<1x64xf32, #tpu.memory_space<hbm>>
      tpu.enqueue_dma source(%dma_start3A_519 : memref<1x64xf32, #tpu.memory_space<hbm>>) target(%dma_start3A_517 : memref<1x64xf32, #tpu.memory_space<vmem>>) target_semaphore(%dma_start3A_513 : memref<!tpu.dma_semaphore, #tpu.memory_space<semaphore_mem>>)
      %slice3A_520 = vector.extract_strided_slice %get3A_357 {offsets = [9], sizes = [1], strides = [1]} : vector<16xi32> to vector<1xi32>
      %squeeze3A_521 = vector.extract %slice3A_520[0] : i32 from vector<1xi32>
      %dma_start3A_522 = arith.constant 0 : i32
      %dma_start3A_523 = arith.constant 0 : i32
      %dma_start3A_524 = arith.constant 25 : i32
      %dma_start3A_525 = arith.constant 0 : i32
      %dma_start3A_526 = tpu.memref_slice %arg6[%dma_start3A_522, %scan3A_55, %dma_start3A_524, %dma_start3A_525] : memref<2x8x50x64xf32, #tpu.memory_space<vmem>> -> memref<1x1x1x64xf32, #tpu.memory_space<vmem>>
      %dma_start3A_527 = tpu.memref_squeeze %dma_start3A_526 : memref<1x1x1x64xf32, #tpu.memory_space<vmem>> -> memref<1x64xf32, #tpu.memory_space<vmem>>
      %dma_start3A_528 = arith.constant 0 : i32
      %dma_start3A_529 = tpu.memref_slice %arg2[%squeeze3A_521, %dma_start3A_528] : memref<1000000x64xf32, #tpu.memory_space<hbm>> -> memref<1x64xf32, #tpu.memory_space<hbm>>
      %dma_start3A_530 = tpu.memref_slice %arg7[%dma_start3A_523] : memref<2x!tpu.dma_semaphore, #tpu.memory_space<semaphore_mem>> -> memref<1x!tpu.dma_semaphore, #tpu.memory_space<semaphore_mem>>
      %dma_start3A_531 = tpu.memref_squeeze %dma_start3A_530 : memref<1x!tpu.dma_semaphore, #tpu.memory_space<semaphore_mem>> -> memref<!tpu.dma_semaphore, #tpu.memory_space<semaphore_mem>>
      %dma_start3A_532 = arith.constant 25 : i32
      %dma_start3A_533 = arith.constant 0 : i32
      %dma_start3A_534 = tpu.memref_slice %arg6[%dma_start3A_522, %scan3A_55, %dma_start3A_532, %dma_start3A_533] : memref<2x8x50x64xf32, #tpu.memory_space<vmem>> -> memref<1x1x1x64xf32, #tpu.memory_space<vmem>>
      %dma_start3A_535 = tpu.memref_squeeze %dma_start3A_534 : memref<1x1x1x64xf32, #tpu.memory_space<vmem>> -> memref<1x64xf32, #tpu.memory_space<vmem>>
      %dma_start3A_536 = arith.constant 0 : i32
      %dma_start3A_537 = tpu.memref_slice %arg2[%squeeze3A_521, %dma_start3A_536] : memref<1000000x64xf32, #tpu.memory_space<hbm>> -> memref<1x64xf32, #tpu.memory_space<hbm>>
      tpu.enqueue_dma source(%dma_start3A_537 : memref<1x64xf32, #tpu.memory_space<hbm>>) target(%dma_start3A_535 : memref<1x64xf32, #tpu.memory_space<vmem>>) target_semaphore(%dma_start3A_531 : memref<!tpu.dma_semaphore, #tpu.memory_space<semaphore_mem>>)
      %slice3A_538 = vector.extract_strided_slice %get3A_357 {offsets = [10], sizes = [1], strides = [1]} : vector<16xi32> to vector<1xi32>
      %squeeze3A_539 = vector.extract %slice3A_538[0] : i32 from vector<1xi32>
      %dma_start3A_540 = arith.constant 0 : i32
      %dma_start3A_541 = arith.constant 0 : i32
      %dma_start3A_542 = arith.constant 26 : i32
      %dma_start3A_543 = arith.constant 0 : i32
      %dma_start3A_544 = tpu.memref_slice %arg6[%dma_start3A_540, %scan3A_55, %dma_start3A_542, %dma_start3A_543] : memref<2x8x50x64xf32, #tpu.memory_space<vmem>> -> memref<1x1x1x64xf32, #tpu.memory_space<vmem>>
      %dma_start3A_545 = tpu.memref_squeeze %dma_start3A_544 : memref<1x1x1x64xf32, #tpu.memory_space<vmem>> -> memref<1x64xf32, #tpu.memory_space<vmem>>
      %dma_start3A_546 = arith.constant 0 : i32
      %dma_start3A_547 = tpu.memref_slice %arg2[%squeeze3A_539, %dma_start3A_546] : memref<1000000x64xf32, #tpu.memory_space<hbm>> -> memref<1x64xf32, #tpu.memory_space<hbm>>
      %dma_start3A_548 = tpu.memref_slice %arg7[%dma_start3A_541] : memref<2x!tpu.dma_semaphore, #tpu.memory_space<semaphore_mem>> -> memref<1x!tpu.dma_semaphore, #tpu.memory_space<semaphore_mem>>
      %dma_start3A_549 = tpu.memref_squeeze %dma_start3A_548 : memref<1x!tpu.dma_semaphore, #tpu.memory_space<semaphore_mem>> -> memref<!tpu.dma_semaphore, #tpu.memory_space<semaphore_mem>>
      %dma_start3A_550 = arith.constant 26 : i32
      %dma_start3A_551 = arith.constant 0 : i32
      %dma_start3A_552 = tpu.memref_slice %arg6[%dma_start3A_540, %scan3A_55, %dma_start3A_550, %dma_start3A_551] : memref<2x8x50x64xf32, #tpu.memory_space<vmem>> -> memref<1x1x1x64xf32, #tpu.memory_space<vmem>>
      %dma_start3A_553 = tpu.memref_squeeze %dma_start3A_552 : memref<1x1x1x64xf32, #tpu.memory_space<vmem>> -> memref<1x64xf32, #tpu.memory_space<vmem>>
      %dma_start3A_554 = arith.constant 0 : i32
      %dma_start3A_555 = tpu.memref_slice %arg2[%squeeze3A_539, %dma_start3A_554] : memref<1000000x64xf32, #tpu.memory_space<hbm>> -> memref<1x64xf32, #tpu.memory_space<hbm>>
      tpu.enqueue_dma source(%dma_start3A_555 : memref<1x64xf32, #tpu.memory_space<hbm>>) target(%dma_start3A_553 : memref<1x64xf32, #tpu.memory_space<vmem>>) target_semaphore(%dma_start3A_549 : memref<!tpu.dma_semaphore, #tpu.memory_space<semaphore_mem>>)
      %slice3A_556 = vector.extract_strided_slice %get3A_357 {offsets = [11], sizes = [1], strides = [1]} : vector<16xi32> to vector<1xi32>
      %squeeze3A_557 = vector.extract %slice3A_556[0] : i32 from vector<1xi32>
      %dma_start3A_558 = arith.constant 0 : i32
      %dma_start3A_559 = arith.constant 0 : i32
      %dma_start3A_560 = arith.constant 27 : i32
      %dma_start3A_561 = arith.constant 0 : i32
      %dma_start3A_562 = tpu.memref_slice %arg6[%dma_start3A_558, %scan3A_55, %dma_start3A_560, %dma_start3A_561] : memref<2x8x50x64xf32, #tpu.memory_space<vmem>> -> memref<1x1x1x64xf32, #tpu.memory_space<vmem>>
      %dma_start3A_563 = tpu.memref_squeeze %dma_start3A_562 : memref<1x1x1x64xf32, #tpu.memory_space<vmem>> -> memref<1x64xf32, #tpu.memory_space<vmem>>
      %dma_start3A_564 = arith.constant 0 : i32
      %dma_start3A_565 = tpu.memref_slice %arg2[%squeeze3A_557, %dma_start3A_564] : memref<1000000x64xf32, #tpu.memory_space<hbm>> -> memref<1x64xf32, #tpu.memory_space<hbm>>
      %dma_start3A_566 = tpu.memref_slice %arg7[%dma_start3A_559] : memref<2x!tpu.dma_semaphore, #tpu.memory_space<semaphore_mem>> -> memref<1x!tpu.dma_semaphore, #tpu.memory_space<semaphore_mem>>
      %dma_start3A_567 = tpu.memref_squeeze %dma_start3A_566 : memref<1x!tpu.dma_semaphore, #tpu.memory_space<semaphore_mem>> -> memref<!tpu.dma_semaphore, #tpu.memory_space<semaphore_mem>>
      %dma_start3A_568 = arith.constant 27 : i32
      %dma_start3A_569 = arith.constant 0 : i32
      %dma_start3A_570 = tpu.memref_slice %arg6[%dma_start3A_558, %scan3A_55, %dma_start3A_568, %dma_start3A_569] : memref<2x8x50x64xf32, #tpu.memory_space<vmem>> -> memref<1x1x1x64xf32, #tpu.memory_space<vmem>>
      %dma_start3A_571 = tpu.memref_squeeze %dma_start3A_570 : memref<1x1x1x64xf32, #tpu.memory_space<vmem>> -> memref<1x64xf32, #tpu.memory_space<vmem>>
      %dma_start3A_572 = arith.constant 0 : i32
      %dma_start3A_573 = tpu.memref_slice %arg2[%squeeze3A_557, %dma_start3A_572] : memref<1000000x64xf32, #tpu.memory_space<hbm>> -> memref<1x64xf32, #tpu.memory_space<hbm>>
      tpu.enqueue_dma source(%dma_start3A_573 : memref<1x64xf32, #tpu.memory_space<hbm>>) target(%dma_start3A_571 : memref<1x64xf32, #tpu.memory_space<vmem>>) target_semaphore(%dma_start3A_567 : memref<!tpu.dma_semaphore, #tpu.memory_space<semaphore_mem>>)
      %slice3A_574 = vector.extract_strided_slice %get3A_357 {offsets = [12], sizes = [1], strides = [1]} : vector<16xi32> to vector<1xi32>
      %squeeze3A_575 = vector.extract %slice3A_574[0] : i32 from vector<1xi32>
      %dma_start3A_576 = arith.constant 0 : i32
      %dma_start3A_577 = arith.constant 0 : i32
      %dma_start3A_578 = arith.constant 28 : i32
      %dma_start3A_579 = arith.constant 0 : i32
      %dma_start3A_580 = tpu.memref_slice %arg6[%dma_start3A_576, %scan3A_55, %dma_start3A_578, %dma_start3A_579] : memref<2x8x50x64xf32, #tpu.memory_space<vmem>> -> memref<1x1x1x64xf32, #tpu.memory_space<vmem>>
      %dma_start3A_581 = tpu.memref_squeeze %dma_start3A_580 : memref<1x1x1x64xf32, #tpu.memory_space<vmem>> -> memref<1x64xf32, #tpu.memory_space<vmem>>
      %dma_start3A_582 = arith.constant 0 : i32
      %dma_start3A_583 = tpu.memref_slice %arg2[%squeeze3A_575, %dma_start3A_582] : memref<1000000x64xf32, #tpu.memory_space<hbm>> -> memref<1x64xf32, #tpu.memory_space<hbm>>
      %dma_start3A_584 = tpu.memref_slice %arg7[%dma_start3A_577] : memref<2x!tpu.dma_semaphore, #tpu.memory_space<semaphore_mem>> -> memref<1x!tpu.dma_semaphore, #tpu.memory_space<semaphore_mem>>
      %dma_start3A_585 = tpu.memref_squeeze %dma_start3A_584 : memref<1x!tpu.dma_semaphore, #tpu.memory_space<semaphore_mem>> -> memref<!tpu.dma_semaphore, #tpu.memory_space<semaphore_mem>>
      %dma_start3A_586 = arith.constant 28 : i32
      %dma_start3A_587 = arith.constant 0 : i32
      %dma_start3A_588 = tpu.memref_slice %arg6[%dma_start3A_576, %scan3A_55, %dma_start3A_586, %dma_start3A_587] : memref<2x8x50x64xf32, #tpu.memory_space<vmem>> -> memref<1x1x1x64xf32, #tpu.memory_space<vmem>>
      %dma_start3A_589 = tpu.memref_squeeze %dma_start3A_588 : memref<1x1x1x64xf32, #tpu.memory_space<vmem>> -> memref<1x64xf32, #tpu.memory_space<vmem>>
      %dma_start3A_590 = arith.constant 0 : i32
      %dma_start3A_591 = tpu.memref_slice %arg2[%squeeze3A_575, %dma_start3A_590] : memref<1000000x64xf32, #tpu.memory_space<hbm>> -> memref<1x64xf32, #tpu.memory_space<hbm>>
      tpu.enqueue_dma source(%dma_start3A_591 : memref<1x64xf32, #tpu.memory_space<hbm>>) target(%dma_start3A_589 : memref<1x64xf32, #tpu.memory_space<vmem>>) target_semaphore(%dma_start3A_585 : memref<!tpu.dma_semaphore, #tpu.memory_space<semaphore_mem>>)
      %slice3A_592 = vector.extract_strided_slice %get3A_357 {offsets = [13], sizes = [1], strides = [1]} : vector<16xi32> to vector<1xi32>
      %squeeze3A_593 = vector.extract %slice3A_592[0] : i32 from vector<1xi32>
      %dma_start3A_594 = arith.constant 0 : i32
      %dma_start3A_595 = arith.constant 0 : i32
      %dma_start3A_596 = arith.constant 29 : i32
      %dma_start3A_597 = arith.constant 0 : i32
      %dma_start3A_598 = tpu.memref_slice %arg6[%dma_start3A_594, %scan3A_55, %dma_start3A_596, %dma_start3A_597] : memref<2x8x50x64xf32, #tpu.memory_space<vmem>> -> memref<1x1x1x64xf32, #tpu.memory_space<vmem>>
      %dma_start3A_599 = tpu.memref_squeeze %dma_start3A_598 : memref<1x1x1x64xf32, #tpu.memory_space<vmem>> -> memref<1x64xf32, #tpu.memory_space<vmem>>
      %dma_start3A_600 = arith.constant 0 : i32
      %dma_start3A_601 = tpu.memref_slice %arg2[%squeeze3A_593, %dma_start3A_600] : memref<1000000x64xf32, #tpu.memory_space<hbm>> -> memref<1x64xf32, #tpu.memory_space<hbm>>
      %dma_start3A_602 = tpu.memref_slice %arg7[%dma_start3A_595] : memref<2x!tpu.dma_semaphore, #tpu.memory_space<semaphore_mem>> -> memref<1x!tpu.dma_semaphore, #tpu.memory_space<semaphore_mem>>
      %dma_start3A_603 = tpu.memref_squeeze %dma_start3A_602 : memref<1x!tpu.dma_semaphore, #tpu.memory_space<semaphore_mem>> -> memref<!tpu.dma_semaphore, #tpu.memory_space<semaphore_mem>>
      %dma_start3A_604 = arith.constant 29 : i32
      %dma_start3A_605 = arith.constant 0 : i32
      %dma_start3A_606 = tpu.memref_slice %arg6[%dma_start3A_594, %scan3A_55, %dma_start3A_604, %dma_start3A_605] : memref<2x8x50x64xf32, #tpu.memory_space<vmem>> -> memref<1x1x1x64xf32, #tpu.memory_space<vmem>>
      %dma_start3A_607 = tpu.memref_squeeze %dma_start3A_606 : memref<1x1x1x64xf32, #tpu.memory_space<vmem>> -> memref<1x64xf32, #tpu.memory_space<vmem>>
      %dma_start3A_608 = arith.constant 0 : i32
      %dma_start3A_609 = tpu.memref_slice %arg2[%squeeze3A_593, %dma_start3A_608] : memref<1000000x64xf32, #tpu.memory_space<hbm>> -> memref<1x64xf32, #tpu.memory_space<hbm>>
      tpu.enqueue_dma source(%dma_start3A_609 : memref<1x64xf32, #tpu.memory_space<hbm>>) target(%dma_start3A_607 : memref<1x64xf32, #tpu.memory_space<vmem>>) target_semaphore(%dma_start3A_603 : memref<!tpu.dma_semaphore, #tpu.memory_space<semaphore_mem>>)
      %slice3A_610 = vector.extract_strided_slice %get3A_357 {offsets = [14], sizes = [1], strides = [1]} : vector<16xi32> to vector<1xi32>
      %squeeze3A_611 = vector.extract %slice3A_610[0] : i32 from vector<1xi32>
      %dma_start3A_612 = arith.constant 0 : i32
      %dma_start3A_613 = arith.constant 0 : i32
      %dma_start3A_614 = arith.constant 30 : i32
      %dma_start3A_615 = arith.constant 0 : i32
      %dma_start3A_616 = tpu.memref_slice %arg6[%dma_start3A_612, %scan3A_55, %dma_start3A_614, %dma_start3A_615] : memref<2x8x50x64xf32, #tpu.memory_space<vmem>> -> memref<1x1x1x64xf32, #tpu.memory_space<vmem>>
      %dma_start3A_617 = tpu.memref_squeeze %dma_start3A_616 : memref<1x1x1x64xf32, #tpu.memory_space<vmem>> -> memref<1x64xf32, #tpu.memory_space<vmem>>
      %dma_start3A_618 = arith.constant 0 : i32
      %dma_start3A_619 = tpu.memref_slice %arg2[%squeeze3A_611, %dma_start3A_618] : memref<1000000x64xf32, #tpu.memory_space<hbm>> -> memref<1x64xf32, #tpu.memory_space<hbm>>
      %dma_start3A_620 = tpu.memref_slice %arg7[%dma_start3A_613] : memref<2x!tpu.dma_semaphore, #tpu.memory_space<semaphore_mem>> -> memref<1x!tpu.dma_semaphore, #tpu.memory_space<semaphore_mem>>
      %dma_start3A_621 = tpu.memref_squeeze %dma_start3A_620 : memref<1x!tpu.dma_semaphore, #tpu.memory_space<semaphore_mem>> -> memref<!tpu.dma_semaphore, #tpu.memory_space<semaphore_mem>>
      %dma_start3A_622 = arith.constant 30 : i32
      %dma_start3A_623 = arith.constant 0 : i32
      %dma_start3A_624 = tpu.memref_slice %arg6[%dma_start3A_612, %scan3A_55, %dma_start3A_622, %dma_start3A_623] : memref<2x8x50x64xf32, #tpu.memory_space<vmem>> -> memref<1x1x1x64xf32, #tpu.memory_space<vmem>>
      %dma_start3A_625 = tpu.memref_squeeze %dma_start3A_624 : memref<1x1x1x64xf32, #tpu.memory_space<vmem>> -> memref<1x64xf32, #tpu.memory_space<vmem>>
      %dma_start3A_626 = arith.constant 0 : i32
      %dma_start3A_627 = tpu.memref_slice %arg2[%squeeze3A_611, %dma_start3A_626] : memref<1000000x64xf32, #tpu.memory_space<hbm>> -> memref<1x64xf32, #tpu.memory_space<hbm>>
      tpu.enqueue_dma source(%dma_start3A_627 : memref<1x64xf32, #tpu.memory_space<hbm>>) target(%dma_start3A_625 : memref<1x64xf32, #tpu.memory_space<vmem>>) target_semaphore(%dma_start3A_621 : memref<!tpu.dma_semaphore, #tpu.memory_space<semaphore_mem>>)
      %slice3A_628 = vector.extract_strided_slice %get3A_357 {offsets = [15], sizes = [1], strides = [1]} : vector<16xi32> to vector<1xi32>
      %squeeze3A_629 = vector.extract %slice3A_628[0] : i32 from vector<1xi32>
      %dma_start3A_630 = arith.constant 0 : i32
      %dma_start3A_631 = arith.constant 0 : i32
      %dma_start3A_632 = arith.constant 31 : i32
      %dma_start3A_633 = arith.constant 0 : i32
      %dma_start3A_634 = tpu.memref_slice %arg6[%dma_start3A_630, %scan3A_55, %dma_start3A_632, %dma_start3A_633] : memref<2x8x50x64xf32, #tpu.memory_space<vmem>> -> memref<1x1x1x64xf32, #tpu.memory_space<vmem>>
      %dma_start3A_635 = tpu.memref_squeeze %dma_start3A_634 : memref<1x1x1x64xf32, #tpu.memory_space<vmem>> -> memref<1x64xf32, #tpu.memory_space<vmem>>
      %dma_start3A_636 = arith.constant 0 : i32
      %dma_start3A_637 = tpu.memref_slice %arg2[%squeeze3A_629, %dma_start3A_636] : memref<1000000x64xf32, #tpu.memory_space<hbm>> -> memref<1x64xf32, #tpu.memory_space<hbm>>
      %dma_start3A_638 = tpu.memref_slice %arg7[%dma_start3A_631] : memref<2x!tpu.dma_semaphore, #tpu.memory_space<semaphore_mem>> -> memref<1x!tpu.dma_semaphore, #tpu.memory_space<semaphore_mem>>
      %dma_start3A_639 = tpu.memref_squeeze %dma_start3A_638 : memref<1x!tpu.dma_semaphore, #tpu.memory_space<semaphore_mem>> -> memref<!tpu.dma_semaphore, #tpu.memory_space<semaphore_mem>>
      %dma_start3A_640 = arith.constant 31 : i32
      %dma_start3A_641 = arith.constant 0 : i32
      %dma_start3A_642 = tpu.memref_slice %arg6[%dma_start3A_630, %scan3A_55, %dma_start3A_640, %dma_start3A_641] : memref<2x8x50x64xf32, #tpu.memory_space<vmem>> -> memref<1x1x1x64xf32, #tpu.memory_space<vmem>>
      %dma_start3A_643 = tpu.memref_squeeze %dma_start3A_642 : memref<1x1x1x64xf32, #tpu.memory_space<vmem>> -> memref<1x64xf32, #tpu.memory_space<vmem>>
      %dma_start3A_644 = arith.constant 0 : i32
      %dma_start3A_645 = tpu.memref_slice %arg2[%squeeze3A_629, %dma_start3A_644] : memref<1000000x64xf32, #tpu.memory_space<hbm>> -> memref<1x64xf32, #tpu.memory_space<hbm>>
      tpu.enqueue_dma source(%dma_start3A_645 : memref<1x64xf32, #tpu.memory_space<hbm>>) target(%dma_start3A_643 : memref<1x64xf32, #tpu.memory_space<vmem>>) target_semaphore(%dma_start3A_639 : memref<!tpu.dma_semaphore, #tpu.memory_space<semaphore_mem>>)
      %add3A_646 = arith.constant 0 : i32
      %add3A_647 = arith.addi %add3A_646, %scan3A_55 : i32
      %mul3A_648 = arith.constant 64 : i32
      %mul3A_649 = arith.muli %add3A_647, %mul3A_648 : i32
      %add3A_650 = arith.constant 32 : i32
      %add3A_651 = arith.addi %mul3A_649, %add3A_650 : i32
      %get3A_652 = arith.index_cast %add3A_651 : i32 to index
      %get3A_653 = tpu.vector_load %arg5[%get3A_652] {strides = array<i32>} : memref<8192xi32, #tpu.memory_space<vmem>>, vector<16xi32>,
      %get3A_654 = vector.shape_cast %get3A_653 : vector<16xi32> to vector<16xi32>
      %slice3A_655 = vector.extract_strided_slice %get3A_654 {offsets = [0], sizes = [1], strides = [1]} : vector<16xi32> to vector<1xi32>
      %squeeze3A_656 = vector.extract %slice3A_655[0] : i32 from vector<1xi32>
      %dma_start3A_657 = arith.constant 0 : i32
      %dma_start3A_658 = arith.constant 0 : i32
      %dma_start3A_659 = arith.constant 32 : i32
      %dma_start3A_660 = arith.constant 0 : i32
      %dma_start3A_661 = tpu.memref_slice %arg6[%dma_start3A_657, %scan3A_55, %dma_start3A_659, %dma_start3A_660] : memref<2x8x50x64xf32, #tpu.memory_space<vmem>> -> memref<1x1x1x64xf32, #tpu.memory_space<vmem>>
      %dma_start3A_662 = tpu.memref_squeeze %dma_start3A_661 : memref<1x1x1x64xf32, #tpu.memory_space<vmem>> -> memref<1x64xf32, #tpu.memory_space<vmem>>
      %dma_start3A_663 = arith.constant 0 : i32
      %dma_start3A_664 = tpu.memref_slice %arg2[%squeeze3A_656, %dma_start3A_663] : memref<1000000x64xf32, #tpu.memory_space<hbm>> -> memref<1x64xf32, #tpu.memory_space<hbm>>
      %dma_start3A_665 = tpu.memref_slice %arg7[%dma_start3A_658] : memref<2x!tpu.dma_semaphore, #tpu.memory_space<semaphore_mem>> -> memref<1x!tpu.dma_semaphore, #tpu.memory_space<semaphore_mem>>
      %dma_start3A_666 = tpu.memref_squeeze %dma_start3A_665 : memref<1x!tpu.dma_semaphore, #tpu.memory_space<semaphore_mem>> -> memref<!tpu.dma_semaphore, #tpu.memory_space<semaphore_mem>>
      %dma_start3A_667 = arith.constant 32 : i32
      %dma_start3A_668 = arith.constant 0 : i32
      %dma_start3A_669 = tpu.memref_slice %arg6[%dma_start3A_657, %scan3A_55, %dma_start3A_667, %dma_start3A_668] : memref<2x8x50x64xf32, #tpu.memory_space<vmem>> -> memref<1x1x1x64xf32, #tpu.memory_space<vmem>>
      %dma_start3A_670 = tpu.memref_squeeze %dma_start3A_669 : memref<1x1x1x64xf32, #tpu.memory_space<vmem>> -> memref<1x64xf32, #tpu.memory_space<vmem>>
      %dma_start3A_671 = arith.constant 0 : i32
      %dma_start3A_672 = tpu.memref_slice %arg2[%squeeze3A_656, %dma_start3A_671] : memref<1000000x64xf32, #tpu.memory_space<hbm>> -> memref<1x64xf32, #tpu.memory_space<hbm>>
      tpu.enqueue_dma source(%dma_start3A_672 : memref<1x64xf32, #tpu.memory_space<hbm>>) target(%dma_start3A_670 : memref<1x64xf32, #tpu.memory_space<vmem>>) target_semaphore(%dma_start3A_666 : memref<!tpu.dma_semaphore, #tpu.memory_space<semaphore_mem>>)
      %slice3A_673 = vector.extract_strided_slice %get3A_654 {offsets = [1], sizes = [1], strides = [1]} : vector<16xi32> to vector<1xi32>
      %squeeze3A_674 = vector.extract %slice3A_673[0] : i32 from vector<1xi32>
      %dma_start3A_675 = arith.constant 0 : i32
      %dma_start3A_676 = arith.constant 0 : i32
      %dma_start3A_677 = arith.constant 33 : i32
      %dma_start3A_678 = arith.constant 0 : i32
      %dma_start3A_679 = tpu.memref_slice %arg6[%dma_start3A_675, %scan3A_55, %dma_start3A_677, %dma_start3A_678] : memref<2x8x50x64xf32, #tpu.memory_space<vmem>> -> memref<1x1x1x64xf32, #tpu.memory_space<vmem>>
      %dma_start3A_680 = tpu.memref_squeeze %dma_start3A_679 : memref<1x1x1x64xf32, #tpu.memory_space<vmem>> -> memref<1x64xf32, #tpu.memory_space<vmem>>
      %dma_start3A_681 = arith.constant 0 : i32
      %dma_start3A_682 = tpu.memref_slice %arg2[%squeeze3A_674, %dma_start3A_681] : memref<1000000x64xf32, #tpu.memory_space<hbm>> -> memref<1x64xf32, #tpu.memory_space<hbm>>
      %dma_start3A_683 = tpu.memref_slice %arg7[%dma_start3A_676] : memref<2x!tpu.dma_semaphore, #tpu.memory_space<semaphore_mem>> -> memref<1x!tpu.dma_semaphore, #tpu.memory_space<semaphore_mem>>
      %dma_start3A_684 = tpu.memref_squeeze %dma_start3A_683 : memref<1x!tpu.dma_semaphore, #tpu.memory_space<semaphore_mem>> -> memref<!tpu.dma_semaphore, #tpu.memory_space<semaphore_mem>>
      %dma_start3A_685 = arith.constant 33 : i32
      %dma_start3A_686 = arith.constant 0 : i32
      %dma_start3A_687 = tpu.memref_slice %arg6[%dma_start3A_675, %scan3A_55, %dma_start3A_685, %dma_start3A_686] : memref<2x8x50x64xf32, #tpu.memory_space<vmem>> -> memref<1x1x1x64xf32, #tpu.memory_space<vmem>>
      %dma_start3A_688 = tpu.memref_squeeze %dma_start3A_687 : memref<1x1x1x64xf32, #tpu.memory_space<vmem>> -> memref<1x64xf32, #tpu.memory_space<vmem>>
      %dma_start3A_689 = arith.constant 0 : i32
      %dma_start3A_690 = tpu.memref_slice %arg2[%squeeze3A_674, %dma_start3A_689] : memref<1000000x64xf32, #tpu.memory_space<hbm>> -> memref<1x64xf32, #tpu.memory_space<hbm>>
      tpu.enqueue_dma source(%dma_start3A_690 : memref<1x64xf32, #tpu.memory_space<hbm>>) target(%dma_start3A_688 : memref<1x64xf32, #tpu.memory_space<vmem>>) target_semaphore(%dma_start3A_684 : memref<!tpu.dma_semaphore, #tpu.memory_space<semaphore_mem>>)
      %slice3A_691 = vector.extract_strided_slice %get3A_654 {offsets = [2], sizes = [1], strides = [1]} : vector<16xi32> to vector<1xi32>
      %squeeze3A_692 = vector.extract %slice3A_691[0] : i32 from vector<1xi32>
      %dma_start3A_693 = arith.constant 0 : i32
      %dma_start3A_694 = arith.constant 0 : i32
      %dma_start3A_695 = arith.constant 34 : i32
      %dma_start3A_696 = arith.constant 0 : i32
      %dma_start3A_697 = tpu.memref_slice %arg6[%dma_start3A_693, %scan3A_55, %dma_start3A_695, %dma_start3A_696] : memref<2x8x50x64xf32, #tpu.memory_space<vmem>> -> memref<1x1x1x64xf32, #tpu.memory_space<vmem>>
      %dma_start3A_698 = tpu.memref_squeeze %dma_start3A_697 : memref<1x1x1x64xf32, #tpu.memory_space<vmem>> -> memref<1x64xf32, #tpu.memory_space<vmem>>
      %dma_start3A_699 = arith.constant 0 : i32
      %dma_start3A_700 = tpu.memref_slice %arg2[%squeeze3A_692, %dma_start3A_699] : memref<1000000x64xf32, #tpu.memory_space<hbm>> -> memref<1x64xf32, #tpu.memory_space<hbm>>
      %dma_start3A_701 = tpu.memref_slice %arg7[%dma_start3A_694] : memref<2x!tpu.dma_semaphore, #tpu.memory_space<semaphore_mem>> -> memref<1x!tpu.dma_semaphore, #tpu.memory_space<semaphore_mem>>
      %dma_start3A_702 = tpu.memref_squeeze %dma_start3A_701 : memref<1x!tpu.dma_semaphore, #tpu.memory_space<semaphore_mem>> -> memref<!tpu.dma_semaphore, #tpu.memory_space<semaphore_mem>>
      %dma_start3A_703 = arith.constant 34 : i32
      %dma_start3A_704 = arith.constant 0 : i32
      %dma_start3A_705 = tpu.memref_slice %arg6[%dma_start3A_693, %scan3A_55, %dma_start3A_703, %dma_start3A_704] : memref<2x8x50x64xf32, #tpu.memory_space<vmem>> -> memref<1x1x1x64xf32, #tpu.memory_space<vmem>>
      %dma_start3A_706 = tpu.memref_squeeze %dma_start3A_705 : memref<1x1x1x64xf32, #tpu.memory_space<vmem>> -> memref<1x64xf32, #tpu.memory_space<vmem>>
      %dma_start3A_707 = arith.constant 0 : i32
      %dma_start3A_708 = tpu.memref_slice %arg2[%squeeze3A_692, %dma_start3A_707] : memref<1000000x64xf32, #tpu.memory_space<hbm>> -> memref<1x64xf32, #tpu.memory_space<hbm>>
      tpu.enqueue_dma source(%dma_start3A_708 : memref<1x64xf32, #tpu.memory_space<hbm>>) target(%dma_start3A_706 : memref<1x64xf32, #tpu.memory_space<vmem>>) target_semaphore(%dma_start3A_702 : memref<!tpu.dma_semaphore, #tpu.memory_space<semaphore_mem>>)
      %slice3A_709 = vector.extract_strided_slice %get3A_654 {offsets = [3], sizes = [1], strides = [1]} : vector<16xi32> to vector<1xi32>
      %squeeze3A_710 = vector.extract %slice3A_709[0] : i32 from vector<1xi32>
      %dma_start3A_711 = arith.constant 0 : i32
      %dma_start3A_712 = arith.constant 0 : i32
      %dma_start3A_713 = arith.constant 35 : i32
      %dma_start3A_714 = arith.constant 0 : i32
      %dma_start3A_715 = tpu.memref_slice %arg6[%dma_start3A_711, %scan3A_55, %dma_start3A_713, %dma_start3A_714] : memref<2x8x50x64xf32, #tpu.memory_space<vmem>> -> memref<1x1x1x64xf32, #tpu.memory_space<vmem>>
      %dma_start3A_716 = tpu.memref_squeeze %dma_start3A_715 : memref<1x1x1x64xf32, #tpu.memory_space<vmem>> -> memref<1x64xf32, #tpu.memory_space<vmem>>
      %dma_start3A_717 = arith.constant 0 : i32
      %dma_start3A_718 = tpu.memref_slice %arg2[%squeeze3A_710, %dma_start3A_717] : memref<1000000x64xf32, #tpu.memory_space<hbm>> -> memref<1x64xf32, #tpu.memory_space<hbm>>
      %dma_start3A_719 = tpu.memref_slice %arg7[%dma_start3A_712] : memref<2x!tpu.dma_semaphore, #tpu.memory_space<semaphore_mem>> -> memref<1x!tpu.dma_semaphore, #tpu.memory_space<semaphore_mem>>
      %dma_start3A_720 = tpu.memref_squeeze %dma_start3A_719 : memref<1x!tpu.dma_semaphore, #tpu.memory_space<semaphore_mem>> -> memref<!tpu.dma_semaphore, #tpu.memory_space<semaphore_mem>>
      %dma_start3A_721 = arith.constant 35 : i32
      %dma_start3A_722 = arith.constant 0 : i32
      %dma_start3A_723 = tpu.memref_slice %arg6[%dma_start3A_711, %scan3A_55, %dma_start3A_721, %dma_start3A_722] : memref<2x8x50x64xf32, #tpu.memory_space<vmem>> -> memref<1x1x1x64xf32, #tpu.memory_space<vmem>>
      %dma_start3A_724 = tpu.memref_squeeze %dma_start3A_723 : memref<1x1x1x64xf32, #tpu.memory_space<vmem>> -> memref<1x64xf32, #tpu.memory_space<vmem>>
      %dma_start3A_725 = arith.constant 0 : i32
      %dma_start3A_726 = tpu.memref_slice %arg2[%squeeze3A_710, %dma_start3A_725] : memref<1000000x64xf32, #tpu.memory_space<hbm>> -> memref<1x64xf32, #tpu.memory_space<hbm>>
      tpu.enqueue_dma source(%dma_start3A_726 : memref<1x64xf32, #tpu.memory_space<hbm>>) target(%dma_start3A_724 : memref<1x64xf32, #tpu.memory_space<vmem>>) target_semaphore(%dma_start3A_720 : memref<!tpu.dma_semaphore, #tpu.memory_space<semaphore_mem>>)
      %slice3A_727 = vector.extract_strided_slice %get3A_654 {offsets = [4], sizes = [1], strides = [1]} : vector<16xi32> to vector<1xi32>
      %squeeze3A_728 = vector.extract %slice3A_727[0] : i32 from vector<1xi32>
      %dma_start3A_729 = arith.constant 0 : i32
      %dma_start3A_730 = arith.constant 0 : i32
      %dma_start3A_731 = arith.constant 36 : i32
      %dma_start3A_732 = arith.constant 0 : i32
      %dma_start3A_733 = tpu.memref_slice %arg6[%dma_start3A_729, %scan3A_55, %dma_start3A_731, %dma_start3A_732] : memref<2x8x50x64xf32, #tpu.memory_space<vmem>> -> memref<1x1x1x64xf32, #tpu.memory_space<vmem>>
      %dma_start3A_734 = tpu.memref_squeeze %dma_start3A_733 : memref<1x1x1x64xf32, #tpu.memory_space<vmem>> -> memref<1x64xf32, #tpu.memory_space<vmem>>
      %dma_start3A_735 = arith.constant 0 : i32
      %dma_start3A_736 = tpu.memref_slice %arg2[%squeeze3A_728, %dma_start3A_735] : memref<1000000x64xf32, #tpu.memory_space<hbm>> -> memref<1x64xf32, #tpu.memory_space<hbm>>
      %dma_start3A_737 = tpu.memref_slice %arg7[%dma_start3A_730] : memref<2x!tpu.dma_semaphore, #tpu.memory_space<semaphore_mem>> -> memref<1x!tpu.dma_semaphore, #tpu.memory_space<semaphore_mem>>
      %dma_start3A_738 = tpu.memref_squeeze %dma_start3A_737 : memref<1x!tpu.dma_semaphore, #tpu.memory_space<semaphore_mem>> -> memref<!tpu.dma_semaphore, #tpu.memory_space<semaphore_mem>>
      %dma_start3A_739 = arith.constant 36 : i32
      %dma_start3A_740 = arith.constant 0 : i32
      %dma_start3A_741 = tpu.memref_slice %arg6[%dma_start3A_729, %scan3A_55, %dma_start3A_739, %dma_start3A_740] : memref<2x8x50x64xf32, #tpu.memory_space<vmem>> -> memref<1x1x1x64xf32, #tpu.memory_space<vmem>>
      %dma_start3A_742 = tpu.memref_squeeze %dma_start3A_741 : memref<1x1x1x64xf32, #tpu.memory_space<vmem>> -> memref<1x64xf32, #tpu.memory_space<vmem>>
      %dma_start3A_743 = arith.constant 0 : i32
      %dma_start3A_744 = tpu.memref_slice %arg2[%squeeze3A_728, %dma_start3A_743] : memref<1000000x64xf32, #tpu.memory_space<hbm>> -> memref<1x64xf32, #tpu.memory_space<hbm>>
      tpu.enqueue_dma source(%dma_start3A_744 : memref<1x64xf32, #tpu.memory_space<hbm>>) target(%dma_start3A_742 : memref<1x64xf32, #tpu.memory_space<vmem>>) target_semaphore(%dma_start3A_738 : memref<!tpu.dma_semaphore, #tpu.memory_space<semaphore_mem>>)
      %slice3A_745 = vector.extract_strided_slice %get3A_654 {offsets = [5], sizes = [1], strides = [1]} : vector<16xi32> to vector<1xi32>
      %squeeze3A_746 = vector.extract %slice3A_745[0] : i32 from vector<1xi32>
      %dma_start3A_747 = arith.constant 0 : i32
      %dma_start3A_748 = arith.constant 0 : i32
      %dma_start3A_749 = arith.constant 37 : i32
      %dma_start3A_750 = arith.constant 0 : i32
      %dma_start3A_751 = tpu.memref_slice %arg6[%dma_start3A_747, %scan3A_55, %dma_start3A_749, %dma_start3A_750] : memref<2x8x50x64xf32, #tpu.memory_space<vmem>> -> memref<1x1x1x64xf32, #tpu.memory_space<vmem>>
      %dma_start3A_752 = tpu.memref_squeeze %dma_start3A_751 : memref<1x1x1x64xf32, #tpu.memory_space<vmem>> -> memref<1x64xf32, #tpu.memory_space<vmem>>
      %dma_start3A_753 = arith.constant 0 : i32
      %dma_start3A_754 = tpu.memref_slice %arg2[%squeeze3A_746, %dma_start3A_753] : memref<1000000x64xf32, #tpu.memory_space<hbm>> -> memref<1x64xf32, #tpu.memory_space<hbm>>
      %dma_start3A_755 = tpu.memref_slice %arg7[%dma_start3A_748] : memref<2x!tpu.dma_semaphore, #tpu.memory_space<semaphore_mem>> -> memref<1x!tpu.dma_semaphore, #tpu.memory_space<semaphore_mem>>
      %dma_start3A_756 = tpu.memref_squeeze %dma_start3A_755 : memref<1x!tpu.dma_semaphore, #tpu.memory_space<semaphore_mem>> -> memref<!tpu.dma_semaphore, #tpu.memory_space<semaphore_mem>>
      %dma_start3A_757 = arith.constant 37 : i32
      %dma_start3A_758 = arith.constant 0 : i32
      %dma_start3A_759 = tpu.memref_slice %arg6[%dma_start3A_747, %scan3A_55, %dma_start3A_757, %dma_start3A_758] : memref<2x8x50x64xf32, #tpu.memory_space<vmem>> -> memref<1x1x1x64xf32, #tpu.memory_space<vmem>>
      %dma_start3A_760 = tpu.memref_squeeze %dma_start3A_759 : memref<1x1x1x64xf32, #tpu.memory_space<vmem>> -> memref<1x64xf32, #tpu.memory_space<vmem>>
      %dma_start3A_761 = arith.constant 0 : i32
      %dma_start3A_762 = tpu.memref_slice %arg2[%squeeze3A_746, %dma_start3A_761] : memref<1000000x64xf32, #tpu.memory_space<hbm>> -> memref<1x64xf32, #tpu.memory_space<hbm>>
      tpu.enqueue_dma source(%dma_start3A_762 : memref<1x64xf32, #tpu.memory_space<hbm>>) target(%dma_start3A_760 : memref<1x64xf32, #tpu.memory_space<vmem>>) target_semaphore(%dma_start3A_756 : memref<!tpu.dma_semaphore, #tpu.memory_space<semaphore_mem>>)
      %slice3A_763 = vector.extract_strided_slice %get3A_654 {offsets = [6], sizes = [1], strides = [1]} : vector<16xi32> to vector<1xi32>
      %squeeze3A_764 = vector.extract %slice3A_763[0] : i32 from vector<1xi32>
      %dma_start3A_765 = arith.constant 0 : i32
      %dma_start3A_766 = arith.constant 0 : i32
      %dma_start3A_767 = arith.constant 38 : i32
      %dma_start3A_768 = arith.constant 0 : i32
      %dma_start3A_769 = tpu.memref_slice %arg6[%dma_start3A_765, %scan3A_55, %dma_start3A_767, %dma_start3A_768] : memref<2x8x50x64xf32, #tpu.memory_space<vmem>> -> memref<1x1x1x64xf32, #tpu.memory_space<vmem>>
      %dma_start3A_770 = tpu.memref_squeeze %dma_start3A_769 : memref<1x1x1x64xf32, #tpu.memory_space<vmem>> -> memref<1x64xf32, #tpu.memory_space<vmem>>
      %dma_start3A_771 = arith.constant 0 : i32
      %dma_start3A_772 = tpu.memref_slice %arg2[%squeeze3A_764, %dma_start3A_771] : memref<1000000x64xf32, #tpu.memory_space<hbm>> -> memref<1x64xf32, #tpu.memory_space<hbm>>
      %dma_start3A_773 = tpu.memref_slice %arg7[%dma_start3A_766] : memref<2x!tpu.dma_semaphore, #tpu.memory_space<semaphore_mem>> -> memref<1x!tpu.dma_semaphore, #tpu.memory_space<semaphore_mem>>
      %dma_start3A_774 = tpu.memref_squeeze %dma_start3A_773 : memref<1x!tpu.dma_semaphore, #tpu.memory_space<semaphore_mem>> -> memref<!tpu.dma_semaphore, #tpu.memory_space<semaphore_mem>>
      %dma_start3A_775 = arith.constant 38 : i32
      %dma_start3A_776 = arith.constant 0 : i32
      %dma_start3A_777 = tpu.memref_slice %arg6[%dma_start3A_765, %scan3A_55, %dma_start3A_775, %dma_start3A_776] : memref<2x8x50x64xf32, #tpu.memory_space<vmem>> -> memref<1x1x1x64xf32, #tpu.memory_space<vmem>>
      %dma_start3A_778 = tpu.memref_squeeze %dma_start3A_777 : memref<1x1x1x64xf32, #tpu.memory_space<vmem>> -> memref<1x64xf32, #tpu.memory_space<vmem>>
      %dma_start3A_779 = arith.constant 0 : i32
      %dma_start3A_780 = tpu.memref_slice %arg2[%squeeze3A_764, %dma_start3A_779] : memref<1000000x64xf32, #tpu.memory_space<hbm>> -> memref<1x64xf32, #tpu.memory_space<hbm>>
      tpu.enqueue_dma source(%dma_start3A_780 : memref<1x64xf32, #tpu.memory_space<hbm>>) target(%dma_start3A_778 : memref<1x64xf32, #tpu.memory_space<vmem>>) target_semaphore(%dma_start3A_774 : memref<!tpu.dma_semaphore, #tpu.memory_space<semaphore_mem>>)
      %slice3A_781 = vector.extract_strided_slice %get3A_654 {offsets = [7], sizes = [1], strides = [1]} : vector<16xi32> to vector<1xi32>
      %squeeze3A_782 = vector.extract %slice3A_781[0] : i32 from vector<1xi32>
      %dma_start3A_783 = arith.constant 0 : i32
      %dma_start3A_784 = arith.constant 0 : i32
      %dma_start3A_785 = arith.constant 39 : i32
      %dma_start3A_786 = arith.constant 0 : i32
      %dma_start3A_787 = tpu.memref_slice %arg6[%dma_start3A_783, %scan3A_55, %dma_start3A_785, %dma_start3A_786] : memref<2x8x50x64xf32, #tpu.memory_space<vmem>> -> memref<1x1x1x64xf32, #tpu.memory_space<vmem>>
      %dma_start3A_788 = tpu.memref_squeeze %dma_start3A_787 : memref<1x1x1x64xf32, #tpu.memory_space<vmem>> -> memref<1x64xf32, #tpu.memory_space<vmem>>
      %dma_start3A_789 = arith.constant 0 : i32
      %dma_start3A_790 = tpu.memref_slice %arg2[%squeeze3A_782, %dma_start3A_789] : memref<1000000x64xf32, #tpu.memory_space<hbm>> -> memref<1x64xf32, #tpu.memory_space<hbm>>
      %dma_start3A_791 = tpu.memref_slice %arg7[%dma_start3A_784] : memref<2x!tpu.dma_semaphore, #tpu.memory_space<semaphore_mem>> -> memref<1x!tpu.dma_semaphore, #tpu.memory_space<semaphore_mem>>
      %dma_start3A_792 = tpu.memref_squeeze %dma_start3A_791 : memref<1x!tpu.dma_semaphore, #tpu.memory_space<semaphore_mem>> -> memref<!tpu.dma_semaphore, #tpu.memory_space<semaphore_mem>>
      %dma_start3A_793 = arith.constant 39 : i32
      %dma_start3A_794 = arith.constant 0 : i32
      %dma_start3A_795 = tpu.memref_slice %arg6[%dma_start3A_783, %scan3A_55, %dma_start3A_793, %dma_start3A_794] : memref<2x8x50x64xf32, #tpu.memory_space<vmem>> -> memref<1x1x1x64xf32, #tpu.memory_space<vmem>>
      %dma_start3A_796 = tpu.memref_squeeze %dma_start3A_795 : memref<1x1x1x64xf32, #tpu.memory_space<vmem>> -> memref<1x64xf32, #tpu.memory_space<vmem>>
      %dma_start3A_797 = arith.constant 0 : i32
      %dma_start3A_798 = tpu.memref_slice %arg2[%squeeze3A_782, %dma_start3A_797] : memref<1000000x64xf32, #tpu.memory_space<hbm>> -> memref<1x64xf32, #tpu.memory_space<hbm>>
      tpu.enqueue_dma source(%dma_start3A_798 : memref<1x64xf32, #tpu.memory_space<hbm>>) target(%dma_start3A_796 : memref<1x64xf32, #tpu.memory_space<vmem>>) target_semaphore(%dma_start3A_792 : memref<!tpu.dma_semaphore, #tpu.memory_space<semaphore_mem>>)
      %slice3A_799 = vector.extract_strided_slice %get3A_654 {offsets = [8], sizes = [1], strides = [1]} : vector<16xi32> to vector<1xi32>
      %squeeze3A_800 = vector.extract %slice3A_799[0] : i32 from vector<1xi32>
      %dma_start3A_801 = arith.constant 0 : i32
      %dma_start3A_802 = arith.constant 0 : i32
      %dma_start3A_803 = arith.constant 40 : i32
      %dma_start3A_804 = arith.constant 0 : i32
      %dma_start3A_805 = tpu.memref_slice %arg6[%dma_start3A_801, %scan3A_55, %dma_start3A_803, %dma_start3A_804] : memref<2x8x50x64xf32, #tpu.memory_space<vmem>> -> memref<1x1x1x64xf32, #tpu.memory_space<vmem>>
      %dma_start3A_806 = tpu.memref_squeeze %dma_start3A_805 : memref<1x1x1x64xf32, #tpu.memory_space<vmem>> -> memref<1x64xf32, #tpu.memory_space<vmem>>
      %dma_start3A_807 = arith.constant 0 : i32
      %dma_start3A_808 = tpu.memref_slice %arg2[%squeeze3A_800, %dma_start3A_807] : memref<1000000x64xf32, #tpu.memory_space<hbm>> -> memref<1x64xf32, #tpu.memory_space<hbm>>
      %dma_start3A_809 = tpu.memref_slice %arg7[%dma_start3A_802] : memref<2x!tpu.dma_semaphore, #tpu.memory_space<semaphore_mem>> -> memref<1x!tpu.dma_semaphore, #tpu.memory_space<semaphore_mem>>
      %dma_start3A_810 = tpu.memref_squeeze %dma_start3A_809 : memref<1x!tpu.dma_semaphore, #tpu.memory_space<semaphore_mem>> -> memref<!tpu.dma_semaphore, #tpu.memory_space<semaphore_mem>>
      %dma_start3A_811 = arith.constant 40 : i32
      %dma_start3A_812 = arith.constant 0 : i32
      %dma_start3A_813 = tpu.memref_slice %arg6[%dma_start3A_801, %scan3A_55, %dma_start3A_811, %dma_start3A_812] : memref<2x8x50x64xf32, #tpu.memory_space<vmem>> -> memref<1x1x1x64xf32, #tpu.memory_space<vmem>>
      %dma_start3A_814 = tpu.memref_squeeze %dma_start3A_813 : memref<1x1x1x64xf32, #tpu.memory_space<vmem>> -> memref<1x64xf32, #tpu.memory_space<vmem>>
      %dma_start3A_815 = arith.constant 0 : i32
      %dma_start3A_816 = tpu.memref_slice %arg2[%squeeze3A_800, %dma_start3A_815] : memref<1000000x64xf32, #tpu.memory_space<hbm>> -> memref<1x64xf32, #tpu.memory_space<hbm>>
      tpu.enqueue_dma source(%dma_start3A_816 : memref<1x64xf32, #tpu.memory_space<hbm>>) target(%dma_start3A_814 : memref<1x64xf32, #tpu.memory_space<vmem>>) target_semaphore(%dma_start3A_810 : memref<!tpu.dma_semaphore, #tpu.memory_space<semaphore_mem>>)
      %slice3A_817 = vector.extract_strided_slice %get3A_654 {offsets = [9], sizes = [1], strides = [1]} : vector<16xi32> to vector<1xi32>
      %squeeze3A_818 = vector.extract %slice3A_817[0] : i32 from vector<1xi32>
      %dma_start3A_819 = arith.constant 0 : i32
      %dma_start3A_820 = arith.constant 0 : i32
      %dma_start3A_821 = arith.constant 41 : i32
      %dma_start3A_822 = arith.constant 0 : i32
      %dma_start3A_823 = tpu.memref_slice %arg6[%dma_start3A_819, %scan3A_55, %dma_start3A_821, %dma_start3A_822] : memref<2x8x50x64xf32, #tpu.memory_space<vmem>> -> memref<1x1x1x64xf32, #tpu.memory_space<vmem>>
      %dma_start3A_824 = tpu.memref_squeeze %dma_start3A_823 : memref<1x1x1x64xf32, #tpu.memory_space<vmem>> -> memref<1x64xf32, #tpu.memory_space<vmem>>
      %dma_start3A_825 = arith.constant 0 : i32
      %dma_start3A_826 = tpu.memref_slice %arg2[%squeeze3A_818, %dma_start3A_825] : memref<1000000x64xf32, #tpu.memory_space<hbm>> -> memref<1x64xf32, #tpu.memory_space<hbm>>
      %dma_start3A_827 = tpu.memref_slice %arg7[%dma_start3A_820] : memref<2x!tpu.dma_semaphore, #tpu.memory_space<semaphore_mem>> -> memref<1x!tpu.dma_semaphore, #tpu.memory_space<semaphore_mem>>
      %dma_start3A_828 = tpu.memref_squeeze %dma_start3A_827 : memref<1x!tpu.dma_semaphore, #tpu.memory_space<semaphore_mem>> -> memref<!tpu.dma_semaphore, #tpu.memory_space<semaphore_mem>>
      %dma_start3A_829 = arith.constant 41 : i32
      %dma_start3A_830 = arith.constant 0 : i32
      %dma_start3A_831 = tpu.memref_slice %arg6[%dma_start3A_819, %scan3A_55, %dma_start3A_829, %dma_start3A_830] : memref<2x8x50x64xf32, #tpu.memory_space<vmem>> -> memref<1x1x1x64xf32, #tpu.memory_space<vmem>>
      %dma_start3A_832 = tpu.memref_squeeze %dma_start3A_831 : memref<1x1x1x64xf32, #tpu.memory_space<vmem>> -> memref<1x64xf32, #tpu.memory_space<vmem>>
      %dma_start3A_833 = arith.constant 0 : i32
      %dma_start3A_834 = tpu.memref_slice %arg2[%squeeze3A_818, %dma_start3A_833] : memref<1000000x64xf32, #tpu.memory_space<hbm>> -> memref<1x64xf32, #tpu.memory_space<hbm>>
      tpu.enqueue_dma source(%dma_start3A_834 : memref<1x64xf32, #tpu.memory_space<hbm>>) target(%dma_start3A_832 : memref<1x64xf32, #tpu.memory_space<vmem>>) target_semaphore(%dma_start3A_828 : memref<!tpu.dma_semaphore, #tpu.memory_space<semaphore_mem>>)
      %slice3A_835 = vector.extract_strided_slice %get3A_654 {offsets = [10], sizes = [1], strides = [1]} : vector<16xi32> to vector<1xi32>
      %squeeze3A_836 = vector.extract %slice3A_835[0] : i32 from vector<1xi32>
      %dma_start3A_837 = arith.constant 0 : i32
      %dma_start3A_838 = arith.constant 0 : i32
      %dma_start3A_839 = arith.constant 42 : i32
      %dma_start3A_840 = arith.constant 0 : i32
      %dma_start3A_841 = tpu.memref_slice %arg6[%dma_start3A_837, %scan3A_55, %dma_start3A_839, %dma_start3A_840] : memref<2x8x50x64xf32, #tpu.memory_space<vmem>> -> memref<1x1x1x64xf32, #tpu.memory_space<vmem>>
      %dma_start3A_842 = tpu.memref_squeeze %dma_start3A_841 : memref<1x1x1x64xf32, #tpu.memory_space<vmem>> -> memref<1x64xf32, #tpu.memory_space<vmem>>
      %dma_start3A_843 = arith.constant 0 : i32
      %dma_start3A_844 = tpu.memref_slice %arg2[%squeeze3A_836, %dma_start3A_843] : memref<1000000x64xf32, #tpu.memory_space<hbm>> -> memref<1x64xf32, #tpu.memory_space<hbm>>
      %dma_start3A_845 = tpu.memref_slice %arg7[%dma_start3A_838] : memref<2x!tpu.dma_semaphore, #tpu.memory_space<semaphore_mem>> -> memref<1x!tpu.dma_semaphore, #tpu.memory_space<semaphore_mem>>
      %dma_start3A_846 = tpu.memref_squeeze %dma_start3A_845 : memref<1x!tpu.dma_semaphore, #tpu.memory_space<semaphore_mem>> -> memref<!tpu.dma_semaphore, #tpu.memory_space<semaphore_mem>>
      %dma_start3A_847 = arith.constant 42 : i32
      %dma_start3A_848 = arith.constant 0 : i32
      %dma_start3A_849 = tpu.memref_slice %arg6[%dma_start3A_837, %scan3A_55, %dma_start3A_847, %dma_start3A_848] : memref<2x8x50x64xf32, #tpu.memory_space<vmem>> -> memref<1x1x1x64xf32, #tpu.memory_space<vmem>>
      %dma_start3A_850 = tpu.memref_squeeze %dma_start3A_849 : memref<1x1x1x64xf32, #tpu.memory_space<vmem>> -> memref<1x64xf32, #tpu.memory_space<vmem>>
      %dma_start3A_851 = arith.constant 0 : i32
      %dma_start3A_852 = tpu.memref_slice %arg2[%squeeze3A_836, %dma_start3A_851] : memref<1000000x64xf32, #tpu.memory_space<hbm>> -> memref<1x64xf32, #tpu.memory_space<hbm>>
      tpu.enqueue_dma source(%dma_start3A_852 : memref<1x64xf32, #tpu.memory_space<hbm>>) target(%dma_start3A_850 : memref<1x64xf32, #tpu.memory_space<vmem>>) target_semaphore(%dma_start3A_846 : memref<!tpu.dma_semaphore, #tpu.memory_space<semaphore_mem>>)
      %slice3A_853 = vector.extract_strided_slice %get3A_654 {offsets = [11], sizes = [1], strides = [1]} : vector<16xi32> to vector<1xi32>
      %squeeze3A_854 = vector.extract %slice3A_853[0] : i32 from vector<1xi32>
      %dma_start3A_855 = arith.constant 0 : i32
      %dma_start3A_856 = arith.constant 0 : i32
      %dma_start3A_857 = arith.constant 43 : i32
      %dma_start3A_858 = arith.constant 0 : i32
      %dma_start3A_859 = tpu.memref_slice %arg6[%dma_start3A_855, %scan3A_55, %dma_start3A_857, %dma_start3A_858] : memref<2x8x50x64xf32, #tpu.memory_space<vmem>> -> memref<1x1x1x64xf32, #tpu.memory_space<vmem>>
      %dma_start3A_860 = tpu.memref_squeeze %dma_start3A_859 : memref<1x1x1x64xf32, #tpu.memory_space<vmem>> -> memref<1x64xf32, #tpu.memory_space<vmem>>
      %dma_start3A_861 = arith.constant 0 : i32
      %dma_start3A_862 = tpu.memref_slice %arg2[%squeeze3A_854, %dma_start3A_861] : memref<1000000x64xf32, #tpu.memory_space<hbm>> -> memref<1x64xf32, #tpu.memory_space<hbm>>
      %dma_start3A_863 = tpu.memref_slice %arg7[%dma_start3A_856] : memref<2x!tpu.dma_semaphore, #tpu.memory_space<semaphore_mem>> -> memref<1x!tpu.dma_semaphore, #tpu.memory_space<semaphore_mem>>
      %dma_start3A_864 = tpu.memref_squeeze %dma_start3A_863 : memref<1x!tpu.dma_semaphore, #tpu.memory_space<semaphore_mem>> -> memref<!tpu.dma_semaphore, #tpu.memory_space<semaphore_mem>>
      %dma_start3A_865 = arith.constant 43 : i32
      %dma_start3A_866 = arith.constant 0 : i32
      %dma_start3A_867 = tpu.memref_slice %arg6[%dma_start3A_855, %scan3A_55, %dma_start3A_865, %dma_start3A_866] : memref<2x8x50x64xf32, #tpu.memory_space<vmem>> -> memref<1x1x1x64xf32, #tpu.memory_space<vmem>>
      %dma_start3A_868 = tpu.memref_squeeze %dma_start3A_867 : memref<1x1x1x64xf32, #tpu.memory_space<vmem>> -> memref<1x64xf32, #tpu.memory_space<vmem>>
      %dma_start3A_869 = arith.constant 0 : i32
      %dma_start3A_870 = tpu.memref_slice %arg2[%squeeze3A_854, %dma_start3A_869] : memref<1000000x64xf32, #tpu.memory_space<hbm>> -> memref<1x64xf32, #tpu.memory_space<hbm>>
      tpu.enqueue_dma source(%dma_start3A_870 : memref<1x64xf32, #tpu.memory_space<hbm>>) target(%dma_start3A_868 : memref<1x64xf32, #tpu.memory_space<vmem>>) target_semaphore(%dma_start3A_864 : memref<!tpu.dma_semaphore, #tpu.memory_space<semaphore_mem>>)
      %slice3A_871 = vector.extract_strided_slice %get3A_654 {offsets = [12], sizes = [1], strides = [1]} : vector<16xi32> to vector<1xi32>
      %squeeze3A_872 = vector.extract %slice3A_871[0] : i32 from vector<1xi32>
      %dma_start3A_873 = arith.constant 0 : i32
      %dma_start3A_874 = arith.constant 0 : i32
      %dma_start3A_875 = arith.constant 44 : i32
      %dma_start3A_876 = arith.constant 0 : i32
      %dma_start3A_877 = tpu.memref_slice %arg6[%dma_start3A_873, %scan3A_55, %dma_start3A_875, %dma_start3A_876] : memref<2x8x50x64xf32, #tpu.memory_space<vmem>> -> memref<1x1x1x64xf32, #tpu.memory_space<vmem>>
      %dma_start3A_878 = tpu.memref_squeeze %dma_start3A_877 : memref<1x1x1x64xf32, #tpu.memory_space<vmem>> -> memref<1x64xf32, #tpu.memory_space<vmem>>
      %dma_start3A_879 = arith.constant 0 : i32
      %dma_start3A_880 = tpu.memref_slice %arg2[%squeeze3A_872, %dma_start3A_879] : memref<1000000x64xf32, #tpu.memory_space<hbm>> -> memref<1x64xf32, #tpu.memory_space<hbm>>
      %dma_start3A_881 = tpu.memref_slice %arg7[%dma_start3A_874] : memref<2x!tpu.dma_semaphore, #tpu.memory_space<semaphore_mem>> -> memref<1x!tpu.dma_semaphore, #tpu.memory_space<semaphore_mem>>
      %dma_start3A_882 = tpu.memref_squeeze %dma_start3A_881 : memref<1x!tpu.dma_semaphore, #tpu.memory_space<semaphore_mem>> -> memref<!tpu.dma_semaphore, #tpu.memory_space<semaphore_mem>>
      %dma_start3A_883 = arith.constant 44 : i32
      %dma_start3A_884 = arith.constant 0 : i32
      %dma_start3A_885 = tpu.memref_slice %arg6[%dma_start3A_873, %scan3A_55, %dma_start3A_883, %dma_start3A_884] : memref<2x8x50x64xf32, #tpu.memory_space<vmem>> -> memref<1x1x1x64xf32, #tpu.memory_space<vmem>>
      %dma_start3A_886 = tpu.memref_squeeze %dma_start3A_885 : memref<1x1x1x64xf32, #tpu.memory_space<vmem>> -> memref<1x64xf32, #tpu.memory_space<vmem>>
      %dma_start3A_887 = arith.constant 0 : i32
      %dma_start3A_888 = tpu.memref_slice %arg2[%squeeze3A_872, %dma_start3A_887] : memref<1000000x64xf32, #tpu.memory_space<hbm>> -> memref<1x64xf32, #tpu.memory_space<hbm>>
      tpu.enqueue_dma source(%dma_start3A_888 : memref<1x64xf32, #tpu.memory_space<hbm>>) target(%dma_start3A_886 : memref<1x64xf32, #tpu.memory_space<vmem>>) target_semaphore(%dma_start3A_882 : memref<!tpu.dma_semaphore, #tpu.memory_space<semaphore_mem>>)
      %slice3A_889 = vector.extract_strided_slice %get3A_654 {offsets = [13], sizes = [1], strides = [1]} : vector<16xi32> to vector<1xi32>
      %squeeze3A_890 = vector.extract %slice3A_889[0] : i32 from vector<1xi32>
      %dma_start3A_891 = arith.constant 0 : i32
      %dma_start3A_892 = arith.constant 0 : i32
      %dma_start3A_893 = arith.constant 45 : i32
      %dma_start3A_894 = arith.constant 0 : i32
      %dma_start3A_895 = tpu.memref_slice %arg6[%dma_start3A_891, %scan3A_55, %dma_start3A_893, %dma_start3A_894] : memref<2x8x50x64xf32, #tpu.memory_space<vmem>> -> memref<1x1x1x64xf32, #tpu.memory_space<vmem>>
      %dma_start3A_896 = tpu.memref_squeeze %dma_start3A_895 : memref<1x1x1x64xf32, #tpu.memory_space<vmem>> -> memref<1x64xf32, #tpu.memory_space<vmem>>
      %dma_start3A_897 = arith.constant 0 : i32
      %dma_start3A_898 = tpu.memref_slice %arg2[%squeeze3A_890, %dma_start3A_897] : memref<1000000x64xf32, #tpu.memory_space<hbm>> -> memref<1x64xf32, #tpu.memory_space<hbm>>
      %dma_start3A_899 = tpu.memref_slice %arg7[%dma_start3A_892] : memref<2x!tpu.dma_semaphore, #tpu.memory_space<semaphore_mem>> -> memref<1x!tpu.dma_semaphore, #tpu.memory_space<semaphore_mem>>
      %dma_start3A_900 = tpu.memref_squeeze %dma_start3A_899 : memref<1x!tpu.dma_semaphore, #tpu.memory_space<semaphore_mem>> -> memref<!tpu.dma_semaphore, #tpu.memory_space<semaphore_mem>>
      %dma_start3A_901 = arith.constant 45 : i32
      %dma_start3A_902 = arith.constant 0 : i32
      %dma_start3A_903 = tpu.memref_slice %arg6[%dma_start3A_891, %scan3A_55, %dma_start3A_901, %dma_start3A_902] : memref<2x8x50x64xf32, #tpu.memory_space<vmem>> -> memref<1x1x1x64xf32, #tpu.memory_space<vmem>>
      %dma_start3A_904 = tpu.memref_squeeze %dma_start3A_903 : memref<1x1x1x64xf32, #tpu.memory_space<vmem>> -> memref<1x64xf32, #tpu.memory_space<vmem>>
      %dma_start3A_905 = arith.constant 0 : i32
      %dma_start3A_906 = tpu.memref_slice %arg2[%squeeze3A_890, %dma_start3A_905] : memref<1000000x64xf32, #tpu.memory_space<hbm>> -> memref<1x64xf32, #tpu.memory_space<hbm>>
      tpu.enqueue_dma source(%dma_start3A_906 : memref<1x64xf32, #tpu.memory_space<hbm>>) target(%dma_start3A_904 : memref<1x64xf32, #tpu.memory_space<vmem>>) target_semaphore(%dma_start3A_900 : memref<!tpu.dma_semaphore, #tpu.memory_space<semaphore_mem>>)
      %slice3A_907 = vector.extract_strided_slice %get3A_654 {offsets = [14], sizes = [1], strides = [1]} : vector<16xi32> to vector<1xi32>
      %squeeze3A_908 = vector.extract %slice3A_907[0] : i32 from vector<1xi32>
      %dma_start3A_909 = arith.constant 0 : i32
      %dma_start3A_910 = arith.constant 0 : i32
      %dma_start3A_911 = arith.constant 46 : i32
      %dma_start3A_912 = arith.constant 0 : i32
      %dma_start3A_913 = tpu.memref_slice %arg6[%dma_start3A_909, %scan3A_55, %dma_start3A_911, %dma_start3A_912] : memref<2x8x50x64xf32, #tpu.memory_space<vmem>> -> memref<1x1x1x64xf32, #tpu.memory_space<vmem>>
      %dma_start3A_914 = tpu.memref_squeeze %dma_start3A_913 : memref<1x1x1x64xf32, #tpu.memory_space<vmem>> -> memref<1x64xf32, #tpu.memory_space<vmem>>
      %dma_start3A_915 = arith.constant 0 : i32
      %dma_start3A_916 = tpu.memref_slice %arg2[%squeeze3A_908, %dma_start3A_915] : memref<1000000x64xf32, #tpu.memory_space<hbm>> -> memref<1x64xf32, #tpu.memory_space<hbm>>
      %dma_start3A_917 = tpu.memref_slice %arg7[%dma_start3A_910] : memref<2x!tpu.dma_semaphore, #tpu.memory_space<semaphore_mem>> -> memref<1x!tpu.dma_semaphore, #tpu.memory_space<semaphore_mem>>
      %dma_start3A_918 = tpu.memref_squeeze %dma_start3A_917 : memref<1x!tpu.dma_semaphore, #tpu.memory_space<semaphore_mem>> -> memref<!tpu.dma_semaphore, #tpu.memory_space<semaphore_mem>>
      %dma_start3A_919 = arith.constant 46 : i32
      %dma_start3A_920 = arith.constant 0 : i32
      %dma_start3A_921 = tpu.memref_slice %arg6[%dma_start3A_909, %scan3A_55, %dma_start3A_919, %dma_start3A_920] : memref<2x8x50x64xf32, #tpu.memory_space<vmem>> -> memref<1x1x1x64xf32, #tpu.memory_space<vmem>>
      %dma_start3A_922 = tpu.memref_squeeze %dma_start3A_921 : memref<1x1x1x64xf32, #tpu.memory_space<vmem>> -> memref<1x64xf32, #tpu.memory_space<vmem>>
      %dma_start3A_923 = arith.constant 0 : i32
      %dma_start3A_924 = tpu.memref_slice %arg2[%squeeze3A_908, %dma_start3A_923] : memref<1000000x64xf32, #tpu.memory_space<hbm>> -> memref<1x64xf32, #tpu.memory_space<hbm>>
      tpu.enqueue_dma source(%dma_start3A_924 : memref<1x64xf32, #tpu.memory_space<hbm>>) target(%dma_start3A_922 : memref<1x64xf32, #tpu.memory_space<vmem>>) target_semaphore(%dma_start3A_918 : memref<!tpu.dma_semaphore, #tpu.memory_space<semaphore_mem>>)
      %slice3A_925 = vector.extract_strided_slice %get3A_654 {offsets = [15], sizes = [1], strides = [1]} : vector<16xi32> to vector<1xi32>
      %squeeze3A_926 = vector.extract %slice3A_925[0] : i32 from vector<1xi32>
      %dma_start3A_927 = arith.constant 0 : i32
      %dma_start3A_928 = arith.constant 0 : i32
      %dma_start3A_929 = arith.constant 47 : i32
      %dma_start3A_930 = arith.constant 0 : i32
      %dma_start3A_931 = tpu.memref_slice %arg6[%dma_start3A_927, %scan3A_55, %dma_start3A_929, %dma_start3A_930] : memref<2x8x50x64xf32, #tpu.memory_space<vmem>> -> memref<1x1x1x64xf32, #tpu.memory_space<vmem>>
      %dma_start3A_932 = tpu.memref_squeeze %dma_start3A_931 : memref<1x1x1x64xf32, #tpu.memory_space<vmem>> -> memref<1x64xf32, #tpu.memory_space<vmem>>
      %dma_start3A_933 = arith.constant 0 : i32
      %dma_start3A_934 = tpu.memref_slice %arg2[%squeeze3A_926, %dma_start3A_933] : memref<1000000x64xf32, #tpu.memory_space<hbm>> -> memref<1x64xf32, #tpu.memory_space<hbm>>
      %dma_start3A_935 = tpu.memref_slice %arg7[%dma_start3A_928] : memref<2x!tpu.dma_semaphore, #tpu.memory_space<semaphore_mem>> -> memref<1x!tpu.dma_semaphore, #tpu.memory_space<semaphore_mem>>
      %dma_start3A_936 = tpu.memref_squeeze %dma_start3A_935 : memref<1x!tpu.dma_semaphore, #tpu.memory_space<semaphore_mem>> -> memref<!tpu.dma_semaphore, #tpu.memory_space<semaphore_mem>>
      %dma_start3A_937 = arith.constant 47 : i32
      %dma_start3A_938 = arith.constant 0 : i32
      %dma_start3A_939 = tpu.memref_slice %arg6[%dma_start3A_927, %scan3A_55, %dma_start3A_937, %dma_start3A_938] : memref<2x8x50x64xf32, #tpu.memory_space<vmem>> -> memref<1x1x1x64xf32, #tpu.memory_space<vmem>>
      %dma_start3A_940 = tpu.memref_squeeze %dma_start3A_939 : memref<1x1x1x64xf32, #tpu.memory_space<vmem>> -> memref<1x64xf32, #tpu.memory_space<vmem>>
      %dma_start3A_941 = arith.constant 0 : i32
      %dma_start3A_942 = tpu.memref_slice %arg2[%squeeze3A_926, %dma_start3A_941] : memref<1000000x64xf32, #tpu.memory_space<hbm>> -> memref<1x64xf32, #tpu.memory_space<hbm>>
      tpu.enqueue_dma source(%dma_start3A_942 : memref<1x64xf32, #tpu.memory_space<hbm>>) target(%dma_start3A_940 : memref<1x64xf32, #tpu.memory_space<vmem>>) target_semaphore(%dma_start3A_936 : memref<!tpu.dma_semaphore, #tpu.memory_space<semaphore_mem>>)
      %add3A_943 = arith.constant 0 : i32
      %add3A_944 = arith.addi %add3A_943, %scan3A_55 : i32
      %mul3A_945 = arith.constant 64 : i32
      %mul3A_946 = arith.muli %add3A_944, %mul3A_945 : i32
      %add3A_947 = arith.constant 48 : i32
      %add3A_948 = arith.addi %mul3A_946, %add3A_947 : i32
      %get3A_949 = arith.index_cast %add3A_948 : i32 to index
      %get3A_950 = tpu.vector_load %arg5[%get3A_949] {strides = array<i32>} : memref<8192xi32, #tpu.memory_space<vmem>>, vector<16xi32>,
      %get3A_951 = vector.shape_cast %get3A_950 : vector<16xi32> to vector<16xi32>
      %slice3A_952 = vector.extract_strided_slice %get3A_951 {offsets = [0], sizes = [1], strides = [1]} : vector<16xi32> to vector<1xi32>
      %squeeze3A_953 = vector.extract %slice3A_952[0] : i32 from vector<1xi32>
      %dma_start3A_954 = arith.constant 0 : i32
      %dma_start3A_955 = arith.constant 0 : i32
      %dma_start3A_956 = arith.constant 48 : i32
      %dma_start3A_957 = arith.constant 0 : i32
      %dma_start3A_958 = tpu.memref_slice %arg6[%dma_start3A_954, %scan3A_55, %dma_start3A_956, %dma_start3A_957] : memref<2x8x50x64xf32, #tpu.memory_space<vmem>> -> memref<1x1x1x64xf32, #tpu.memory_space<vmem>>
      %dma_start3A_959 = tpu.memref_squeeze %dma_start3A_958 : memref<1x1x1x64xf32, #tpu.memory_space<vmem>> -> memref<1x64xf32, #tpu.memory_space<vmem>>
      %dma_start3A_960 = arith.constant 0 : i32
      %dma_start3A_961 = tpu.memref_slice %arg2[%squeeze3A_953, %dma_start3A_960] : memref<1000000x64xf32, #tpu.memory_space<hbm>> -> memref<1x64xf32, #tpu.memory_space<hbm>>
      %dma_start3A_962 = tpu.memref_slice %arg7[%dma_start3A_955] : memref<2x!tpu.dma_semaphore, #tpu.memory_space<semaphore_mem>> -> memref<1x!tpu.dma_semaphore, #tpu.memory_space<semaphore_mem>>
      %dma_start3A_963 = tpu.memref_squeeze %dma_start3A_962 : memref<1x!tpu.dma_semaphore, #tpu.memory_space<semaphore_mem>> -> memref<!tpu.dma_semaphore, #tpu.memory_space<semaphore_mem>>
      %dma_start3A_964 = arith.constant 48 : i32
      %dma_start3A_965 = arith.constant 0 : i32
      %dma_start3A_966 = tpu.memref_slice %arg6[%dma_start3A_954, %scan3A_55, %dma_start3A_964, %dma_start3A_965] : memref<2x8x50x64xf32, #tpu.memory_space<vmem>> -> memref<1x1x1x64xf32, #tpu.memory_space<vmem>>
      %dma_start3A_967 = tpu.memref_squeeze %dma_start3A_966 : memref<1x1x1x64xf32, #tpu.memory_space<vmem>> -> memref<1x64xf32, #tpu.memory_space<vmem>>
      %dma_start3A_968 = arith.constant 0 : i32
      %dma_start3A_969 = tpu.memref_slice %arg2[%squeeze3A_953, %dma_start3A_968] : memref<1000000x64xf32, #tpu.memory_space<hbm>> -> memref<1x64xf32, #tpu.memory_space<hbm>>
      tpu.enqueue_dma source(%dma_start3A_969 : memref<1x64xf32, #tpu.memory_space<hbm>>) target(%dma_start3A_967 : memref<1x64xf32, #tpu.memory_space<vmem>>) target_semaphore(%dma_start3A_963 : memref<!tpu.dma_semaphore, #tpu.memory_space<semaphore_mem>>)
      %slice3A_970 = vector.extract_strided_slice %get3A_951 {offsets = [1], sizes = [1], strides = [1]} : vector<16xi32> to vector<1xi32>
      %squeeze3A_971 = vector.extract %slice3A_970[0] : i32 from vector<1xi32>
      %dma_start3A_972 = arith.constant 0 : i32
      %dma_start3A_973 = arith.constant 0 : i32
      %dma_start3A_974 = arith.constant 49 : i32
      %dma_start3A_975 = arith.constant 0 : i32
      %dma_start3A_976 = tpu.memref_slice %arg6[%dma_start3A_972, %scan3A_55, %dma_start3A_974, %dma_start3A_975] : memref<2x8x50x64xf32, #tpu.memory_space<vmem>> -> memref<1x1x1x64xf32, #tpu.memory_space<vmem>>
      %dma_start3A_977 = tpu.memref_squeeze %dma_start3A_976 : memref<1x1x1x64xf32, #tpu.memory_space<vmem>> -> memref<1x64xf32, #tpu.memory_space<vmem>>
      %dma_start3A_978 = arith.constant 0 : i32
      %dma_start3A_979 = tpu.memref_slice %arg2[%squeeze3A_971, %dma_start3A_978] : memref<1000000x64xf32, #tpu.memory_space<hbm>> -> memref<1x64xf32, #tpu.memory_space<hbm>>
      %dma_start3A_980 = tpu.memref_slice %arg7[%dma_start3A_973] : memref<2x!tpu.dma_semaphore, #tpu.memory_space<semaphore_mem>> -> memref<1x!tpu.dma_semaphore, #tpu.memory_space<semaphore_mem>>
      %dma_start3A_981 = tpu.memref_squeeze %dma_start3A_980 : memref<1x!tpu.dma_semaphore, #tpu.memory_space<semaphore_mem>> -> memref<!tpu.dma_semaphore, #tpu.memory_space<semaphore_mem>>
      %dma_start3A_982 = arith.constant 49 : i32
      %dma_start3A_983 = arith.constant 0 : i32
      %dma_start3A_984 = tpu.memref_slice %arg6[%dma_start3A_972, %scan3A_55, %dma_start3A_982, %dma_start3A_983] : memref<2x8x50x64xf32, #tpu.memory_space<vmem>> -> memref<1x1x1x64xf32, #tpu.memory_space<vmem>>
      %dma_start3A_985 = tpu.memref_squeeze %dma_start3A_984 : memref<1x1x1x64xf32, #tpu.memory_space<vmem>> -> memref<1x64xf32, #tpu.memory_space<vmem>>
      %dma_start3A_986 = arith.constant 0 : i32
      %dma_start3A_987 = tpu.memref_slice %arg2[%squeeze3A_971, %dma_start3A_986] : memref<1000000x64xf32, #tpu.memory_space<hbm>> -> memref<1x64xf32, #tpu.memory_space<hbm>>
      tpu.enqueue_dma source(%dma_start3A_987 : memref<1x64xf32, #tpu.memory_space<hbm>>) target(%dma_start3A_985 : memref<1x64xf32, #tpu.memory_space<vmem>>) target_semaphore(%dma_start3A_981 : memref<!tpu.dma_semaphore, #tpu.memory_space<semaphore_mem>>)
    }
    %scan3A_9 = arith.constant 8 : i32
    %scan3A_10 = arith.constant 0 : i32
    %scan3A_11 = arith.constant 0 : i32
    %scan3A_12 = arith.constant 16 : i32
    %scan3A_13 = arith.addi %scan3A_11, %scan3A_12 : i32
    %scan3A_14 = arith.constant 1 : i32
    scf.for %scan3A_55 = %scan3A_11 to %scan3A_13 step %scan3A_14  : i32 {
      %rem3A = arith.constant 2 : i32
      %rem3A_56 = arith.remsi %scan3A_55, %rem3A : i32
      %add3A_57 = arith.constant 1 : i32
      %add3A_58 = arith.addi %scan3A_55, %add3A_57 : i32
      %rem3A_59 = arith.constant 2 : i32
      %rem3A_60 = arith.remsi %add3A_58, %rem3A_59 : i32
      %lt3A = arith.constant 16 : i32
      %lt3A_61 = arith.cmpi slt, %add3A_58, %lt3A : i32
      %convert_element_type3A = arith.extui %lt3A_61 : i1 to i32
      %cond3A = arith.constant 0 : i32
      %cond3A_62 = arith.cmpi ne, %convert_element_type3A, %cond3A : i32
      scf.if %cond3A_62 {
        %ge3A = arith.constant 2 : i32
        %ge3A_101 = arith.cmpi sge, %add3A_58, %ge3A : i32
        %convert_element_type3A_102 = arith.extui %ge3A_101 : i1 to i32
        %cond3A_103 = arith.constant 0 : i32
        %cond3A_104 = arith.cmpi ne, %convert_element_type3A_102, %cond3A_103 : i32
        scf.if %cond3A_104 {
          %dma_wait3A_111 = arith.constant 0 : i32
          %dma_wait3A_112 = arith.constant 0 : i32
          %dma_wait3A_113 = arith.constant 0 : i32
          %dma_wait3A_114 = tpu.memref_slice %arg6[%rem3A_60, %dma_wait3A_111, %dma_wait3A_112, %dma_wait3A_113] : memref<2x8x50x64xf32, #tpu.memory_space<vmem>> -> memref<1x8x50x64xf32, #tpu.memory_space<vmem>>
          %dma_wait3A_115 = tpu.memref_squeeze %dma_wait3A_114 : memref<1x8x50x64xf32, #tpu.memory_space<vmem>> -> memref<8x50x64xf32, #tpu.memory_space<vmem>>
          %dma_wait3A_116 = arith.constant 0 : i32
          %dma_wait3A_117 = arith.constant 0 : i32
          %dma_wait3A_118 = tpu.memref_slice %arg4[%mul3A_2, %dma_wait3A_116, %dma_wait3A_117] : memref<4096x50x64xf32, #tpu.memory_space<hbm>> -> memref<8x50x64xf32, #tpu.memory_space<hbm>>
          %dma_wait3A_119 = tpu.memref_slice %arg8[%rem3A_60] : memref<2x!tpu.dma_semaphore, #tpu.memory_space<semaphore_mem>> -> memref<1x!tpu.dma_semaphore, #tpu.memory_space<semaphore_mem>>
          %dma_wait3A_120 = tpu.memref_squeeze %dma_wait3A_119 : memref<1x!tpu.dma_semaphore, #tpu.memory_space<semaphore_mem>> -> memref<!tpu.dma_semaphore, #tpu.memory_space<semaphore_mem>>
          %dma_wait3A_121 = arith.constant 0 : i32
          %dma_wait3A_122 = arith.constant 0 : i32
          %dma_wait3A_123 = tpu.memref_slice %arg4[%mul3A_2, %dma_wait3A_121, %dma_wait3A_122] : memref<4096x50x64xf32, #tpu.memory_space<hbm>> -> memref<8x50x64xf32, #tpu.memory_space<hbm>>
          %dma_wait3A_124 = arith.constant 0 : i32
          %dma_wait3A_125 = arith.constant 0 : i32
          %dma_wait3A_126 = arith.constant 0 : i32
          %dma_wait3A_127 = tpu.memref_slice %arg6[%rem3A_60, %dma_wait3A_124, %dma_wait3A_125, %dma_wait3A_126] : memref<2x8x50x64xf32, #tpu.memory_space<vmem>> -> memref<1x8x50x64xf32, #tpu.memory_space<vmem>>
          %dma_wait3A_128 = tpu.memref_squeeze %dma_wait3A_127 : memref<1x8x50x64xf32, #tpu.memory_space<vmem>> -> memref<8x50x64xf32, #tpu.memory_space<vmem>>
          tpu.wait_dma2 semaphore(%dma_wait3A_120 : memref<!tpu.dma_semaphore, #tpu.memory_space<semaphore_mem>>) src(%dma_wait3A_128 : memref<8x50x64xf32, #tpu.memory_space<vmem>>) dst(%dma_wait3A_123 : memref<8x50x64xf32, #tpu.memory_space<hbm>>)
        } else {
        }
        %scan3A_105 = arith.constant 0 : i32
        %scan3A_106 = arith.constant 0 : i32
        %scan3A_107 = arith.constant 8 : i32
        %scan3A_108 = arith.addi %scan3A_106, %scan3A_107 : i32
        %scan3A_109 = arith.constant 1 : i32
        scf.for %scan3A_111 = %scan3A_106 to %scan3A_108 step %scan3A_109  : i32 {
          %mul3A_112 = arith.constant 8 : i32
          %mul3A_113 = arith.muli %add3A_58, %mul3A_112 : i32
          %add3A_114 = arith.addi %mul3A_113, %scan3A_111 : i32
          %mul3A_115 = arith.constant 64 : i32
          %mul3A_116 = arith.muli %add3A_114, %mul3A_115 : i32
          %add3A_117 = arith.constant 0 : i32
          %add3A_118 = arith.addi %mul3A_116, %add3A_117 : i32
          %get3A = arith.index_cast %add3A_118 : i32 to index
          %get3A_119 = tpu.vector_load %arg5[%get3A] {strides = array<i32>} : memref<8192xi32, #tpu.memory_space<vmem>>, vector<16xi32>,
          %get3A_120 = vector.shape_cast %get3A_119 : vector<16xi32> to vector<16xi32>
          %slice3A = vector.extract_strided_slice %get3A_120 {offsets = [0], sizes = [1], strides = [1]} : vector<16xi32> to vector<1xi32>
          %squeeze3A = vector.extract %slice3A[0] : i32 from vector<1xi32>
          %dma_start3A_121 = arith.constant 0 : i32
          %dma_start3A_122 = arith.constant 0 : i32
          %dma_start3A_123 = tpu.memref_slice %arg6[%rem3A_60, %scan3A_111, %dma_start3A_121, %dma_start3A_122] : memref<2x8x50x64xf32, #tpu.memory_space<vmem>> -> memref<1x1x1x64xf32, #tpu.memory_space<vmem>>
          %dma_start3A_124 = tpu.memref_squeeze %dma_start3A_123 : memref<1x1x1x64xf32, #tpu.memory_space<vmem>> -> memref<1x64xf32, #tpu.memory_space<vmem>>
          %dma_start3A_125 = arith.constant 0 : i32
          %dma_start3A_126 = tpu.memref_slice %arg2[%squeeze3A, %dma_start3A_125] : memref<1000000x64xf32, #tpu.memory_space<hbm>> -> memref<1x64xf32, #tpu.memory_space<hbm>>
          %dma_start3A_127 = tpu.memref_slice %arg7[%rem3A_60] : memref<2x!tpu.dma_semaphore, #tpu.memory_space<semaphore_mem>> -> memref<1x!tpu.dma_semaphore, #tpu.memory_space<semaphore_mem>>
          %dma_start3A_128 = tpu.memref_squeeze %dma_start3A_127 : memref<1x!tpu.dma_semaphore, #tpu.memory_space<semaphore_mem>> -> memref<!tpu.dma_semaphore, #tpu.memory_space<semaphore_mem>>
          %dma_start3A_129 = arith.constant 0 : i32
          %dma_start3A_130 = arith.constant 0 : i32
          %dma_start3A_131 = tpu.memref_slice %arg6[%rem3A_60, %scan3A_111, %dma_start3A_129, %dma_start3A_130] : memref<2x8x50x64xf32, #tpu.memory_space<vmem>> -> memref<1x1x1x64xf32, #tpu.memory_space<vmem>>
          %dma_start3A_132 = tpu.memref_squeeze %dma_start3A_131 : memref<1x1x1x64xf32, #tpu.memory_space<vmem>> -> memref<1x64xf32, #tpu.memory_space<vmem>>
          %dma_start3A_133 = arith.constant 0 : i32
          %dma_start3A_134 = tpu.memref_slice %arg2[%squeeze3A, %dma_start3A_133] : memref<1000000x64xf32, #tpu.memory_space<hbm>> -> memref<1x64xf32, #tpu.memory_space<hbm>>
          tpu.enqueue_dma source(%dma_start3A_134 : memref<1x64xf32, #tpu.memory_space<hbm>>) target(%dma_start3A_132 : memref<1x64xf32, #tpu.memory_space<vmem>>) target_semaphore(%dma_start3A_128 : memref<!tpu.dma_semaphore, #tpu.memory_space<semaphore_mem>>)
          %slice3A_135 = vector.extract_strided_slice %get3A_120 {offsets = [1], sizes = [1], strides = [1]} : vector<16xi32> to vector<1xi32>
          %squeeze3A_136 = vector.extract %slice3A_135[0] : i32 from vector<1xi32>
          %dma_start3A_137 = arith.constant 1 : i32
          %dma_start3A_138 = arith.constant 0 : i32
          %dma_start3A_139 = tpu.memref_slice %arg6[%rem3A_60, %scan3A_111, %dma_start3A_137, %dma_start3A_138] : memref<2x8x50x64xf32, #tpu.memory_space<vmem>> -> memref<1x1x1x64xf32, #tpu.memory_space<vmem>>
          %dma_start3A_140 = tpu.memref_squeeze %dma_start3A_139 : memref<1x1x1x64xf32, #tpu.memory_space<vmem>> -> memref<1x64xf32, #tpu.memory_space<vmem>>
          %dma_start3A_141 = arith.constant 0 : i32
          %dma_start3A_142 = tpu.memref_slice %arg2[%squeeze3A_136, %dma_start3A_141] : memref<1000000x64xf32, #tpu.memory_space<hbm>> -> memref<1x64xf32, #tpu.memory_space<hbm>>
          %dma_start3A_143 = tpu.memref_slice %arg7[%rem3A_60] : memref<2x!tpu.dma_semaphore, #tpu.memory_space<semaphore_mem>> -> memref<1x!tpu.dma_semaphore, #tpu.memory_space<semaphore_mem>>
          %dma_start3A_144 = tpu.memref_squeeze %dma_start3A_143 : memref<1x!tpu.dma_semaphore, #tpu.memory_space<semaphore_mem>> -> memref<!tpu.dma_semaphore, #tpu.memory_space<semaphore_mem>>
          %dma_start3A_145 = arith.constant 1 : i32
          %dma_start3A_146 = arith.constant 0 : i32
          %dma_start3A_147 = tpu.memref_slice %arg6[%rem3A_60, %scan3A_111, %dma_start3A_145, %dma_start3A_146] : memref<2x8x50x64xf32, #tpu.memory_space<vmem>> -> memref<1x1x1x64xf32, #tpu.memory_space<vmem>>
          %dma_start3A_148 = tpu.memref_squeeze %dma_start3A_147 : memref<1x1x1x64xf32, #tpu.memory_space<vmem>> -> memref<1x64xf32, #tpu.memory_space<vmem>>
          %dma_start3A_149 = arith.constant 0 : i32
          %dma_start3A_150 = tpu.memref_slice %arg2[%squeeze3A_136, %dma_start3A_149] : memref<1000000x64xf32, #tpu.memory_space<hbm>> -> memref<1x64xf32, #tpu.memory_space<hbm>>
          tpu.enqueue_dma source(%dma_start3A_150 : memref<1x64xf32, #tpu.memory_space<hbm>>) target(%dma_start3A_148 : memref<1x64xf32, #tpu.memory_space<vmem>>) target_semaphore(%dma_start3A_144 : memref<!tpu.dma_semaphore, #tpu.memory_space<semaphore_mem>>)
          %slice3A_151 = vector.extract_strided_slice %get3A_120 {offsets = [2], sizes = [1], strides = [1]} : vector<16xi32> to vector<1xi32>
          %squeeze3A_152 = vector.extract %slice3A_151[0] : i32 from vector<1xi32>
          %dma_start3A_153 = arith.constant 2 : i32
          %dma_start3A_154 = arith.constant 0 : i32
          %dma_start3A_155 = tpu.memref_slice %arg6[%rem3A_60, %scan3A_111, %dma_start3A_153, %dma_start3A_154] : memref<2x8x50x64xf32, #tpu.memory_space<vmem>> -> memref<1x1x1x64xf32, #tpu.memory_space<vmem>>
          %dma_start3A_156 = tpu.memref_squeeze %dma_start3A_155 : memref<1x1x1x64xf32, #tpu.memory_space<vmem>> -> memref<1x64xf32, #tpu.memory_space<vmem>>
          %dma_start3A_157 = arith.constant 0 : i32
          %dma_start3A_158 = tpu.memref_slice %arg2[%squeeze3A_152, %dma_start3A_157] : memref<1000000x64xf32, #tpu.memory_space<hbm>> -> memref<1x64xf32, #tpu.memory_space<hbm>>
          %dma_start3A_159 = tpu.memref_slice %arg7[%rem3A_60] : memref<2x!tpu.dma_semaphore, #tpu.memory_space<semaphore_mem>> -> memref<1x!tpu.dma_semaphore, #tpu.memory_space<semaphore_mem>>
          %dma_start3A_160 = tpu.memref_squeeze %dma_start3A_159 : memref<1x!tpu.dma_semaphore, #tpu.memory_space<semaphore_mem>> -> memref<!tpu.dma_semaphore, #tpu.memory_space<semaphore_mem>>
          %dma_start3A_161 = arith.constant 2 : i32
          %dma_start3A_162 = arith.constant 0 : i32
          %dma_start3A_163 = tpu.memref_slice %arg6[%rem3A_60, %scan3A_111, %dma_start3A_161, %dma_start3A_162] : memref<2x8x50x64xf32, #tpu.memory_space<vmem>> -> memref<1x1x1x64xf32, #tpu.memory_space<vmem>>
          %dma_start3A_164 = tpu.memref_squeeze %dma_start3A_163 : memref<1x1x1x64xf32, #tpu.memory_space<vmem>> -> memref<1x64xf32, #tpu.memory_space<vmem>>
          %dma_start3A_165 = arith.constant 0 : i32
          %dma_start3A_166 = tpu.memref_slice %arg2[%squeeze3A_152, %dma_start3A_165] : memref<1000000x64xf32, #tpu.memory_space<hbm>> -> memref<1x64xf32, #tpu.memory_space<hbm>>
          tpu.enqueue_dma source(%dma_start3A_166 : memref<1x64xf32, #tpu.memory_space<hbm>>) target(%dma_start3A_164 : memref<1x64xf32, #tpu.memory_space<vmem>>) target_semaphore(%dma_start3A_160 : memref<!tpu.dma_semaphore, #tpu.memory_space<semaphore_mem>>)
          %slice3A_167 = vector.extract_strided_slice %get3A_120 {offsets = [3], sizes = [1], strides = [1]} : vector<16xi32> to vector<1xi32>
          %squeeze3A_168 = vector.extract %slice3A_167[0] : i32 from vector<1xi32>
          %dma_start3A_169 = arith.constant 3 : i32
          %dma_start3A_170 = arith.constant 0 : i32
          %dma_start3A_171 = tpu.memref_slice %arg6[%rem3A_60, %scan3A_111, %dma_start3A_169, %dma_start3A_170] : memref<2x8x50x64xf32, #tpu.memory_space<vmem>> -> memref<1x1x1x64xf32, #tpu.memory_space<vmem>>
          %dma_start3A_172 = tpu.memref_squeeze %dma_start3A_171 : memref<1x1x1x64xf32, #tpu.memory_space<vmem>> -> memref<1x64xf32, #tpu.memory_space<vmem>>
          %dma_start3A_173 = arith.constant 0 : i32
          %dma_start3A_174 = tpu.memref_slice %arg2[%squeeze3A_168, %dma_start3A_173] : memref<1000000x64xf32, #tpu.memory_space<hbm>> -> memref<1x64xf32, #tpu.memory_space<hbm>>
          %dma_start3A_175 = tpu.memref_slice %arg7[%rem3A_60] : memref<2x!tpu.dma_semaphore, #tpu.memory_space<semaphore_mem>> -> memref<1x!tpu.dma_semaphore, #tpu.memory_space<semaphore_mem>>
          %dma_start3A_176 = tpu.memref_squeeze %dma_start3A_175 : memref<1x!tpu.dma_semaphore, #tpu.memory_space<semaphore_mem>> -> memref<!tpu.dma_semaphore, #tpu.memory_space<semaphore_mem>>
          %dma_start3A_177 = arith.constant 3 : i32
          %dma_start3A_178 = arith.constant 0 : i32
          %dma_start3A_179 = tpu.memref_slice %arg6[%rem3A_60, %scan3A_111, %dma_start3A_177, %dma_start3A_178] : memref<2x8x50x64xf32, #tpu.memory_space<vmem>> -> memref<1x1x1x64xf32, #tpu.memory_space<vmem>>
          %dma_start3A_180 = tpu.memref_squeeze %dma_start3A_179 : memref<1x1x1x64xf32, #tpu.memory_space<vmem>> -> memref<1x64xf32, #tpu.memory_space<vmem>>
          %dma_start3A_181 = arith.constant 0 : i32
          %dma_start3A_182 = tpu.memref_slice %arg2[%squeeze3A_168, %dma_start3A_181] : memref<1000000x64xf32, #tpu.memory_space<hbm>> -> memref<1x64xf32, #tpu.memory_space<hbm>>
          tpu.enqueue_dma source(%dma_start3A_182 : memref<1x64xf32, #tpu.memory_space<hbm>>) target(%dma_start3A_180 : memref<1x64xf32, #tpu.memory_space<vmem>>) target_semaphore(%dma_start3A_176 : memref<!tpu.dma_semaphore, #tpu.memory_space<semaphore_mem>>)
          %slice3A_183 = vector.extract_strided_slice %get3A_120 {offsets = [4], sizes = [1], strides = [1]} : vector<16xi32> to vector<1xi32>
          %squeeze3A_184 = vector.extract %slice3A_183[0] : i32 from vector<1xi32>
          %dma_start3A_185 = arith.constant 4 : i32
          %dma_start3A_186 = arith.constant 0 : i32
          %dma_start3A_187 = tpu.memref_slice %arg6[%rem3A_60, %scan3A_111, %dma_start3A_185, %dma_start3A_186] : memref<2x8x50x64xf32, #tpu.memory_space<vmem>> -> memref<1x1x1x64xf32, #tpu.memory_space<vmem>>
          %dma_start3A_188 = tpu.memref_squeeze %dma_start3A_187 : memref<1x1x1x64xf32, #tpu.memory_space<vmem>> -> memref<1x64xf32, #tpu.memory_space<vmem>>
          %dma_start3A_189 = arith.constant 0 : i32
          %dma_start3A_190 = tpu.memref_slice %arg2[%squeeze3A_184, %dma_start3A_189] : memref<1000000x64xf32, #tpu.memory_space<hbm>> -> memref<1x64xf32, #tpu.memory_space<hbm>>
          %dma_start3A_191 = tpu.memref_slice %arg7[%rem3A_60] : memref<2x!tpu.dma_semaphore, #tpu.memory_space<semaphore_mem>> -> memref<1x!tpu.dma_semaphore, #tpu.memory_space<semaphore_mem>>
          %dma_start3A_192 = tpu.memref_squeeze %dma_start3A_191 : memref<1x!tpu.dma_semaphore, #tpu.memory_space<semaphore_mem>> -> memref<!tpu.dma_semaphore, #tpu.memory_space<semaphore_mem>>
          %dma_start3A_193 = arith.constant 4 : i32
          %dma_start3A_194 = arith.constant 0 : i32
          %dma_start3A_195 = tpu.memref_slice %arg6[%rem3A_60, %scan3A_111, %dma_start3A_193, %dma_start3A_194] : memref<2x8x50x64xf32, #tpu.memory_space<vmem>> -> memref<1x1x1x64xf32, #tpu.memory_space<vmem>>
          %dma_start3A_196 = tpu.memref_squeeze %dma_start3A_195 : memref<1x1x1x64xf32, #tpu.memory_space<vmem>> -> memref<1x64xf32, #tpu.memory_space<vmem>>
          %dma_start3A_197 = arith.constant 0 : i32
          %dma_start3A_198 = tpu.memref_slice %arg2[%squeeze3A_184, %dma_start3A_197] : memref<1000000x64xf32, #tpu.memory_space<hbm>> -> memref<1x64xf32, #tpu.memory_space<hbm>>
          tpu.enqueue_dma source(%dma_start3A_198 : memref<1x64xf32, #tpu.memory_space<hbm>>) target(%dma_start3A_196 : memref<1x64xf32, #tpu.memory_space<vmem>>) target_semaphore(%dma_start3A_192 : memref<!tpu.dma_semaphore, #tpu.memory_space<semaphore_mem>>)
          %slice3A_199 = vector.extract_strided_slice %get3A_120 {offsets = [5], sizes = [1], strides = [1]} : vector<16xi32> to vector<1xi32>
          %squeeze3A_200 = vector.extract %slice3A_199[0] : i32 from vector<1xi32>
          %dma_start3A_201 = arith.constant 5 : i32
          %dma_start3A_202 = arith.constant 0 : i32
          %dma_start3A_203 = tpu.memref_slice %arg6[%rem3A_60, %scan3A_111, %dma_start3A_201, %dma_start3A_202] : memref<2x8x50x64xf32, #tpu.memory_space<vmem>> -> memref<1x1x1x64xf32, #tpu.memory_space<vmem>>
          %dma_start3A_204 = tpu.memref_squeeze %dma_start3A_203 : memref<1x1x1x64xf32, #tpu.memory_space<vmem>> -> memref<1x64xf32, #tpu.memory_space<vmem>>
          %dma_start3A_205 = arith.constant 0 : i32
          %dma_start3A_206 = tpu.memref_slice %arg2[%squeeze3A_200, %dma_start3A_205] : memref<1000000x64xf32, #tpu.memory_space<hbm>> -> memref<1x64xf32, #tpu.memory_space<hbm>>
          %dma_start3A_207 = tpu.memref_slice %arg7[%rem3A_60] : memref<2x!tpu.dma_semaphore, #tpu.memory_space<semaphore_mem>> -> memref<1x!tpu.dma_semaphore, #tpu.memory_space<semaphore_mem>>
          %dma_start3A_208 = tpu.memref_squeeze %dma_start3A_207 : memref<1x!tpu.dma_semaphore, #tpu.memory_space<semaphore_mem>> -> memref<!tpu.dma_semaphore, #tpu.memory_space<semaphore_mem>>
          %dma_start3A_209 = arith.constant 5 : i32
          %dma_start3A_210 = arith.constant 0 : i32
          %dma_start3A_211 = tpu.memref_slice %arg6[%rem3A_60, %scan3A_111, %dma_start3A_209, %dma_start3A_210] : memref<2x8x50x64xf32, #tpu.memory_space<vmem>> -> memref<1x1x1x64xf32, #tpu.memory_space<vmem>>
          %dma_start3A_212 = tpu.memref_squeeze %dma_start3A_211 : memref<1x1x1x64xf32, #tpu.memory_space<vmem>> -> memref<1x64xf32, #tpu.memory_space<vmem>>
          %dma_start3A_213 = arith.constant 0 : i32
          %dma_start3A_214 = tpu.memref_slice %arg2[%squeeze3A_200, %dma_start3A_213] : memref<1000000x64xf32, #tpu.memory_space<hbm>> -> memref<1x64xf32, #tpu.memory_space<hbm>>
          tpu.enqueue_dma source(%dma_start3A_214 : memref<1x64xf32, #tpu.memory_space<hbm>>) target(%dma_start3A_212 : memref<1x64xf32, #tpu.memory_space<vmem>>) target_semaphore(%dma_start3A_208 : memref<!tpu.dma_semaphore, #tpu.memory_space<semaphore_mem>>)
          %slice3A_215 = vector.extract_strided_slice %get3A_120 {offsets = [6], sizes = [1], strides = [1]} : vector<16xi32> to vector<1xi32>
          %squeeze3A_216 = vector.extract %slice3A_215[0] : i32 from vector<1xi32>
          %dma_start3A_217 = arith.constant 6 : i32
          %dma_start3A_218 = arith.constant 0 : i32
          %dma_start3A_219 = tpu.memref_slice %arg6[%rem3A_60, %scan3A_111, %dma_start3A_217, %dma_start3A_218] : memref<2x8x50x64xf32, #tpu.memory_space<vmem>> -> memref<1x1x1x64xf32, #tpu.memory_space<vmem>>
          %dma_start3A_220 = tpu.memref_squeeze %dma_start3A_219 : memref<1x1x1x64xf32, #tpu.memory_space<vmem>> -> memref<1x64xf32, #tpu.memory_space<vmem>>
          %dma_start3A_221 = arith.constant 0 : i32
          %dma_start3A_222 = tpu.memref_slice %arg2[%squeeze3A_216, %dma_start3A_221] : memref<1000000x64xf32, #tpu.memory_space<hbm>> -> memref<1x64xf32, #tpu.memory_space<hbm>>
          %dma_start3A_223 = tpu.memref_slice %arg7[%rem3A_60] : memref<2x!tpu.dma_semaphore, #tpu.memory_space<semaphore_mem>> -> memref<1x!tpu.dma_semaphore, #tpu.memory_space<semaphore_mem>>
          %dma_start3A_224 = tpu.memref_squeeze %dma_start3A_223 : memref<1x!tpu.dma_semaphore, #tpu.memory_space<semaphore_mem>> -> memref<!tpu.dma_semaphore, #tpu.memory_space<semaphore_mem>>
          %dma_start3A_225 = arith.constant 6 : i32
          %dma_start3A_226 = arith.constant 0 : i32
          %dma_start3A_227 = tpu.memref_slice %arg6[%rem3A_60, %scan3A_111, %dma_start3A_225, %dma_start3A_226] : memref<2x8x50x64xf32, #tpu.memory_space<vmem>> -> memref<1x1x1x64xf32, #tpu.memory_space<vmem>>
          %dma_start3A_228 = tpu.memref_squeeze %dma_start3A_227 : memref<1x1x1x64xf32, #tpu.memory_space<vmem>> -> memref<1x64xf32, #tpu.memory_space<vmem>>
          %dma_start3A_229 = arith.constant 0 : i32
          %dma_start3A_230 = tpu.memref_slice %arg2[%squeeze3A_216, %dma_start3A_229] : memref<1000000x64xf32, #tpu.memory_space<hbm>> -> memref<1x64xf32, #tpu.memory_space<hbm>>
          tpu.enqueue_dma source(%dma_start3A_230 : memref<1x64xf32, #tpu.memory_space<hbm>>) target(%dma_start3A_228 : memref<1x64xf32, #tpu.memory_space<vmem>>) target_semaphore(%dma_start3A_224 : memref<!tpu.dma_semaphore, #tpu.memory_space<semaphore_mem>>)
          %slice3A_231 = vector.extract_strided_slice %get3A_120 {offsets = [7], sizes = [1], strides = [1]} : vector<16xi32> to vector<1xi32>
          %squeeze3A_232 = vector.extract %slice3A_231[0] : i32 from vector<1xi32>
          %dma_start3A_233 = arith.constant 7 : i32
          %dma_start3A_234 = arith.constant 0 : i32
          %dma_start3A_235 = tpu.memref_slice %arg6[%rem3A_60, %scan3A_111, %dma_start3A_233, %dma_start3A_234] : memref<2x8x50x64xf32, #tpu.memory_space<vmem>> -> memref<1x1x1x64xf32, #tpu.memory_space<vmem>>
          %dma_start3A_236 = tpu.memref_squeeze %dma_start3A_235 : memref<1x1x1x64xf32, #tpu.memory_space<vmem>> -> memref<1x64xf32, #tpu.memory_space<vmem>>
          %dma_start3A_237 = arith.constant 0 : i32
          %dma_start3A_238 = tpu.memref_slice %arg2[%squeeze3A_232, %dma_start3A_237] : memref<1000000x64xf32, #tpu.memory_space<hbm>> -> memref<1x64xf32, #tpu.memory_space<hbm>>
          %dma_start3A_239 = tpu.memref_slice %arg7[%rem3A_60] : memref<2x!tpu.dma_semaphore, #tpu.memory_space<semaphore_mem>> -> memref<1x!tpu.dma_semaphore, #tpu.memory_space<semaphore_mem>>
          %dma_start3A_240 = tpu.memref_squeeze %dma_start3A_239 : memref<1x!tpu.dma_semaphore, #tpu.memory_space<semaphore_mem>> -> memref<!tpu.dma_semaphore, #tpu.memory_space<semaphore_mem>>
          %dma_start3A_241 = arith.constant 7 : i32
          %dma_start3A_242 = arith.constant 0 : i32
          %dma_start3A_243 = tpu.memref_slice %arg6[%rem3A_60, %scan3A_111, %dma_start3A_241, %dma_start3A_242] : memref<2x8x50x64xf32, #tpu.memory_space<vmem>> -> memref<1x1x1x64xf32, #tpu.memory_space<vmem>>
          %dma_start3A_244 = tpu.memref_squeeze %dma_start3A_243 : memref<1x1x1x64xf32, #tpu.memory_space<vmem>> -> memref<1x64xf32, #tpu.memory_space<vmem>>
          %dma_start3A_245 = arith.constant 0 : i32
          %dma_start3A_246 = tpu.memref_slice %arg2[%squeeze3A_232, %dma_start3A_245] : memref<1000000x64xf32, #tpu.memory_space<hbm>> -> memref<1x64xf32, #tpu.memory_space<hbm>>
          tpu.enqueue_dma source(%dma_start3A_246 : memref<1x64xf32, #tpu.memory_space<hbm>>) target(%dma_start3A_244 : memref<1x64xf32, #tpu.memory_space<vmem>>) target_semaphore(%dma_start3A_240 : memref<!tpu.dma_semaphore, #tpu.memory_space<semaphore_mem>>)
          %slice3A_247 = vector.extract_strided_slice %get3A_120 {offsets = [8], sizes = [1], strides = [1]} : vector<16xi32> to vector<1xi32>
          %squeeze3A_248 = vector.extract %slice3A_247[0] : i32 from vector<1xi32>
          %dma_start3A_249 = arith.constant 8 : i32
          %dma_start3A_250 = arith.constant 0 : i32
          %dma_start3A_251 = tpu.memref_slice %arg6[%rem3A_60, %scan3A_111, %dma_start3A_249, %dma_start3A_250] : memref<2x8x50x64xf32, #tpu.memory_space<vmem>> -> memref<1x1x1x64xf32, #tpu.memory_space<vmem>>
          %dma_start3A_252 = tpu.memref_squeeze %dma_start3A_251 : memref<1x1x1x64xf32, #tpu.memory_space<vmem>> -> memref<1x64xf32, #tpu.memory_space<vmem>>
          %dma_start3A_253 = arith.constant 0 : i32
          %dma_start3A_254 = tpu.memref_slice %arg2[%squeeze3A_248, %dma_start3A_253] : memref<1000000x64xf32, #tpu.memory_space<hbm>> -> memref<1x64xf32, #tpu.memory_space<hbm>>
          %dma_start3A_255 = tpu.memref_slice %arg7[%rem3A_60] : memref<2x!tpu.dma_semaphore, #tpu.memory_space<semaphore_mem>> -> memref<1x!tpu.dma_semaphore, #tpu.memory_space<semaphore_mem>>
          %dma_start3A_256 = tpu.memref_squeeze %dma_start3A_255 : memref<1x!tpu.dma_semaphore, #tpu.memory_space<semaphore_mem>> -> memref<!tpu.dma_semaphore, #tpu.memory_space<semaphore_mem>>
          %dma_start3A_257 = arith.constant 8 : i32
          %dma_start3A_258 = arith.constant 0 : i32
          %dma_start3A_259 = tpu.memref_slice %arg6[%rem3A_60, %scan3A_111, %dma_start3A_257, %dma_start3A_258] : memref<2x8x50x64xf32, #tpu.memory_space<vmem>> -> memref<1x1x1x64xf32, #tpu.memory_space<vmem>>
          %dma_start3A_260 = tpu.memref_squeeze %dma_start3A_259 : memref<1x1x1x64xf32, #tpu.memory_space<vmem>> -> memref<1x64xf32, #tpu.memory_space<vmem>>
          %dma_start3A_261 = arith.constant 0 : i32
          %dma_start3A_262 = tpu.memref_slice %arg2[%squeeze3A_248, %dma_start3A_261] : memref<1000000x64xf32, #tpu.memory_space<hbm>> -> memref<1x64xf32, #tpu.memory_space<hbm>>
          tpu.enqueue_dma source(%dma_start3A_262 : memref<1x64xf32, #tpu.memory_space<hbm>>) target(%dma_start3A_260 : memref<1x64xf32, #tpu.memory_space<vmem>>) target_semaphore(%dma_start3A_256 : memref<!tpu.dma_semaphore, #tpu.memory_space<semaphore_mem>>)
          %slice3A_263 = vector.extract_strided_slice %get3A_120 {offsets = [9], sizes = [1], strides = [1]} : vector<16xi32> to vector<1xi32>
          %squeeze3A_264 = vector.extract %slice3A_263[0] : i32 from vector<1xi32>
          %dma_start3A_265 = arith.constant 9 : i32
          %dma_start3A_266 = arith.constant 0 : i32
          %dma_start3A_267 = tpu.memref_slice %arg6[%rem3A_60, %scan3A_111, %dma_start3A_265, %dma_start3A_266] : memref<2x8x50x64xf32, #tpu.memory_space<vmem>> -> memref<1x1x1x64xf32, #tpu.memory_space<vmem>>
          %dma_start3A_268 = tpu.memref_squeeze %dma_start3A_267 : memref<1x1x1x64xf32, #tpu.memory_space<vmem>> -> memref<1x64xf32, #tpu.memory_space<vmem>>
          %dma_start3A_269 = arith.constant 0 : i32
          %dma_start3A_270 = tpu.memref_slice %arg2[%squeeze3A_264, %dma_start3A_269] : memref<1000000x64xf32, #tpu.memory_space<hbm>> -> memref<1x64xf32, #tpu.memory_space<hbm>>
          %dma_start3A_271 = tpu.memref_slice %arg7[%rem3A_60] : memref<2x!tpu.dma_semaphore, #tpu.memory_space<semaphore_mem>> -> memref<1x!tpu.dma_semaphore, #tpu.memory_space<semaphore_mem>>
          %dma_start3A_272 = tpu.memref_squeeze %dma_start3A_271 : memref<1x!tpu.dma_semaphore, #tpu.memory_space<semaphore_mem>> -> memref<!tpu.dma_semaphore, #tpu.memory_space<semaphore_mem>>
          %dma_start3A_273 = arith.constant 9 : i32
          %dma_start3A_274 = arith.constant 0 : i32
          %dma_start3A_275 = tpu.memref_slice %arg6[%rem3A_60, %scan3A_111, %dma_start3A_273, %dma_start3A_274] : memref<2x8x50x64xf32, #tpu.memory_space<vmem>> -> memref<1x1x1x64xf32, #tpu.memory_space<vmem>>
          %dma_start3A_276 = tpu.memref_squeeze %dma_start3A_275 : memref<1x1x1x64xf32, #tpu.memory_space<vmem>> -> memref<1x64xf32, #tpu.memory_space<vmem>>
          %dma_start3A_277 = arith.constant 0 : i32
          %dma_start3A_278 = tpu.memref_slice %arg2[%squeeze3A_264, %dma_start3A_277] : memref<1000000x64xf32, #tpu.memory_space<hbm>> -> memref<1x64xf32, #tpu.memory_space<hbm>>
          tpu.enqueue_dma source(%dma_start3A_278 : memref<1x64xf32, #tpu.memory_space<hbm>>) target(%dma_start3A_276 : memref<1x64xf32, #tpu.memory_space<vmem>>) target_semaphore(%dma_start3A_272 : memref<!tpu.dma_semaphore, #tpu.memory_space<semaphore_mem>>)
          %slice3A_279 = vector.extract_strided_slice %get3A_120 {offsets = [10], sizes = [1], strides = [1]} : vector<16xi32> to vector<1xi32>
          %squeeze3A_280 = vector.extract %slice3A_279[0] : i32 from vector<1xi32>
          %dma_start3A_281 = arith.constant 10 : i32
          %dma_start3A_282 = arith.constant 0 : i32
          %dma_start3A_283 = tpu.memref_slice %arg6[%rem3A_60, %scan3A_111, %dma_start3A_281, %dma_start3A_282] : memref<2x8x50x64xf32, #tpu.memory_space<vmem>> -> memref<1x1x1x64xf32, #tpu.memory_space<vmem>>
          %dma_start3A_284 = tpu.memref_squeeze %dma_start3A_283 : memref<1x1x1x64xf32, #tpu.memory_space<vmem>> -> memref<1x64xf32, #tpu.memory_space<vmem>>
          %dma_start3A_285 = arith.constant 0 : i32
          %dma_start3A_286 = tpu.memref_slice %arg2[%squeeze3A_280, %dma_start3A_285] : memref<1000000x64xf32, #tpu.memory_space<hbm>> -> memref<1x64xf32, #tpu.memory_space<hbm>>
          %dma_start3A_287 = tpu.memref_slice %arg7[%rem3A_60] : memref<2x!tpu.dma_semaphore, #tpu.memory_space<semaphore_mem>> -> memref<1x!tpu.dma_semaphore, #tpu.memory_space<semaphore_mem>>
          %dma_start3A_288 = tpu.memref_squeeze %dma_start3A_287 : memref<1x!tpu.dma_semaphore, #tpu.memory_space<semaphore_mem>> -> memref<!tpu.dma_semaphore, #tpu.memory_space<semaphore_mem>>
          %dma_start3A_289 = arith.constant 10 : i32
          %dma_start3A_290 = arith.constant 0 : i32
          %dma_start3A_291 = tpu.memref_slice %arg6[%rem3A_60, %scan3A_111, %dma_start3A_289, %dma_start3A_290] : memref<2x8x50x64xf32, #tpu.memory_space<vmem>> -> memref<1x1x1x64xf32, #tpu.memory_space<vmem>>
          %dma_start3A_292 = tpu.memref_squeeze %dma_start3A_291 : memref<1x1x1x64xf32, #tpu.memory_space<vmem>> -> memref<1x64xf32, #tpu.memory_space<vmem>>
          %dma_start3A_293 = arith.constant 0 : i32
          %dma_start3A_294 = tpu.memref_slice %arg2[%squeeze3A_280, %dma_start3A_293] : memref<1000000x64xf32, #tpu.memory_space<hbm>> -> memref<1x64xf32, #tpu.memory_space<hbm>>
          tpu.enqueue_dma source(%dma_start3A_294 : memref<1x64xf32, #tpu.memory_space<hbm>>) target(%dma_start3A_292 : memref<1x64xf32, #tpu.memory_space<vmem>>) target_semaphore(%dma_start3A_288 : memref<!tpu.dma_semaphore, #tpu.memory_space<semaphore_mem>>)
          %slice3A_295 = vector.extract_strided_slice %get3A_120 {offsets = [11], sizes = [1], strides = [1]} : vector<16xi32> to vector<1xi32>
          %squeeze3A_296 = vector.extract %slice3A_295[0] : i32 from vector<1xi32>
          %dma_start3A_297 = arith.constant 11 : i32
          %dma_start3A_298 = arith.constant 0 : i32
          %dma_start3A_299 = tpu.memref_slice %arg6[%rem3A_60, %scan3A_111, %dma_start3A_297, %dma_start3A_298] : memref<2x8x50x64xf32, #tpu.memory_space<vmem>> -> memref<1x1x1x64xf32, #tpu.memory_space<vmem>>
          %dma_start3A_300 = tpu.memref_squeeze %dma_start3A_299 : memref<1x1x1x64xf32, #tpu.memory_space<vmem>> -> memref<1x64xf32, #tpu.memory_space<vmem>>
          %dma_start3A_301 = arith.constant 0 : i32
          %dma_start3A_302 = tpu.memref_slice %arg2[%squeeze3A_296, %dma_start3A_301] : memref<1000000x64xf32, #tpu.memory_space<hbm>> -> memref<1x64xf32, #tpu.memory_space<hbm>>
          %dma_start3A_303 = tpu.memref_slice %arg7[%rem3A_60] : memref<2x!tpu.dma_semaphore, #tpu.memory_space<semaphore_mem>> -> memref<1x!tpu.dma_semaphore, #tpu.memory_space<semaphore_mem>>
          %dma_start3A_304 = tpu.memref_squeeze %dma_start3A_303 : memref<1x!tpu.dma_semaphore, #tpu.memory_space<semaphore_mem>> -> memref<!tpu.dma_semaphore, #tpu.memory_space<semaphore_mem>>
          %dma_start3A_305 = arith.constant 11 : i32
          %dma_start3A_306 = arith.constant 0 : i32
          %dma_start3A_307 = tpu.memref_slice %arg6[%rem3A_60, %scan3A_111, %dma_start3A_305, %dma_start3A_306] : memref<2x8x50x64xf32, #tpu.memory_space<vmem>> -> memref<1x1x1x64xf32, #tpu.memory_space<vmem>>
          %dma_start3A_308 = tpu.memref_squeeze %dma_start3A_307 : memref<1x1x1x64xf32, #tpu.memory_space<vmem>> -> memref<1x64xf32, #tpu.memory_space<vmem>>
          %dma_start3A_309 = arith.constant 0 : i32
          %dma_start3A_310 = tpu.memref_slice %arg2[%squeeze3A_296, %dma_start3A_309] : memref<1000000x64xf32, #tpu.memory_space<hbm>> -> memref<1x64xf32, #tpu.memory_space<hbm>>
          tpu.enqueue_dma source(%dma_start3A_310 : memref<1x64xf32, #tpu.memory_space<hbm>>) target(%dma_start3A_308 : memref<1x64xf32, #tpu.memory_space<vmem>>) target_semaphore(%dma_start3A_304 : memref<!tpu.dma_semaphore, #tpu.memory_space<semaphore_mem>>)
          %slice3A_311 = vector.extract_strided_slice %get3A_120 {offsets = [12], sizes = [1], strides = [1]} : vector<16xi32> to vector<1xi32>
          %squeeze3A_312 = vector.extract %slice3A_311[0] : i32 from vector<1xi32>
          %dma_start3A_313 = arith.constant 12 : i32
          %dma_start3A_314 = arith.constant 0 : i32
          %dma_start3A_315 = tpu.memref_slice %arg6[%rem3A_60, %scan3A_111, %dma_start3A_313, %dma_start3A_314] : memref<2x8x50x64xf32, #tpu.memory_space<vmem>> -> memref<1x1x1x64xf32, #tpu.memory_space<vmem>>
          %dma_start3A_316 = tpu.memref_squeeze %dma_start3A_315 : memref<1x1x1x64xf32, #tpu.memory_space<vmem>> -> memref<1x64xf32, #tpu.memory_space<vmem>>
          %dma_start3A_317 = arith.constant 0 : i32
          %dma_start3A_318 = tpu.memref_slice %arg2[%squeeze3A_312, %dma_start3A_317] : memref<1000000x64xf32, #tpu.memory_space<hbm>> -> memref<1x64xf32, #tpu.memory_space<hbm>>
          %dma_start3A_319 = tpu.memref_slice %arg7[%rem3A_60] : memref<2x!tpu.dma_semaphore, #tpu.memory_space<semaphore_mem>> -> memref<1x!tpu.dma_semaphore, #tpu.memory_space<semaphore_mem>>
          %dma_start3A_320 = tpu.memref_squeeze %dma_start3A_319 : memref<1x!tpu.dma_semaphore, #tpu.memory_space<semaphore_mem>> -> memref<!tpu.dma_semaphore, #tpu.memory_space<semaphore_mem>>
          %dma_start3A_321 = arith.constant 12 : i32
          %dma_start3A_322 = arith.constant 0 : i32
          %dma_start3A_323 = tpu.memref_slice %arg6[%rem3A_60, %scan3A_111, %dma_start3A_321, %dma_start3A_322] : memref<2x8x50x64xf32, #tpu.memory_space<vmem>> -> memref<1x1x1x64xf32, #tpu.memory_space<vmem>>
          %dma_start3A_324 = tpu.memref_squeeze %dma_start3A_323 : memref<1x1x1x64xf32, #tpu.memory_space<vmem>> -> memref<1x64xf32, #tpu.memory_space<vmem>>
          %dma_start3A_325 = arith.constant 0 : i32
          %dma_start3A_326 = tpu.memref_slice %arg2[%squeeze3A_312, %dma_start3A_325] : memref<1000000x64xf32, #tpu.memory_space<hbm>> -> memref<1x64xf32, #tpu.memory_space<hbm>>
          tpu.enqueue_dma source(%dma_start3A_326 : memref<1x64xf32, #tpu.memory_space<hbm>>) target(%dma_start3A_324 : memref<1x64xf32, #tpu.memory_space<vmem>>) target_semaphore(%dma_start3A_320 : memref<!tpu.dma_semaphore, #tpu.memory_space<semaphore_mem>>)
          %slice3A_327 = vector.extract_strided_slice %get3A_120 {offsets = [13], sizes = [1], strides = [1]} : vector<16xi32> to vector<1xi32>
          %squeeze3A_328 = vector.extract %slice3A_327[0] : i32 from vector<1xi32>
          %dma_start3A_329 = arith.constant 13 : i32
          %dma_start3A_330 = arith.constant 0 : i32
          %dma_start3A_331 = tpu.memref_slice %arg6[%rem3A_60, %scan3A_111, %dma_start3A_329, %dma_start3A_330] : memref<2x8x50x64xf32, #tpu.memory_space<vmem>> -> memref<1x1x1x64xf32, #tpu.memory_space<vmem>>
          %dma_start3A_332 = tpu.memref_squeeze %dma_start3A_331 : memref<1x1x1x64xf32, #tpu.memory_space<vmem>> -> memref<1x64xf32, #tpu.memory_space<vmem>>
          %dma_start3A_333 = arith.constant 0 : i32
          %dma_start3A_334 = tpu.memref_slice %arg2[%squeeze3A_328, %dma_start3A_333] : memref<1000000x64xf32, #tpu.memory_space<hbm>> -> memref<1x64xf32, #tpu.memory_space<hbm>>
          %dma_start3A_335 = tpu.memref_slice %arg7[%rem3A_60] : memref<2x!tpu.dma_semaphore, #tpu.memory_space<semaphore_mem>> -> memref<1x!tpu.dma_semaphore, #tpu.memory_space<semaphore_mem>>
          %dma_start3A_336 = tpu.memref_squeeze %dma_start3A_335 : memref<1x!tpu.dma_semaphore, #tpu.memory_space<semaphore_mem>> -> memref<!tpu.dma_semaphore, #tpu.memory_space<semaphore_mem>>
          %dma_start3A_337 = arith.constant 13 : i32
          %dma_start3A_338 = arith.constant 0 : i32
          %dma_start3A_339 = tpu.memref_slice %arg6[%rem3A_60, %scan3A_111, %dma_start3A_337, %dma_start3A_338] : memref<2x8x50x64xf32, #tpu.memory_space<vmem>> -> memref<1x1x1x64xf32, #tpu.memory_space<vmem>>
          %dma_start3A_340 = tpu.memref_squeeze %dma_start3A_339 : memref<1x1x1x64xf32, #tpu.memory_space<vmem>> -> memref<1x64xf32, #tpu.memory_space<vmem>>
          %dma_start3A_341 = arith.constant 0 : i32
          %dma_start3A_342 = tpu.memref_slice %arg2[%squeeze3A_328, %dma_start3A_341] : memref<1000000x64xf32, #tpu.memory_space<hbm>> -> memref<1x64xf32, #tpu.memory_space<hbm>>
          tpu.enqueue_dma source(%dma_start3A_342 : memref<1x64xf32, #tpu.memory_space<hbm>>) target(%dma_start3A_340 : memref<1x64xf32, #tpu.memory_space<vmem>>) target_semaphore(%dma_start3A_336 : memref<!tpu.dma_semaphore, #tpu.memory_space<semaphore_mem>>)
          %slice3A_343 = vector.extract_strided_slice %get3A_120 {offsets = [14], sizes = [1], strides = [1]} : vector<16xi32> to vector<1xi32>
          %squeeze3A_344 = vector.extract %slice3A_343[0] : i32 from vector<1xi32>
          %dma_start3A_345 = arith.constant 14 : i32
          %dma_start3A_346 = arith.constant 0 : i32
          %dma_start3A_347 = tpu.memref_slice %arg6[%rem3A_60, %scan3A_111, %dma_start3A_345, %dma_start3A_346] : memref<2x8x50x64xf32, #tpu.memory_space<vmem>> -> memref<1x1x1x64xf32, #tpu.memory_space<vmem>>
          %dma_start3A_348 = tpu.memref_squeeze %dma_start3A_347 : memref<1x1x1x64xf32, #tpu.memory_space<vmem>> -> memref<1x64xf32, #tpu.memory_space<vmem>>
          %dma_start3A_349 = arith.constant 0 : i32
          %dma_start3A_350 = tpu.memref_slice %arg2[%squeeze3A_344, %dma_start3A_349] : memref<1000000x64xf32, #tpu.memory_space<hbm>> -> memref<1x64xf32, #tpu.memory_space<hbm>>
          %dma_start3A_351 = tpu.memref_slice %arg7[%rem3A_60] : memref<2x!tpu.dma_semaphore, #tpu.memory_space<semaphore_mem>> -> memref<1x!tpu.dma_semaphore, #tpu.memory_space<semaphore_mem>>
          %dma_start3A_352 = tpu.memref_squeeze %dma_start3A_351 : memref<1x!tpu.dma_semaphore, #tpu.memory_space<semaphore_mem>> -> memref<!tpu.dma_semaphore, #tpu.memory_space<semaphore_mem>>
          %dma_start3A_353 = arith.constant 14 : i32
          %dma_start3A_354 = arith.constant 0 : i32
          %dma_start3A_355 = tpu.memref_slice %arg6[%rem3A_60, %scan3A_111, %dma_start3A_353, %dma_start3A_354] : memref<2x8x50x64xf32, #tpu.memory_space<vmem>> -> memref<1x1x1x64xf32, #tpu.memory_space<vmem>>
          %dma_start3A_356 = tpu.memref_squeeze %dma_start3A_355 : memref<1x1x1x64xf32, #tpu.memory_space<vmem>> -> memref<1x64xf32, #tpu.memory_space<vmem>>
          %dma_start3A_357 = arith.constant 0 : i32
          %dma_start3A_358 = tpu.memref_slice %arg2[%squeeze3A_344, %dma_start3A_357] : memref<1000000x64xf32, #tpu.memory_space<hbm>> -> memref<1x64xf32, #tpu.memory_space<hbm>>
          tpu.enqueue_dma source(%dma_start3A_358 : memref<1x64xf32, #tpu.memory_space<hbm>>) target(%dma_start3A_356 : memref<1x64xf32, #tpu.memory_space<vmem>>) target_semaphore(%dma_start3A_352 : memref<!tpu.dma_semaphore, #tpu.memory_space<semaphore_mem>>)
          %slice3A_359 = vector.extract_strided_slice %get3A_120 {offsets = [15], sizes = [1], strides = [1]} : vector<16xi32> to vector<1xi32>
          %squeeze3A_360 = vector.extract %slice3A_359[0] : i32 from vector<1xi32>
          %dma_start3A_361 = arith.constant 15 : i32
          %dma_start3A_362 = arith.constant 0 : i32
          %dma_start3A_363 = tpu.memref_slice %arg6[%rem3A_60, %scan3A_111, %dma_start3A_361, %dma_start3A_362] : memref<2x8x50x64xf32, #tpu.memory_space<vmem>> -> memref<1x1x1x64xf32, #tpu.memory_space<vmem>>
          %dma_start3A_364 = tpu.memref_squeeze %dma_start3A_363 : memref<1x1x1x64xf32, #tpu.memory_space<vmem>> -> memref<1x64xf32, #tpu.memory_space<vmem>>
          %dma_start3A_365 = arith.constant 0 : i32
          %dma_start3A_366 = tpu.memref_slice %arg2[%squeeze3A_360, %dma_start3A_365] : memref<1000000x64xf32, #tpu.memory_space<hbm>> -> memref<1x64xf32, #tpu.memory_space<hbm>>
          %dma_start3A_367 = tpu.memref_slice %arg7[%rem3A_60] : memref<2x!tpu.dma_semaphore, #tpu.memory_space<semaphore_mem>> -> memref<1x!tpu.dma_semaphore, #tpu.memory_space<semaphore_mem>>
          %dma_start3A_368 = tpu.memref_squeeze %dma_start3A_367 : memref<1x!tpu.dma_semaphore, #tpu.memory_space<semaphore_mem>> -> memref<!tpu.dma_semaphore, #tpu.memory_space<semaphore_mem>>
          %dma_start3A_369 = arith.constant 15 : i32
          %dma_start3A_370 = arith.constant 0 : i32
          %dma_start3A_371 = tpu.memref_slice %arg6[%rem3A_60, %scan3A_111, %dma_start3A_369, %dma_start3A_370] : memref<2x8x50x64xf32, #tpu.memory_space<vmem>> -> memref<1x1x1x64xf32, #tpu.memory_space<vmem>>
          %dma_start3A_372 = tpu.memref_squeeze %dma_start3A_371 : memref<1x1x1x64xf32, #tpu.memory_space<vmem>> -> memref<1x64xf32, #tpu.memory_space<vmem>>
          %dma_start3A_373 = arith.constant 0 : i32
          %dma_start3A_374 = tpu.memref_slice %arg2[%squeeze3A_360, %dma_start3A_373] : memref<1000000x64xf32, #tpu.memory_space<hbm>> -> memref<1x64xf32, #tpu.memory_space<hbm>>
          tpu.enqueue_dma source(%dma_start3A_374 : memref<1x64xf32, #tpu.memory_space<hbm>>) target(%dma_start3A_372 : memref<1x64xf32, #tpu.memory_space<vmem>>) target_semaphore(%dma_start3A_368 : memref<!tpu.dma_semaphore, #tpu.memory_space<semaphore_mem>>)
          %mul3A_375 = arith.constant 8 : i32
          %mul3A_376 = arith.muli %add3A_58, %mul3A_375 : i32
          %add3A_377 = arith.addi %mul3A_376, %scan3A_111 : i32
          %mul3A_378 = arith.constant 64 : i32
          %mul3A_379 = arith.muli %add3A_377, %mul3A_378 : i32
          %add3A_380 = arith.constant 16 : i32
          %add3A_381 = arith.addi %mul3A_379, %add3A_380 : i32
          %get3A_382 = arith.index_cast %add3A_381 : i32 to index
          %get3A_383 = tpu.vector_load %arg5[%get3A_382] {strides = array<i32>} : memref<8192xi32, #tpu.memory_space<vmem>>, vector<16xi32>,
          %get3A_384 = vector.shape_cast %get3A_383 : vector<16xi32> to vector<16xi32>
          %slice3A_385 = vector.extract_strided_slice %get3A_384 {offsets = [0], sizes = [1], strides = [1]} : vector<16xi32> to vector<1xi32>
          %squeeze3A_386 = vector.extract %slice3A_385[0] : i32 from vector<1xi32>
          %dma_start3A_387 = arith.constant 16 : i32
          %dma_start3A_388 = arith.constant 0 : i32
          %dma_start3A_389 = tpu.memref_slice %arg6[%rem3A_60, %scan3A_111, %dma_start3A_387, %dma_start3A_388] : memref<2x8x50x64xf32, #tpu.memory_space<vmem>> -> memref<1x1x1x64xf32, #tpu.memory_space<vmem>>
          %dma_start3A_390 = tpu.memref_squeeze %dma_start3A_389 : memref<1x1x1x64xf32, #tpu.memory_space<vmem>> -> memref<1x64xf32, #tpu.memory_space<vmem>>
          %dma_start3A_391 = arith.constant 0 : i32
          %dma_start3A_392 = tpu.memref_slice %arg2[%squeeze3A_386, %dma_start3A_391] : memref<1000000x64xf32, #tpu.memory_space<hbm>> -> memref<1x64xf32, #tpu.memory_space<hbm>>
          %dma_start3A_393 = tpu.memref_slice %arg7[%rem3A_60] : memref<2x!tpu.dma_semaphore, #tpu.memory_space<semaphore_mem>> -> memref<1x!tpu.dma_semaphore, #tpu.memory_space<semaphore_mem>>
          %dma_start3A_394 = tpu.memref_squeeze %dma_start3A_393 : memref<1x!tpu.dma_semaphore, #tpu.memory_space<semaphore_mem>> -> memref<!tpu.dma_semaphore, #tpu.memory_space<semaphore_mem>>
          %dma_start3A_395 = arith.constant 16 : i32
          %dma_start3A_396 = arith.constant 0 : i32
          %dma_start3A_397 = tpu.memref_slice %arg6[%rem3A_60, %scan3A_111, %dma_start3A_395, %dma_start3A_396] : memref<2x8x50x64xf32, #tpu.memory_space<vmem>> -> memref<1x1x1x64xf32, #tpu.memory_space<vmem>>
          %dma_start3A_398 = tpu.memref_squeeze %dma_start3A_397 : memref<1x1x1x64xf32, #tpu.memory_space<vmem>> -> memref<1x64xf32, #tpu.memory_space<vmem>>
          %dma_start3A_399 = arith.constant 0 : i32
          %dma_start3A_400 = tpu.memref_slice %arg2[%squeeze3A_386, %dma_start3A_399] : memref<1000000x64xf32, #tpu.memory_space<hbm>> -> memref<1x64xf32, #tpu.memory_space<hbm>>
          tpu.enqueue_dma source(%dma_start3A_400 : memref<1x64xf32, #tpu.memory_space<hbm>>) target(%dma_start3A_398 : memref<1x64xf32, #tpu.memory_space<vmem>>) target_semaphore(%dma_start3A_394 : memref<!tpu.dma_semaphore, #tpu.memory_space<semaphore_mem>>)
          %slice3A_401 = vector.extract_strided_slice %get3A_384 {offsets = [1], sizes = [1], strides = [1]} : vector<16xi32> to vector<1xi32>
          %squeeze3A_402 = vector.extract %slice3A_401[0] : i32 from vector<1xi32>
          %dma_start3A_403 = arith.constant 17 : i32
          %dma_start3A_404 = arith.constant 0 : i32
          %dma_start3A_405 = tpu.memref_slice %arg6[%rem3A_60, %scan3A_111, %dma_start3A_403, %dma_start3A_404] : memref<2x8x50x64xf32, #tpu.memory_space<vmem>> -> memref<1x1x1x64xf32, #tpu.memory_space<vmem>>
          %dma_start3A_406 = tpu.memref_squeeze %dma_start3A_405 : memref<1x1x1x64xf32, #tpu.memory_space<vmem>> -> memref<1x64xf32, #tpu.memory_space<vmem>>
          %dma_start3A_407 = arith.constant 0 : i32
          %dma_start3A_408 = tpu.memref_slice %arg2[%squeeze3A_402, %dma_start3A_407] : memref<1000000x64xf32, #tpu.memory_space<hbm>> -> memref<1x64xf32, #tpu.memory_space<hbm>>
          %dma_start3A_409 = tpu.memref_slice %arg7[%rem3A_60] : memref<2x!tpu.dma_semaphore, #tpu.memory_space<semaphore_mem>> -> memref<1x!tpu.dma_semaphore, #tpu.memory_space<semaphore_mem>>
          %dma_start3A_410 = tpu.memref_squeeze %dma_start3A_409 : memref<1x!tpu.dma_semaphore, #tpu.memory_space<semaphore_mem>> -> memref<!tpu.dma_semaphore, #tpu.memory_space<semaphore_mem>>
          %dma_start3A_411 = arith.constant 17 : i32
          %dma_start3A_412 = arith.constant 0 : i32
          %dma_start3A_413 = tpu.memref_slice %arg6[%rem3A_60, %scan3A_111, %dma_start3A_411, %dma_start3A_412] : memref<2x8x50x64xf32, #tpu.memory_space<vmem>> -> memref<1x1x1x64xf32, #tpu.memory_space<vmem>>
          %dma_start3A_414 = tpu.memref_squeeze %dma_start3A_413 : memref<1x1x1x64xf32, #tpu.memory_space<vmem>> -> memref<1x64xf32, #tpu.memory_space<vmem>>
          %dma_start3A_415 = arith.constant 0 : i32
          %dma_start3A_416 = tpu.memref_slice %arg2[%squeeze3A_402, %dma_start3A_415] : memref<1000000x64xf32, #tpu.memory_space<hbm>> -> memref<1x64xf32, #tpu.memory_space<hbm>>
          tpu.enqueue_dma source(%dma_start3A_416 : memref<1x64xf32, #tpu.memory_space<hbm>>) target(%dma_start3A_414 : memref<1x64xf32, #tpu.memory_space<vmem>>) target_semaphore(%dma_start3A_410 : memref<!tpu.dma_semaphore, #tpu.memory_space<semaphore_mem>>)
          %slice3A_417 = vector.extract_strided_slice %get3A_384 {offsets = [2], sizes = [1], strides = [1]} : vector<16xi32> to vector<1xi32>
          %squeeze3A_418 = vector.extract %slice3A_417[0] : i32 from vector<1xi32>
          %dma_start3A_419 = arith.constant 18 : i32
          %dma_start3A_420 = arith.constant 0 : i32
          %dma_start3A_421 = tpu.memref_slice %arg6[%rem3A_60, %scan3A_111, %dma_start3A_419, %dma_start3A_420] : memref<2x8x50x64xf32, #tpu.memory_space<vmem>> -> memref<1x1x1x64xf32, #tpu.memory_space<vmem>>
          %dma_start3A_422 = tpu.memref_squeeze %dma_start3A_421 : memref<1x1x1x64xf32, #tpu.memory_space<vmem>> -> memref<1x64xf32, #tpu.memory_space<vmem>>
          %dma_start3A_423 = arith.constant 0 : i32
          %dma_start3A_424 = tpu.memref_slice %arg2[%squeeze3A_418, %dma_start3A_423] : memref<1000000x64xf32, #tpu.memory_space<hbm>> -> memref<1x64xf32, #tpu.memory_space<hbm>>
          %dma_start3A_425 = tpu.memref_slice %arg7[%rem3A_60] : memref<2x!tpu.dma_semaphore, #tpu.memory_space<semaphore_mem>> -> memref<1x!tpu.dma_semaphore, #tpu.memory_space<semaphore_mem>>
          %dma_start3A_426 = tpu.memref_squeeze %dma_start3A_425 : memref<1x!tpu.dma_semaphore, #tpu.memory_space<semaphore_mem>> -> memref<!tpu.dma_semaphore, #tpu.memory_space<semaphore_mem>>
          %dma_start3A_427 = arith.constant 18 : i32
          %dma_start3A_428 = arith.constant 0 : i32
          %dma_start3A_429 = tpu.memref_slice %arg6[%rem3A_60, %scan3A_111, %dma_start3A_427, %dma_start3A_428] : memref<2x8x50x64xf32, #tpu.memory_space<vmem>> -> memref<1x1x1x64xf32, #tpu.memory_space<vmem>>
          %dma_start3A_430 = tpu.memref_squeeze %dma_start3A_429 : memref<1x1x1x64xf32, #tpu.memory_space<vmem>> -> memref<1x64xf32, #tpu.memory_space<vmem>>
          %dma_start3A_431 = arith.constant 0 : i32
          %dma_start3A_432 = tpu.memref_slice %arg2[%squeeze3A_418, %dma_start3A_431] : memref<1000000x64xf32, #tpu.memory_space<hbm>> -> memref<1x64xf32, #tpu.memory_space<hbm>>
          tpu.enqueue_dma source(%dma_start3A_432 : memref<1x64xf32, #tpu.memory_space<hbm>>) target(%dma_start3A_430 : memref<1x64xf32, #tpu.memory_space<vmem>>) target_semaphore(%dma_start3A_426 : memref<!tpu.dma_semaphore, #tpu.memory_space<semaphore_mem>>)
          %slice3A_433 = vector.extract_strided_slice %get3A_384 {offsets = [3], sizes = [1], strides = [1]} : vector<16xi32> to vector<1xi32>
          %squeeze3A_434 = vector.extract %slice3A_433[0] : i32 from vector<1xi32>
          %dma_start3A_435 = arith.constant 19 : i32
          %dma_start3A_436 = arith.constant 0 : i32
          %dma_start3A_437 = tpu.memref_slice %arg6[%rem3A_60, %scan3A_111, %dma_start3A_435, %dma_start3A_436] : memref<2x8x50x64xf32, #tpu.memory_space<vmem>> -> memref<1x1x1x64xf32, #tpu.memory_space<vmem>>
          %dma_start3A_438 = tpu.memref_squeeze %dma_start3A_437 : memref<1x1x1x64xf32, #tpu.memory_space<vmem>> -> memref<1x64xf32, #tpu.memory_space<vmem>>
          %dma_start3A_439 = arith.constant 0 : i32
          %dma_start3A_440 = tpu.memref_slice %arg2[%squeeze3A_434, %dma_start3A_439] : memref<1000000x64xf32, #tpu.memory_space<hbm>> -> memref<1x64xf32, #tpu.memory_space<hbm>>
          %dma_start3A_441 = tpu.memref_slice %arg7[%rem3A_60] : memref<2x!tpu.dma_semaphore, #tpu.memory_space<semaphore_mem>> -> memref<1x!tpu.dma_semaphore, #tpu.memory_space<semaphore_mem>>
          %dma_start3A_442 = tpu.memref_squeeze %dma_start3A_441 : memref<1x!tpu.dma_semaphore, #tpu.memory_space<semaphore_mem>> -> memref<!tpu.dma_semaphore, #tpu.memory_space<semaphore_mem>>
          %dma_start3A_443 = arith.constant 19 : i32
          %dma_start3A_444 = arith.constant 0 : i32
          %dma_start3A_445 = tpu.memref_slice %arg6[%rem3A_60, %scan3A_111, %dma_start3A_443, %dma_start3A_444] : memref<2x8x50x64xf32, #tpu.memory_space<vmem>> -> memref<1x1x1x64xf32, #tpu.memory_space<vmem>>
          %dma_start3A_446 = tpu.memref_squeeze %dma_start3A_445 : memref<1x1x1x64xf32, #tpu.memory_space<vmem>> -> memref<1x64xf32, #tpu.memory_space<vmem>>
          %dma_start3A_447 = arith.constant 0 : i32
          %dma_start3A_448 = tpu.memref_slice %arg2[%squeeze3A_434, %dma_start3A_447] : memref<1000000x64xf32, #tpu.memory_space<hbm>> -> memref<1x64xf32, #tpu.memory_space<hbm>>
          tpu.enqueue_dma source(%dma_start3A_448 : memref<1x64xf32, #tpu.memory_space<hbm>>) target(%dma_start3A_446 : memref<1x64xf32, #tpu.memory_space<vmem>>) target_semaphore(%dma_start3A_442 : memref<!tpu.dma_semaphore, #tpu.memory_space<semaphore_mem>>)
          %slice3A_449 = vector.extract_strided_slice %get3A_384 {offsets = [4], sizes = [1], strides = [1]} : vector<16xi32> to vector<1xi32>
          %squeeze3A_450 = vector.extract %slice3A_449[0] : i32 from vector<1xi32>
          %dma_start3A_451 = arith.constant 20 : i32
          %dma_start3A_452 = arith.constant 0 : i32
          %dma_start3A_453 = tpu.memref_slice %arg6[%rem3A_60, %scan3A_111, %dma_start3A_451, %dma_start3A_452] : memref<2x8x50x64xf32, #tpu.memory_space<vmem>> -> memref<1x1x1x64xf32, #tpu.memory_space<vmem>>
          %dma_start3A_454 = tpu.memref_squeeze %dma_start3A_453 : memref<1x1x1x64xf32, #tpu.memory_space<vmem>> -> memref<1x64xf32, #tpu.memory_space<vmem>>
          %dma_start3A_455 = arith.constant 0 : i32
          %dma_start3A_456 = tpu.memref_slice %arg2[%squeeze3A_450, %dma_start3A_455] : memref<1000000x64xf32, #tpu.memory_space<hbm>> -> memref<1x64xf32, #tpu.memory_space<hbm>>
          %dma_start3A_457 = tpu.memref_slice %arg7[%rem3A_60] : memref<2x!tpu.dma_semaphore, #tpu.memory_space<semaphore_mem>> -> memref<1x!tpu.dma_semaphore, #tpu.memory_space<semaphore_mem>>
          %dma_start3A_458 = tpu.memref_squeeze %dma_start3A_457 : memref<1x!tpu.dma_semaphore, #tpu.memory_space<semaphore_mem>> -> memref<!tpu.dma_semaphore, #tpu.memory_space<semaphore_mem>>
          %dma_start3A_459 = arith.constant 20 : i32
          %dma_start3A_460 = arith.constant 0 : i32
          %dma_start3A_461 = tpu.memref_slice %arg6[%rem3A_60, %scan3A_111, %dma_start3A_459, %dma_start3A_460] : memref<2x8x50x64xf32, #tpu.memory_space<vmem>> -> memref<1x1x1x64xf32, #tpu.memory_space<vmem>>
          %dma_start3A_462 = tpu.memref_squeeze %dma_start3A_461 : memref<1x1x1x64xf32, #tpu.memory_space<vmem>> -> memref<1x64xf32, #tpu.memory_space<vmem>>
          %dma_start3A_463 = arith.constant 0 : i32
          %dma_start3A_464 = tpu.memref_slice %arg2[%squeeze3A_450, %dma_start3A_463] : memref<1000000x64xf32, #tpu.memory_space<hbm>> -> memref<1x64xf32, #tpu.memory_space<hbm>>
          tpu.enqueue_dma source(%dma_start3A_464 : memref<1x64xf32, #tpu.memory_space<hbm>>) target(%dma_start3A_462 : memref<1x64xf32, #tpu.memory_space<vmem>>) target_semaphore(%dma_start3A_458 : memref<!tpu.dma_semaphore, #tpu.memory_space<semaphore_mem>>)
          %slice3A_465 = vector.extract_strided_slice %get3A_384 {offsets = [5], sizes = [1], strides = [1]} : vector<16xi32> to vector<1xi32>
          %squeeze3A_466 = vector.extract %slice3A_465[0] : i32 from vector<1xi32>
          %dma_start3A_467 = arith.constant 21 : i32
          %dma_start3A_468 = arith.constant 0 : i32
          %dma_start3A_469 = tpu.memref_slice %arg6[%rem3A_60, %scan3A_111, %dma_start3A_467, %dma_start3A_468] : memref<2x8x50x64xf32, #tpu.memory_space<vmem>> -> memref<1x1x1x64xf32, #tpu.memory_space<vmem>>
          %dma_start3A_470 = tpu.memref_squeeze %dma_start3A_469 : memref<1x1x1x64xf32, #tpu.memory_space<vmem>> -> memref<1x64xf32, #tpu.memory_space<vmem>>
          %dma_start3A_471 = arith.constant 0 : i32
          %dma_start3A_472 = tpu.memref_slice %arg2[%squeeze3A_466, %dma_start3A_471] : memref<1000000x64xf32, #tpu.memory_space<hbm>> -> memref<1x64xf32, #tpu.memory_space<hbm>>
          %dma_start3A_473 = tpu.memref_slice %arg7[%rem3A_60] : memref<2x!tpu.dma_semaphore, #tpu.memory_space<semaphore_mem>> -> memref<1x!tpu.dma_semaphore, #tpu.memory_space<semaphore_mem>>
          %dma_start3A_474 = tpu.memref_squeeze %dma_start3A_473 : memref<1x!tpu.dma_semaphore, #tpu.memory_space<semaphore_mem>> -> memref<!tpu.dma_semaphore, #tpu.memory_space<semaphore_mem>>
          %dma_start3A_475 = arith.constant 21 : i32
          %dma_start3A_476 = arith.constant 0 : i32
          %dma_start3A_477 = tpu.memref_slice %arg6[%rem3A_60, %scan3A_111, %dma_start3A_475, %dma_start3A_476] : memref<2x8x50x64xf32, #tpu.memory_space<vmem>> -> memref<1x1x1x64xf32, #tpu.memory_space<vmem>>
          %dma_start3A_478 = tpu.memref_squeeze %dma_start3A_477 : memref<1x1x1x64xf32, #tpu.memory_space<vmem>> -> memref<1x64xf32, #tpu.memory_space<vmem>>
          %dma_start3A_479 = arith.constant 0 : i32
          %dma_start3A_480 = tpu.memref_slice %arg2[%squeeze3A_466, %dma_start3A_479] : memref<1000000x64xf32, #tpu.memory_space<hbm>> -> memref<1x64xf32, #tpu.memory_space<hbm>>
          tpu.enqueue_dma source(%dma_start3A_480 : memref<1x64xf32, #tpu.memory_space<hbm>>) target(%dma_start3A_478 : memref<1x64xf32, #tpu.memory_space<vmem>>) target_semaphore(%dma_start3A_474 : memref<!tpu.dma_semaphore, #tpu.memory_space<semaphore_mem>>)
          %slice3A_481 = vector.extract_strided_slice %get3A_384 {offsets = [6], sizes = [1], strides = [1]} : vector<16xi32> to vector<1xi32>
          %squeeze3A_482 = vector.extract %slice3A_481[0] : i32 from vector<1xi32>
          %dma_start3A_483 = arith.constant 22 : i32
          %dma_start3A_484 = arith.constant 0 : i32
          %dma_start3A_485 = tpu.memref_slice %arg6[%rem3A_60, %scan3A_111, %dma_start3A_483, %dma_start3A_484] : memref<2x8x50x64xf32, #tpu.memory_space<vmem>> -> memref<1x1x1x64xf32, #tpu.memory_space<vmem>>
          %dma_start3A_486 = tpu.memref_squeeze %dma_start3A_485 : memref<1x1x1x64xf32, #tpu.memory_space<vmem>> -> memref<1x64xf32, #tpu.memory_space<vmem>>
          %dma_start3A_487 = arith.constant 0 : i32
          %dma_start3A_488 = tpu.memref_slice %arg2[%squeeze3A_482, %dma_start3A_487] : memref<1000000x64xf32, #tpu.memory_space<hbm>> -> memref<1x64xf32, #tpu.memory_space<hbm>>
          %dma_start3A_489 = tpu.memref_slice %arg7[%rem3A_60] : memref<2x!tpu.dma_semaphore, #tpu.memory_space<semaphore_mem>> -> memref<1x!tpu.dma_semaphore, #tpu.memory_space<semaphore_mem>>
          %dma_start3A_490 = tpu.memref_squeeze %dma_start3A_489 : memref<1x!tpu.dma_semaphore, #tpu.memory_space<semaphore_mem>> -> memref<!tpu.dma_semaphore, #tpu.memory_space<semaphore_mem>>
          %dma_start3A_491 = arith.constant 22 : i32
          %dma_start3A_492 = arith.constant 0 : i32
          %dma_start3A_493 = tpu.memref_slice %arg6[%rem3A_60, %scan3A_111, %dma_start3A_491, %dma_start3A_492] : memref<2x8x50x64xf32, #tpu.memory_space<vmem>> -> memref<1x1x1x64xf32, #tpu.memory_space<vmem>>
          %dma_start3A_494 = tpu.memref_squeeze %dma_start3A_493 : memref<1x1x1x64xf32, #tpu.memory_space<vmem>> -> memref<1x64xf32, #tpu.memory_space<vmem>>
          %dma_start3A_495 = arith.constant 0 : i32
          %dma_start3A_496 = tpu.memref_slice %arg2[%squeeze3A_482, %dma_start3A_495] : memref<1000000x64xf32, #tpu.memory_space<hbm>> -> memref<1x64xf32, #tpu.memory_space<hbm>>
          tpu.enqueue_dma source(%dma_start3A_496 : memref<1x64xf32, #tpu.memory_space<hbm>>) target(%dma_start3A_494 : memref<1x64xf32, #tpu.memory_space<vmem>>) target_semaphore(%dma_start3A_490 : memref<!tpu.dma_semaphore, #tpu.memory_space<semaphore_mem>>)
          %slice3A_497 = vector.extract_strided_slice %get3A_384 {offsets = [7], sizes = [1], strides = [1]} : vector<16xi32> to vector<1xi32>
          %squeeze3A_498 = vector.extract %slice3A_497[0] : i32 from vector<1xi32>
          %dma_start3A_499 = arith.constant 23 : i32
          %dma_start3A_500 = arith.constant 0 : i32
          %dma_start3A_501 = tpu.memref_slice %arg6[%rem3A_60, %scan3A_111, %dma_start3A_499, %dma_start3A_500] : memref<2x8x50x64xf32, #tpu.memory_space<vmem>> -> memref<1x1x1x64xf32, #tpu.memory_space<vmem>>
          %dma_start3A_502 = tpu.memref_squeeze %dma_start3A_501 : memref<1x1x1x64xf32, #tpu.memory_space<vmem>> -> memref<1x64xf32, #tpu.memory_space<vmem>>
          %dma_start3A_503 = arith.constant 0 : i32
          %dma_start3A_504 = tpu.memref_slice %arg2[%squeeze3A_498, %dma_start3A_503] : memref<1000000x64xf32, #tpu.memory_space<hbm>> -> memref<1x64xf32, #tpu.memory_space<hbm>>
          %dma_start3A_505 = tpu.memref_slice %arg7[%rem3A_60] : memref<2x!tpu.dma_semaphore, #tpu.memory_space<semaphore_mem>> -> memref<1x!tpu.dma_semaphore, #tpu.memory_space<semaphore_mem>>
          %dma_start3A_506 = tpu.memref_squeeze %dma_start3A_505 : memref<1x!tpu.dma_semaphore, #tpu.memory_space<semaphore_mem>> -> memref<!tpu.dma_semaphore, #tpu.memory_space<semaphore_mem>>
          %dma_start3A_507 = arith.constant 23 : i32
          %dma_start3A_508 = arith.constant 0 : i32
          %dma_start3A_509 = tpu.memref_slice %arg6[%rem3A_60, %scan3A_111, %dma_start3A_507, %dma_start3A_508] : memref<2x8x50x64xf32, #tpu.memory_space<vmem>> -> memref<1x1x1x64xf32, #tpu.memory_space<vmem>>
          %dma_start3A_510 = tpu.memref_squeeze %dma_start3A_509 : memref<1x1x1x64xf32, #tpu.memory_space<vmem>> -> memref<1x64xf32, #tpu.memory_space<vmem>>
          %dma_start3A_511 = arith.constant 0 : i32
          %dma_start3A_512 = tpu.memref_slice %arg2[%squeeze3A_498, %dma_start3A_511] : memref<1000000x64xf32, #tpu.memory_space<hbm>> -> memref<1x64xf32, #tpu.memory_space<hbm>>
          tpu.enqueue_dma source(%dma_start3A_512 : memref<1x64xf32, #tpu.memory_space<hbm>>) target(%dma_start3A_510 : memref<1x64xf32, #tpu.memory_space<vmem>>) target_semaphore(%dma_start3A_506 : memref<!tpu.dma_semaphore, #tpu.memory_space<semaphore_mem>>)
          %slice3A_513 = vector.extract_strided_slice %get3A_384 {offsets = [8], sizes = [1], strides = [1]} : vector<16xi32> to vector<1xi32>
          %squeeze3A_514 = vector.extract %slice3A_513[0] : i32 from vector<1xi32>
          %dma_start3A_515 = arith.constant 24 : i32
          %dma_start3A_516 = arith.constant 0 : i32
          %dma_start3A_517 = tpu.memref_slice %arg6[%rem3A_60, %scan3A_111, %dma_start3A_515, %dma_start3A_516] : memref<2x8x50x64xf32, #tpu.memory_space<vmem>> -> memref<1x1x1x64xf32, #tpu.memory_space<vmem>>
          %dma_start3A_518 = tpu.memref_squeeze %dma_start3A_517 : memref<1x1x1x64xf32, #tpu.memory_space<vmem>> -> memref<1x64xf32, #tpu.memory_space<vmem>>
          %dma_start3A_519 = arith.constant 0 : i32
          %dma_start3A_520 = tpu.memref_slice %arg2[%squeeze3A_514, %dma_start3A_519] : memref<1000000x64xf32, #tpu.memory_space<hbm>> -> memref<1x64xf32, #tpu.memory_space<hbm>>
          %dma_start3A_521 = tpu.memref_slice %arg7[%rem3A_60] : memref<2x!tpu.dma_semaphore, #tpu.memory_space<semaphore_mem>> -> memref<1x!tpu.dma_semaphore, #tpu.memory_space<semaphore_mem>>
          %dma_start3A_522 = tpu.memref_squeeze %dma_start3A_521 : memref<1x!tpu.dma_semaphore, #tpu.memory_space<semaphore_mem>> -> memref<!tpu.dma_semaphore, #tpu.memory_space<semaphore_mem>>
          %dma_start3A_523 = arith.constant 24 : i32
          %dma_start3A_524 = arith.constant 0 : i32
          %dma_start3A_525 = tpu.memref_slice %arg6[%rem3A_60, %scan3A_111, %dma_start3A_523, %dma_start3A_524] : memref<2x8x50x64xf32, #tpu.memory_space<vmem>> -> memref<1x1x1x64xf32, #tpu.memory_space<vmem>>
          %dma_start3A_526 = tpu.memref_squeeze %dma_start3A_525 : memref<1x1x1x64xf32, #tpu.memory_space<vmem>> -> memref<1x64xf32, #tpu.memory_space<vmem>>
          %dma_start3A_527 = arith.constant 0 : i32
          %dma_start3A_528 = tpu.memref_slice %arg2[%squeeze3A_514, %dma_start3A_527] : memref<1000000x64xf32, #tpu.memory_space<hbm>> -> memref<1x64xf32, #tpu.memory_space<hbm>>
          tpu.enqueue_dma source(%dma_start3A_528 : memref<1x64xf32, #tpu.memory_space<hbm>>) target(%dma_start3A_526 : memref<1x64xf32, #tpu.memory_space<vmem>>) target_semaphore(%dma_start3A_522 : memref<!tpu.dma_semaphore, #tpu.memory_space<semaphore_mem>>)
          %slice3A_529 = vector.extract_strided_slice %get3A_384 {offsets = [9], sizes = [1], strides = [1]} : vector<16xi32> to vector<1xi32>
          %squeeze3A_530 = vector.extract %slice3A_529[0] : i32 from vector<1xi32>
          %dma_start3A_531 = arith.constant 25 : i32
          %dma_start3A_532 = arith.constant 0 : i32
          %dma_start3A_533 = tpu.memref_slice %arg6[%rem3A_60, %scan3A_111, %dma_start3A_531, %dma_start3A_532] : memref<2x8x50x64xf32, #tpu.memory_space<vmem>> -> memref<1x1x1x64xf32, #tpu.memory_space<vmem>>
          %dma_start3A_534 = tpu.memref_squeeze %dma_start3A_533 : memref<1x1x1x64xf32, #tpu.memory_space<vmem>> -> memref<1x64xf32, #tpu.memory_space<vmem>>
          %dma_start3A_535 = arith.constant 0 : i32
          %dma_start3A_536 = tpu.memref_slice %arg2[%squeeze3A_530, %dma_start3A_535] : memref<1000000x64xf32, #tpu.memory_space<hbm>> -> memref<1x64xf32, #tpu.memory_space<hbm>>
          %dma_start3A_537 = tpu.memref_slice %arg7[%rem3A_60] : memref<2x!tpu.dma_semaphore, #tpu.memory_space<semaphore_mem>> -> memref<1x!tpu.dma_semaphore, #tpu.memory_space<semaphore_mem>>
          %dma_start3A_538 = tpu.memref_squeeze %dma_start3A_537 : memref<1x!tpu.dma_semaphore, #tpu.memory_space<semaphore_mem>> -> memref<!tpu.dma_semaphore, #tpu.memory_space<semaphore_mem>>
          %dma_start3A_539 = arith.constant 25 : i32
          %dma_start3A_540 = arith.constant 0 : i32
          %dma_start3A_541 = tpu.memref_slice %arg6[%rem3A_60, %scan3A_111, %dma_start3A_539, %dma_start3A_540] : memref<2x8x50x64xf32, #tpu.memory_space<vmem>> -> memref<1x1x1x64xf32, #tpu.memory_space<vmem>>
          %dma_start3A_542 = tpu.memref_squeeze %dma_start3A_541 : memref<1x1x1x64xf32, #tpu.memory_space<vmem>> -> memref<1x64xf32, #tpu.memory_space<vmem>>
          %dma_start3A_543 = arith.constant 0 : i32
          %dma_start3A_544 = tpu.memref_slice %arg2[%squeeze3A_530, %dma_start3A_543] : memref<1000000x64xf32, #tpu.memory_space<hbm>> -> memref<1x64xf32, #tpu.memory_space<hbm>>
          tpu.enqueue_dma source(%dma_start3A_544 : memref<1x64xf32, #tpu.memory_space<hbm>>) target(%dma_start3A_542 : memref<1x64xf32, #tpu.memory_space<vmem>>) target_semaphore(%dma_start3A_538 : memref<!tpu.dma_semaphore, #tpu.memory_space<semaphore_mem>>)
          %slice3A_545 = vector.extract_strided_slice %get3A_384 {offsets = [10], sizes = [1], strides = [1]} : vector<16xi32> to vector<1xi32>
          %squeeze3A_546 = vector.extract %slice3A_545[0] : i32 from vector<1xi32>
          %dma_start3A_547 = arith.constant 26 : i32
          %dma_start3A_548 = arith.constant 0 : i32
          %dma_start3A_549 = tpu.memref_slice %arg6[%rem3A_60, %scan3A_111, %dma_start3A_547, %dma_start3A_548] : memref<2x8x50x64xf32, #tpu.memory_space<vmem>> -> memref<1x1x1x64xf32, #tpu.memory_space<vmem>>
          %dma_start3A_550 = tpu.memref_squeeze %dma_start3A_549 : memref<1x1x1x64xf32, #tpu.memory_space<vmem>> -> memref<1x64xf32, #tpu.memory_space<vmem>>
          %dma_start3A_551 = arith.constant 0 : i32
          %dma_start3A_552 = tpu.memref_slice %arg2[%squeeze3A_546, %dma_start3A_551] : memref<1000000x64xf32, #tpu.memory_space<hbm>> -> memref<1x64xf32, #tpu.memory_space<hbm>>
          %dma_start3A_553 = tpu.memref_slice %arg7[%rem3A_60] : memref<2x!tpu.dma_semaphore, #tpu.memory_space<semaphore_mem>> -> memref<1x!tpu.dma_semaphore, #tpu.memory_space<semaphore_mem>>
          %dma_start3A_554 = tpu.memref_squeeze %dma_start3A_553 : memref<1x!tpu.dma_semaphore, #tpu.memory_space<semaphore_mem>> -> memref<!tpu.dma_semaphore, #tpu.memory_space<semaphore_mem>>
          %dma_start3A_555 = arith.constant 26 : i32
          %dma_start3A_556 = arith.constant 0 : i32
          %dma_start3A_557 = tpu.memref_slice %arg6[%rem3A_60, %scan3A_111, %dma_start3A_555, %dma_start3A_556] : memref<2x8x50x64xf32, #tpu.memory_space<vmem>> -> memref<1x1x1x64xf32, #tpu.memory_space<vmem>>
          %dma_start3A_558 = tpu.memref_squeeze %dma_start3A_557 : memref<1x1x1x64xf32, #tpu.memory_space<vmem>> -> memref<1x64xf32, #tpu.memory_space<vmem>>
          %dma_start3A_559 = arith.constant 0 : i32
          %dma_start3A_560 = tpu.memref_slice %arg2[%squeeze3A_546, %dma_start3A_559] : memref<1000000x64xf32, #tpu.memory_space<hbm>> -> memref<1x64xf32, #tpu.memory_space<hbm>>
          tpu.enqueue_dma source(%dma_start3A_560 : memref<1x64xf32, #tpu.memory_space<hbm>>) target(%dma_start3A_558 : memref<1x64xf32, #tpu.memory_space<vmem>>) target_semaphore(%dma_start3A_554 : memref<!tpu.dma_semaphore, #tpu.memory_space<semaphore_mem>>)
          %slice3A_561 = vector.extract_strided_slice %get3A_384 {offsets = [11], sizes = [1], strides = [1]} : vector<16xi32> to vector<1xi32>
          %squeeze3A_562 = vector.extract %slice3A_561[0] : i32 from vector<1xi32>
          %dma_start3A_563 = arith.constant 27 : i32
          %dma_start3A_564 = arith.constant 0 : i32
          %dma_start3A_565 = tpu.memref_slice %arg6[%rem3A_60, %scan3A_111, %dma_start3A_563, %dma_start3A_564] : memref<2x8x50x64xf32, #tpu.memory_space<vmem>> -> memref<1x1x1x64xf32, #tpu.memory_space<vmem>>
          %dma_start3A_566 = tpu.memref_squeeze %dma_start3A_565 : memref<1x1x1x64xf32, #tpu.memory_space<vmem>> -> memref<1x64xf32, #tpu.memory_space<vmem>>
          %dma_start3A_567 = arith.constant 0 : i32
          %dma_start3A_568 = tpu.memref_slice %arg2[%squeeze3A_562, %dma_start3A_567] : memref<1000000x64xf32, #tpu.memory_space<hbm>> -> memref<1x64xf32, #tpu.memory_space<hbm>>
          %dma_start3A_569 = tpu.memref_slice %arg7[%rem3A_60] : memref<2x!tpu.dma_semaphore, #tpu.memory_space<semaphore_mem>> -> memref<1x!tpu.dma_semaphore, #tpu.memory_space<semaphore_mem>>
          %dma_start3A_570 = tpu.memref_squeeze %dma_start3A_569 : memref<1x!tpu.dma_semaphore, #tpu.memory_space<semaphore_mem>> -> memref<!tpu.dma_semaphore, #tpu.memory_space<semaphore_mem>>
          %dma_start3A_571 = arith.constant 27 : i32
          %dma_start3A_572 = arith.constant 0 : i32
          %dma_start3A_573 = tpu.memref_slice %arg6[%rem3A_60, %scan3A_111, %dma_start3A_571, %dma_start3A_572] : memref<2x8x50x64xf32, #tpu.memory_space<vmem>> -> memref<1x1x1x64xf32, #tpu.memory_space<vmem>>
          %dma_start3A_574 = tpu.memref_squeeze %dma_start3A_573 : memref<1x1x1x64xf32, #tpu.memory_space<vmem>> -> memref<1x64xf32, #tpu.memory_space<vmem>>
          %dma_start3A_575 = arith.constant 0 : i32
          %dma_start3A_576 = tpu.memref_slice %arg2[%squeeze3A_562, %dma_start3A_575] : memref<1000000x64xf32, #tpu.memory_space<hbm>> -> memref<1x64xf32, #tpu.memory_space<hbm>>
          tpu.enqueue_dma source(%dma_start3A_576 : memref<1x64xf32, #tpu.memory_space<hbm>>) target(%dma_start3A_574 : memref<1x64xf32, #tpu.memory_space<vmem>>) target_semaphore(%dma_start3A_570 : memref<!tpu.dma_semaphore, #tpu.memory_space<semaphore_mem>>)
          %slice3A_577 = vector.extract_strided_slice %get3A_384 {offsets = [12], sizes = [1], strides = [1]} : vector<16xi32> to vector<1xi32>
          %squeeze3A_578 = vector.extract %slice3A_577[0] : i32 from vector<1xi32>
          %dma_start3A_579 = arith.constant 28 : i32
          %dma_start3A_580 = arith.constant 0 : i32
          %dma_start3A_581 = tpu.memref_slice %arg6[%rem3A_60, %scan3A_111, %dma_start3A_579, %dma_start3A_580] : memref<2x8x50x64xf32, #tpu.memory_space<vmem>> -> memref<1x1x1x64xf32, #tpu.memory_space<vmem>>
          %dma_start3A_582 = tpu.memref_squeeze %dma_start3A_581 : memref<1x1x1x64xf32, #tpu.memory_space<vmem>> -> memref<1x64xf32, #tpu.memory_space<vmem>>
          %dma_start3A_583 = arith.constant 0 : i32
          %dma_start3A_584 = tpu.memref_slice %arg2[%squeeze3A_578, %dma_start3A_583] : memref<1000000x64xf32, #tpu.memory_space<hbm>> -> memref<1x64xf32, #tpu.memory_space<hbm>>
          %dma_start3A_585 = tpu.memref_slice %arg7[%rem3A_60] : memref<2x!tpu.dma_semaphore, #tpu.memory_space<semaphore_mem>> -> memref<1x!tpu.dma_semaphore, #tpu.memory_space<semaphore_mem>>
          %dma_start3A_586 = tpu.memref_squeeze %dma_start3A_585 : memref<1x!tpu.dma_semaphore, #tpu.memory_space<semaphore_mem>> -> memref<!tpu.dma_semaphore, #tpu.memory_space<semaphore_mem>>
          %dma_start3A_587 = arith.constant 28 : i32
          %dma_start3A_588 = arith.constant 0 : i32
          %dma_start3A_589 = tpu.memref_slice %arg6[%rem3A_60, %scan3A_111, %dma_start3A_587, %dma_start3A_588] : memref<2x8x50x64xf32, #tpu.memory_space<vmem>> -> memref<1x1x1x64xf32, #tpu.memory_space<vmem>>
          %dma_start3A_590 = tpu.memref_squeeze %dma_start3A_589 : memref<1x1x1x64xf32, #tpu.memory_space<vmem>> -> memref<1x64xf32, #tpu.memory_space<vmem>>
          %dma_start3A_591 = arith.constant 0 : i32
          %dma_start3A_592 = tpu.memref_slice %arg2[%squeeze3A_578, %dma_start3A_591] : memref<1000000x64xf32, #tpu.memory_space<hbm>> -> memref<1x64xf32, #tpu.memory_space<hbm>>
          tpu.enqueue_dma source(%dma_start3A_592 : memref<1x64xf32, #tpu.memory_space<hbm>>) target(%dma_start3A_590 : memref<1x64xf32, #tpu.memory_space<vmem>>) target_semaphore(%dma_start3A_586 : memref<!tpu.dma_semaphore, #tpu.memory_space<semaphore_mem>>)
          %slice3A_593 = vector.extract_strided_slice %get3A_384 {offsets = [13], sizes = [1], strides = [1]} : vector<16xi32> to vector<1xi32>
          %squeeze3A_594 = vector.extract %slice3A_593[0] : i32 from vector<1xi32>
          %dma_start3A_595 = arith.constant 29 : i32
          %dma_start3A_596 = arith.constant 0 : i32
          %dma_start3A_597 = tpu.memref_slice %arg6[%rem3A_60, %scan3A_111, %dma_start3A_595, %dma_start3A_596] : memref<2x8x50x64xf32, #tpu.memory_space<vmem>> -> memref<1x1x1x64xf32, #tpu.memory_space<vmem>>
          %dma_start3A_598 = tpu.memref_squeeze %dma_start3A_597 : memref<1x1x1x64xf32, #tpu.memory_space<vmem>> -> memref<1x64xf32, #tpu.memory_space<vmem>>
          %dma_start3A_599 = arith.constant 0 : i32
          %dma_start3A_600 = tpu.memref_slice %arg2[%squeeze3A_594, %dma_start3A_599] : memref<1000000x64xf32, #tpu.memory_space<hbm>> -> memref<1x64xf32, #tpu.memory_space<hbm>>
          %dma_start3A_601 = tpu.memref_slice %arg7[%rem3A_60] : memref<2x!tpu.dma_semaphore, #tpu.memory_space<semaphore_mem>> -> memref<1x!tpu.dma_semaphore, #tpu.memory_space<semaphore_mem>>
          %dma_start3A_602 = tpu.memref_squeeze %dma_start3A_601 : memref<1x!tpu.dma_semaphore, #tpu.memory_space<semaphore_mem>> -> memref<!tpu.dma_semaphore, #tpu.memory_space<semaphore_mem>>
          %dma_start3A_603 = arith.constant 29 : i32
          %dma_start3A_604 = arith.constant 0 : i32
          %dma_start3A_605 = tpu.memref_slice %arg6[%rem3A_60, %scan3A_111, %dma_start3A_603, %dma_start3A_604] : memref<2x8x50x64xf32, #tpu.memory_space<vmem>> -> memref<1x1x1x64xf32, #tpu.memory_space<vmem>>
          %dma_start3A_606 = tpu.memref_squeeze %dma_start3A_605 : memref<1x1x1x64xf32, #tpu.memory_space<vmem>> -> memref<1x64xf32, #tpu.memory_space<vmem>>
          %dma_start3A_607 = arith.constant 0 : i32
          %dma_start3A_608 = tpu.memref_slice %arg2[%squeeze3A_594, %dma_start3A_607] : memref<1000000x64xf32, #tpu.memory_space<hbm>> -> memref<1x64xf32, #tpu.memory_space<hbm>>
          tpu.enqueue_dma source(%dma_start3A_608 : memref<1x64xf32, #tpu.memory_space<hbm>>) target(%dma_start3A_606 : memref<1x64xf32, #tpu.memory_space<vmem>>) target_semaphore(%dma_start3A_602 : memref<!tpu.dma_semaphore, #tpu.memory_space<semaphore_mem>>)
          %slice3A_609 = vector.extract_strided_slice %get3A_384 {offsets = [14], sizes = [1], strides = [1]} : vector<16xi32> to vector<1xi32>
          %squeeze3A_610 = vector.extract %slice3A_609[0] : i32 from vector<1xi32>
          %dma_start3A_611 = arith.constant 30 : i32
          %dma_start3A_612 = arith.constant 0 : i32
          %dma_start3A_613 = tpu.memref_slice %arg6[%rem3A_60, %scan3A_111, %dma_start3A_611, %dma_start3A_612] : memref<2x8x50x64xf32, #tpu.memory_space<vmem>> -> memref<1x1x1x64xf32, #tpu.memory_space<vmem>>
          %dma_start3A_614 = tpu.memref_squeeze %dma_start3A_613 : memref<1x1x1x64xf32, #tpu.memory_space<vmem>> -> memref<1x64xf32, #tpu.memory_space<vmem>>
          %dma_start3A_615 = arith.constant 0 : i32
          %dma_start3A_616 = tpu.memref_slice %arg2[%squeeze3A_610, %dma_start3A_615] : memref<1000000x64xf32, #tpu.memory_space<hbm>> -> memref<1x64xf32, #tpu.memory_space<hbm>>
          %dma_start3A_617 = tpu.memref_slice %arg7[%rem3A_60] : memref<2x!tpu.dma_semaphore, #tpu.memory_space<semaphore_mem>> -> memref<1x!tpu.dma_semaphore, #tpu.memory_space<semaphore_mem>>
          %dma_start3A_618 = tpu.memref_squeeze %dma_start3A_617 : memref<1x!tpu.dma_semaphore, #tpu.memory_space<semaphore_mem>> -> memref<!tpu.dma_semaphore, #tpu.memory_space<semaphore_mem>>
          %dma_start3A_619 = arith.constant 30 : i32
          %dma_start3A_620 = arith.constant 0 : i32
          %dma_start3A_621 = tpu.memref_slice %arg6[%rem3A_60, %scan3A_111, %dma_start3A_619, %dma_start3A_620] : memref<2x8x50x64xf32, #tpu.memory_space<vmem>> -> memref<1x1x1x64xf32, #tpu.memory_space<vmem>>
          %dma_start3A_622 = tpu.memref_squeeze %dma_start3A_621 : memref<1x1x1x64xf32, #tpu.memory_space<vmem>> -> memref<1x64xf32, #tpu.memory_space<vmem>>
          %dma_start3A_623 = arith.constant 0 : i32
          %dma_start3A_624 = tpu.memref_slice %arg2[%squeeze3A_610, %dma_start3A_623] : memref<1000000x64xf32, #tpu.memory_space<hbm>> -> memref<1x64xf32, #tpu.memory_space<hbm>>
          tpu.enqueue_dma source(%dma_start3A_624 : memref<1x64xf32, #tpu.memory_space<hbm>>) target(%dma_start3A_622 : memref<1x64xf32, #tpu.memory_space<vmem>>) target_semaphore(%dma_start3A_618 : memref<!tpu.dma_semaphore, #tpu.memory_space<semaphore_mem>>)
          %slice3A_625 = vector.extract_strided_slice %get3A_384 {offsets = [15], sizes = [1], strides = [1]} : vector<16xi32> to vector<1xi32>
          %squeeze3A_626 = vector.extract %slice3A_625[0] : i32 from vector<1xi32>
          %dma_start3A_627 = arith.constant 31 : i32
          %dma_start3A_628 = arith.constant 0 : i32
          %dma_start3A_629 = tpu.memref_slice %arg6[%rem3A_60, %scan3A_111, %dma_start3A_627, %dma_start3A_628] : memref<2x8x50x64xf32, #tpu.memory_space<vmem>> -> memref<1x1x1x64xf32, #tpu.memory_space<vmem>>
          %dma_start3A_630 = tpu.memref_squeeze %dma_start3A_629 : memref<1x1x1x64xf32, #tpu.memory_space<vmem>> -> memref<1x64xf32, #tpu.memory_space<vmem>>
          %dma_start3A_631 = arith.constant 0 : i32
          %dma_start3A_632 = tpu.memref_slice %arg2[%squeeze3A_626, %dma_start3A_631] : memref<1000000x64xf32, #tpu.memory_space<hbm>> -> memref<1x64xf32, #tpu.memory_space<hbm>>
          %dma_start3A_633 = tpu.memref_slice %arg7[%rem3A_60] : memref<2x!tpu.dma_semaphore, #tpu.memory_space<semaphore_mem>> -> memref<1x!tpu.dma_semaphore, #tpu.memory_space<semaphore_mem>>
          %dma_start3A_634 = tpu.memref_squeeze %dma_start3A_633 : memref<1x!tpu.dma_semaphore, #tpu.memory_space<semaphore_mem>> -> memref<!tpu.dma_semaphore, #tpu.memory_space<semaphore_mem>>
          %dma_start3A_635 = arith.constant 31 : i32
          %dma_start3A_636 = arith.constant 0 : i32
          %dma_start3A_637 = tpu.memref_slice %arg6[%rem3A_60, %scan3A_111, %dma_start3A_635, %dma_start3A_636] : memref<2x8x50x64xf32, #tpu.memory_space<vmem>> -> memref<1x1x1x64xf32, #tpu.memory_space<vmem>>
          %dma_start3A_638 = tpu.memref_squeeze %dma_start3A_637 : memref<1x1x1x64xf32, #tpu.memory_space<vmem>> -> memref<1x64xf32, #tpu.memory_space<vmem>>
          %dma_start3A_639 = arith.constant 0 : i32
          %dma_start3A_640 = tpu.memref_slice %arg2[%squeeze3A_626, %dma_start3A_639] : memref<1000000x64xf32, #tpu.memory_space<hbm>> -> memref<1x64xf32, #tpu.memory_space<hbm>>
          tpu.enqueue_dma source(%dma_start3A_640 : memref<1x64xf32, #tpu.memory_space<hbm>>) target(%dma_start3A_638 : memref<1x64xf32, #tpu.memory_space<vmem>>) target_semaphore(%dma_start3A_634 : memref<!tpu.dma_semaphore, #tpu.memory_space<semaphore_mem>>)
          %mul3A_641 = arith.constant 8 : i32
          %mul3A_642 = arith.muli %add3A_58, %mul3A_641 : i32
          %add3A_643 = arith.addi %mul3A_642, %scan3A_111 : i32
          %mul3A_644 = arith.constant 64 : i32
          %mul3A_645 = arith.muli %add3A_643, %mul3A_644 : i32
          %add3A_646 = arith.constant 32 : i32
          %add3A_647 = arith.addi %mul3A_645, %add3A_646 : i32
          %get3A_648 = arith.index_cast %add3A_647 : i32 to index
          %get3A_649 = tpu.vector_load %arg5[%get3A_648] {strides = array<i32>} : memref<8192xi32, #tpu.memory_space<vmem>>, vector<16xi32>,
          %get3A_650 = vector.shape_cast %get3A_649 : vector<16xi32> to vector<16xi32>
          %slice3A_651 = vector.extract_strided_slice %get3A_650 {offsets = [0], sizes = [1], strides = [1]} : vector<16xi32> to vector<1xi32>
          %squeeze3A_652 = vector.extract %slice3A_651[0] : i32 from vector<1xi32>
          %dma_start3A_653 = arith.constant 32 : i32
          %dma_start3A_654 = arith.constant 0 : i32
          %dma_start3A_655 = tpu.memref_slice %arg6[%rem3A_60, %scan3A_111, %dma_start3A_653, %dma_start3A_654] : memref<2x8x50x64xf32, #tpu.memory_space<vmem>> -> memref<1x1x1x64xf32, #tpu.memory_space<vmem>>
          %dma_start3A_656 = tpu.memref_squeeze %dma_start3A_655 : memref<1x1x1x64xf32, #tpu.memory_space<vmem>> -> memref<1x64xf32, #tpu.memory_space<vmem>>
          %dma_start3A_657 = arith.constant 0 : i32
          %dma_start3A_658 = tpu.memref_slice %arg2[%squeeze3A_652, %dma_start3A_657] : memref<1000000x64xf32, #tpu.memory_space<hbm>> -> memref<1x64xf32, #tpu.memory_space<hbm>>
          %dma_start3A_659 = tpu.memref_slice %arg7[%rem3A_60] : memref<2x!tpu.dma_semaphore, #tpu.memory_space<semaphore_mem>> -> memref<1x!tpu.dma_semaphore, #tpu.memory_space<semaphore_mem>>
          %dma_start3A_660 = tpu.memref_squeeze %dma_start3A_659 : memref<1x!tpu.dma_semaphore, #tpu.memory_space<semaphore_mem>> -> memref<!tpu.dma_semaphore, #tpu.memory_space<semaphore_mem>>
          %dma_start3A_661 = arith.constant 32 : i32
          %dma_start3A_662 = arith.constant 0 : i32
          %dma_start3A_663 = tpu.memref_slice %arg6[%rem3A_60, %scan3A_111, %dma_start3A_661, %dma_start3A_662] : memref<2x8x50x64xf32, #tpu.memory_space<vmem>> -> memref<1x1x1x64xf32, #tpu.memory_space<vmem>>
          %dma_start3A_664 = tpu.memref_squeeze %dma_start3A_663 : memref<1x1x1x64xf32, #tpu.memory_space<vmem>> -> memref<1x64xf32, #tpu.memory_space<vmem>>
          %dma_start3A_665 = arith.constant 0 : i32
          %dma_start3A_666 = tpu.memref_slice %arg2[%squeeze3A_652, %dma_start3A_665] : memref<1000000x64xf32, #tpu.memory_space<hbm>> -> memref<1x64xf32, #tpu.memory_space<hbm>>
          tpu.enqueue_dma source(%dma_start3A_666 : memref<1x64xf32, #tpu.memory_space<hbm>>) target(%dma_start3A_664 : memref<1x64xf32, #tpu.memory_space<vmem>>) target_semaphore(%dma_start3A_660 : memref<!tpu.dma_semaphore, #tpu.memory_space<semaphore_mem>>)
          %slice3A_667 = vector.extract_strided_slice %get3A_650 {offsets = [1], sizes = [1], strides = [1]} : vector<16xi32> to vector<1xi32>
          %squeeze3A_668 = vector.extract %slice3A_667[0] : i32 from vector<1xi32>
          %dma_start3A_669 = arith.constant 33 : i32
          %dma_start3A_670 = arith.constant 0 : i32
          %dma_start3A_671 = tpu.memref_slice %arg6[%rem3A_60, %scan3A_111, %dma_start3A_669, %dma_start3A_670] : memref<2x8x50x64xf32, #tpu.memory_space<vmem>> -> memref<1x1x1x64xf32, #tpu.memory_space<vmem>>
          %dma_start3A_672 = tpu.memref_squeeze %dma_start3A_671 : memref<1x1x1x64xf32, #tpu.memory_space<vmem>> -> memref<1x64xf32, #tpu.memory_space<vmem>>
          %dma_start3A_673 = arith.constant 0 : i32
          %dma_start3A_674 = tpu.memref_slice %arg2[%squeeze3A_668, %dma_start3A_673] : memref<1000000x64xf32, #tpu.memory_space<hbm>> -> memref<1x64xf32, #tpu.memory_space<hbm>>
          %dma_start3A_675 = tpu.memref_slice %arg7[%rem3A_60] : memref<2x!tpu.dma_semaphore, #tpu.memory_space<semaphore_mem>> -> memref<1x!tpu.dma_semaphore, #tpu.memory_space<semaphore_mem>>
          %dma_start3A_676 = tpu.memref_squeeze %dma_start3A_675 : memref<1x!tpu.dma_semaphore, #tpu.memory_space<semaphore_mem>> -> memref<!tpu.dma_semaphore, #tpu.memory_space<semaphore_mem>>
          %dma_start3A_677 = arith.constant 33 : i32
          %dma_start3A_678 = arith.constant 0 : i32
          %dma_start3A_679 = tpu.memref_slice %arg6[%rem3A_60, %scan3A_111, %dma_start3A_677, %dma_start3A_678] : memref<2x8x50x64xf32, #tpu.memory_space<vmem>> -> memref<1x1x1x64xf32, #tpu.memory_space<vmem>>
          %dma_start3A_680 = tpu.memref_squeeze %dma_start3A_679 : memref<1x1x1x64xf32, #tpu.memory_space<vmem>> -> memref<1x64xf32, #tpu.memory_space<vmem>>
          %dma_start3A_681 = arith.constant 0 : i32
          %dma_start3A_682 = tpu.memref_slice %arg2[%squeeze3A_668, %dma_start3A_681] : memref<1000000x64xf32, #tpu.memory_space<hbm>> -> memref<1x64xf32, #tpu.memory_space<hbm>>
          tpu.enqueue_dma source(%dma_start3A_682 : memref<1x64xf32, #tpu.memory_space<hbm>>) target(%dma_start3A_680 : memref<1x64xf32, #tpu.memory_space<vmem>>) target_semaphore(%dma_start3A_676 : memref<!tpu.dma_semaphore, #tpu.memory_space<semaphore_mem>>)
          %slice3A_683 = vector.extract_strided_slice %get3A_650 {offsets = [2], sizes = [1], strides = [1]} : vector<16xi32> to vector<1xi32>
          %squeeze3A_684 = vector.extract %slice3A_683[0] : i32 from vector<1xi32>
          %dma_start3A_685 = arith.constant 34 : i32
          %dma_start3A_686 = arith.constant 0 : i32
          %dma_start3A_687 = tpu.memref_slice %arg6[%rem3A_60, %scan3A_111, %dma_start3A_685, %dma_start3A_686] : memref<2x8x50x64xf32, #tpu.memory_space<vmem>> -> memref<1x1x1x64xf32, #tpu.memory_space<vmem>>
          %dma_start3A_688 = tpu.memref_squeeze %dma_start3A_687 : memref<1x1x1x64xf32, #tpu.memory_space<vmem>> -> memref<1x64xf32, #tpu.memory_space<vmem>>
          %dma_start3A_689 = arith.constant 0 : i32
          %dma_start3A_690 = tpu.memref_slice %arg2[%squeeze3A_684, %dma_start3A_689] : memref<1000000x64xf32, #tpu.memory_space<hbm>> -> memref<1x64xf32, #tpu.memory_space<hbm>>
          %dma_start3A_691 = tpu.memref_slice %arg7[%rem3A_60] : memref<2x!tpu.dma_semaphore, #tpu.memory_space<semaphore_mem>> -> memref<1x!tpu.dma_semaphore, #tpu.memory_space<semaphore_mem>>
          %dma_start3A_692 = tpu.memref_squeeze %dma_start3A_691 : memref<1x!tpu.dma_semaphore, #tpu.memory_space<semaphore_mem>> -> memref<!tpu.dma_semaphore, #tpu.memory_space<semaphore_mem>>
          %dma_start3A_693 = arith.constant 34 : i32
          %dma_start3A_694 = arith.constant 0 : i32
          %dma_start3A_695 = tpu.memref_slice %arg6[%rem3A_60, %scan3A_111, %dma_start3A_693, %dma_start3A_694] : memref<2x8x50x64xf32, #tpu.memory_space<vmem>> -> memref<1x1x1x64xf32, #tpu.memory_space<vmem>>
          %dma_start3A_696 = tpu.memref_squeeze %dma_start3A_695 : memref<1x1x1x64xf32, #tpu.memory_space<vmem>> -> memref<1x64xf32, #tpu.memory_space<vmem>>
          %dma_start3A_697 = arith.constant 0 : i32
          %dma_start3A_698 = tpu.memref_slice %arg2[%squeeze3A_684, %dma_start3A_697] : memref<1000000x64xf32, #tpu.memory_space<hbm>> -> memref<1x64xf32, #tpu.memory_space<hbm>>
          tpu.enqueue_dma source(%dma_start3A_698 : memref<1x64xf32, #tpu.memory_space<hbm>>) target(%dma_start3A_696 : memref<1x64xf32, #tpu.memory_space<vmem>>) target_semaphore(%dma_start3A_692 : memref<!tpu.dma_semaphore, #tpu.memory_space<semaphore_mem>>)
          %slice3A_699 = vector.extract_strided_slice %get3A_650 {offsets = [3], sizes = [1], strides = [1]} : vector<16xi32> to vector<1xi32>
          %squeeze3A_700 = vector.extract %slice3A_699[0] : i32 from vector<1xi32>
          %dma_start3A_701 = arith.constant 35 : i32
          %dma_start3A_702 = arith.constant 0 : i32
          %dma_start3A_703 = tpu.memref_slice %arg6[%rem3A_60, %scan3A_111, %dma_start3A_701, %dma_start3A_702] : memref<2x8x50x64xf32, #tpu.memory_space<vmem>> -> memref<1x1x1x64xf32, #tpu.memory_space<vmem>>
          %dma_start3A_704 = tpu.memref_squeeze %dma_start3A_703 : memref<1x1x1x64xf32, #tpu.memory_space<vmem>> -> memref<1x64xf32, #tpu.memory_space<vmem>>
          %dma_start3A_705 = arith.constant 0 : i32
          %dma_start3A_706 = tpu.memref_slice %arg2[%squeeze3A_700, %dma_start3A_705] : memref<1000000x64xf32, #tpu.memory_space<hbm>> -> memref<1x64xf32, #tpu.memory_space<hbm>>
          %dma_start3A_707 = tpu.memref_slice %arg7[%rem3A_60] : memref<2x!tpu.dma_semaphore, #tpu.memory_space<semaphore_mem>> -> memref<1x!tpu.dma_semaphore, #tpu.memory_space<semaphore_mem>>
          %dma_start3A_708 = tpu.memref_squeeze %dma_start3A_707 : memref<1x!tpu.dma_semaphore, #tpu.memory_space<semaphore_mem>> -> memref<!tpu.dma_semaphore, #tpu.memory_space<semaphore_mem>>
          %dma_start3A_709 = arith.constant 35 : i32
          %dma_start3A_710 = arith.constant 0 : i32
          %dma_start3A_711 = tpu.memref_slice %arg6[%rem3A_60, %scan3A_111, %dma_start3A_709, %dma_start3A_710] : memref<2x8x50x64xf32, #tpu.memory_space<vmem>> -> memref<1x1x1x64xf32, #tpu.memory_space<vmem>>
          %dma_start3A_712 = tpu.memref_squeeze %dma_start3A_711 : memref<1x1x1x64xf32, #tpu.memory_space<vmem>> -> memref<1x64xf32, #tpu.memory_space<vmem>>
          %dma_start3A_713 = arith.constant 0 : i32
          %dma_start3A_714 = tpu.memref_slice %arg2[%squeeze3A_700, %dma_start3A_713] : memref<1000000x64xf32, #tpu.memory_space<hbm>> -> memref<1x64xf32, #tpu.memory_space<hbm>>
          tpu.enqueue_dma source(%dma_start3A_714 : memref<1x64xf32, #tpu.memory_space<hbm>>) target(%dma_start3A_712 : memref<1x64xf32, #tpu.memory_space<vmem>>) target_semaphore(%dma_start3A_708 : memref<!tpu.dma_semaphore, #tpu.memory_space<semaphore_mem>>)
          %slice3A_715 = vector.extract_strided_slice %get3A_650 {offsets = [4], sizes = [1], strides = [1]} : vector<16xi32> to vector<1xi32>
          %squeeze3A_716 = vector.extract %slice3A_715[0] : i32 from vector<1xi32>
          %dma_start3A_717 = arith.constant 36 : i32
          %dma_start3A_718 = arith.constant 0 : i32
          %dma_start3A_719 = tpu.memref_slice %arg6[%rem3A_60, %scan3A_111, %dma_start3A_717, %dma_start3A_718] : memref<2x8x50x64xf32, #tpu.memory_space<vmem>> -> memref<1x1x1x64xf32, #tpu.memory_space<vmem>>
          %dma_start3A_720 = tpu.memref_squeeze %dma_start3A_719 : memref<1x1x1x64xf32, #tpu.memory_space<vmem>> -> memref<1x64xf32, #tpu.memory_space<vmem>>
          %dma_start3A_721 = arith.constant 0 : i32
          %dma_start3A_722 = tpu.memref_slice %arg2[%squeeze3A_716, %dma_start3A_721] : memref<1000000x64xf32, #tpu.memory_space<hbm>> -> memref<1x64xf32, #tpu.memory_space<hbm>>
          %dma_start3A_723 = tpu.memref_slice %arg7[%rem3A_60] : memref<2x!tpu.dma_semaphore, #tpu.memory_space<semaphore_mem>> -> memref<1x!tpu.dma_semaphore, #tpu.memory_space<semaphore_mem>>
          %dma_start3A_724 = tpu.memref_squeeze %dma_start3A_723 : memref<1x!tpu.dma_semaphore, #tpu.memory_space<semaphore_mem>> -> memref<!tpu.dma_semaphore, #tpu.memory_space<semaphore_mem>>
          %dma_start3A_725 = arith.constant 36 : i32
          %dma_start3A_726 = arith.constant 0 : i32
          %dma_start3A_727 = tpu.memref_slice %arg6[%rem3A_60, %scan3A_111, %dma_start3A_725, %dma_start3A_726] : memref<2x8x50x64xf32, #tpu.memory_space<vmem>> -> memref<1x1x1x64xf32, #tpu.memory_space<vmem>>
          %dma_start3A_728 = tpu.memref_squeeze %dma_start3A_727 : memref<1x1x1x64xf32, #tpu.memory_space<vmem>> -> memref<1x64xf32, #tpu.memory_space<vmem>>
          %dma_start3A_729 = arith.constant 0 : i32
          %dma_start3A_730 = tpu.memref_slice %arg2[%squeeze3A_716, %dma_start3A_729] : memref<1000000x64xf32, #tpu.memory_space<hbm>> -> memref<1x64xf32, #tpu.memory_space<hbm>>
          tpu.enqueue_dma source(%dma_start3A_730 : memref<1x64xf32, #tpu.memory_space<hbm>>) target(%dma_start3A_728 : memref<1x64xf32, #tpu.memory_space<vmem>>) target_semaphore(%dma_start3A_724 : memref<!tpu.dma_semaphore, #tpu.memory_space<semaphore_mem>>)
          %slice3A_731 = vector.extract_strided_slice %get3A_650 {offsets = [5], sizes = [1], strides = [1]} : vector<16xi32> to vector<1xi32>
          %squeeze3A_732 = vector.extract %slice3A_731[0] : i32 from vector<1xi32>
          %dma_start3A_733 = arith.constant 37 : i32
          %dma_start3A_734 = arith.constant 0 : i32
          %dma_start3A_735 = tpu.memref_slice %arg6[%rem3A_60, %scan3A_111, %dma_start3A_733, %dma_start3A_734] : memref<2x8x50x64xf32, #tpu.memory_space<vmem>> -> memref<1x1x1x64xf32, #tpu.memory_space<vmem>>
          %dma_start3A_736 = tpu.memref_squeeze %dma_start3A_735 : memref<1x1x1x64xf32, #tpu.memory_space<vmem>> -> memref<1x64xf32, #tpu.memory_space<vmem>>
          %dma_start3A_737 = arith.constant 0 : i32
          %dma_start3A_738 = tpu.memref_slice %arg2[%squeeze3A_732, %dma_start3A_737] : memref<1000000x64xf32, #tpu.memory_space<hbm>> -> memref<1x64xf32, #tpu.memory_space<hbm>>
          %dma_start3A_739 = tpu.memref_slice %arg7[%rem3A_60] : memref<2x!tpu.dma_semaphore, #tpu.memory_space<semaphore_mem>> -> memref<1x!tpu.dma_semaphore, #tpu.memory_space<semaphore_mem>>
          %dma_start3A_740 = tpu.memref_squeeze %dma_start3A_739 : memref<1x!tpu.dma_semaphore, #tpu.memory_space<semaphore_mem>> -> memref<!tpu.dma_semaphore, #tpu.memory_space<semaphore_mem>>
          %dma_start3A_741 = arith.constant 37 : i32
          %dma_start3A_742 = arith.constant 0 : i32
          %dma_start3A_743 = tpu.memref_slice %arg6[%rem3A_60, %scan3A_111, %dma_start3A_741, %dma_start3A_742] : memref<2x8x50x64xf32, #tpu.memory_space<vmem>> -> memref<1x1x1x64xf32, #tpu.memory_space<vmem>>
          %dma_start3A_744 = tpu.memref_squeeze %dma_start3A_743 : memref<1x1x1x64xf32, #tpu.memory_space<vmem>> -> memref<1x64xf32, #tpu.memory_space<vmem>>
          %dma_start3A_745 = arith.constant 0 : i32
          %dma_start3A_746 = tpu.memref_slice %arg2[%squeeze3A_732, %dma_start3A_745] : memref<1000000x64xf32, #tpu.memory_space<hbm>> -> memref<1x64xf32, #tpu.memory_space<hbm>>
          tpu.enqueue_dma source(%dma_start3A_746 : memref<1x64xf32, #tpu.memory_space<hbm>>) target(%dma_start3A_744 : memref<1x64xf32, #tpu.memory_space<vmem>>) target_semaphore(%dma_start3A_740 : memref<!tpu.dma_semaphore, #tpu.memory_space<semaphore_mem>>)
          %slice3A_747 = vector.extract_strided_slice %get3A_650 {offsets = [6], sizes = [1], strides = [1]} : vector<16xi32> to vector<1xi32>
          %squeeze3A_748 = vector.extract %slice3A_747[0] : i32 from vector<1xi32>
          %dma_start3A_749 = arith.constant 38 : i32
          %dma_start3A_750 = arith.constant 0 : i32
          %dma_start3A_751 = tpu.memref_slice %arg6[%rem3A_60, %scan3A_111, %dma_start3A_749, %dma_start3A_750] : memref<2x8x50x64xf32, #tpu.memory_space<vmem>> -> memref<1x1x1x64xf32, #tpu.memory_space<vmem>>
          %dma_start3A_752 = tpu.memref_squeeze %dma_start3A_751 : memref<1x1x1x64xf32, #tpu.memory_space<vmem>> -> memref<1x64xf32, #tpu.memory_space<vmem>>
          %dma_start3A_753 = arith.constant 0 : i32
          %dma_start3A_754 = tpu.memref_slice %arg2[%squeeze3A_748, %dma_start3A_753] : memref<1000000x64xf32, #tpu.memory_space<hbm>> -> memref<1x64xf32, #tpu.memory_space<hbm>>
          %dma_start3A_755 = tpu.memref_slice %arg7[%rem3A_60] : memref<2x!tpu.dma_semaphore, #tpu.memory_space<semaphore_mem>> -> memref<1x!tpu.dma_semaphore, #tpu.memory_space<semaphore_mem>>
          %dma_start3A_756 = tpu.memref_squeeze %dma_start3A_755 : memref<1x!tpu.dma_semaphore, #tpu.memory_space<semaphore_mem>> -> memref<!tpu.dma_semaphore, #tpu.memory_space<semaphore_mem>>
          %dma_start3A_757 = arith.constant 38 : i32
          %dma_start3A_758 = arith.constant 0 : i32
          %dma_start3A_759 = tpu.memref_slice %arg6[%rem3A_60, %scan3A_111, %dma_start3A_757, %dma_start3A_758] : memref<2x8x50x64xf32, #tpu.memory_space<vmem>> -> memref<1x1x1x64xf32, #tpu.memory_space<vmem>>
          %dma_start3A_760 = tpu.memref_squeeze %dma_start3A_759 : memref<1x1x1x64xf32, #tpu.memory_space<vmem>> -> memref<1x64xf32, #tpu.memory_space<vmem>>
          %dma_start3A_761 = arith.constant 0 : i32
          %dma_start3A_762 = tpu.memref_slice %arg2[%squeeze3A_748, %dma_start3A_761] : memref<1000000x64xf32, #tpu.memory_space<hbm>> -> memref<1x64xf32, #tpu.memory_space<hbm>>
          tpu.enqueue_dma source(%dma_start3A_762 : memref<1x64xf32, #tpu.memory_space<hbm>>) target(%dma_start3A_760 : memref<1x64xf32, #tpu.memory_space<vmem>>) target_semaphore(%dma_start3A_756 : memref<!tpu.dma_semaphore, #tpu.memory_space<semaphore_mem>>)
          %slice3A_763 = vector.extract_strided_slice %get3A_650 {offsets = [7], sizes = [1], strides = [1]} : vector<16xi32> to vector<1xi32>
          %squeeze3A_764 = vector.extract %slice3A_763[0] : i32 from vector<1xi32>
          %dma_start3A_765 = arith.constant 39 : i32
          %dma_start3A_766 = arith.constant 0 : i32
          %dma_start3A_767 = tpu.memref_slice %arg6[%rem3A_60, %scan3A_111, %dma_start3A_765, %dma_start3A_766] : memref<2x8x50x64xf32, #tpu.memory_space<vmem>> -> memref<1x1x1x64xf32, #tpu.memory_space<vmem>>
          %dma_start3A_768 = tpu.memref_squeeze %dma_start3A_767 : memref<1x1x1x64xf32, #tpu.memory_space<vmem>> -> memref<1x64xf32, #tpu.memory_space<vmem>>
          %dma_start3A_769 = arith.constant 0 : i32
          %dma_start3A_770 = tpu.memref_slice %arg2[%squeeze3A_764, %dma_start3A_769] : memref<1000000x64xf32, #tpu.memory_space<hbm>> -> memref<1x64xf32, #tpu.memory_space<hbm>>
          %dma_start3A_771 = tpu.memref_slice %arg7[%rem3A_60] : memref<2x!tpu.dma_semaphore, #tpu.memory_space<semaphore_mem>> -> memref<1x!tpu.dma_semaphore, #tpu.memory_space<semaphore_mem>>
          %dma_start3A_772 = tpu.memref_squeeze %dma_start3A_771 : memref<1x!tpu.dma_semaphore, #tpu.memory_space<semaphore_mem>> -> memref<!tpu.dma_semaphore, #tpu.memory_space<semaphore_mem>>
          %dma_start3A_773 = arith.constant 39 : i32
          %dma_start3A_774 = arith.constant 0 : i32
          %dma_start3A_775 = tpu.memref_slice %arg6[%rem3A_60, %scan3A_111, %dma_start3A_773, %dma_start3A_774] : memref<2x8x50x64xf32, #tpu.memory_space<vmem>> -> memref<1x1x1x64xf32, #tpu.memory_space<vmem>>
          %dma_start3A_776 = tpu.memref_squeeze %dma_start3A_775 : memref<1x1x1x64xf32, #tpu.memory_space<vmem>> -> memref<1x64xf32, #tpu.memory_space<vmem>>
          %dma_start3A_777 = arith.constant 0 : i32
          %dma_start3A_778 = tpu.memref_slice %arg2[%squeeze3A_764, %dma_start3A_777] : memref<1000000x64xf32, #tpu.memory_space<hbm>> -> memref<1x64xf32, #tpu.memory_space<hbm>>
          tpu.enqueue_dma source(%dma_start3A_778 : memref<1x64xf32, #tpu.memory_space<hbm>>) target(%dma_start3A_776 : memref<1x64xf32, #tpu.memory_space<vmem>>) target_semaphore(%dma_start3A_772 : memref<!tpu.dma_semaphore, #tpu.memory_space<semaphore_mem>>)
          %slice3A_779 = vector.extract_strided_slice %get3A_650 {offsets = [8], sizes = [1], strides = [1]} : vector<16xi32> to vector<1xi32>
          %squeeze3A_780 = vector.extract %slice3A_779[0] : i32 from vector<1xi32>
          %dma_start3A_781 = arith.constant 40 : i32
          %dma_start3A_782 = arith.constant 0 : i32
          %dma_start3A_783 = tpu.memref_slice %arg6[%rem3A_60, %scan3A_111, %dma_start3A_781, %dma_start3A_782] : memref<2x8x50x64xf32, #tpu.memory_space<vmem>> -> memref<1x1x1x64xf32, #tpu.memory_space<vmem>>
          %dma_start3A_784 = tpu.memref_squeeze %dma_start3A_783 : memref<1x1x1x64xf32, #tpu.memory_space<vmem>> -> memref<1x64xf32, #tpu.memory_space<vmem>>
          %dma_start3A_785 = arith.constant 0 : i32
          %dma_start3A_786 = tpu.memref_slice %arg2[%squeeze3A_780, %dma_start3A_785] : memref<1000000x64xf32, #tpu.memory_space<hbm>> -> memref<1x64xf32, #tpu.memory_space<hbm>>
          %dma_start3A_787 = tpu.memref_slice %arg7[%rem3A_60] : memref<2x!tpu.dma_semaphore, #tpu.memory_space<semaphore_mem>> -> memref<1x!tpu.dma_semaphore, #tpu.memory_space<semaphore_mem>>
          %dma_start3A_788 = tpu.memref_squeeze %dma_start3A_787 : memref<1x!tpu.dma_semaphore, #tpu.memory_space<semaphore_mem>> -> memref<!tpu.dma_semaphore, #tpu.memory_space<semaphore_mem>>
          %dma_start3A_789 = arith.constant 40 : i32
          %dma_start3A_790 = arith.constant 0 : i32
          %dma_start3A_791 = tpu.memref_slice %arg6[%rem3A_60, %scan3A_111, %dma_start3A_789, %dma_start3A_790] : memref<2x8x50x64xf32, #tpu.memory_space<vmem>> -> memref<1x1x1x64xf32, #tpu.memory_space<vmem>>
          %dma_start3A_792 = tpu.memref_squeeze %dma_start3A_791 : memref<1x1x1x64xf32, #tpu.memory_space<vmem>> -> memref<1x64xf32, #tpu.memory_space<vmem>>
          %dma_start3A_793 = arith.constant 0 : i32
          %dma_start3A_794 = tpu.memref_slice %arg2[%squeeze3A_780, %dma_start3A_793] : memref<1000000x64xf32, #tpu.memory_space<hbm>> -> memref<1x64xf32, #tpu.memory_space<hbm>>
          tpu.enqueue_dma source(%dma_start3A_794 : memref<1x64xf32, #tpu.memory_space<hbm>>) target(%dma_start3A_792 : memref<1x64xf32, #tpu.memory_space<vmem>>) target_semaphore(%dma_start3A_788 : memref<!tpu.dma_semaphore, #tpu.memory_space<semaphore_mem>>)
          %slice3A_795 = vector.extract_strided_slice %get3A_650 {offsets = [9], sizes = [1], strides = [1]} : vector<16xi32> to vector<1xi32>
          %squeeze3A_796 = vector.extract %slice3A_795[0] : i32 from vector<1xi32>
          %dma_start3A_797 = arith.constant 41 : i32
          %dma_start3A_798 = arith.constant 0 : i32
          %dma_start3A_799 = tpu.memref_slice %arg6[%rem3A_60, %scan3A_111, %dma_start3A_797, %dma_start3A_798] : memref<2x8x50x64xf32, #tpu.memory_space<vmem>> -> memref<1x1x1x64xf32, #tpu.memory_space<vmem>>
          %dma_start3A_800 = tpu.memref_squeeze %dma_start3A_799 : memref<1x1x1x64xf32, #tpu.memory_space<vmem>> -> memref<1x64xf32, #tpu.memory_space<vmem>>
          %dma_start3A_801 = arith.constant 0 : i32
          %dma_start3A_802 = tpu.memref_slice %arg2[%squeeze3A_796, %dma_start3A_801] : memref<1000000x64xf32, #tpu.memory_space<hbm>> -> memref<1x64xf32, #tpu.memory_space<hbm>>
          %dma_start3A_803 = tpu.memref_slice %arg7[%rem3A_60] : memref<2x!tpu.dma_semaphore, #tpu.memory_space<semaphore_mem>> -> memref<1x!tpu.dma_semaphore, #tpu.memory_space<semaphore_mem>>
          %dma_start3A_804 = tpu.memref_squeeze %dma_start3A_803 : memref<1x!tpu.dma_semaphore, #tpu.memory_space<semaphore_mem>> -> memref<!tpu.dma_semaphore, #tpu.memory_space<semaphore_mem>>
          %dma_start3A_805 = arith.constant 41 : i32
          %dma_start3A_806 = arith.constant 0 : i32
          %dma_start3A_807 = tpu.memref_slice %arg6[%rem3A_60, %scan3A_111, %dma_start3A_805, %dma_start3A_806] : memref<2x8x50x64xf32, #tpu.memory_space<vmem>> -> memref<1x1x1x64xf32, #tpu.memory_space<vmem>>
          %dma_start3A_808 = tpu.memref_squeeze %dma_start3A_807 : memref<1x1x1x64xf32, #tpu.memory_space<vmem>> -> memref<1x64xf32, #tpu.memory_space<vmem>>
          %dma_start3A_809 = arith.constant 0 : i32
          %dma_start3A_810 = tpu.memref_slice %arg2[%squeeze3A_796, %dma_start3A_809] : memref<1000000x64xf32, #tpu.memory_space<hbm>> -> memref<1x64xf32, #tpu.memory_space<hbm>>
          tpu.enqueue_dma source(%dma_start3A_810 : memref<1x64xf32, #tpu.memory_space<hbm>>) target(%dma_start3A_808 : memref<1x64xf32, #tpu.memory_space<vmem>>) target_semaphore(%dma_start3A_804 : memref<!tpu.dma_semaphore, #tpu.memory_space<semaphore_mem>>)
          %slice3A_811 = vector.extract_strided_slice %get3A_650 {offsets = [10], sizes = [1], strides = [1]} : vector<16xi32> to vector<1xi32>
          %squeeze3A_812 = vector.extract %slice3A_811[0] : i32 from vector<1xi32>
          %dma_start3A_813 = arith.constant 42 : i32
          %dma_start3A_814 = arith.constant 0 : i32
          %dma_start3A_815 = tpu.memref_slice %arg6[%rem3A_60, %scan3A_111, %dma_start3A_813, %dma_start3A_814] : memref<2x8x50x64xf32, #tpu.memory_space<vmem>> -> memref<1x1x1x64xf32, #tpu.memory_space<vmem>>
          %dma_start3A_816 = tpu.memref_squeeze %dma_start3A_815 : memref<1x1x1x64xf32, #tpu.memory_space<vmem>> -> memref<1x64xf32, #tpu.memory_space<vmem>>
          %dma_start3A_817 = arith.constant 0 : i32
          %dma_start3A_818 = tpu.memref_slice %arg2[%squeeze3A_812, %dma_start3A_817] : memref<1000000x64xf32, #tpu.memory_space<hbm>> -> memref<1x64xf32, #tpu.memory_space<hbm>>
          %dma_start3A_819 = tpu.memref_slice %arg7[%rem3A_60] : memref<2x!tpu.dma_semaphore, #tpu.memory_space<semaphore_mem>> -> memref<1x!tpu.dma_semaphore, #tpu.memory_space<semaphore_mem>>
          %dma_start3A_820 = tpu.memref_squeeze %dma_start3A_819 : memref<1x!tpu.dma_semaphore, #tpu.memory_space<semaphore_mem>> -> memref<!tpu.dma_semaphore, #tpu.memory_space<semaphore_mem>>
          %dma_start3A_821 = arith.constant 42 : i32
          %dma_start3A_822 = arith.constant 0 : i32
          %dma_start3A_823 = tpu.memref_slice %arg6[%rem3A_60, %scan3A_111, %dma_start3A_821, %dma_start3A_822] : memref<2x8x50x64xf32, #tpu.memory_space<vmem>> -> memref<1x1x1x64xf32, #tpu.memory_space<vmem>>
          %dma_start3A_824 = tpu.memref_squeeze %dma_start3A_823 : memref<1x1x1x64xf32, #tpu.memory_space<vmem>> -> memref<1x64xf32, #tpu.memory_space<vmem>>
          %dma_start3A_825 = arith.constant 0 : i32
          %dma_start3A_826 = tpu.memref_slice %arg2[%squeeze3A_812, %dma_start3A_825] : memref<1000000x64xf32, #tpu.memory_space<hbm>> -> memref<1x64xf32, #tpu.memory_space<hbm>>
          tpu.enqueue_dma source(%dma_start3A_826 : memref<1x64xf32, #tpu.memory_space<hbm>>) target(%dma_start3A_824 : memref<1x64xf32, #tpu.memory_space<vmem>>) target_semaphore(%dma_start3A_820 : memref<!tpu.dma_semaphore, #tpu.memory_space<semaphore_mem>>)
          %slice3A_827 = vector.extract_strided_slice %get3A_650 {offsets = [11], sizes = [1], strides = [1]} : vector<16xi32> to vector<1xi32>
          %squeeze3A_828 = vector.extract %slice3A_827[0] : i32 from vector<1xi32>
          %dma_start3A_829 = arith.constant 43 : i32
          %dma_start3A_830 = arith.constant 0 : i32
          %dma_start3A_831 = tpu.memref_slice %arg6[%rem3A_60, %scan3A_111, %dma_start3A_829, %dma_start3A_830] : memref<2x8x50x64xf32, #tpu.memory_space<vmem>> -> memref<1x1x1x64xf32, #tpu.memory_space<vmem>>
          %dma_start3A_832 = tpu.memref_squeeze %dma_start3A_831 : memref<1x1x1x64xf32, #tpu.memory_space<vmem>> -> memref<1x64xf32, #tpu.memory_space<vmem>>
          %dma_start3A_833 = arith.constant 0 : i32
          %dma_start3A_834 = tpu.memref_slice %arg2[%squeeze3A_828, %dma_start3A_833] : memref<1000000x64xf32, #tpu.memory_space<hbm>> -> memref<1x64xf32, #tpu.memory_space<hbm>>
          %dma_start3A_835 = tpu.memref_slice %arg7[%rem3A_60] : memref<2x!tpu.dma_semaphore, #tpu.memory_space<semaphore_mem>> -> memref<1x!tpu.dma_semaphore, #tpu.memory_space<semaphore_mem>>
          %dma_start3A_836 = tpu.memref_squeeze %dma_start3A_835 : memref<1x!tpu.dma_semaphore, #tpu.memory_space<semaphore_mem>> -> memref<!tpu.dma_semaphore, #tpu.memory_space<semaphore_mem>>
          %dma_start3A_837 = arith.constant 43 : i32
          %dma_start3A_838 = arith.constant 0 : i32
          %dma_start3A_839 = tpu.memref_slice %arg6[%rem3A_60, %scan3A_111, %dma_start3A_837, %dma_start3A_838] : memref<2x8x50x64xf32, #tpu.memory_space<vmem>> -> memref<1x1x1x64xf32, #tpu.memory_space<vmem>>
          %dma_start3A_840 = tpu.memref_squeeze %dma_start3A_839 : memref<1x1x1x64xf32, #tpu.memory_space<vmem>> -> memref<1x64xf32, #tpu.memory_space<vmem>>
          %dma_start3A_841 = arith.constant 0 : i32
          %dma_start3A_842 = tpu.memref_slice %arg2[%squeeze3A_828, %dma_start3A_841] : memref<1000000x64xf32, #tpu.memory_space<hbm>> -> memref<1x64xf32, #tpu.memory_space<hbm>>
          tpu.enqueue_dma source(%dma_start3A_842 : memref<1x64xf32, #tpu.memory_space<hbm>>) target(%dma_start3A_840 : memref<1x64xf32, #tpu.memory_space<vmem>>) target_semaphore(%dma_start3A_836 : memref<!tpu.dma_semaphore, #tpu.memory_space<semaphore_mem>>)
          %slice3A_843 = vector.extract_strided_slice %get3A_650 {offsets = [12], sizes = [1], strides = [1]} : vector<16xi32> to vector<1xi32>
          %squeeze3A_844 = vector.extract %slice3A_843[0] : i32 from vector<1xi32>
          %dma_start3A_845 = arith.constant 44 : i32
          %dma_start3A_846 = arith.constant 0 : i32
          %dma_start3A_847 = tpu.memref_slice %arg6[%rem3A_60, %scan3A_111, %dma_start3A_845, %dma_start3A_846] : memref<2x8x50x64xf32, #tpu.memory_space<vmem>> -> memref<1x1x1x64xf32, #tpu.memory_space<vmem>>
          %dma_start3A_848 = tpu.memref_squeeze %dma_start3A_847 : memref<1x1x1x64xf32, #tpu.memory_space<vmem>> -> memref<1x64xf32, #tpu.memory_space<vmem>>
          %dma_start3A_849 = arith.constant 0 : i32
          %dma_start3A_850 = tpu.memref_slice %arg2[%squeeze3A_844, %dma_start3A_849] : memref<1000000x64xf32, #tpu.memory_space<hbm>> -> memref<1x64xf32, #tpu.memory_space<hbm>>
          %dma_start3A_851 = tpu.memref_slice %arg7[%rem3A_60] : memref<2x!tpu.dma_semaphore, #tpu.memory_space<semaphore_mem>> -> memref<1x!tpu.dma_semaphore, #tpu.memory_space<semaphore_mem>>
          %dma_start3A_852 = tpu.memref_squeeze %dma_start3A_851 : memref<1x!tpu.dma_semaphore, #tpu.memory_space<semaphore_mem>> -> memref<!tpu.dma_semaphore, #tpu.memory_space<semaphore_mem>>
          %dma_start3A_853 = arith.constant 44 : i32
          %dma_start3A_854 = arith.constant 0 : i32
          %dma_start3A_855 = tpu.memref_slice %arg6[%rem3A_60, %scan3A_111, %dma_start3A_853, %dma_start3A_854] : memref<2x8x50x64xf32, #tpu.memory_space<vmem>> -> memref<1x1x1x64xf32, #tpu.memory_space<vmem>>
          %dma_start3A_856 = tpu.memref_squeeze %dma_start3A_855 : memref<1x1x1x64xf32, #tpu.memory_space<vmem>> -> memref<1x64xf32, #tpu.memory_space<vmem>>
          %dma_start3A_857 = arith.constant 0 : i32
          %dma_start3A_858 = tpu.memref_slice %arg2[%squeeze3A_844, %dma_start3A_857] : memref<1000000x64xf32, #tpu.memory_space<hbm>> -> memref<1x64xf32, #tpu.memory_space<hbm>>
          tpu.enqueue_dma source(%dma_start3A_858 : memref<1x64xf32, #tpu.memory_space<hbm>>) target(%dma_start3A_856 : memref<1x64xf32, #tpu.memory_space<vmem>>) target_semaphore(%dma_start3A_852 : memref<!tpu.dma_semaphore, #tpu.memory_space<semaphore_mem>>)
          %slice3A_859 = vector.extract_strided_slice %get3A_650 {offsets = [13], sizes = [1], strides = [1]} : vector<16xi32> to vector<1xi32>
          %squeeze3A_860 = vector.extract %slice3A_859[0] : i32 from vector<1xi32>
          %dma_start3A_861 = arith.constant 45 : i32
          %dma_start3A_862 = arith.constant 0 : i32
          %dma_start3A_863 = tpu.memref_slice %arg6[%rem3A_60, %scan3A_111, %dma_start3A_861, %dma_start3A_862] : memref<2x8x50x64xf32, #tpu.memory_space<vmem>> -> memref<1x1x1x64xf32, #tpu.memory_space<vmem>>
          %dma_start3A_864 = tpu.memref_squeeze %dma_start3A_863 : memref<1x1x1x64xf32, #tpu.memory_space<vmem>> -> memref<1x64xf32, #tpu.memory_space<vmem>>
          %dma_start3A_865 = arith.constant 0 : i32
          %dma_start3A_866 = tpu.memref_slice %arg2[%squeeze3A_860, %dma_start3A_865] : memref<1000000x64xf32, #tpu.memory_space<hbm>> -> memref<1x64xf32, #tpu.memory_space<hbm>>
          %dma_start3A_867 = tpu.memref_slice %arg7[%rem3A_60] : memref<2x!tpu.dma_semaphore, #tpu.memory_space<semaphore_mem>> -> memref<1x!tpu.dma_semaphore, #tpu.memory_space<semaphore_mem>>
          %dma_start3A_868 = tpu.memref_squeeze %dma_start3A_867 : memref<1x!tpu.dma_semaphore, #tpu.memory_space<semaphore_mem>> -> memref<!tpu.dma_semaphore, #tpu.memory_space<semaphore_mem>>
          %dma_start3A_869 = arith.constant 45 : i32
          %dma_start3A_870 = arith.constant 0 : i32
          %dma_start3A_871 = tpu.memref_slice %arg6[%rem3A_60, %scan3A_111, %dma_start3A_869, %dma_start3A_870] : memref<2x8x50x64xf32, #tpu.memory_space<vmem>> -> memref<1x1x1x64xf32, #tpu.memory_space<vmem>>
          %dma_start3A_872 = tpu.memref_squeeze %dma_start3A_871 : memref<1x1x1x64xf32, #tpu.memory_space<vmem>> -> memref<1x64xf32, #tpu.memory_space<vmem>>
          %dma_start3A_873 = arith.constant 0 : i32
          %dma_start3A_874 = tpu.memref_slice %arg2[%squeeze3A_860, %dma_start3A_873] : memref<1000000x64xf32, #tpu.memory_space<hbm>> -> memref<1x64xf32, #tpu.memory_space<hbm>>
          tpu.enqueue_dma source(%dma_start3A_874 : memref<1x64xf32, #tpu.memory_space<hbm>>) target(%dma_start3A_872 : memref<1x64xf32, #tpu.memory_space<vmem>>) target_semaphore(%dma_start3A_868 : memref<!tpu.dma_semaphore, #tpu.memory_space<semaphore_mem>>)
          %slice3A_875 = vector.extract_strided_slice %get3A_650 {offsets = [14], sizes = [1], strides = [1]} : vector<16xi32> to vector<1xi32>
          %squeeze3A_876 = vector.extract %slice3A_875[0] : i32 from vector<1xi32>
          %dma_start3A_877 = arith.constant 46 : i32
          %dma_start3A_878 = arith.constant 0 : i32
          %dma_start3A_879 = tpu.memref_slice %arg6[%rem3A_60, %scan3A_111, %dma_start3A_877, %dma_start3A_878] : memref<2x8x50x64xf32, #tpu.memory_space<vmem>> -> memref<1x1x1x64xf32, #tpu.memory_space<vmem>>
          %dma_start3A_880 = tpu.memref_squeeze %dma_start3A_879 : memref<1x1x1x64xf32, #tpu.memory_space<vmem>> -> memref<1x64xf32, #tpu.memory_space<vmem>>
          %dma_start3A_881 = arith.constant 0 : i32
          %dma_start3A_882 = tpu.memref_slice %arg2[%squeeze3A_876, %dma_start3A_881] : memref<1000000x64xf32, #tpu.memory_space<hbm>> -> memref<1x64xf32, #tpu.memory_space<hbm>>
          %dma_start3A_883 = tpu.memref_slice %arg7[%rem3A_60] : memref<2x!tpu.dma_semaphore, #tpu.memory_space<semaphore_mem>> -> memref<1x!tpu.dma_semaphore, #tpu.memory_space<semaphore_mem>>
          %dma_start3A_884 = tpu.memref_squeeze %dma_start3A_883 : memref<1x!tpu.dma_semaphore, #tpu.memory_space<semaphore_mem>> -> memref<!tpu.dma_semaphore, #tpu.memory_space<semaphore_mem>>
          %dma_start3A_885 = arith.constant 46 : i32
          %dma_start3A_886 = arith.constant 0 : i32
          %dma_start3A_887 = tpu.memref_slice %arg6[%rem3A_60, %scan3A_111, %dma_start3A_885, %dma_start3A_886] : memref<2x8x50x64xf32, #tpu.memory_space<vmem>> -> memref<1x1x1x64xf32, #tpu.memory_space<vmem>>
          %dma_start3A_888 = tpu.memref_squeeze %dma_start3A_887 : memref<1x1x1x64xf32, #tpu.memory_space<vmem>> -> memref<1x64xf32, #tpu.memory_space<vmem>>
          %dma_start3A_889 = arith.constant 0 : i32
          %dma_start3A_890 = tpu.memref_slice %arg2[%squeeze3A_876, %dma_start3A_889] : memref<1000000x64xf32, #tpu.memory_space<hbm>> -> memref<1x64xf32, #tpu.memory_space<hbm>>
          tpu.enqueue_dma source(%dma_start3A_890 : memref<1x64xf32, #tpu.memory_space<hbm>>) target(%dma_start3A_888 : memref<1x64xf32, #tpu.memory_space<vmem>>) target_semaphore(%dma_start3A_884 : memref<!tpu.dma_semaphore, #tpu.memory_space<semaphore_mem>>)
          %slice3A_891 = vector.extract_strided_slice %get3A_650 {offsets = [15], sizes = [1], strides = [1]} : vector<16xi32> to vector<1xi32>
          %squeeze3A_892 = vector.extract %slice3A_891[0] : i32 from vector<1xi32>
          %dma_start3A_893 = arith.constant 47 : i32
          %dma_start3A_894 = arith.constant 0 : i32
          %dma_start3A_895 = tpu.memref_slice %arg6[%rem3A_60, %scan3A_111, %dma_start3A_893, %dma_start3A_894] : memref<2x8x50x64xf32, #tpu.memory_space<vmem>> -> memref<1x1x1x64xf32, #tpu.memory_space<vmem>>
          %dma_start3A_896 = tpu.memref_squeeze %dma_start3A_895 : memref<1x1x1x64xf32, #tpu.memory_space<vmem>> -> memref<1x64xf32, #tpu.memory_space<vmem>>
          %dma_start3A_897 = arith.constant 0 : i32
          %dma_start3A_898 = tpu.memref_slice %arg2[%squeeze3A_892, %dma_start3A_897] : memref<1000000x64xf32, #tpu.memory_space<hbm>> -> memref<1x64xf32, #tpu.memory_space<hbm>>
          %dma_start3A_899 = tpu.memref_slice %arg7[%rem3A_60] : memref<2x!tpu.dma_semaphore, #tpu.memory_space<semaphore_mem>> -> memref<1x!tpu.dma_semaphore, #tpu.memory_space<semaphore_mem>>
          %dma_start3A_900 = tpu.memref_squeeze %dma_start3A_899 : memref<1x!tpu.dma_semaphore, #tpu.memory_space<semaphore_mem>> -> memref<!tpu.dma_semaphore, #tpu.memory_space<semaphore_mem>>
          %dma_start3A_901 = arith.constant 47 : i32
          %dma_start3A_902 = arith.constant 0 : i32
          %dma_start3A_903 = tpu.memref_slice %arg6[%rem3A_60, %scan3A_111, %dma_start3A_901, %dma_start3A_902] : memref<2x8x50x64xf32, #tpu.memory_space<vmem>> -> memref<1x1x1x64xf32, #tpu.memory_space<vmem>>
          %dma_start3A_904 = tpu.memref_squeeze %dma_start3A_903 : memref<1x1x1x64xf32, #tpu.memory_space<vmem>> -> memref<1x64xf32, #tpu.memory_space<vmem>>
          %dma_start3A_905 = arith.constant 0 : i32
          %dma_start3A_906 = tpu.memref_slice %arg2[%squeeze3A_892, %dma_start3A_905] : memref<1000000x64xf32, #tpu.memory_space<hbm>> -> memref<1x64xf32, #tpu.memory_space<hbm>>
          tpu.enqueue_dma source(%dma_start3A_906 : memref<1x64xf32, #tpu.memory_space<hbm>>) target(%dma_start3A_904 : memref<1x64xf32, #tpu.memory_space<vmem>>) target_semaphore(%dma_start3A_900 : memref<!tpu.dma_semaphore, #tpu.memory_space<semaphore_mem>>)
          %mul3A_907 = arith.constant 8 : i32
          %mul3A_908 = arith.muli %add3A_58, %mul3A_907 : i32
          %add3A_909 = arith.addi %mul3A_908, %scan3A_111 : i32
          %mul3A_910 = arith.constant 64 : i32
          %mul3A_911 = arith.muli %add3A_909, %mul3A_910 : i32
          %add3A_912 = arith.constant 48 : i32
          %add3A_913 = arith.addi %mul3A_911, %add3A_912 : i32
          %get3A_914 = arith.index_cast %add3A_913 : i32 to index
          %get3A_915 = tpu.vector_load %arg5[%get3A_914] {strides = array<i32>} : memref<8192xi32, #tpu.memory_space<vmem>>, vector<16xi32>,
          %get3A_916 = vector.shape_cast %get3A_915 : vector<16xi32> to vector<16xi32>
          %slice3A_917 = vector.extract_strided_slice %get3A_916 {offsets = [0], sizes = [1], strides = [1]} : vector<16xi32> to vector<1xi32>
          %squeeze3A_918 = vector.extract %slice3A_917[0] : i32 from vector<1xi32>
          %dma_start3A_919 = arith.constant 48 : i32
          %dma_start3A_920 = arith.constant 0 : i32
          %dma_start3A_921 = tpu.memref_slice %arg6[%rem3A_60, %scan3A_111, %dma_start3A_919, %dma_start3A_920] : memref<2x8x50x64xf32, #tpu.memory_space<vmem>> -> memref<1x1x1x64xf32, #tpu.memory_space<vmem>>
          %dma_start3A_922 = tpu.memref_squeeze %dma_start3A_921 : memref<1x1x1x64xf32, #tpu.memory_space<vmem>> -> memref<1x64xf32, #tpu.memory_space<vmem>>
          %dma_start3A_923 = arith.constant 0 : i32
          %dma_start3A_924 = tpu.memref_slice %arg2[%squeeze3A_918, %dma_start3A_923] : memref<1000000x64xf32, #tpu.memory_space<hbm>> -> memref<1x64xf32, #tpu.memory_space<hbm>>
          %dma_start3A_925 = tpu.memref_slice %arg7[%rem3A_60] : memref<2x!tpu.dma_semaphore, #tpu.memory_space<semaphore_mem>> -> memref<1x!tpu.dma_semaphore, #tpu.memory_space<semaphore_mem>>
          %dma_start3A_926 = tpu.memref_squeeze %dma_start3A_925 : memref<1x!tpu.dma_semaphore, #tpu.memory_space<semaphore_mem>> -> memref<!tpu.dma_semaphore, #tpu.memory_space<semaphore_mem>>
          %dma_start3A_927 = arith.constant 48 : i32
          %dma_start3A_928 = arith.constant 0 : i32
          %dma_start3A_929 = tpu.memref_slice %arg6[%rem3A_60, %scan3A_111, %dma_start3A_927, %dma_start3A_928] : memref<2x8x50x64xf32, #tpu.memory_space<vmem>> -> memref<1x1x1x64xf32, #tpu.memory_space<vmem>>
          %dma_start3A_930 = tpu.memref_squeeze %dma_start3A_929 : memref<1x1x1x64xf32, #tpu.memory_space<vmem>> -> memref<1x64xf32, #tpu.memory_space<vmem>>
          %dma_start3A_931 = arith.constant 0 : i32
          %dma_start3A_932 = tpu.memref_slice %arg2[%squeeze3A_918, %dma_start3A_931] : memref<1000000x64xf32, #tpu.memory_space<hbm>> -> memref<1x64xf32, #tpu.memory_space<hbm>>
          tpu.enqueue_dma source(%dma_start3A_932 : memref<1x64xf32, #tpu.memory_space<hbm>>) target(%dma_start3A_930 : memref<1x64xf32, #tpu.memory_space<vmem>>) target_semaphore(%dma_start3A_926 : memref<!tpu.dma_semaphore, #tpu.memory_space<semaphore_mem>>)
          %slice3A_933 = vector.extract_strided_slice %get3A_916 {offsets = [1], sizes = [1], strides = [1]} : vector<16xi32> to vector<1xi32>
          %squeeze3A_934 = vector.extract %slice3A_933[0] : i32 from vector<1xi32>
          %dma_start3A_935 = arith.constant 49 : i32
          %dma_start3A_936 = arith.constant 0 : i32
          %dma_start3A_937 = tpu.memref_slice %arg6[%rem3A_60, %scan3A_111, %dma_start3A_935, %dma_start3A_936] : memref<2x8x50x64xf32, #tpu.memory_space<vmem>> -> memref<1x1x1x64xf32, #tpu.memory_space<vmem>>
          %dma_start3A_938 = tpu.memref_squeeze %dma_start3A_937 : memref<1x1x1x64xf32, #tpu.memory_space<vmem>> -> memref<1x64xf32, #tpu.memory_space<vmem>>
          %dma_start3A_939 = arith.constant 0 : i32
          %dma_start3A_940 = tpu.memref_slice %arg2[%squeeze3A_934, %dma_start3A_939] : memref<1000000x64xf32, #tpu.memory_space<hbm>> -> memref<1x64xf32, #tpu.memory_space<hbm>>
          %dma_start3A_941 = tpu.memref_slice %arg7[%rem3A_60] : memref<2x!tpu.dma_semaphore, #tpu.memory_space<semaphore_mem>> -> memref<1x!tpu.dma_semaphore, #tpu.memory_space<semaphore_mem>>
          %dma_start3A_942 = tpu.memref_squeeze %dma_start3A_941 : memref<1x!tpu.dma_semaphore, #tpu.memory_space<semaphore_mem>> -> memref<!tpu.dma_semaphore, #tpu.memory_space<semaphore_mem>>
          %dma_start3A_943 = arith.constant 49 : i32
          %dma_start3A_944 = arith.constant 0 : i32
          %dma_start3A_945 = tpu.memref_slice %arg6[%rem3A_60, %scan3A_111, %dma_start3A_943, %dma_start3A_944] : memref<2x8x50x64xf32, #tpu.memory_space<vmem>> -> memref<1x1x1x64xf32, #tpu.memory_space<vmem>>
          %dma_start3A_946 = tpu.memref_squeeze %dma_start3A_945 : memref<1x1x1x64xf32, #tpu.memory_space<vmem>> -> memref<1x64xf32, #tpu.memory_space<vmem>>
          %dma_start3A_947 = arith.constant 0 : i32
          %dma_start3A_948 = tpu.memref_slice %arg2[%squeeze3A_934, %dma_start3A_947] : memref<1000000x64xf32, #tpu.memory_space<hbm>> -> memref<1x64xf32, #tpu.memory_space<hbm>>
          tpu.enqueue_dma source(%dma_start3A_948 : memref<1x64xf32, #tpu.memory_space<hbm>>) target(%dma_start3A_946 : memref<1x64xf32, #tpu.memory_space<vmem>>) target_semaphore(%dma_start3A_942 : memref<!tpu.dma_semaphore, #tpu.memory_space<semaphore_mem>>)
        }
        %scan3A_110 = arith.constant 8 : i32
      } else {
      }
      %dma_wait3A_63 = arith.constant 0 : i32
      %dma_wait3A_64 = arith.constant 0 : i32
      %dma_wait3A_65 = arith.constant 0 : i32
      %dma_wait3A_66 = tpu.memref_slice %arg6[%rem3A_56, %dma_wait3A_63, %dma_wait3A_64, %dma_wait3A_65] : memref<2x8x50x64xf32, #tpu.memory_space<vmem>> -> memref<1x8x50x64xf32, #tpu.memory_space<vmem>>
      %dma_wait3A_67 = tpu.memref_squeeze %dma_wait3A_66 : memref<1x8x50x64xf32, #tpu.memory_space<vmem>> -> memref<8x50x64xf32, #tpu.memory_space<vmem>>
      %dma_wait3A_68 = arith.constant 0 : i32
      %dma_wait3A_69 = arith.constant 0 : i32
      %dma_wait3A_70 = tpu.memref_slice %arg4[%mul3A_2, %dma_wait3A_68, %dma_wait3A_69] : memref<4096x50x64xf32, #tpu.memory_space<hbm>> -> memref<8x50x64xf32, #tpu.memory_space<hbm>>
      %dma_wait3A_71 = tpu.memref_slice %arg7[%rem3A_56] : memref<2x!tpu.dma_semaphore, #tpu.memory_space<semaphore_mem>> -> memref<1x!tpu.dma_semaphore, #tpu.memory_space<semaphore_mem>>
      %dma_wait3A_72 = tpu.memref_squeeze %dma_wait3A_71 : memref<1x!tpu.dma_semaphore, #tpu.memory_space<semaphore_mem>> -> memref<!tpu.dma_semaphore, #tpu.memory_space<semaphore_mem>>
      %dma_wait3A_73 = arith.constant 0 : i32
      %dma_wait3A_74 = arith.constant 0 : i32
      %dma_wait3A_75 = arith.constant 0 : i32
      %dma_wait3A_76 = tpu.memref_slice %arg6[%rem3A_56, %dma_wait3A_73, %dma_wait3A_74, %dma_wait3A_75] : memref<2x8x50x64xf32, #tpu.memory_space<vmem>> -> memref<1x8x50x64xf32, #tpu.memory_space<vmem>>
      %dma_wait3A_77 = tpu.memref_squeeze %dma_wait3A_76 : memref<1x8x50x64xf32, #tpu.memory_space<vmem>> -> memref<8x50x64xf32, #tpu.memory_space<vmem>>
      %dma_wait3A_78 = arith.constant 0 : i32
      %dma_wait3A_79 = arith.constant 0 : i32
      %dma_wait3A_80 = tpu.memref_slice %arg4[%mul3A_2, %dma_wait3A_78, %dma_wait3A_79] : memref<4096x50x64xf32, #tpu.memory_space<hbm>> -> memref<8x50x64xf32, #tpu.memory_space<hbm>>
      tpu.wait_dma2 semaphore(%dma_wait3A_72 : memref<!tpu.dma_semaphore, #tpu.memory_space<semaphore_mem>>) src(%dma_wait3A_80 : memref<8x50x64xf32, #tpu.memory_space<hbm>>) dst(%dma_wait3A_77 : memref<8x50x64xf32, #tpu.memory_space<vmem>>)
      %mul3A_81 = arith.constant 8 : i32
      %mul3A_82 = arith.muli %scan3A_55, %mul3A_81 : i32
      %add3A_83 = arith.addi %mul3A_2, %mul3A_82 : i32
      %dma_start3A = arith.constant 0 : i32
      %dma_start3A_84 = arith.constant 0 : i32
      %dma_start3A_85 = arith.constant 0 : i32
      %dma_start3A_86 = tpu.memref_slice %arg6[%rem3A_56, %dma_start3A, %dma_start3A_84, %dma_start3A_85] : memref<2x8x50x64xf32, #tpu.memory_space<vmem>> -> memref<1x8x50x64xf32, #tpu.memory_space<vmem>>
      %dma_start3A_87 = tpu.memref_squeeze %dma_start3A_86 : memref<1x8x50x64xf32, #tpu.memory_space<vmem>> -> memref<8x50x64xf32, #tpu.memory_space<vmem>>
      %dma_start3A_88 = arith.constant 0 : i32
      %dma_start3A_89 = arith.constant 0 : i32
      %dma_start3A_90 = tpu.memref_slice %arg4[%add3A_83, %dma_start3A_88, %dma_start3A_89] : memref<4096x50x64xf32, #tpu.memory_space<hbm>> -> memref<8x50x64xf32, #tpu.memory_space<hbm>>
      %dma_start3A_91 = tpu.memref_slice %arg8[%rem3A_56] : memref<2x!tpu.dma_semaphore, #tpu.memory_space<semaphore_mem>> -> memref<1x!tpu.dma_semaphore, #tpu.memory_space<semaphore_mem>>
      %dma_start3A_92 = tpu.memref_squeeze %dma_start3A_91 : memref<1x!tpu.dma_semaphore, #tpu.memory_space<semaphore_mem>> -> memref<!tpu.dma_semaphore, #tpu.memory_space<semaphore_mem>>
      %dma_start3A_93 = arith.constant 0 : i32
      %dma_start3A_94 = arith.constant 0 : i32
      %dma_start3A_95 = tpu.memref_slice %arg4[%add3A_83, %dma_start3A_93, %dma_start3A_94] : memref<4096x50x64xf32, #tpu.memory_space<hbm>> -> memref<8x50x64xf32, #tpu.memory_space<hbm>>
      %dma_start3A_96 = arith.constant 0 : i32
      %dma_start3A_97 = arith.constant 0 : i32
      %dma_start3A_98 = arith.constant 0 : i32
      %dma_start3A_99 = tpu.memref_slice %arg6[%rem3A_56, %dma_start3A_96, %dma_start3A_97, %dma_start3A_98] : memref<2x8x50x64xf32, #tpu.memory_space<vmem>> -> memref<1x8x50x64xf32, #tpu.memory_space<vmem>>
      %dma_start3A_100 = tpu.memref_squeeze %dma_start3A_99 : memref<1x8x50x64xf32, #tpu.memory_space<vmem>> -> memref<8x50x64xf32, #tpu.memory_space<vmem>>
      tpu.enqueue_dma source(%dma_start3A_100 : memref<8x50x64xf32, #tpu.memory_space<vmem>>) target(%dma_start3A_95 : memref<8x50x64xf32, #tpu.memory_space<hbm>>) target_semaphore(%dma_start3A_92 : memref<!tpu.dma_semaphore, #tpu.memory_space<semaphore_mem>>)
    }
    %scan3A_15 = arith.constant 16 : i32
    %dma_wait3A = arith.constant 0 : i32
    %dma_wait3A_16 = arith.constant 0 : i32
    %dma_wait3A_17 = arith.constant 0 : i32
    %dma_wait3A_18 = arith.constant 0 : i32
    %dma_wait3A_19 = arith.constant 0 : i32
    %dma_wait3A_20 = tpu.memref_slice %arg6[%dma_wait3A, %dma_wait3A_17, %dma_wait3A_18, %dma_wait3A_19] : memref<2x8x50x64xf32, #tpu.memory_space<vmem>> -> memref<1x8x50x64xf32, #tpu.memory_space<vmem>>
    %dma_wait3A_21 = tpu.memref_squeeze %dma_wait3A_20 : memref<1x8x50x64xf32, #tpu.memory_space<vmem>> -> memref<8x50x64xf32, #tpu.memory_space<vmem>>
    %dma_wait3A_22 = arith.constant 0 : i32
    %dma_wait3A_23 = arith.constant 0 : i32
    %dma_wait3A_24 = tpu.memref_slice %arg4[%mul3A_2, %dma_wait3A_22, %dma_wait3A_23] : memref<4096x50x64xf32, #tpu.memory_space<hbm>> -> memref<8x50x64xf32, #tpu.memory_space<hbm>>
    %dma_wait3A_25 = tpu.memref_slice %arg8[%dma_wait3A_16] : memref<2x!tpu.dma_semaphore, #tpu.memory_space<semaphore_mem>> -> memref<1x!tpu.dma_semaphore, #tpu.memory_space<semaphore_mem>>
    %dma_wait3A_26 = tpu.memref_squeeze %dma_wait3A_25 : memref<1x!tpu.dma_semaphore, #tpu.memory_space<semaphore_mem>> -> memref<!tpu.dma_semaphore, #tpu.memory_space<semaphore_mem>>
    %dma_wait3A_27 = arith.constant 0 : i32
    %dma_wait3A_28 = arith.constant 0 : i32
    %dma_wait3A_29 = tpu.memref_slice %arg4[%mul3A_2, %dma_wait3A_27, %dma_wait3A_28] : memref<4096x50x64xf32, #tpu.memory_space<hbm>> -> memref<8x50x64xf32, #tpu.memory_space<hbm>>
    %dma_wait3A_30 = arith.constant 0 : i32
    %dma_wait3A_31 = arith.constant 0 : i32
    %dma_wait3A_32 = arith.constant 0 : i32
    %dma_wait3A_33 = tpu.memref_slice %arg6[%dma_wait3A, %dma_wait3A_30, %dma_wait3A_31, %dma_wait3A_32] : memref<2x8x50x64xf32, #tpu.memory_space<vmem>> -> memref<1x8x50x64xf32, #tpu.memory_space<vmem>>
    %dma_wait3A_34 = tpu.memref_squeeze %dma_wait3A_33 : memref<1x8x50x64xf32, #tpu.memory_space<vmem>> -> memref<8x50x64xf32, #tpu.memory_space<vmem>>
    tpu.wait_dma2 semaphore(%dma_wait3A_26 : memref<!tpu.dma_semaphore, #tpu.memory_space<semaphore_mem>>) src(%dma_wait3A_34 : memref<8x50x64xf32, #tpu.memory_space<vmem>>) dst(%dma_wait3A_29 : memref<8x50x64xf32, #tpu.memory_space<hbm>>)
    %dma_wait3A_35 = arith.constant 1 : i32
    %dma_wait3A_36 = arith.constant 1 : i32
    %dma_wait3A_37 = arith.constant 0 : i32
    %dma_wait3A_38 = arith.constant 0 : i32
    %dma_wait3A_39 = arith.constant 0 : i32
    %dma_wait3A_40 = tpu.memref_slice %arg6[%dma_wait3A_35, %dma_wait3A_37, %dma_wait3A_38, %dma_wait3A_39] : memref<2x8x50x64xf32, #tpu.memory_space<vmem>> -> memref<1x8x50x64xf32, #tpu.memory_space<vmem>>
    %dma_wait3A_41 = tpu.memref_squeeze %dma_wait3A_40 : memref<1x8x50x64xf32, #tpu.memory_space<vmem>> -> memref<8x50x64xf32, #tpu.memory_space<vmem>>
    %dma_wait3A_42 = arith.constant 0 : i32
    %dma_wait3A_43 = arith.constant 0 : i32
    %dma_wait3A_44 = tpu.memref_slice %arg4[%mul3A_2, %dma_wait3A_42, %dma_wait3A_43] : memref<4096x50x64xf32, #tpu.memory_space<hbm>> -> memref<8x50x64xf32, #tpu.memory_space<hbm>>
    %dma_wait3A_45 = tpu.memref_slice %arg8[%dma_wait3A_36] : memref<2x!tpu.dma_semaphore, #tpu.memory_space<semaphore_mem>> -> memref<1x!tpu.dma_semaphore, #tpu.memory_space<semaphore_mem>>
    %dma_wait3A_46 = tpu.memref_squeeze %dma_wait3A_45 : memref<1x!tpu.dma_semaphore, #tpu.memory_space<semaphore_mem>> -> memref<!tpu.dma_semaphore, #tpu.memory_space<semaphore_mem>>
    %dma_wait3A_47 = arith.constant 0 : i32
    %dma_wait3A_48 = arith.constant 0 : i32
    %dma_wait3A_49 = tpu.memref_slice %arg4[%mul3A_2, %dma_wait3A_47, %dma_wait3A_48] : memref<4096x50x64xf32, #tpu.memory_space<hbm>> -> memref<8x50x64xf32, #tpu.memory_space<hbm>>
    %dma_wait3A_50 = arith.constant 0 : i32
    %dma_wait3A_51 = arith.constant 0 : i32
    %dma_wait3A_52 = arith.constant 0 : i32
    %dma_wait3A_53 = tpu.memref_slice %arg6[%dma_wait3A_35, %dma_wait3A_50, %dma_wait3A_51, %dma_wait3A_52] : memref<2x8x50x64xf32, #tpu.memory_space<vmem>> -> memref<1x8x50x64xf32, #tpu.memory_space<vmem>>
    %dma_wait3A_54 = tpu.memref_squeeze %dma_wait3A_53 : memref<1x8x50x64xf32, #tpu.memory_space<vmem>> -> memref<8x50x64xf32, #tpu.memory_space<vmem>>
    tpu.wait_dma2 semaphore(%dma_wait3A_46 : memref<!tpu.dma_semaphore, #tpu.memory_space<semaphore_mem>>) src(%dma_wait3A_54 : memref<8x50x64xf32, #tpu.memory_space<vmem>>) dst(%dma_wait3A_49 : memref<8x50x64xf32, #tpu.memory_space<hbm>>)
    return
  }
}

</mosaic_0001>

<sc_bundles>
// kernel: kernel.3.cloned.1.call-start
scs
__scs_entry_jumppad:
0x0: {  	(pc) =	sbr.rel $0x88, $3  }
0x1: {  	(tag) =	ssettag $0x0;
	lr =	simm.s32 $0x1  }
0x2: {  	[smem:$0x3F9F] =	sst lr;
	_ =	strace $0xD0000000  }
0x3: {  	_ = 	snop  }
0x4: {  	_ = 	snop  }
0x5: {  	_ = 	snop  }
0x6: {  	_ = 	snop  }
0x7: {  	_ = 	snop  }
__scs_overlays_trampoline_lowered:
0x8: {  	[smem:$0x3FAE] =	sst s0  }
0x9: {  	[smem:$0x3FAF] =	sst s1  }
0xa: {  	[smem:$0x3FB0] =	sst s2  }
0xb: {  	[smem:$0x3FB1] =	sst s3  }
0xc: {  	[smem:$0x3FB2] =	sst s4  }
0xd: {  	[smem:$0x3FB3] =	sst s5  }
0xe: {  	[smem:$0x3FB4] =	sst s6  }
0xf: {  	[smem:$0x3FB5] =	sst s7  }
0x10: {  	[smem:$0x3FB6] =	sst s8  }
0x11: {  	[smem:$0x3FB7] =	sst s9;
	s0 =	simm.s32 @!p0 $0x0  }
0x12: {  	s1 =	sld [smem:$0x3F9D];
	s0 =	simm.s32 @p0 $0x1  }
0x13: {  	[smem:$0x3FB8] =	sst s0;
	s0 =	simm.s32 @!p1 $0x0  }
0x14: {  	s2 =	sld [smem:$0x3F9C];
	s0 =	simm.s32 @p1 $0x1  }
0x15: {  	[smem:$0x3FB9] =	sst s0;
	s0 =	simm.s32 @!p2 $0x0  }
0x16: {  	s3 =	sld [smem:$0x3FDB];
	s0 =	simm.s32 @p2 $0x1  }
0x17: {  	s4 =	simm.s32 $0x1BF5;
	[smem:$0x3FBB] =	sst s0  }
0x18: {  	s0 =	sld [smem:$0x3F9E];
	_ =	swait.ge [sflag:s4], $0x0  }
0x19: {  	s7 =	sld [smem:$0x3F9F]  }
0x1a: {  	s8 =	sadd.s32 $0xFFFFE003, lr  }
0x1b: {  	s9 =	sadd.s32 $0xFFFFFEF7, lr;
	s5 =	simm.s32 $0xFFFFFFFF;
	p2 =	slt.u32 s8, $0xFFFFF086  }
0x1c: {  	p1 =	slt.u32 s9, $0xF7A;
	s5 =	simm.s32 @!p2 $0x0  }
0x1d: {  	s5 =	simm.s32 @p1 $0x1;
	p0 =	seq.s32 s7, s2  }
0x1e: {  	s7 =	smul.u32 @!p0 $0xF7A, s2;
	p2 =	seq.s32 @!p0 s5, $0x0  }
0x1f: {  	s9 =	smul.u32 $0xF7A, s1;
	s8 =	simm.s32 @!p0 $0x1BF5;
	p2 =	por !p2, p0  }
0x20: {  	[sflag:s8] =	ssyncset.s32 @!p0 $0xFFFFF086;
	s6 =	sadd.s32 @!p0 s3, s7;
	s7 =	simm.s32 @!p0 $0x108  }
0x21: {  	s3 =	sadd.s32 s3, s9;
	s6 =	sadd.s32 @!p0 $0x88, s6;
	s7 =	simm.s32 @p2 $0x1082  }
0x22: {  	[simem:s7], [sflag:s8] =	dma.local @!p0 [hbm:s6], $0xF7A  }
0x23: {  	s9 =	sor.u32 $0xD0000000, s2;
	s6 =	simm.s32 $0x108;
	_ =	swait.ge @!p0 [sflag:s8], $0x0  }
0x24: {  	s3 =	sadd.s32 $0x88, s3;
	s6 =	simm.s32 @!p1 $0x1082;
	[sflag:s4] =	ssyncset.s32 $0xFFFFF086  }
0x25: {  	[simem:s6], [sflag:s4] =	dma.local [hbm:s3], $0xF7A  }
0x26: {  	[smem:$0x3F9F] =	sst s1;
	(tag) =	ssettag s2;
	_ =	strace s9  }
0x27: {  	s1 =	sld [smem:$0x3FAF]  }
0x28: {  	s2 =	sld [smem:$0x3FB0]  }
0x29: {  	s4 =	sld [smem:$0x3FB2]  }
0x2a: {  	p0 =	seq.s32 s5, $0x0;
	s5 =	sld [smem:$0x3FB3]  }
0x2b: {  	s6 =	sld [smem:$0x3FB4]  }
0x2c: {  	s7 =	sld [smem:$0x3FB5]  }
0x2d: {  	s3 =	simm.s32 $0x108;
	s8 =	sld [smem:$0x3FB6]  }
0x2e: {  	s3 =	simm.s32 @!p0 $0x1082;
	s9 =	sld [smem:$0x3FB7]  }
0x2f: {  	lr =	sadd.s32 s0, s3;
	s0 =	sld [smem:$0x3FAE]  }
0x30: {  	s3 =	sld [smem:$0x3FB1]  }
0x31: {  	[smem:$0x3FBA] =	sst s10  }
0x32: {  	s10 =	sld [smem:$0x3FB8];
	_ =	sdelay $0x3  }
0x33: {  	p0 =	seq.s32 s10, $0x1;
	s10 =	sld [smem:$0x3FBA];
	_ =	sdelay $0x3  }
0x34: {  	[smem:$0x3FBA] =	sst s10  }
0x35: {  	s10 =	sld [smem:$0x3FB9];
	_ =	sdelay $0x3  }
0x36: {  	p1 =	seq.s32 s10, $0x1;
	s10 =	sld [smem:$0x3FBA];
	_ =	sdelay $0x3  }
0x37: {  	[smem:$0x3FBA] =	sst s10  }
0x38: {  	s10 =	sld [smem:$0x3FBB]  }
0x39: {  	_ = 	snop;
	(pc) =	sbr.ind lr, $3  }
0x3a: {  	_ = 	snop  }
0x3b: {  	_ = 	snop  }
0x3c: {  	p2 =	seq.s32 s10, $0x1;
	s10 =	sld [smem:$0x3FBA]  }
0x3d: {  	_ =	shalt  }
0x3e: {  	_ =	shalt  }
0x3f: {  	_ =	shalt  }
0x40: {  	_ =	shalt  }
0x41: {  	_ =	shalt  }
0x42: {  	_ =	shalt  }
0x43: {  	_ =	shalt  }
0x44: {  	_ =	shalt  }
0x45: {  	_ =	shalt  }
0x46: {  	_ =	shalt  }
0x47: {  	_ =	shalt  }
0x48: {  	_ =	shalt  }
0x49: {  	_ =	shalt  }
0x4a: {  	_ =	shalt  }
0x4b: {  	_ =	shalt  }
0x4c: {  	_ =	shalt  }
0x4d: {  	_ =	shalt  }
0x4e: {  	_ =	shalt  }
0x4f: {  	_ =	shalt  }
0x50: {  	_ =	shalt  }
0x51: {  	_ =	shalt  }
0x52: {  	_ =	shalt  }
0x53: {  	_ =	shalt  }
0x54: {  	_ =	shalt  }
0x55: {  	_ =	shalt  }
0x56: {  	_ =	shalt  }
0x57: {  	_ =	shalt  }
0x58: {  	_ =	shalt  }
0x59: {  	_ =	shalt  }
0x5a: {  	_ =	shalt  }
0x5b: {  	_ =	shalt  }
0x5c: {  	_ =	shalt  }
0x5d: {  	_ =	shalt  }
0x5e: {  	_ =	shalt  }
0x5f: {  	_ =	shalt  }
0x60: {  	_ =	shalt  }
0x61: {  	_ =	shalt  }
0x62: {  	_ =	shalt  }
0x63: {  	_ =	shalt  }
0x64: {  	_ =	shalt  }
0x65: {  	_ =	shalt  }
0x66: {  	_ =	shalt  }
0x67: {  	_ =	shalt  }
0x68: {  	_ =	shalt  }
0x69: {  	_ =	shalt  }
0x6a: {  	_ =	shalt  }
0x6b: {  	_ =	shalt  }
0x6c: {  	_ =	shalt  }
0x6d: {  	_ =	shalt  }
0x6e: {  	_ =	shalt  }
0x6f: {  	_ =	shalt  }
0x70: {  	_ =	shalt  }
0x71: {  	_ =	shalt  }
0x72: {  	_ =	shalt  }
0x73: {  	_ =	shalt  }
0x74: {  	_ =	shalt  }
0x75: {  	_ =	shalt  }
0x76: {  	_ =	shalt  }
0x77: {  	_ =	shalt  }
0x78: {  	_ =	shalt  }
0x79: {  	_ =	shalt  }
0x7a: {  	_ =	shalt  }
0x7b: {  	_ =	shalt  }
0x7c: {  	_ =	shalt  }
0x7d: {  	_ =	shalt  }
0x7e: {  	_ =	shalt  }
0x7f: {  	_ =	shalt  }
0x80: {  	_ =	shalt  }
0x81: {  	_ =	shalt  }
0x82: {  	_ =	shalt  }
0x83: {  	_ =	shalt  }
0x84: {  	_ =	shalt  }
0x85: {  	_ =	shalt  }
0x86: {  	_ =	shalt  }
0x87: {  	_ =	shalt  }
.Lfunc_end0:
.L_simem_size_0:
called_computation_lowered:
.L_overlay_start_0:
0x88: {  	s2 =	sld [smem:$0x3FD9]  }
0x89: {  	s3 =	sld [smem:$0x3FFE];
	_ =	sdelay $0x1  }
0x8a: {  	s1 =	srdreg.scid  }
0x8b: {  	s0 =	sand.u32 $0x1, s1  }
0x8c: {  	s17 =	sshll.u32 s0, $0xA;
	s2 =	sadd.s32 s3, s2  }
0x8d: {  	s2 =	sadd.s32 s2, s17  }
0x8e: {  	[smem:$0x3FC6] =	sst s2  }
0x8f: {  	_ = 	snop  }
0x90: {  	s2 =	sld [smem:$0x3FD0];
	(tm) =	ssettm $0x1  }
0x91: {  	s18 =	sld [smem:$0x3FFB];
	_ =	sdelay $0x3  }
0x92: {  	_ =	strace s18  }
0x93: {  	s3 =	sld [smem:$0x3FFC];
	_ =	sdelay $0x3  }
0x94: {  	_ =	strace s3  }
0x95: {  	s3 =	sld [smem:$0x3FFD];
	_ =	sdelay $0x3  }
0x96: {  	_ =	strace s3  }
0x97: {  	_ =	strace $0x8FFFFFFF  }
0x98: {  	s19 =	sld [smem:$0x3FDB];
	_ =	sdelay $0x1  }
0x99: {  	s4 =	simm.s32 $_scs_section_size  }
0x9a: {  	s5 =	simm.s32 $_size__tile_overlayer_lowered;
	s6 =	simm.s32 $_tile_overlayer_lowered  }
0x9b: {  	s22 =	simm.s32 $0x1BFF;
	s21 =	sshll.u32 s6, $0x1;
	s3 =	sadd.s32 s4, s19  }
0x9c: {  	s7 =	simm.s32 $0x0;
	s20 =	sshll.u32 s5, $0x1;
	s5 =	sadd.s32 s21, s3  }
0x9d: {  	[timem:s7], [sflag:s22] =	dma.local [hbm:s5], s20  }
0x9e: {  	_ =	swait.ge [sflag:s22], s20  }
0x9f: {  	s4 =	ssub.s32 $0x0, s20;
	[sflag:s22] =	ssyncset.done $0x0  }
0xa0: {  	[sflag:s22] =	ssyncadd.s32 s4;
	_ =	sdelay $0x1  }
0xa1: {  	s23 =	simm.s32 $0x1B8B  }
0xa2: {  	_ =	swait.ge [sflag:s23], $0x1  }
0xa3: {  	[sflag:s23] =	ssyncset.done $0x0  }
0xa4: {  	s25 =	simm.s32 $0x1B8E;
	s24 =	sld [smem:$0x3FFE];
	[sflag:s23] =	ssyncadd.s32 $0xFFFFFFFF  }
0xa5: {  	s26 =	simm.s32 $execute0_lowered;
	[smem:$0x3FD2] =	sst s25  }
0xa6: {  	s5 =	sshll.u32 s26, $0x1;
	_ =	strace $0x80000046;
	[dreg:$0x1] =	wrdreg $0xFFFFFFFF  }
0xa7: {  	s28 =	simm.s32 $_size_execute0_lowered;
	s3 =	sadd.s32 s3, s5;
	[dreg:$0x0] =	wrdreg $0x0  }
0xa8: {  	s5 =	sshll.u32 s28, $0x1;
	[dreg:$0x2] =	wrdreg s3  }
0xa9: {  	[dreg:$0x3] =	wrdreg s5  }
0xaa: {  	[dreg:$0x4] =	wrdreg $0xC0  }
0xab: {  	_ =	task [dreg:s7], $0x5FFFF  }
0xac: {  	[dreg:$0x1] =	wrdreg $0xFFFFFFFF  }
0xad: {  	[dreg:$0x0] =	wrdreg $0x60  }
0xae: {  	[dreg:$0x2] =	wrdreg s24  }
0xaf: {  	[dreg:$0x3] =	wrdreg s2  }
0xb0: {  	[dreg:$0x4] =	wrdreg $0x9  }
0xb1: {  	_ =	task.clear_ibuf [dreg:s7], $0x5FFFF;
	_ =	strace $0x90000046  }
0xb2: {  	s29 =	simm.s32 $0x9;
	_ =	strace $0x80000048  }
0xb3: {  	_ =	swait.ge [sflag:s29], $0x1  }
0xb4: {  	[sflag:s29] =	ssyncadd.s32 $0xFFFFFFFF  }
0xb5: {  	_ =	strace $0x90000048  }
0xb6: {  	_ =	sfence  }
0xb7: {  	s30 =	sld [smem:$0x0];
	_ =	sdelay $0x2  }
0xb8: {  	s31 =	sshll.u32 s1, $0xD;
	s1 =	sshrl.u32 s1, $0x2  }
0xb9: {  	s3 =	sand.u32 $0x4000, s31;
	s1 =	sadd.s32 s1, s30  }
0xba: {  	s0 =	sor.u32 s3, s0;
	s1 =	sshll.u32 s1, $0x11  }
0xbb: {  	s0 =	sor.u32 s1, s0  }
0xbc: {  	s0 =	sadd.s32 $0x8F2B, s0  }
0xbd: {  	[sflag:s0] =	ssyncadd.remote.s32 $0x1  }
0xbe: {  	_ =	sfence.sel $0xFFFF  }
0xbf: {  	[dreg:$0x0] =	wrdreg $0xFFFFFFFF;
	(pc) =	sbr.abs _section_cstart, $3  }
0xc0: {  	[dreg:$0x1] =	wrdreg $0xFFFFFFFF  }
0xc1: {  	_ =	task.clear_ibuf [dreg:s7], $0x2FFFF;
	_ =	strace $0x9FFFFFFF  }
0xc2: {  	(tm) =	ssettm $0x7FFFFFFF  }
0xc3: {  	_ =	shalt  }
tec
execute0_lowered:
.L_overlay_start_1:
0x0: {  	(tag) =	ssettag $0x1  }
0x1: {  	s4 =	rddreg [dreg:$0x0]  }
0x2: {  	s6 =	rddreg [dreg:$0x1];
	s2 =	simm.s32 $0x0  }
0x3: {  	s3 =	srdreg.scid;
	s0 =	stileid.u32;
	s10 =	simm.s32 $0x4  }
0x4: {  	s11 =	simm.s32 $0x0;
	s5 =	sand.u32 $0x1, s3;
	s8 =	sshll.u32 s0, $0x1  }
.Ltmp0:
0x5: {  	s7 =	ssub.s32 $0x2, s5;
	s8 =	sor.u32 s5, s8;
	(pc) =	sbr.rel .LBB2_1-.Ltmp0, $4  }
0x6: {  	s9 =	sshrl.u32 s7, $0x1;
	s5 =	sshll.u32 s8, $0x7;
	s8 =	sshll.u32 s8, $0xA  }
0x7: {  	[smem:$0x7FF] =	sst s2;
	s7 =	ssub.s32 s7, s9;
	s30 =	sadd.s32 s6, s8  }
0x8: {  	_ =	strace $0x80000047;
	[dreg:$0x5] =	wrdreg s30;
	s31 =	smax.u32 s7, $0x1  }
0x9: {  	s3 =	sadd.s32 $0x400, s4;
	s4 =	sadd.s32 $0xF42800, s4;
	[dreg:$0x6] =	wrdreg s31  }
.LBB2_11:
0xa: {  	s0 =	simm.s32 $0x3  }
0xb: {  	_ =	swait.ge [sflag:s0], $0xC800  }
0xc: {  	[sflag:s0] =	ssyncset.done $0x0  }
0xd: {  	[sflag:s0] =	ssyncadd.s32 $0xFFFF3800  }
0xe: {  	_ =	swait.ge [sflag:s10], $0xC800  }
0xf: {  	s11 =	sadd.s32 $0x1, s11;
	s31 =	rddreg [dreg:$0x6]  }
0x10: {  	p0 =	sne.s32 s11, s31  }
.Ltmp1:
0x11: {  	_ = 	snop;
	(pc) =	sbr.rel @!p0 .LBB2_12-.Ltmp1, $3  }
0x12: {  	_ =	sdelay $0x1  }
0x13: {  	[sflag:s10] =	ssyncset.done $0x0  }
0x14: {  	[sflag:s10] =	ssyncadd.s32 $0xFFFF3800  }
.LBB2_1:
0x15: {  	s0 =	rddreg [dreg:$0x5];
	s31 =	simm.s32 $0x5  }
0x16: {  	[tilespmem:s2], [sflag:$0x5] =	stream.linear.gather [hbm4b:s0+s2], $0x2000, $0x38;
	[tilespmem:$0x1E000] =	vst v63  }
0x17: {  	_ =	swait.ge [sflag:s31], $0x2000  }
0x18: {  	[sflag:s31] =	ssyncset.done $0x0  }
0x19: {  	s13 =	simm.s32 $0x20;
	[sflag:s31] =	ssyncadd.s32 $0xFFFFE000  }
0x1a: {  	v0 =	vld [tilespmem:s13+$0xFFFFFFE0];
	_ =	sdelay $0x4  }
0x1b: {  	v0 =	vshll.u32 v0, $0x4  }
0x1c: {  	(v2sf) =	vpush v0, $0x0  }
0x1d: {  	(v2sf) =	vpush v0, $0x1  }
0x1e: {  	(v2sf) =	vpush v0, $0x2;
	_ =	sdelay $0x1  }
0x1f: {  	(v2sf) =	vpush v0, $0x3;
	_ =	sdelay $0x1  }
0x20: {  	(v2sf) =	vpush v0, $0x4;
	_ =	sdelay $0x1  }
0x21: {  	(v2sf) =	vpush v0, $0x5;
	_ =	sdelay $0x1  }
0x22: {  	(v2sf) =	vpush v0, $0x6  }
0x23: {  	s17 =	simm.s32 $0x2000;
	s14 =	simm.s32 $0x2600  }
0x24: {  	s12 =	simm.s32 $0x2680;
	s16 =	simm.s32 $0x2500;
	s15 =	simm.s32 $0x2580;
	(v2sf) =	vpush v0, $0x7  }
0x25: {  	s18 =	simm.s32 $0x2380;
	s19 =	simm.s32 $0x2400;
	s20 =	simm.s32 $0x2480  }
0x26: {  	s21 =	simm.s32 $0x2200;
	s22 =	simm.s32 $0x2280;
	s23 =	simm.s32 $0x2300;
	(v2sf) =	vpush v0, $0x8  }
0x27: {  	s24 =	simm.s32 $0x2100;
	s25 =	simm.s32 $0x2180;
	s26 =	spop (v2sf)  }
0x28: {  	s28 =	simm.s32 $0x2080;
	s26 =	sand.u32 $0x1FFFFFF0, s26;
	s29 =	spop (v2sf);
	(v2sf) =	vpush v0, $0x9  }
0x29: {  	s26 =	sadd.s32 s3, s26;
	s29 =	sand.u32 $0x1FFFFFF0, s29;
	s30 =	spop (v2sf)  }
0x2a: {  	(v2sf) =	vpush v0, $0xA;
	[tilespmem:s17], [sflag:$0x1] =	stream.linear.gather [hbm4b:s26+s2], $0x80, $0x38;
	[tilespmem:$0x1E000] =	vst v63  }
0x2b: {  	s0 =	sadd.s32 s3, s29;
	s1 =	sand.u32 $0x1FFFFFF0, s30;
	s6 =	spop (v2sf)  }
0x2c: {  	(v2sf) =	vpush v0, $0xB;
	[tilespmem:s28], [sflag:$0x1] =	stream.linear.gather [hbm4b:s0+s2], $0x80, $0x38;
	[tilespmem:$0x1E000] =	vst v63  }
0x2d: {  	s7 =	sadd.s32 s3, s1;
	s8 =	sand.u32 $0x1FFFFFF0, s6;
	s9 =	spop (v2sf)  }
0x2e: {  	(v2sf) =	vpush v0, $0xC;
	[tilespmem:s24], [sflag:$0x1] =	stream.linear.gather [hbm4b:s7+s2], $0x80, $0x38;
	[tilespmem:$0x1E000] =	vst v63  }
0x2f: {  	s29 =	sadd.s32 s3, s8;
	s30 =	sand.u32 $0x1FFFFFF0, s9;
	s31 =	spop (v2sf)  }
0x30: {  	(v2sf) =	vpush v0, $0xD;
	[tilespmem:s25], [sflag:$0x1] =	stream.linear.gather [hbm4b:s29+s2], $0x80, $0x38;
	[tilespmem:$0x1E000] =	vst v63  }
0x31: {  	s0 =	sadd.s32 s3, s30;
	s1 =	sand.u32 $0x1FFFFFF0, s31;
	s6 =	spop (v2sf)  }
0x32: {  	(v2sf) =	vpush v0, $0xE;
	[tilespmem:s21], [sflag:$0x1] =	stream.linear.gather [hbm4b:s0+s2], $0x80, $0x38;
	[tilespmem:$0x1E000] =	vst v63  }
0x33: {  	s7 =	sadd.s32 s3, s1;
	s8 =	sand.u32 $0x1FFFFFF0, s6;
	s9 =	spop (v2sf)  }
0x34: {  	(v2sf) =	vpush v0, $0xF;
	[tilespmem:s22], [sflag:$0x1] =	stream.linear.gather [hbm4b:s7+s2], $0x80, $0x38;
	[tilespmem:$0x1E000] =	vst v63  }
0x35: {  	s24 =	spop (v2sf);
	s21 =	sadd.s32 s3, s8;
	s22 =	sand.u32 $0x1FFFFFF0, s9  }
0x36: {  	[tilespmem:s23], [sflag:$0x1] =	stream.linear.gather [hbm4b:s21+s2], $0x80, $0x38;
	[tilespmem:$0x1E000] =	vst v63  }
0x37: {  	s26 =	sand.u32 $0x1FFFFFF0, s24;
	s25 =	sadd.s32 s3, s22;
	s28 =	spop (v2sf)  }
0x38: {  	[tilespmem:s18], [sflag:$0x1] =	stream.linear.gather [hbm4b:s25+s2], $0x80, $0x38;
	[tilespmem:$0x1E000] =	vst v63  }
0x39: {  	s29 =	sadd.s32 s3, s26;
	s30 =	sand.u32 $0x1FFFFFF0, s28;
	s31 =	spop (v2sf)  }
0x3a: {  	[tilespmem:s19], [sflag:$0x1] =	stream.linear.gather [hbm4b:s29+s2], $0x80, $0x38;
	[tilespmem:$0x1E000] =	vst v63  }
0x3b: {  	s0 =	sadd.s32 s3, s30;
	s1 =	sand.u32 $0x1FFFFFF0, s31;
	s6 =	spop (v2sf)  }
0x3c: {  	[tilespmem:s20], [sflag:$0x1] =	stream.linear.gather [hbm4b:s0+s2], $0x80, $0x38;
	[tilespmem:$0x1E000] =	vst v63  }
0x3d: {  	s7 =	sadd.s32 s3, s1;
	s8 =	sand.u32 $0x1FFFFFF0, s6;
	s9 =	spop (v2sf)  }
0x3e: {  	[tilespmem:s16], [sflag:$0x1] =	stream.linear.gather [hbm4b:s7+s2], $0x80, $0x38;
	[tilespmem:$0x1E000] =	vst v63  }
0x3f: {  	s21 =	sand.u32 $0x1FFFFFF0, s9;
	s22 =	spop (v2sf);
	s20 =	sadd.s32 s3, s8  }
0x40: {  	[tilespmem:s15], [sflag:$0x1] =	stream.linear.gather [hbm4b:s20+s2], $0x80, $0x38;
	[tilespmem:$0x1E000] =	vst v63  }
0x41: {  	s23 =	sadd.s32 s3, s21;
	s24 =	sand.u32 $0x1FFFFFF0, s22;
	s25 =	spop (v2sf)  }
0x42: {  	[tilespmem:s14], [sflag:$0x1] =	stream.linear.gather [hbm4b:s23+s2], $0x80, $0x38;
	[tilespmem:$0x1E000] =	vst v63  }
0x43: {  	s26 =	sadd.s32 s3, s24;
	s28 =	sand.u32 $0x1FFFFFF0, s25;
	s29 =	spop (v2sf)  }
0x44: {  	[tilespmem:s12], [sflag:$0x1] =	stream.linear.gather [hbm4b:s26+s2], $0x80, $0x38;
	[tilespmem:$0x1E000] =	vst v63  }
0x45: {  	s30 =	simm.s32 $0x2700;
	s31 =	sadd.s32 s3, s28;
	s0 =	sand.u32 $0x1FFFFFF0, s29  }
0x46: {  	[tilespmem:s30], [sflag:$0x1] =	stream.linear.gather [hbm4b:s31+s2], $0x80, $0x38;
	[tilespmem:$0x1E000] =	vst v63  }
0x47: {  	s1 =	simm.s32 $0x2780;
	s6 =	sadd.s32 s3, s0  }
0x48: {  	[tilespmem:s1], [sflag:$0x1] =	stream.linear.gather [hbm4b:s6+s2], $0x80, $0x38;
	[tilespmem:$0x1E000] =	vst v63  }
0x49: {  	v61 =	vld [tilespmem:s13+$0xFFFFFFF0];
	_ =	sdelay $0x4  }
0x4a: {  	v0 =	vshll.u32 v61, $0x4  }
0x4b: {  	(v2sf) =	vpush v0, $0x0  }
0x4c: {  	(v2sf) =	vpush v0, $0x1  }
0x4d: {  	(v2sf) =	vpush v0, $0x2;
	_ =	sdelay $0x1  }
0x4e: {  	(v2sf) =	vpush v0, $0x3;
	_ =	sdelay $0x1  }
0x4f: {  	(v2sf) =	vpush v0, $0x4;
	_ =	sdelay $0x1  }
0x50: {  	(v2sf) =	vpush v0, $0x5;
	_ =	sdelay $0x1  }
0x51: {  	(v2sf) =	vpush v0, $0x6  }
0x52: {  	s17 =	simm.s32 $0x2C80;
	s18 =	simm.s32 $0x2B00  }
0x53: {  	s19 =	simm.s32 $0x2B80;
	s9 =	simm.s32 $0x2800;
	s21 =	simm.s32 $0x2980;
	(v2sf) =	vpush v0, $0x7  }
0x54: {  	s22 =	simm.s32 $0x2A00;
	s25 =	simm.s32 $0x2900;
	s16 =	simm.s32 $0x2D00  }
0x55: {  	s7 =	simm.s32 $0x2880;
	s15 =	simm.s32 $0x2D80;
	s20 =	simm.s32 $0x2C00;
	(v2sf) =	vpush v0, $0x8  }
0x56: {  	s14 =	simm.s32 $0x2E00;
	s23 =	simm.s32 $0x2A80;
	s8 =	spop (v2sf)  }
0x57: {  	s12 =	simm.s32 $0x2E80;
	s26 =	sand.u32 $0x1FFFFFF0, s8;
	s30 =	spop (v2sf);
	(v2sf) =	vpush v0, $0x9  }
0x58: {  	s26 =	sadd.s32 s3, s26;
	s29 =	sand.u32 $0x1FFFFFF0, s30;
	s31 =	spop (v2sf)  }
0x59: {  	(v2sf) =	vpush v0, $0xA;
	[tilespmem:s9], [sflag:$0x1] =	stream.linear.gather [hbm4b:s26+s2], $0x80, $0x38;
	[tilespmem:$0x1E000] =	vst v63  }
0x5a: {  	s0 =	sadd.s32 s3, s29;
	s1 =	sand.u32 $0x1FFFFFF0, s31;
	s6 =	spop (v2sf)  }
0x5b: {  	(v2sf) =	vpush v0, $0xB;
	[tilespmem:s7], [sflag:$0x1] =	stream.linear.gather [hbm4b:s0+s2], $0x80, $0x38;
	[tilespmem:$0x1E000] =	vst v63  }
0x5c: {  	s8 =	sand.u32 $0x1FFFFFF0, s6;
	s9 =	spop (v2sf);
	s7 =	sadd.s32 s3, s1  }
0x5d: {  	(v2sf) =	vpush v0, $0xC;
	[tilespmem:s25], [sflag:$0x1] =	stream.linear.gather [hbm4b:s7+s2], $0x80, $0x38;
	[tilespmem:$0x1E000] =	vst v63  }
0x5e: {  	s29 =	sadd.s32 s3, s8;
	s30 =	sand.u32 $0x1FFFFFF0, s9;
	s31 =	spop (v2sf)  }
0x5f: {  	(v2sf) =	vpush v0, $0xD;
	[tilespmem:s21], [sflag:$0x1] =	stream.linear.gather [hbm4b:s29+s2], $0x80, $0x38;
	[tilespmem:$0x1E000] =	vst v63  }
0x60: {  	s0 =	sadd.s32 s3, s30;
	s1 =	sand.u32 $0x1FFFFFF0, s31;
	s6 =	spop (v2sf)  }
0x61: {  	(v2sf) =	vpush v0, $0xE;
	[tilespmem:s22], [sflag:$0x1] =	stream.linear.gather [hbm4b:s0+s2], $0x80, $0x38;
	[tilespmem:$0x1E000] =	vst v63  }
0x62: {  	s7 =	sadd.s32 s3, s1;
	s8 =	sand.u32 $0x1FFFFFF0, s6;
	s9 =	spop (v2sf)  }
0x63: {  	(v2sf) =	vpush v0, $0xF;
	[tilespmem:s23], [sflag:$0x1] =	stream.linear.gather [hbm4b:s7+s2], $0x80, $0x38;
	[tilespmem:$0x1E000] =	vst v63  }
0x64: {  	s24 =	spop (v2sf);
	s22 =	sadd.s32 s3, s8;
	s23 =	sand.u32 $0x1FFFFFF0, s9  }
0x65: {  	[tilespmem:s18], [sflag:$0x1] =	stream.linear.gather [hbm4b:s22+s2], $0x80, $0x38;
	[tilespmem:$0x1E000] =	vst v63  }
0x66: {  	s26 =	sand.u32 $0x1FFFFFF0, s24;
	s25 =	sadd.s32 s3, s23;
	s28 =	spop (v2sf)  }
0x67: {  	[tilespmem:s19], [sflag:$0x1] =	stream.linear.gather [hbm4b:s25+s2], $0x80, $0x38;
	[tilespmem:$0x1E000] =	vst v63  }
0x68: {  	s29 =	sadd.s32 s3, s26;
	s30 =	sand.u32 $0x1FFFFFF0, s28;
	s31 =	spop (v2sf)  }
0x69: {  	[tilespmem:s20], [sflag:$0x1] =	stream.linear.gather [hbm4b:s29+s2], $0x80, $0x38;
	[tilespmem:$0x1E000] =	vst v63  }
0x6a: {  	s0 =	sadd.s32 s3, s30;
	s1 =	sand.u32 $0x1FFFFFF0, s31;
	s6 =	spop (v2sf)  }
0x6b: {  	[tilespmem:s17], [sflag:$0x1] =	stream.linear.gather [hbm4b:s0+s2], $0x80, $0x38;
	[tilespmem:$0x1E000] =	vst v63  }
0x6c: {  	s7 =	sadd.s32 s3, s1;
	s8 =	sand.u32 $0x1FFFFFF0, s6;
	s9 =	spop (v2sf)  }
0x6d: {  	[tilespmem:s16], [sflag:$0x1] =	stream.linear.gather [hbm4b:s7+s2], $0x80, $0x38;
	[tilespmem:$0x1E000] =	vst v63  }
0x6e: {  	s20 =	sadd.s32 s3, s8;
	s21 =	sand.u32 $0x1FFFFFF0, s9;
	s22 =	spop (v2sf)  }
0x6f: {  	[tilespmem:s15], [sflag:$0x1] =	stream.linear.gather [hbm4b:s20+s2], $0x80, $0x38;
	[tilespmem:$0x1E000] =	vst v63  }
0x70: {  	s23 =	sadd.s32 s3, s21;
	s24 =	sand.u32 $0x1FFFFFF0, s22;
	s25 =	spop (v2sf)  }
0x71: {  	[tilespmem:s14], [sflag:$0x1] =	stream.linear.gather [hbm4b:s23+s2], $0x80, $0x38;
	[tilespmem:$0x1E000] =	vst v63  }
0x72: {  	s26 =	sadd.s32 s3, s24;
	s28 =	sand.u32 $0x1FFFFFF0, s25;
	s29 =	spop (v2sf)  }
0x73: {  	[tilespmem:s12], [sflag:$0x1] =	stream.linear.gather [hbm4b:s26+s2], $0x80, $0x38;
	[tilespmem:$0x1E000] =	vst v63  }
0x74: {  	s30 =	simm.s32 $0x2F00;
	s31 =	sadd.s32 s3, s28;
	s0 =	sand.u32 $0x1FFFFFF0, s29  }
0x75: {  	[tilespmem:s30], [sflag:$0x1] =	stream.linear.gather [hbm4b:s31+s2], $0x80, $0x38;
	[tilespmem:$0x1E000] =	vst v63  }
0x76: {  	s1 =	simm.s32 $0x2F80;
	s6 =	sadd.s32 s3, s0  }
0x77: {  	[tilespmem:s1], [sflag:$0x1] =	stream.linear.gather [hbm4b:s6+s2], $0x80, $0x38;
	[tilespmem:$0x1E000] =	vst v63  }
0x78: {  	v62 =	vld [tilespmem:s13+$0x0];
	_ =	sdelay $0x4  }
0x79: {  	v0 =	vshll.u32 v62, $0x4  }
0x7a: {  	(v2sf) =	vpush v0, $0x0  }
0x7b: {  	(v2sf) =	vpush v0, $0x1  }
0x7c: {  	(v2sf) =	vpush v0, $0x2;
	_ =	sdelay $0x1  }
0x7d: {  	(v2sf) =	vpush v0, $0x3;
	_ =	sdelay $0x1  }
0x7e: {  	(v2sf) =	vpush v0, $0x4;
	_ =	sdelay $0x1  }
0x7f: {  	(v2sf) =	vpush v0, $0x5;
	_ =	sdelay $0x1  }
0x80: {  	(v2sf) =	vpush v0, $0x6  }
0x81: {  	s18 =	simm.s32 $0x3300;
	s19 =	simm.s32 $0x3380  }
0x82: {  	s9 =	simm.s32 $0x3000;
	s17 =	simm.s32 $0x3480;
	s21 =	simm.s32 $0x3180;
	(v2sf) =	vpush v0, $0x7  }
0x83: {  	s22 =	simm.s32 $0x3200;
	s25 =	simm.s32 $0x3100;
	s16 =	simm.s32 $0x3500  }
0x84: {  	s7 =	simm.s32 $0x3080;
	s15 =	simm.s32 $0x3580;
	s20 =	simm.s32 $0x3400;
	(v2sf) =	vpush v0, $0x8  }
0x85: {  	s14 =	simm.s32 $0x3600;
	s23 =	simm.s32 $0x3280;
	s8 =	spop (v2sf)  }
0x86: {  	s12 =	simm.s32 $0x3680;
	(v2sf) =	vpush v0, $0x9;
	s26 =	sand.u32 $0x1FFFFFF0, s8;
	s30 =	spop (v2sf)  }
0x87: {  	s26 =	sadd.s32 s3, s26;
	s29 =	sand.u32 $0x1FFFFFF0, s30;
	s31 =	spop (v2sf)  }
0x88: {  	(v2sf) =	vpush v0, $0xA;
	[tilespmem:s9], [sflag:$0x1] =	stream.linear.gather [hbm4b:s26+s2], $0x80, $0x38;
	[tilespmem:$0x1E000] =	vst v63  }
0x89: {  	s0 =	sadd.s32 s3, s29;
	s1 =	sand.u32 $0x1FFFFFF0, s31;
	s6 =	spop (v2sf)  }
0x8a: {  	(v2sf) =	vpush v0, $0xB;
	[tilespmem:s7], [sflag:$0x1] =	stream.linear.gather [hbm4b:s0+s2], $0x80, $0x38;
	[tilespmem:$0x1E000] =	vst v63  }
0x8b: {  	s8 =	sand.u32 $0x1FFFFFF0, s6;
	s9 =	spop (v2sf);
	s7 =	sadd.s32 s3, s1  }
0x8c: {  	(v2sf) =	vpush v0, $0xC;
	[tilespmem:s25], [sflag:$0x1] =	stream.linear.gather [hbm4b:s7+s2], $0x80, $0x38;
	[tilespmem:$0x1E000] =	vst v63  }
0x8d: {  	s29 =	sadd.s32 s3, s8;
	s30 =	sand.u32 $0x1FFFFFF0, s9;
	s31 =	spop (v2sf)  }
0x8e: {  	(v2sf) =	vpush v0, $0xD;
	[tilespmem:s21], [sflag:$0x1] =	stream.linear.gather [hbm4b:s29+s2], $0x80, $0x38;
	[tilespmem:$0x1E000] =	vst v63  }
0x8f: {  	s0 =	sadd.s32 s3, s30;
	s1 =	sand.u32 $0x1FFFFFF0, s31;
	s6 =	spop (v2sf)  }
0x90: {  	(v2sf) =	vpush v0, $0xE;
	[tilespmem:s22], [sflag:$0x1] =	stream.linear.gather [hbm4b:s0+s2], $0x80, $0x38;
	[tilespmem:$0x1E000] =	vst v63  }
0x91: {  	s7 =	sadd.s32 s3, s1;
	s8 =	sand.u32 $0x1FFFFFF0, s6;
	s9 =	spop (v2sf)  }
0x92: {  	(v2sf) =	vpush v0, $0xF;
	[tilespmem:s23], [sflag:$0x1] =	stream.linear.gather [hbm4b:s7+s2], $0x80, $0x38;
	[tilespmem:$0x1E000] =	vst v63  }
0x93: {  	s24 =	spop (v2sf);
	s22 =	sadd.s32 s3, s8;
	s23 =	sand.u32 $0x1FFFFFF0, s9  }
0x94: {  	[tilespmem:s18], [sflag:$0x1] =	stream.linear.gather [hbm4b:s22+s2], $0x80, $0x38;
	[tilespmem:$0x1E000] =	vst v63  }
0x95: {  	s26 =	sand.u32 $0x1FFFFFF0, s24;
	s25 =	sadd.s32 s3, s23;
	s28 =	spop (v2sf)  }
0x96: {  	[tilespmem:s19], [sflag:$0x1] =	stream.linear.gather [hbm4b:s25+s2], $0x80, $0x38;
	[tilespmem:$0x1E000] =	vst v63  }
0x97: {  	s29 =	sadd.s32 s3, s26;
	s30 =	sand.u32 $0x1FFFFFF0, s28;
	s31 =	spop (v2sf)  }
0x98: {  	[tilespmem:s20], [sflag:$0x1] =	stream.linear.gather [hbm4b:s29+s2], $0x80, $0x38;
	[tilespmem:$0x1E000] =	vst v63  }
0x99: {  	s0 =	sadd.s32 s3, s30;
	s1 =	sand.u32 $0x1FFFFFF0, s31;
	s6 =	spop (v2sf)  }
0x9a: {  	[tilespmem:s17], [sflag:$0x1] =	stream.linear.gather [hbm4b:s0+s2], $0x80, $0x38;
	[tilespmem:$0x1E000] =	vst v63  }
0x9b: {  	s7 =	sadd.s32 s3, s1;
	s8 =	sand.u32 $0x1FFFFFF0, s6;
	s9 =	spop (v2sf)  }
0x9c: {  	[tilespmem:s16], [sflag:$0x1] =	stream.linear.gather [hbm4b:s7+s2], $0x80, $0x38;
	[tilespmem:$0x1E000] =	vst v63  }
0x9d: {  	s18 =	sand.u32 $0x1FFFFFF0, s9;
	s19 =	spop (v2sf);
	s17 =	sadd.s32 s3, s8  }
0x9e: {  	[tilespmem:s15], [sflag:$0x1] =	stream.linear.gather [hbm4b:s17+s2], $0x80, $0x38;
	[tilespmem:$0x1E000] =	vst v63  }
0x9f: {  	s20 =	sadd.s32 s3, s18;
	s21 =	sand.u32 $0x1FFFFFF0, s19;
	s22 =	spop (v2sf)  }
0xa0: {  	[tilespmem:s14], [sflag:$0x1] =	stream.linear.gather [hbm4b:s20+s2], $0x80, $0x38;
	[tilespmem:$0x1E000] =	vst v63  }
0xa1: {  	s23 =	sadd.s32 s3, s21;
	s24 =	sand.u32 $0x1FFFFFF0, s22;
	s25 =	spop (v2sf)  }
0xa2: {  	[tilespmem:s12], [sflag:$0x1] =	stream.linear.gather [hbm4b:s23+s2], $0x80, $0x38;
	[tilespmem:$0x1E000] =	vst v63  }
0xa3: {  	s26 =	simm.s32 $0x3700;
	s28 =	sadd.s32 s3, s24;
	s29 =	sand.u32 $0x1FFFFFF0, s25  }
0xa4: {  	[tilespmem:s26], [sflag:$0x1] =	stream.linear.gather [hbm4b:s28+s2], $0x80, $0x38;
	[tilespmem:$0x1E000] =	vst v63  }
0xa5: {  	s30 =	simm.s32 $0x3780;
	s31 =	sadd.s32 s3, s29  }
0xa6: {  	[tilespmem:s30], [sflag:$0x1] =	stream.linear.gather [hbm4b:s31+s2], $0x80, $0x38;
	[tilespmem:$0x1E000] =	vst v63  }
0xa7: {  	v63 =	vld [tilespmem:s13+$0x10];
	_ =	sdelay $0x4  }
0xa8: {  	v0 =	vshll.u32 v63, $0x4  }
0xa9: {  	(v2sf) =	vpush v0, $0x0  }
0xaa: {  	s15 =	simm.s32 $0x0;
	s14 =	simm.s32 $0x7000;
	s12 =	simm.s32 $0x0;
	(v2sf) =	vpush v0, $0x1  }
.LBB2_2:
0xab: {  	_ =	sdelay $0x9  }
0xac: {  	p0 =	sne.s32 s14, $0x31000  }
0xad: {  	s13 =	sadd.s32 $0x40, s13;
	s16 =	smov.u32 s14;
	s14 =	sadd.s32 $0x7000, s14  }
0xae: {  	_ = 	snop  }
0xaf: {  	s17 =	spop (v2sf)  }
0xb0: {  	s17 =	sand.u32 $0x1FFFFFF0, s17;
	s18 =	spop (v2sf)  }
0xb1: {  	s19 =	sadd.s32 $0x3800, s15;
	s17 =	sadd.s32 s3, s17;
	s18 =	sand.u32 $0x1FFFFFF0, s18  }
0xb2: {  	[tilespmem:s19], [sflag:$0x1] =	stream.linear.gather [hbm4b:s17+s12], $0x80, $0x38;
	[tilespmem:$0x1E000] =	vst v63  }
0xb3: {  	s15 =	sadd.s32 $0x3880, s15;
	s17 =	sadd.s32 s3, s18  }
0xb4: {  	[tilespmem:s15], [sflag:$0x1] =	stream.linear.gather [hbm4b:s17+s12], $0x80, $0x38;
	[tilespmem:$0x1E000] =	vst v63  }
0xb5: {  	v0 =	vld [tilespmem:s13+$0xFFFFFFE0];
	_ =	sdelay $0x4  }
0xb6: {  	v0 =	vshll.u32 v0, $0x4  }
0xb7: {  	(v2sf) =	vpush v0, $0x0  }
0xb8: {  	(v2sf) =	vpush v0, $0x1  }
0xb9: {  	(v2sf) =	vpush v0, $0x2;
	_ =	sdelay $0x1  }
0xba: {  	(v2sf) =	vpush v0, $0x3;
	_ =	sdelay $0x1  }
0xbb: {  	(v2sf) =	vpush v0, $0x4;
	_ =	sdelay $0x1  }
0xbc: {  	(v2sf) =	vpush v0, $0x5  }
0xbd: {  	s15 =	sshra.s32 s16, $0x2  }
0xbe: {  	s16 =	sadd.s32 $0x2780, s15;
	(v2sf) =	vpush v0, $0x6  }
0xbf: {  	s24 =	sadd.s32 $0x2000, s15;
	s18 =	sadd.s32 $0x2600, s15;
	s17 =	sadd.s32 $0x2680, s15  }
0xc0: {  	s12 =	simm.s32 $0x0;
	s20 =	sadd.s32 $0x2500, s15;
	s19 =	sadd.s32 $0x2580, s15;
	(v2sf) =	vpush v0, $0x7  }
0xc1: {  	s23 =	sadd.s32 $0x2380, s15;
	s22 =	sadd.s32 $0x2400, s15;
	s21 =	sadd.s32 $0x2480, s15  }
0xc2: {  	s25 =	sadd.s32 $0x2200, s15;
	s26 =	sadd.s32 $0x2280, s15;
	s28 =	sadd.s32 $0x2300, s15;
	(v2sf) =	vpush v0, $0x8  }
0xc3: {  	s29 =	sadd.s32 $0x2100, s15;
	s30 =	sadd.s32 $0x2180, s15;
	s31 =	spop (v2sf)  }
0xc4: {  	s0 =	sadd.s32 $0x2080, s15;
	s31 =	sand.u32 $0x1FFFFFF0, s31;
	s1 =	spop (v2sf);
	(v2sf) =	vpush v0, $0x9  }
0xc5: {  	s31 =	sadd.s32 s3, s31;
	s1 =	sand.u32 $0x1FFFFFF0, s1;
	s6 =	spop (v2sf)  }
0xc6: {  	[tilespmem:s24], [sflag:$0x1] =	stream.linear.gather [hbm4b:s31+s12], $0x80, $0x38;
	(v2sf) =	vpush v0, $0xA;
	[tilespmem:$0x1E000] =	vst v63  }
0xc7: {  	s1 =	sadd.s32 s3, s1;
	s6 =	sand.u32 $0x1FFFFFF0, s6;
	s24 =	spop (v2sf)  }
0xc8: {  	[tilespmem:s0], [sflag:$0x1] =	stream.linear.gather [hbm4b:s1+s12], $0x80, $0x38;
	(v2sf) =	vpush v0, $0xB;
	[tilespmem:$0x1E000] =	vst v63  }
0xc9: {  	s0 =	sadd.s32 s3, s6;
	s1 =	sand.u32 $0x1FFFFFF0, s24;
	s6 =	spop (v2sf)  }
0xca: {  	[tilespmem:s29], [sflag:$0x1] =	stream.linear.gather [hbm4b:s0+s12], $0x80, $0x38;
	(v2sf) =	vpush v0, $0xC;
	[tilespmem:$0x1E000] =	vst v63  }
0xcb: {  	s0 =	sadd.s32 s3, s1;
	s1 =	sand.u32 $0x1FFFFFF0, s6;
	s6 =	spop (v2sf)  }
0xcc: {  	[tilespmem:s30], [sflag:$0x1] =	stream.linear.gather [hbm4b:s0+s12], $0x80, $0x38;
	(v2sf) =	vpush v0, $0xD;
	[tilespmem:$0x1E000] =	vst v63  }
0xcd: {  	s0 =	sadd.s32 s3, s1;
	s1 =	sand.u32 $0x1FFFFFF0, s6;
	s6 =	spop (v2sf)  }
0xce: {  	[tilespmem:s25], [sflag:$0x1] =	stream.linear.gather [hbm4b:s0+s12], $0x80, $0x38;
	(v2sf) =	vpush v0, $0xE;
	[tilespmem:$0x1E000] =	vst v63  }
0xcf: {  	s0 =	sadd.s32 s3, s1;
	s1 =	sand.u32 $0x1FFFFFF0, s6;
	s6 =	spop (v2sf)  }
0xd0: {  	[tilespmem:s26], [sflag:$0x1] =	stream.linear.gather [hbm4b:s0+s12], $0x80, $0x38;
	(v2sf) =	vpush v0, $0xF;
	[tilespmem:$0x1E000] =	vst v63  }
0xd1: {  	s0 =	sadd.s32 s3, s1;
	s1 =	sand.u32 $0x1FFFFFF0, s6;
	s6 =	spop (v2sf)  }
0xd2: {  	[tilespmem:s28], [sflag:$0x1] =	stream.linear.gather [hbm4b:s0+s12], $0x80, $0x38;
	[tilespmem:$0x1E000] =	vst v63  }
0xd3: {  	s0 =	sadd.s32 s3, s1;
	s1 =	sand.u32 $0x1FFFFFF0, s6;
	s6 =	spop (v2sf)  }
0xd4: {  	[tilespmem:s23], [sflag:$0x1] =	stream.linear.gather [hbm4b:s0+s12], $0x80, $0x38;
	[tilespmem:$0x1E000] =	vst v63  }
0xd5: {  	s0 =	sadd.s32 s3, s1;
	s1 =	sand.u32 $0x1FFFFFF0, s6;
	s6 =	spop (v2sf)  }
0xd6: {  	[tilespmem:s22], [sflag:$0x1] =	stream.linear.gather [hbm4b:s0+s12], $0x80, $0x38;
	[tilespmem:$0x1E000] =	vst v63  }
0xd7: {  	s0 =	sadd.s32 s3, s1;
	s1 =	sand.u32 $0x1FFFFFF0, s6;
	s6 =	spop (v2sf)  }
0xd8: {  	[tilespmem:s21], [sflag:$0x1] =	stream.linear.gather [hbm4b:s0+s12], $0x80, $0x38;
	[tilespmem:$0x1E000] =	vst v63  }
0xd9: {  	s0 =	sadd.s32 s3, s1;
	s1 =	sand.u32 $0x1FFFFFF0, s6;
	s6 =	spop (v2sf)  }
0xda: {  	[tilespmem:s20], [sflag:$0x1] =	stream.linear.gather [hbm4b:s0+s12], $0x80, $0x38;
	[tilespmem:$0x1E000] =	vst v63  }
0xdb: {  	s0 =	sadd.s32 s3, s1;
	s1 =	sand.u32 $0x1FFFFFF0, s6;
	s6 =	spop (v2sf)  }
0xdc: {  	[tilespmem:s19], [sflag:$0x1] =	stream.linear.gather [hbm4b:s0+s12], $0x80, $0x38;
	[tilespmem:$0x1E000] =	vst v63  }
0xdd: {  	s0 =	sadd.s32 s3, s1;
	s1 =	sand.u32 $0x1FFFFFF0, s6;
	s6 =	spop (v2sf)  }
0xde: {  	[tilespmem:s18], [sflag:$0x1] =	stream.linear.gather [hbm4b:s0+s12], $0x80, $0x38;
	[tilespmem:$0x1E000] =	vst v63  }
0xdf: {  	s0 =	sadd.s32 s3, s1;
	s1 =	sand.u32 $0x1FFFFFF0, s6;
	s6 =	spop (v2sf)  }
0xe0: {  	[tilespmem:s17], [sflag:$0x1] =	stream.linear.gather [hbm4b:s0+s12], $0x80, $0x38;
	[tilespmem:$0x1E000] =	vst v63  }
0xe1: {  	s1 =	sadd.s32 s3, s1;
	s0 =	sadd.s32 $0x2700, s15;
	s6 =	sand.u32 $0x1FFFFFF0, s6  }
0xe2: {  	[tilespmem:s0], [sflag:$0x1] =	stream.linear.gather [hbm4b:s1+s12], $0x80, $0x38;
	[tilespmem:$0x1E000] =	vst v63  }
0xe3: {  	s0 =	sadd.s32 s3, s6  }
0xe4: {  	[tilespmem:s16], [sflag:$0x1] =	stream.linear.gather [hbm4b:s0+s12], $0x80, $0x38;
	[tilespmem:$0x1E000] =	vst v63  }
0xe5: {  	v0 =	vld [tilespmem:s13+$0xFFFFFFF0];
	_ =	sdelay $0x4  }
0xe6: {  	v0 =	vshll.u32 v0, $0x4  }
0xe7: {  	(v2sf) =	vpush v0, $0x0  }
0xe8: {  	(v2sf) =	vpush v0, $0x1  }
0xe9: {  	(v2sf) =	vpush v0, $0x2;
	_ =	sdelay $0x1  }
0xea: {  	(v2sf) =	vpush v0, $0x3;
	_ =	sdelay $0x1  }
0xeb: {  	(v2sf) =	vpush v0, $0x4;
	_ =	sdelay $0x1  }
0xec: {  	(v2sf) =	vpush v0, $0x5;
	_ =	sdelay $0x1  }
0xed: {  	(v2sf) =	vpush v0, $0x6  }
0xee: {  	s18 =	sadd.s32 $0x2E00, s15;
	s17 =	sadd.s32 $0x2E80, s15;
	s16 =	sadd.s32 $0x2F80, s15  }
0xef: {  	s21 =	sadd.s32 $0x2C80, s15;
	s20 =	sadd.s32 $0x2D00, s15;
	s19 =	sadd.s32 $0x2D80, s15;
	(v2sf) =	vpush v0, $0x7  }
0xf0: {  	s24 =	sadd.s32 $0x2B00, s15;
	s23 =	sadd.s32 $0x2B80, s15;
	s22 =	sadd.s32 $0x2C00, s15  }
0xf1: {  	s1 =	sadd.s32 $0x2A00, s15;
	s6 =	sadd.s32 $0x2A80, s15;
	s0 =	sadd.s32 $0x2980, s15;
	(v2sf) =	vpush v0, $0x8  }
0xf2: {  	s25 =	sadd.s32 $0x2880, s15;
	s26 =	sadd.s32 $0x2900, s15;
	s28 =	spop (v2sf)  }
0xf3: {  	s29 =	sadd.s32 $0x2800, s15;
	s28 =	sand.u32 $0x1FFFFFF0, s28;
	s30 =	spop (v2sf);
	(v2sf) =	vpush v0, $0x9  }
0xf4: {  	s28 =	sadd.s32 s3, s28;
	s30 =	sand.u32 $0x1FFFFFF0, s30;
	s31 =	spop (v2sf)  }
0xf5: {  	[tilespmem:s29], [sflag:$0x1] =	stream.linear.gather [hbm4b:s28+s12], $0x80, $0x38;
	(v2sf) =	vpush v0, $0xA;
	[tilespmem:$0x1E000] =	vst v63  }
0xf6: {  	s28 =	sadd.s32 s3, s30;
	s29 =	sand.u32 $0x1FFFFFF0, s31;
	s30 =	spop (v2sf)  }
0xf7: {  	[tilespmem:s25], [sflag:$0x1] =	stream.linear.gather [hbm4b:s28+s12], $0x80, $0x38;
	(v2sf) =	vpush v0, $0xB;
	[tilespmem:$0x1E000] =	vst v63  }
0xf8: {  	s25 =	sadd.s32 s3, s29;
	s28 =	sand.u32 $0x1FFFFFF0, s30;
	s29 =	spop (v2sf)  }
0xf9: {  	[tilespmem:s26], [sflag:$0x1] =	stream.linear.gather [hbm4b:s25+s12], $0x80, $0x38;
	(v2sf) =	vpush v0, $0xC;
	[tilespmem:$0x1E000] =	vst v63  }
0xfa: {  	s25 =	sadd.s32 s3, s28;
	s26 =	sand.u32 $0x1FFFFFF0, s29;
	s28 =	spop (v2sf)  }
0xfb: {  	[tilespmem:s0], [sflag:$0x1] =	stream.linear.gather [hbm4b:s25+s12], $0x80, $0x38;
	(v2sf) =	vpush v0, $0xD;
	[tilespmem:$0x1E000] =	vst v63  }
0xfc: {  	s0 =	sadd.s32 s3, s26;
	s25 =	sand.u32 $0x1FFFFFF0, s28;
	s26 =	spop (v2sf)  }
0xfd: {  	[tilespmem:s1], [sflag:$0x1] =	stream.linear.gather [hbm4b:s0+s12], $0x80, $0x38;
	(v2sf) =	vpush v0, $0xE;
	[tilespmem:$0x1E000] =	vst v63  }
0xfe: {  	s0 =	sadd.s32 s3, s25;
	s1 =	sand.u32 $0x1FFFFFF0, s26;
	s25 =	spop (v2sf)  }
0xff: {  	[tilespmem:s6], [sflag:$0x1] =	stream.linear.gather [hbm4b:s0+s12], $0x80, $0x38;
	(v2sf) =	vpush v0, $0xF;
	[tilespmem:$0x1E000] =	vst v63  }
0x100: {  	s0 =	sadd.s32 s3, s1;
	s1 =	sand.u32 $0x1FFFFFF0, s25;
	s6 =	spop (v2sf)  }
0x101: {  	[tilespmem:s24], [sflag:$0x1] =	stream.linear.gather [hbm4b:s0+s12], $0x80, $0x38;
	[tilespmem:$0x1E000] =	vst v63  }
0x102: {  	s0 =	sadd.s32 s3, s1;
	s1 =	sand.u32 $0x1FFFFFF0, s6;
	s6 =	spop (v2sf)  }
0x103: {  	[tilespmem:s23], [sflag:$0x1] =	stream.linear.gather [hbm4b:s0+s12], $0x80, $0x38;
	[tilespmem:$0x1E000] =	vst v63  }
0x104: {  	s0 =	sadd.s32 s3, s1;
	s1 =	sand.u32 $0x1FFFFFF0, s6;
	s6 =	spop (v2sf)  }
0x105: {  	[tilespmem:s22], [sflag:$0x1] =	stream.linear.gather [hbm4b:s0+s12], $0x80, $0x38;
	[tilespmem:$0x1E000] =	vst v63  }
0x106: {  	s0 =	sadd.s32 s3, s1;
	s1 =	sand.u32 $0x1FFFFFF0, s6;
	s6 =	spop (v2sf)  }
0x107: {  	[tilespmem:s21], [sflag:$0x1] =	stream.linear.gather [hbm4b:s0+s12], $0x80, $0x38;
	[tilespmem:$0x1E000] =	vst v63  }
0x108: {  	s0 =	sadd.s32 s3, s1;
	s1 =	sand.u32 $0x1FFFFFF0, s6;
	s6 =	spop (v2sf)  }
0x109: {  	[tilespmem:s20], [sflag:$0x1] =	stream.linear.gather [hbm4b:s0+s12], $0x80, $0x38;
	[tilespmem:$0x1E000] =	vst v63  }
0x10a: {  	s0 =	sadd.s32 s3, s1;
	s1 =	sand.u32 $0x1FFFFFF0, s6;
	s6 =	spop (v2sf)  }
0x10b: {  	[tilespmem:s19], [sflag:$0x1] =	stream.linear.gather [hbm4b:s0+s12], $0x80, $0x38;
	[tilespmem:$0x1E000] =	vst v63  }
0x10c: {  	s0 =	sadd.s32 s3, s1;
	s1 =	sand.u32 $0x1FFFFFF0, s6;
	s6 =	spop (v2sf)  }
0x10d: {  	[tilespmem:s18], [sflag:$0x1] =	stream.linear.gather [hbm4b:s0+s12], $0x80, $0x38;
	[tilespmem:$0x1E000] =	vst v63  }
0x10e: {  	s0 =	sadd.s32 s3, s1;
	s1 =	sand.u32 $0x1FFFFFF0, s6;
	s6 =	spop (v2sf)  }
0x10f: {  	[tilespmem:s17], [sflag:$0x1] =	stream.linear.gather [hbm4b:s0+s12], $0x80, $0x38;
	[tilespmem:$0x1E000] =	vst v63  }
0x110: {  	s1 =	sadd.s32 s3, s1;
	s0 =	sadd.s32 $0x2F00, s15;
	s6 =	sand.u32 $0x1FFFFFF0, s6  }
0x111: {  	[tilespmem:s0], [sflag:$0x1] =	stream.linear.gather [hbm4b:s1+s12], $0x80, $0x38;
	[tilespmem:$0x1E000] =	vst v63  }
0x112: {  	s0 =	sadd.s32 s3, s6  }
0x113: {  	[tilespmem:s16], [sflag:$0x1] =	stream.linear.gather [hbm4b:s0+s12], $0x80, $0x38;
	[tilespmem:$0x1E000] =	vst v63  }
0x114: {  	v0 =	vld [tilespmem:s13+$0x0];
	_ =	sdelay $0x4  }
0x115: {  	v0 =	vshll.u32 v0, $0x4  }
0x116: {  	(v2sf) =	vpush v0, $0x0  }
0x117: {  	(v2sf) =	vpush v0, $0x1  }
0x118: {  	(v2sf) =	vpush v0, $0x2;
	_ =	sdelay $0x1  }
0x119: {  	(v2sf) =	vpush v0, $0x3;
	_ =	sdelay $0x1  }
0x11a: {  	(v2sf) =	vpush v0, $0x4;
	_ =	sdelay $0x1  }
0x11b: {  	(v2sf) =	vpush v0, $0x5;
	_ =	sdelay $0x1  }
0x11c: {  	(v2sf) =	vpush v0, $0x6  }
0x11d: {  	s17 =	sadd.s32 $0x3600, s15;
	s16 =	sadd.s32 $0x3680, s15  }
0x11e: {  	s20 =	sadd.s32 $0x3480, s15;
	s19 =	sadd.s32 $0x3500, s15;
	s18 =	sadd.s32 $0x3580, s15;
	(v2sf) =	vpush v0, $0x7  }
0x11f: {  	s23 =	sadd.s32 $0x3300, s15;
	s22 =	sadd.s32 $0x3380, s15;
	s21 =	sadd.s32 $0x3400, s15  }
0x120: {  	s1 =	sadd.s32 $0x3200, s15;
	s6 =	sadd.s32 $0x3280, s15;
	s0 =	sadd.s32 $0x3180, s15;
	(v2sf) =	vpush v0, $0x8  }
0x121: {  	s25 =	sadd.s32 $0x3100, s15;
	s24 =	sadd.s32 $0x3080, s15;
	s26 =	spop (v2sf)  }
0x122: {  	s28 =	sadd.s32 $0x3000, s15;
	s26 =	sand.u32 $0x1FFFFFF0, s26;
	s29 =	spop (v2sf);
	(v2sf) =	vpush v0, $0x9  }
0x123: {  	s26 =	sadd.s32 s3, s26;
	s29 =	sand.u32 $0x1FFFFFF0, s29;
	s30 =	spop (v2sf)  }
0x124: {  	[tilespmem:s28], [sflag:$0x1] =	stream.linear.gather [hbm4b:s26+s12], $0x80, $0x38;
	(v2sf) =	vpush v0, $0xA;
	[tilespmem:$0x1E000] =	vst v63  }
0x125: {  	s26 =	sadd.s32 s3, s29;
	s28 =	sand.u32 $0x1FFFFFF0, s30;
	s29 =	spop (v2sf)  }
0x126: {  	[tilespmem:s24], [sflag:$0x1] =	stream.linear.gather [hbm4b:s26+s12], $0x80, $0x38;
	(v2sf) =	vpush v0, $0xB;
	[tilespmem:$0x1E000] =	vst v63  }
0x127: {  	s24 =	sadd.s32 s3, s28;
	s26 =	sand.u32 $0x1FFFFFF0, s29;
	s28 =	spop (v2sf)  }
0x128: {  	[tilespmem:s25], [sflag:$0x1] =	stream.linear.gather [hbm4b:s24+s12], $0x80, $0x38;
	(v2sf) =	vpush v0, $0xC;
	[tilespmem:$0x1E000] =	vst v63  }
0x129: {  	s24 =	sadd.s32 s3, s26;
	s25 =	sand.u32 $0x1FFFFFF0, s28;
	s26 =	spop (v2sf)  }
0x12a: {  	[tilespmem:s0], [sflag:$0x1] =	stream.linear.gather [hbm4b:s24+s12], $0x80, $0x38;
	(v2sf) =	vpush v0, $0xD;
	[tilespmem:$0x1E000] =	vst v63  }
0x12b: {  	s0 =	sadd.s32 s3, s25;
	s24 =	sand.u32 $0x1FFFFFF0, s26;
	s25 =	spop (v2sf)  }
0x12c: {  	[tilespmem:s1], [sflag:$0x1] =	stream.linear.gather [hbm4b:s0+s12], $0x80, $0x38;
	(v2sf) =	vpush v0, $0xE;
	[tilespmem:$0x1E000] =	vst v63  }
0x12d: {  	s0 =	sadd.s32 s3, s24;
	s1 =	sand.u32 $0x1FFFFFF0, s25;
	s24 =	spop (v2sf)  }
0x12e: {  	[tilespmem:s6], [sflag:$0x1] =	stream.linear.gather [hbm4b:s0+s12], $0x80, $0x38;
	(v2sf) =	vpush v0, $0xF;
	[tilespmem:$0x1E000] =	vst v63  }
0x12f: {  	s0 =	sadd.s32 s3, s1;
	s1 =	sand.u32 $0x1FFFFFF0, s24;
	s6 =	spop (v2sf)  }
0x130: {  	[tilespmem:s23], [sflag:$0x1] =	stream.linear.gather [hbm4b:s0+s12], $0x80, $0x38;
	[tilespmem:$0x1E000] =	vst v63  }
0x131: {  	s0 =	sadd.s32 s3, s1;
	s1 =	sand.u32 $0x1FFFFFF0, s6;
	s6 =	spop (v2sf)  }
0x132: {  	[tilespmem:s22], [sflag:$0x1] =	stream.linear.gather [hbm4b:s0+s12], $0x80, $0x38;
	[tilespmem:$0x1E000] =	vst v63  }
0x133: {  	s0 =	sadd.s32 s3, s1;
	s1 =	sand.u32 $0x1FFFFFF0, s6;
	s6 =	spop (v2sf)  }
0x134: {  	[tilespmem:s21], [sflag:$0x1] =	stream.linear.gather [hbm4b:s0+s12], $0x80, $0x38;
	[tilespmem:$0x1E000] =	vst v63  }
0x135: {  	s0 =	sadd.s32 s3, s1;
	s1 =	sand.u32 $0x1FFFFFF0, s6;
	s6 =	spop (v2sf)  }
0x136: {  	[tilespmem:s20], [sflag:$0x1] =	stream.linear.gather [hbm4b:s0+s12], $0x80, $0x38;
	[tilespmem:$0x1E000] =	vst v63  }
0x137: {  	s0 =	sadd.s32 s3, s1;
	s1 =	sand.u32 $0x1FFFFFF0, s6;
	s6 =	spop (v2sf)  }
0x138: {  	[tilespmem:s19], [sflag:$0x1] =	stream.linear.gather [hbm4b:s0+s12], $0x80, $0x38;
	[tilespmem:$0x1E000] =	vst v63  }
0x139: {  	s0 =	sadd.s32 s3, s1;
	s1 =	sand.u32 $0x1FFFFFF0, s6;
	s6 =	spop (v2sf)  }
0x13a: {  	[tilespmem:s18], [sflag:$0x1] =	stream.linear.gather [hbm4b:s0+s12], $0x80, $0x38;
	[tilespmem:$0x1E000] =	vst v63  }
0x13b: {  	s0 =	sadd.s32 s3, s1;
	s1 =	sand.u32 $0x1FFFFFF0, s6;
	s6 =	spop (v2sf)  }
0x13c: {  	[tilespmem:s17], [sflag:$0x1] =	stream.linear.gather [hbm4b:s0+s12], $0x80, $0x38;
	[tilespmem:$0x1E000] =	vst v63  }
0x13d: {  	s0 =	sadd.s32 s3, s1;
	s1 =	sand.u32 $0x1FFFFFF0, s6;
	s6 =	spop (v2sf)  }
0x13e: {  	[tilespmem:s16], [sflag:$0x1] =	stream.linear.gather [hbm4b:s0+s12], $0x80, $0x38;
	[tilespmem:$0x1E000] =	vst v63  }
0x13f: {  	s1 =	sadd.s32 s3, s1;
	s0 =	sadd.s32 $0x3700, s15;
	s6 =	sand.u32 $0x1FFFFFF0, s6  }
0x140: {  	[tilespmem:s0], [sflag:$0x1] =	stream.linear.gather [hbm4b:s1+s12], $0x80, $0x38;
	[tilespmem:$0x1E000] =	vst v63  }
0x141: {  	s0 =	sadd.s32 $0x3780, s15;
	s1 =	sadd.s32 s3, s6  }
0x142: {  	[tilespmem:s0], [sflag:$0x1] =	stream.linear.gather [hbm4b:s1+s12], $0x80, $0x38;
	[tilespmem:$0x1E000] =	vst v63  }
0x143: {  	v0 =	vld [tilespmem:s13+$0x10];
	_ =	sdelay $0x2  }
.Ltmp2:
0x144: {  	(pc) =	sbr.rel @p0 .LBB2_2-.Ltmp2, $4  }
0x145: {  	_ = 	snop  }
0x146: {  	v0 =	vshll.u32 v0, $0x4  }
0x147: {  	(v2sf) =	vpush v0, $0x0  }
0x148: {  	(v2sf) =	vpush v0, $0x1  }
0x149: {  	_ =	sdelay $0xc  }
0x14a: {  	s0 =	spop (v2sf)  }
.Ltmp3:
0x14b: {  	s0 =	sand.u32 $0x1FFFFFF0, s0;
	s1 =	spop (v2sf);
	(pc) =	sbr.rel .LBB2_4-.Ltmp3, $4  }
0x14c: {  	s6 =	sadd.s32 $0x3800, s15;
	s0 =	sadd.s32 s3, s0;
	s1 =	sand.u32 $0x1FFFFFF0, s1  }
0x14d: {  	[tilespmem:s6], [sflag:$0x1] =	stream.linear.gather [hbm4b:s0+s12], $0x80, $0x38;
	[tilespmem:$0x1E000] =	vst v63  }
0x14e: {  	s31 =	sadd.s32 $0x3880, s15;
	p0 =	por $0x1, $0x1;
	s1 =	sadd.s32 s3, s1  }
0x14f: {  	[tilespmem:s31], [sflag:$0x1] =	stream.linear.gather [hbm4b:s1+s12], $0x80, $0x38;
	[tilespmem:$0x1E000] =	vst v63  }
.LBB2_9:
0x150: {  	_ =	sdelay $0x7  }
0x151: {  	s0 =	sadd.s32 s20, s19;
	s1 =	spop (v2sf)  }
0x152: {  	s6 =	sand.u32 $0x40, s17;
	s1 =	sand.u32 $0x1FFFFFF0, s1;
	s7 =	spop (v2sf)  }
0x153: {  	s8 =	sadd.s32 $0x1800, s15;
	s1 =	sadd.s32 s3, s1;
	s7 =	sand.u32 $0x1FFFFFF0, s7  }
0x154: {  	[tilespmem:s8], [sflag:s14] =	stream.linear.gather [hbm4b:s1+s2], $0x80, $0x38;
	[tilespmem:$0x1E000] =	vst v63  }
0x155: {  	s23 =	sadd.s32 $0x1880, s15;
	s15 =	sadd.s32 s6, s0;
	s24 =	sadd.s32 s3, s7  }
0x156: {  	[tilespmem:s23], [sflag:s14] =	stream.linear.gather [hbm4b:s24+s2], $0x80, $0x38;
	[tilespmem:$0x1E000] =	vst v63  }
0x157: {  	v0 =	vld [tilespmem:s15+$0x0];
	_ =	sdelay $0x4  }
0x158: {  	v0 =	vshll.u32 v0, $0x4  }
0x159: {  	(v2sf) =	vpush v0, $0x1  }
0x15a: {  	(v2sf) =	vpush v0, $0x0;
	_ =	sdelay $0x1  }
0x15b: {  	(v2sf) =	vpush v0, $0x2;
	_ =	sdelay $0x1  }
0x15c: {  	(v2sf) =	vpush v0, $0x3;
	_ =	sdelay $0x1  }
0x15d: {  	(v2sf) =	vpush v0, $0x4;
	_ =	sdelay $0x1  }
0x15e: {  	(v2sf) =	vpush v0, $0x5  }
0x15f: {  	s25 =	rddreg [dreg:$0x4];
	s26 =	sshra.s32 s16, $0x2  }
0x160: {  	s16 =	sadd.s32 s26, s25;
	(v2sf) =	vpush v0, $0x6  }
0x161: {  	s0 =	sadd.s32 $0x180, s16  }
0x162: {  	s18 =	sadd.s32 $0x500, s16;
	s17 =	sadd.s32 $0x580, s16;
	s6 =	sadd.s32 $0x380, s16;
	(v2sf) =	vpush v0, $0x7  }
0x163: {  	s9 =	sadd.s32 $0x300, s16;
	s20 =	sadd.s32 $0x480, s16;
	s22 =	sadd.s32 $0x100, s16  }
0x164: {  	s19 =	sadd.s32 $0x600, s16;
	s25 =	sadd.s32 $0x680, s16;
	(v2sf) =	vpush v0, $0x8;
	s21 =	spop (v2sf)  }
0x165: {  	s1 =	sadd.s32 $0x200, s16;
	s7 =	sadd.s32 $0x400, s16;
	s23 =	spop (v2sf)  }
0x166: {  	s8 =	sadd.s32 $0x280, s16;
	s24 =	sadd.s32 $0x80, s16;
	(v2sf) =	vpush v0, $0x9;
	s23 =	sand.u32 $0x1FFFFFF0, s23  }
0x167: {  	s21 =	sand.u32 $0x1FFFFFF0, s21;
	s26 =	spop (v2sf);
	s23 =	sadd.s32 s3, s23  }
0x168: {  	(v2sf) =	vpush v0, $0xA;
	[tilespmem:s16], [sflag:s14] =	stream.linear.gather [hbm4b:s23+s2], $0x80, $0x38;
	[tilespmem:$0x1E000] =	vst v63  }
0x169: {  	s21 =	sadd.s32 s3, s21;
	s28 =	sand.u32 $0x1FFFFFF0, s26;
	s29 =	spop (v2sf)  }
0x16a: {  	(v2sf) =	vpush v0, $0xB;
	[tilespmem:s24], [sflag:s14] =	stream.linear.gather [hbm4b:s21+s2], $0x80, $0x38;
	[tilespmem:$0x1E000] =	vst v63  }
0x16b: {  	s30 =	sand.u32 $0x1FFFFFF0, s29;
	s31 =	spop (v2sf);
	s23 =	sadd.s32 s3, s28  }
0x16c: {  	(v2sf) =	vpush v0, $0xC;
	[tilespmem:s22], [sflag:s14] =	stream.linear.gather [hbm4b:s23+s2], $0x80, $0x38;
	[tilespmem:$0x1E000] =	vst v63  }
0x16d: {  	s26 =	sand.u32 $0x1FFFFFF0, s31;
	s28 =	spop (v2sf);
	s21 =	sadd.s32 s3, s30  }
0x16e: {  	(v2sf) =	vpush v0, $0xD;
	[tilespmem:s0], [sflag:s14] =	stream.linear.gather [hbm4b:s21+s2], $0x80, $0x38;
	[tilespmem:$0x1E000] =	vst v63  }
0x16f: {  	s29 =	sand.u32 $0x1FFFFFF0, s28;
	s30 =	spop (v2sf);
	s22 =	sadd.s32 s3, s26  }
0x170: {  	(v2sf) =	vpush v0, $0xE;
	[tilespmem:s1], [sflag:s14] =	stream.linear.gather [hbm4b:s22+s2], $0x80, $0x38;
	[tilespmem:$0x1E000] =	vst v63  }
0x171: {  	s31 =	sand.u32 $0x1FFFFFF0, s30;
	s0 =	sadd.s32 s3, s29;
	s22 =	spop (v2sf)  }
0x172: {  	(v2sf) =	vpush v0, $0xF;
	[tilespmem:s8], [sflag:s14] =	stream.linear.gather [hbm4b:s0+s2], $0x80, $0x38;
	[tilespmem:$0x1E000] =	vst v63  }
0x173: {  	s1 =	sadd.s32 s3, s31;
	s23 =	sand.u32 $0x1FFFFFF0, s22;
	s24 =	spop (v2sf)  }
0x174: {  	[tilespmem:s9], [sflag:s14] =	stream.linear.gather [hbm4b:s1+s2], $0x80, $0x38;
	[tilespmem:$0x1E000] =	vst v63  }
0x175: {  	s26 =	sand.u32 $0x1FFFFFF0, s24;
	s0 =	sadd.s32 s3, s23;
	s28 =	spop (v2sf)  }
0x176: {  	[tilespmem:s6], [sflag:s14] =	stream.linear.gather [hbm4b:s0+s2], $0x80, $0x38;
	[tilespmem:$0x1E000] =	vst v63  }
0x177: {  	s1 =	sadd.s32 s3, s26;
	s29 =	sand.u32 $0x1FFFFFF0, s28;
	s30 =	spop (v2sf)  }
0x178: {  	[tilespmem:s7], [sflag:s14] =	stream.linear.gather [hbm4b:s1+s2], $0x80, $0x38;
	[tilespmem:$0x1E000] =	vst v63  }
0x179: {  	s31 =	sand.u32 $0x1FFFFFF0, s30;
	s0 =	sadd.s32 s3, s29;
	s7 =	spop (v2sf)  }
0x17a: {  	[tilespmem:s20], [sflag:s14] =	stream.linear.gather [hbm4b:s0+s2], $0x80, $0x38;
	[tilespmem:$0x1E000] =	vst v63  }
0x17b: {  	s1 =	sadd.s32 s3, s31;
	s8 =	sand.u32 $0x1FFFFFF0, s7;
	s9 =	spop (v2sf)  }
0x17c: {  	[tilespmem:s18], [sflag:s14] =	stream.linear.gather [hbm4b:s1+s2], $0x80, $0x38;
	[tilespmem:$0x1E000] =	vst v63  }
0x17d: {  	s20 =	spop (v2sf);
	s0 =	sadd.s32 s3, s8;
	s18 =	sand.u32 $0x1FFFFFF0, s9  }
0x17e: {  	[tilespmem:s17], [sflag:s14] =	stream.linear.gather [hbm4b:s0+s2], $0x80, $0x38;
	[tilespmem:$0x1E000] =	vst v63  }
0x17f: {  	s21 =	sand.u32 $0x1FFFFFF0, s20;
	s22 =	spop (v2sf);
	s1 =	sadd.s32 s3, s18  }
0x180: {  	[tilespmem:s19], [sflag:s14] =	stream.linear.gather [hbm4b:s1+s2], $0x80, $0x38;
	[tilespmem:$0x1E000] =	vst v63  }
0x181: {  	s23 =	sand.u32 $0x1FFFFFF0, s22;
	s0 =	sadd.s32 s3, s21;
	s24 =	spop (v2sf)  }
0x182: {  	[tilespmem:s25], [sflag:s14] =	stream.linear.gather [hbm4b:s0+s2], $0x80, $0x38;
	[tilespmem:$0x1E000] =	vst v63  }
0x183: {  	s28 =	sadd.s32 $0x700, s16;
	s26 =	sand.u32 $0x1FFFFFF0, s24;
	s1 =	sadd.s32 s3, s23  }
0x184: {  	[tilespmem:s28], [sflag:s14] =	stream.linear.gather [hbm4b:s1+s2], $0x80, $0x38;
	[tilespmem:$0x1E000] =	vst v63  }
0x185: {  	s29 =	sadd.s32 $0x780, s16;
	s0 =	sadd.s32 s3, s26  }
0x186: {  	[tilespmem:s29], [sflag:s14] =	stream.linear.gather [hbm4b:s0+s2], $0x80, $0x38;
	[tilespmem:$0x1E000] =	vst v63  }
0x187: {  	v61 =	vld [tilespmem:s15+$0x10];
	_ =	sdelay $0x4  }
0x188: {  	v0 =	vshll.u32 v61, $0x4  }
0x189: {  	(v2sf) =	vpush v0, $0x0  }
0x18a: {  	(v2sf) =	vpush v0, $0x1  }
0x18b: {  	(v2sf) =	vpush v0, $0x2;
	_ =	sdelay $0x1  }
0x18c: {  	(v2sf) =	vpush v0, $0x3;
	_ =	sdelay $0x1  }
0x18d: {  	(v2sf) =	vpush v0, $0x4;
	_ =	sdelay $0x1  }
0x18e: {  	(v2sf) =	vpush v0, $0x5;
	_ =	sdelay $0x1  }
0x18f: {  	(v2sf) =	vpush v0, $0x6  }
0x190: {  	s6 =	sadd.s32 $0xC00, s16;
	s31 =	sadd.s32 $0x800, s16  }
0x191: {  	s7 =	sadd.s32 $0x980, s16;
	s8 =	sadd.s32 $0xA00, s16;
	s20 =	sadd.s32 $0xD00, s16;
	(v2sf) =	vpush v0, $0x7  }
0x192: {  	s9 =	sadd.s32 $0xA80, s16;
	s22 =	sadd.s32 $0x880, s16;
	s18 =	sadd.s32 $0xE00, s16  }
0x193: {  	s17 =	sadd.s32 $0xE80, s16;
	s21 =	sadd.s32 $0xC80, s16;
	s19 =	sadd.s32 $0xD80, s16;
	(v2sf) =	vpush v0, $0x8  }
0x194: {  	s23 =	sadd.s32 $0x900, s16;
	s1 =	sadd.s32 $0xB80, s16;
	s30 =	spop (v2sf)  }
0x195: {  	s0 =	sadd.s32 $0xB00, s16;
	s24 =	sand.u32 $0x1FFFFFF0, s30;
	s28 =	spop (v2sf);
	(v2sf) =	vpush v0, $0x9  }
0x196: {  	s24 =	sadd.s32 s3, s24;
	s26 =	sand.u32 $0x1FFFFFF0, s28;
	s28 =	spop (v2sf)  }
0x197: {  	(v2sf) =	vpush v0, $0xA;
	[tilespmem:s31], [sflag:s14] =	stream.linear.gather [hbm4b:s24+s2], $0x80, $0x38;
	[tilespmem:$0x1E000] =	vst v63  }
0x198: {  	s29 =	sadd.s32 s3, s26;
	s30 =	sand.u32 $0x1FFFFFF0, s28;
	s31 =	spop (v2sf)  }
0x199: {  	(v2sf) =	vpush v0, $0xB;
	[tilespmem:s22], [sflag:s14] =	stream.linear.gather [hbm4b:s29+s2], $0x80, $0x38;
	[tilespmem:$0x1E000] =	vst v63  }
0x19a: {  	s25 =	sadd.s32 s3, s30;
	s26 =	sand.u32 $0x1FFFFFF0, s31;
	s28 =	spop (v2sf)  }
0x19b: {  	(v2sf) =	vpush v0, $0xC;
	[tilespmem:s23], [sflag:s14] =	stream.linear.gather [hbm4b:s25+s2], $0x80, $0x38;
	[tilespmem:$0x1E000] =	vst v63  }
0x19c: {  	s29 =	sadd.s32 s3, s26;
	s30 =	sand.u32 $0x1FFFFFF0, s28;
	s31 =	spop (v2sf)  }
0x19d: {  	(v2sf) =	vpush v0, $0xD;
	[tilespmem:s7], [sflag:s14] =	stream.linear.gather [hbm4b:s29+s2], $0x80, $0x38;
	[tilespmem:$0x1E000] =	vst v63  }
0x19e: {  	s22 =	sadd.s32 s3, s30;
	s24 =	spop (v2sf);
	s23 =	sand.u32 $0x1FFFFFF0, s31  }
0x19f: {  	(v2sf) =	vpush v0, $0xE;
	[tilespmem:s8], [sflag:s14] =	stream.linear.gather [hbm4b:s22+s2], $0x80, $0x38;
	[tilespmem:$0x1E000] =	vst v63  }
0x1a0: {  	s26 =	sand.u32 $0x1FFFFFF0, s24;
	s28 =	spop (v2sf);
	s25 =	sadd.s32 s3, s23  }
0x1a1: {  	(v2sf) =	vpush v0, $0xF;
	[tilespmem:s9], [sflag:s14] =	stream.linear.gather [hbm4b:s25+s2], $0x80, $0x38;
	[tilespmem:$0x1E000] =	vst v63  }
0x1a2: {  	s30 =	sand.u32 $0x1FFFFFF0, s28;
	s31 =	spop (v2sf);
	s29 =	sadd.s32 s3, s26  }
0x1a3: {  	[tilespmem:s0], [sflag:s14] =	stream.linear.gather [hbm4b:s29+s2], $0x80, $0x38;
	[tilespmem:$0x1E000] =	vst v63  }
0x1a4: {  	s7 =	sadd.s32 s3, s30;
	s8 =	sand.u32 $0x1FFFFFF0, s31;
	s9 =	spop (v2sf)  }
0x1a5: {  	[tilespmem:s1], [sflag:s14] =	stream.linear.gather [hbm4b:s7+s2], $0x80, $0x38;
	[tilespmem:$0x1E000] =	vst v63  }
0x1a6: {  	s22 =	sadd.s32 s3, s8;
	s23 =	sand.u32 $0x1FFFFFF0, s9;
	s24 =	spop (v2sf)  }
0x1a7: {  	[tilespmem:s6], [sflag:s14] =	stream.linear.gather [hbm4b:s22+s2], $0x80, $0x38;
	[tilespmem:$0x1E000] =	vst v63  }
0x1a8: {  	s25 =	sadd.s32 s3, s23;
	s26 =	sand.u32 $0x1FFFFFF0, s24;
	s28 =	spop (v2sf)  }
0x1a9: {  	[tilespmem:s21], [sflag:s14] =	stream.linear.gather [hbm4b:s25+s2], $0x80, $0x38;
	[tilespmem:$0x1E000] =	vst v63  }
0x1aa: {  	s29 =	sadd.s32 s3, s26;
	s30 =	sand.u32 $0x1FFFFFF0, s28;
	s31 =	spop (v2sf)  }
0x1ab: {  	[tilespmem:s20], [sflag:s14] =	stream.linear.gather [hbm4b:s29+s2], $0x80, $0x38;
	[tilespmem:$0x1E000] =	vst v63  }
0x1ac: {  	s1 =	sadd.s32 s3, s30;
	s7 =	sand.u32 $0x1FFFFFF0, s31;
	s8 =	spop (v2sf)  }
0x1ad: {  	[tilespmem:s19], [sflag:s14] =	stream.linear.gather [hbm4b:s1+s2], $0x80, $0x38;
	[tilespmem:$0x1E000] =	vst v63  }
0x1ae: {  	s9 =	sadd.s32 s3, s7;
	s20 =	spop (v2sf);
	s19 =	sand.u32 $0x1FFFFFF0, s8  }
0x1af: {  	[tilespmem:s18], [sflag:s14] =	stream.linear.gather [hbm4b:s9+s2], $0x80, $0x38;
	[tilespmem:$0x1E000] =	vst v63  }
0x1b0: {  	s22 =	sand.u32 $0x1FFFFFF0, s20;
	s23 =	spop (v2sf);
	s21 =	sadd.s32 s3, s19  }
0x1b1: {  	[tilespmem:s17], [sflag:s14] =	stream.linear.gather [hbm4b:s21+s2], $0x80, $0x38;
	[tilespmem:$0x1E000] =	vst v63  }
0x1b2: {  	s24 =	sadd.s32 $0xF00, s16;
	s1 =	sadd.s32 s3, s22;
	s6 =	sand.u32 $0x1FFFFFF0, s23  }
0x1b3: {  	[tilespmem:s24], [sflag:s14] =	stream.linear.gather [hbm4b:s1+s2], $0x80, $0x38;
	[tilespmem:$0x1E000] =	vst v63  }
0x1b4: {  	s25 =	sadd.s32 $0xF80, s16;
	s26 =	sadd.s32 s3, s6  }
0x1b5: {  	[tilespmem:s25], [sflag:s14] =	stream.linear.gather [hbm4b:s26+s2], $0x80, $0x38;
	[tilespmem:$0x1E000] =	vst v63  }
0x1b6: {  	v62 =	vld [tilespmem:s15+$0x20];
	_ =	sdelay $0x4  }
0x1b7: {  	v0 =	vshll.u32 v62, $0x4  }
0x1b8: {  	(v2sf) =	vpush v0, $0x0  }
0x1b9: {  	(v2sf) =	vpush v0, $0x1  }
0x1ba: {  	(v2sf) =	vpush v0, $0x2;
	_ =	sdelay $0x1  }
0x1bb: {  	(v2sf) =	vpush v0, $0x3;
	_ =	sdelay $0x1  }
0x1bc: {  	(v2sf) =	vpush v0, $0x4;
	_ =	sdelay $0x1  }
0x1bd: {  	(v2sf) =	vpush v0, $0x5;
	_ =	sdelay $0x1  }
0x1be: {  	(v2sf) =	vpush v0, $0x6  }
0x1bf: {  	s0 =	sadd.s32 $0x1300, s16;
	s7 =	sadd.s32 $0x1180, s16  }
0x1c0: {  	s29 =	sadd.s32 $0x1000, s16;
	s20 =	sadd.s32 $0x1500, s16;
	s8 =	sadd.s32 $0x1200, s16;
	(v2sf) =	vpush v0, $0x7  }
0x1c1: {  	s22 =	sadd.s32 $0x1080, s16;
	s23 =	sadd.s32 $0x1100, s16;
	s19 =	sadd.s32 $0x1580, s16  }
0x1c2: {  	s6 =	sadd.s32 $0x1400, s16;
	s18 =	sadd.s32 $0x1600, s16;
	s9 =	sadd.s32 $0x1280, s16;
	(v2sf) =	vpush v0, $0x8  }
0x1c3: {  	s17 =	sadd.s32 $0x1680, s16;
	s21 =	sadd.s32 $0x1480, s16;
	s28 =	spop (v2sf)  }
0x1c4: {  	s1 =	sadd.s32 $0x1380, s16;
	(v2sf) =	vpush v0, $0x9;
	s24 =	sand.u32 $0x1FFFFFF0, s28;
	s30 =	spop (v2sf)  }
0x1c5: {  	s24 =	sadd.s32 s3, s24;
	s26 =	sand.u32 $0x1FFFFFF0, s30;
	s31 =	spop (v2sf)  }
0x1c6: {  	(v2sf) =	vpush v0, $0xA;
	[tilespmem:s29], [sflag:s14] =	stream.linear.gather [hbm4b:s24+s2], $0x80, $0x38;
	[tilespmem:$0x1E000] =	vst v63  }
0x1c7: {  	s29 =	sadd.s32 s3, s26;
	s30 =	sand.u32 $0x1FFFFFF0, s31;
	s31 =	spop (v2sf)  }
0x1c8: {  	(v2sf) =	vpush v0, $0xB;
	[tilespmem:s22], [sflag:s14] =	stream.linear.gather [hbm4b:s29+s2], $0x80, $0x38;
	[tilespmem:$0x1E000] =	vst v63  }
0x1c9: {  	s25 =	sadd.s32 s3, s30;
	s26 =	sand.u32 $0x1FFFFFF0, s31;
	s28 =	spop (v2sf)  }
0x1ca: {  	(v2sf) =	vpush v0, $0xC;
	[tilespmem:s23], [sflag:s14] =	stream.linear.gather [hbm4b:s25+s2], $0x80, $0x38;
	[tilespmem:$0x1E000] =	vst v63  }
0x1cb: {  	s29 =	sadd.s32 s3, s26;
	s30 =	sand.u32 $0x1FFFFFF0, s28;
	s31 =	spop (v2sf)  }
0x1cc: {  	(v2sf) =	vpush v0, $0xD;
	[tilespmem:s7], [sflag:s14] =	stream.linear.gather [hbm4b:s29+s2], $0x80, $0x38;
	[tilespmem:$0x1E000] =	vst v63  }
0x1cd: {  	s22 =	sadd.s32 s3, s30;
	s24 =	spop (v2sf);
	s23 =	sand.u32 $0x1FFFFFF0, s31  }
0x1ce: {  	(v2sf) =	vpush v0, $0xE;
	[tilespmem:s8], [sflag:s14] =	stream.linear.gather [hbm4b:s22+s2], $0x80, $0x38;
	[tilespmem:$0x1E000] =	vst v63  }
0x1cf: {  	s26 =	sand.u32 $0x1FFFFFF0, s24;
	s28 =	spop (v2sf);
	s25 =	sadd.s32 s3, s23  }
0x1d0: {  	(v2sf) =	vpush v0, $0xF;
	[tilespmem:s9], [sflag:s14] =	stream.linear.gather [hbm4b:s25+s2], $0x80, $0x38;
	[tilespmem:$0x1E000] =	vst v63  }
0x1d1: {  	s30 =	sand.u32 $0x1FFFFFF0, s28;
	s31 =	spop (v2sf);
	s29 =	sadd.s32 s3, s26  }
0x1d2: {  	[tilespmem:s0], [sflag:s14] =	stream.linear.gather [hbm4b:s29+s2], $0x80, $0x38;
	[tilespmem:$0x1E000] =	vst v63  }
0x1d3: {  	s7 =	sadd.s32 s3, s30;
	s8 =	sand.u32 $0x1FFFFFF0, s31;
	s9 =	spop (v2sf)  }
0x1d4: {  	[tilespmem:s1], [sflag:s14] =	stream.linear.gather [hbm4b:s7+s2], $0x80, $0x38;
	[tilespmem:$0x1E000] =	vst v63  }
0x1d5: {  	s22 =	sadd.s32 s3, s8;
	s23 =	sand.u32 $0x1FFFFFF0, s9;
	s24 =	spop (v2sf)  }
0x1d6: {  	[tilespmem:s6], [sflag:s14] =	stream.linear.gather [hbm4b:s22+s2], $0x80, $0x38;
	[tilespmem:$0x1E000] =	vst v63  }
0x1d7: {  	s25 =	sadd.s32 s3, s23;
	s26 =	sand.u32 $0x1FFFFFF0, s24;
	s28 =	spop (v2sf)  }
0x1d8: {  	[tilespmem:s21], [sflag:s14] =	stream.linear.gather [hbm4b:s25+s2], $0x80, $0x38;
	[tilespmem:$0x1E000] =	vst v63  }
0x1d9: {  	s29 =	sadd.s32 s3, s26;
	s30 =	sand.u32 $0x1FFFFFF0, s28;
	s31 =	spop (v2sf)  }
0x1da: {  	[tilespmem:s20], [sflag:s14] =	stream.linear.gather [hbm4b:s29+s2], $0x80, $0x38;
	[tilespmem:$0x1E000] =	vst v63  }
0x1db: {  	s1 =	sadd.s32 s3, s30;
	s7 =	sand.u32 $0x1FFFFFF0, s31;
	s8 =	spop (v2sf)  }
0x1dc: {  	[tilespmem:s19], [sflag:s14] =	stream.linear.gather [hbm4b:s1+s2], $0x80, $0x38;
	[tilespmem:$0x1E000] =	vst v63  }
0x1dd: {  	s9 =	sadd.s32 s3, s7;
	s20 =	spop (v2sf);
	s19 =	sand.u32 $0x1FFFFFF0, s8  }
0x1de: {  	[tilespmem:s18], [sflag:s14] =	stream.linear.gather [hbm4b:s9+s2], $0x80, $0x38;
	[tilespmem:$0x1E000] =	vst v63  }
0x1df: {  	s22 =	sand.u32 $0x1FFFFFF0, s20;
	s23 =	spop (v2sf);
	s21 =	sadd.s32 s3, s19  }
0x1e0: {  	[tilespmem:s17], [sflag:s14] =	stream.linear.gather [hbm4b:s21+s2], $0x80, $0x38;
	[tilespmem:$0x1E000] =	vst v63  }
0x1e1: {  	s24 =	sadd.s32 $0x1700, s16;
	s1 =	sadd.s32 s3, s22;
	s6 =	sand.u32 $0x1FFFFFF0, s23  }
0x1e2: {  	[tilespmem:s24], [sflag:s14] =	stream.linear.gather [hbm4b:s1+s2], $0x80, $0x38;
	[tilespmem:$0x1E000] =	vst v63  }
0x1e3: {  	s25 =	sadd.s32 $0x1780, s16;
	s26 =	sadd.s32 s3, s6  }
0x1e4: {  	[tilespmem:s25], [sflag:s14] =	stream.linear.gather [hbm4b:s26+s2], $0x80, $0x38;
	[tilespmem:$0x1E000] =	vst v63  }
0x1e5: {  	v63 =	vld [tilespmem:s15+$0x30];
	_ =	sdelay $0x4  }
0x1e6: {  	v0 =	vshll.u32 v63, $0x4  }
0x1e7: {  	(v2sf) =	vpush v0, $0x0  }
0x1e8: {  	(v2sf) =	vpush v0, $0x1;
	_ =	sdelay $0xd  }
0x1e9: {  	s28 =	spop (v2sf)  }
0x1ea: {  	s0 =	sand.u32 $0x1FFFFFF0, s28;
	s29 =	spop (v2sf)  }
0x1eb: {  	s30 =	sadd.s32 $0x1800, s16;
	s0 =	sadd.s32 s3, s0;
	s1 =	sand.u32 $0x1FFFFFF0, s29  }
0x1ec: {  	[tilespmem:s30], [sflag:s14] =	stream.linear.gather [hbm4b:s0+s2], $0x80, $0x38;
	[tilespmem:$0x1E000] =	vst v63  }
0x1ed: {  	s31 =	sadd.s32 $0x1880, s16;
	s1 =	sadd.s32 s3, s1  }
0x1ee: {  	[tilespmem:s31], [sflag:s14] =	stream.linear.gather [hbm4b:s1+s2], $0x80, $0x38;
	[tilespmem:$0x1E000] =	vst v63  }
.LBB2_10:
0x1ef: {  	s0 =	sand.u32 $0x1, s12;
	s6 =	sshll.u32 s12, $0x3  }
0x1f0: {  	s1 =	smul.u32 $0x38000, s0;
	s7 =	sadd.s32 $0x1, s0;
	s6 =	sadd.s32 s5, s6  }
0x1f1: {  	_ =	swait.ge [sflag:s7], $0xC800;
	s6 =	smul.u32 $0x380, s6  }
0x1f2: {  	s0 =	sadd.s32 $0x3, s0;
	s1 =	sshrl.u32 s1, $0x2;
	[sflag:s7] =	ssyncset.done $0x0  }
0x1f3: {  	s8 =	sadd.s32 $0x2000, s1;
	[sflag:s7] =	ssyncadd.s32 $0xFFFF3800;
	s6 =	sadd.s32 s4, s6  }
0x1f4: {  	[hbm4b:s6+s2] =	stream.linear.scatter [tilespmem:s8], [sflag:s0], $0x1900, $0x38;
	[tilespmem:$0x1E000] =	vst v63  }
0x1f5: {  	s19 =	sadd.s32 $0x3C00, s1;
	s20 =	sadd.s32 $0x380, s6  }
0x1f6: {  	[hbm4b:s20+s2] =	stream.linear.scatter [tilespmem:s19], [sflag:s0], $0x1900, $0x38;
	[tilespmem:$0x1E000] =	vst v63  }
0x1f7: {  	s21 =	sadd.s32 $0x5800, s1;
	s22 =	sadd.s32 $0x700, s6  }
0x1f8: {  	[hbm4b:s22+s2] =	stream.linear.scatter [tilespmem:s21], [sflag:s0], $0x1900, $0x38;
	[tilespmem:$0x1E000] =	vst v63  }
0x1f9: {  	s23 =	sadd.s32 $0x7400, s1;
	s24 =	sadd.s32 $0xA80, s6  }
0x1fa: {  	[hbm4b:s24+s2] =	stream.linear.scatter [tilespmem:s23], [sflag:s0], $0x1900, $0x38;
	[tilespmem:$0x1E000] =	vst v63  }
0x1fb: {  	s25 =	sadd.s32 $0x9000, s1;
	s26 =	sadd.s32 $0xE00, s6  }
0x1fc: {  	[hbm4b:s26+s2] =	stream.linear.scatter [tilespmem:s25], [sflag:s0], $0x1900, $0x38;
	[tilespmem:$0x1E000] =	vst v63  }
0x1fd: {  	p1 =	sne.s32 s13, $0x10;
	s28 =	sadd.s32 $0xAC00, s1;
	s29 =	sadd.s32 $0x1180, s6  }
0x1fe: {  	[hbm4b:s29+s2] =	stream.linear.scatter [tilespmem:s28], [sflag:s0], $0x1900, $0x38;
	[tilespmem:$0x1E000] =	vst v63  }
.Ltmp4:
0x1ff: {  	_ = 	snop;
	(pc) =	sbr.rel @!p1 .LBB2_11-.Ltmp4, $4  }
0x200: {  	p0 =	por !p0, !p0;
	s30 =	sadd.s32 $0xC800, s1;
	s31 =	sadd.s32 $0x1500, s6  }
0x201: {  	[hbm4b:s31+s2] =	stream.linear.scatter [tilespmem:s30], [sflag:s0], $0x1900, $0x38;
	[tilespmem:$0x1E000] =	vst v63  }
0x202: {  	s12 =	smov.u32 s13;
	s1 =	sadd.s32 $0xE400, s1;
	s6 =	sadd.s32 $0x1880, s6  }
0x203: {  	[hbm4b:s6+s2] =	stream.linear.scatter [tilespmem:s1], [sflag:s0], $0x1900, $0x38;
	[tilespmem:$0x1E000] =	vst v63  }
.LBB2_4:
0x204: {  	p1 =	seq.s32 s12, $0x0  }
.Ltmp5:
0x205: {  	_ = 	snop;
	(pc) =	sbr.rel @p1 .LBB2_7-.Ltmp5, $3  }
0x206: {  	_ =	sdelay $0x1  }
0x207: {  	s13 =	sadd.s32 $0x1, s12  }
0x208: {  	s14 =	sand.u32 $0x1, s13  }
0x209: {  	p1 =	seq.s32 s12, $0xF  }
.Ltmp6:
0x20a: {  	_ = 	snop;
	(pc) =	sbr.rel @p1 .LBB2_10-.Ltmp6, $1  }
0x20b: {  	_ =	sdelay $0x3  }
0x20c: {  	s0 =	sadd.s32 $0x3, s14  }
0x20d: {  	_ =	swait.ge [sflag:s0], $0xC800  }
0x20e: {  	[sflag:s0] =	ssyncset.done $0x0  }
0x20f: {  	[sflag:s0] =	ssyncadd.s32 $0xFFFF3800  }
.LBB2_7:
0x210: {  	s0 =	sshll.u32 s13, $0x9  }
0x211: {  	s0 =	sand.u32 $0x3FFFFE00, s0  }
0x212: {  	s1 =	simm.s32 $0x0;
	[dreg:$0x3] =	wrdreg s0  }
0x213: {  	s6 =	sand.u32 $0x180, s1;
	s0 =	rddreg [dreg:$0x3]  }
0x214: {  	s1 =	sand.u32 $0x40, s1;
	s0 =	sadd.s32 s6, s0  }
0x215: {  	s16 =	sadd.s32 s1, s0  }
0x216: {  	v0 =	vld [tilespmem:s16+$0x0];
	_ =	sdelay $0x4  }
0x217: {  	v0 =	vshll.u32 v0, $0x4  }
0x218: {  	(v2sf) =	vpush v0, $0x1  }
0x219: {  	(v2sf) =	vpush v0, $0x0;
	_ =	sdelay $0x1  }
0x21a: {  	s0 =	simm.s32 $0x1;
	(v2sf) =	vpush v0, $0x2  }
0x21b: {  	s0 =	simm.s32 @!p0 $0x0  }
0x21c: {  	s0 =	smul.u32 $0x38000, s0;
	(v2sf) =	vpush v0, $0x3;
	_ =	sdelay $0x1  }
0x21d: {  	s0 =	sshrl.u32 s0, $0x2;
	(v2sf) =	vpush v0, $0x4  }
0x21e: {  	s0 =	sadd.s32 $0x2000, s0  }
0x21f: {  	[dreg:$0x4] =	wrdreg s0;
	(v2sf) =	vpush v0, $0x5  }
0x220: {  	s0 =	rddreg [dreg:$0x4]  }
0x221: {  	s15 =	sadd.s32 $0x0, s0;
	(v2sf) =	vpush v0, $0x6  }
0x222: {  	s14 =	sadd.s32 $0x1, s14;
	s0 =	sadd.s32 $0x180, s15  }
0x223: {  	s18 =	sadd.s32 $0x500, s15;
	s17 =	sadd.s32 $0x580, s15;
	s1 =	sadd.s32 $0x200, s15;
	(v2sf) =	vpush v0, $0x7  }
0x224: {  	s6 =	sadd.s32 $0x380, s15;
	s20 =	sadd.s32 $0x400, s15;
	s21 =	sadd.s32 $0x280, s15  }
0x225: {  	s22 =	sadd.s32 $0x300, s15;
	s23 =	sadd.s32 $0x480, s15;
	(v2sf) =	vpush v0, $0x8;
	s24 =	spop (v2sf)  }
0x226: {  	s25 =	sadd.s32 $0x100, s15;
	s19 =	sadd.s32 $0x600, s15;
	s26 =	spop (v2sf)  }
0x227: {  	s28 =	sadd.s32 $0x80, s15;
	s29 =	sadd.s32 $0x680, s15;
	(v2sf) =	vpush v0, $0x9;
	s26 =	sand.u32 $0x1FFFFFF0, s26  }
0x228: {  	s24 =	sand.u32 $0x1FFFFFF0, s24;
	s30 =	spop (v2sf);
	s26 =	sadd.s32 s3, s26  }
0x229: {  	(v2sf) =	vpush v0, $0xA;
	[tilespmem:s15], [sflag:s14] =	stream.linear.gather [hbm4b:s26+s2], $0x80, $0x38;
	[tilespmem:$0x1E000] =	vst v63  }
0x22a: {  	s24 =	sadd.s32 s3, s24;
	s31 =	sand.u32 $0x1FFFFFF0, s30;
	s7 =	spop (v2sf)  }
0x22b: {  	(v2sf) =	vpush v0, $0xB;
	[tilespmem:s28], [sflag:s14] =	stream.linear.gather [hbm4b:s24+s2], $0x80, $0x38;
	[tilespmem:$0x1E000] =	vst v63  }
0x22c: {  	s8 =	sand.u32 $0x1FFFFFF0, s7;
	s9 =	spop (v2sf);
	s26 =	sadd.s32 s3, s31  }
0x22d: {  	(v2sf) =	vpush v0, $0xC;
	[tilespmem:s25], [sflag:s14] =	stream.linear.gather [hbm4b:s26+s2], $0x80, $0x38;
	[tilespmem:$0x1E000] =	vst v63  }
0x22e: {  	s30 =	spop (v2sf);
	s28 =	sand.u32 $0x1FFFFFF0, s9;
	s24 =	sadd.s32 s3, s8  }
0x22f: {  	(v2sf) =	vpush v0, $0xD;
	[tilespmem:s0], [sflag:s14] =	stream.linear.gather [hbm4b:s24+s2], $0x80, $0x38;
	[tilespmem:$0x1E000] =	vst v63  }
0x230: {  	s31 =	sand.u32 $0x1FFFFFF0, s30;
	s7 =	spop (v2sf);
	s25 =	sadd.s32 s3, s28  }
0x231: {  	(v2sf) =	vpush v0, $0xE;
	[tilespmem:s1], [sflag:s14] =	stream.linear.gather [hbm4b:s25+s2], $0x80, $0x38;
	[tilespmem:$0x1E000] =	vst v63  }
0x232: {  	s8 =	sand.u32 $0x1FFFFFF0, s7;
	s9 =	spop (v2sf);
	s0 =	sadd.s32 s3, s31  }
0x233: {  	(v2sf) =	vpush v0, $0xF;
	[tilespmem:s21], [sflag:s14] =	stream.linear.gather [hbm4b:s0+s2], $0x80, $0x38;
	[tilespmem:$0x1E000] =	vst v63  }
0x234: {  	s24 =	sand.u32 $0x1FFFFFF0, s9;
	s25 =	spop (v2sf);
	s1 =	sadd.s32 s3, s8  }
0x235: {  	[tilespmem:s22], [sflag:s14] =	stream.linear.gather [hbm4b:s1+s2], $0x80, $0x38;
	[tilespmem:$0x1E000] =	vst v63  }
0x236: {  	s26 =	sand.u32 $0x1FFFFFF0, s25;
	s0 =	sadd.s32 s3, s24;
	s28 =	spop (v2sf)  }
0x237: {  	[tilespmem:s6], [sflag:s14] =	stream.linear.gather [hbm4b:s0+s2], $0x80, $0x38;
	[tilespmem:$0x1E000] =	vst v63  }
0x238: {  	s1 =	sadd.s32 s3, s26;
	s30 =	sand.u32 $0x1FFFFFF0, s28;
	s31 =	spop (v2sf)  }
0x239: {  	[tilespmem:s20], [sflag:s14] =	stream.linear.gather [hbm4b:s1+s2], $0x80, $0x38;
	[tilespmem:$0x1E000] =	vst v63  }
0x23a: {  	s7 =	sand.u32 $0x1FFFFFF0, s31;
	s8 =	spop (v2sf);
	s0 =	sadd.s32 s3, s30  }
0x23b: {  	[tilespmem:s23], [sflag:s14] =	stream.linear.gather [hbm4b:s0+s2], $0x80, $0x38;
	[tilespmem:$0x1E000] =	vst v63  }
0x23c: {  	s9 =	sand.u32 $0x1FFFFFF0, s8;
	s20 =	spop (v2sf);
	s1 =	sadd.s32 s3, s7  }
0x23d: {  	[tilespmem:s18], [sflag:s14] =	stream.linear.gather [hbm4b:s1+s2], $0x80, $0x38;
	[tilespmem:$0x1E000] =	vst v63  }
0x23e: {  	s21 =	sand.u32 $0x1FFFFFF0, s20;
	s22 =	spop (v2sf);
	s0 =	sadd.s32 s3, s9  }
0x23f: {  	[tilespmem:s17], [sflag:s14] =	stream.linear.gather [hbm4b:s0+s2], $0x80, $0x38;
	[tilespmem:$0x1E000] =	vst v63  }
0x240: {  	s23 =	sand.u32 $0x1FFFFFF0, s22;
	s24 =	spop (v2sf);
	s1 =	sadd.s32 s3, s21  }
0x241: {  	[tilespmem:s19], [sflag:s14] =	stream.linear.gather [hbm4b:s1+s2], $0x80, $0x38;
	[tilespmem:$0x1E000] =	vst v63  }
0x242: {  	s25 =	sand.u32 $0x1FFFFFF0, s24;
	s26 =	spop (v2sf);
	s0 =	sadd.s32 s3, s23  }
0x243: {  	[tilespmem:s29], [sflag:s14] =	stream.linear.gather [hbm4b:s0+s2], $0x80, $0x38;
	[tilespmem:$0x1E000] =	vst v63  }
0x244: {  	s28 =	sand.u32 $0x1FFFFFF0, s26;
	s1 =	sadd.s32 s3, s25;
	s29 =	sadd.s32 $0x700, s15  }
0x245: {  	[tilespmem:s29], [sflag:s14] =	stream.linear.gather [hbm4b:s1+s2], $0x80, $0x38;
	[tilespmem:$0x1E000] =	vst v63  }
0x246: {  	s30 =	sadd.s32 $0x780, s15;
	s0 =	sadd.s32 s3, s28  }
0x247: {  	[tilespmem:s30], [sflag:s14] =	stream.linear.gather [hbm4b:s0+s2], $0x80, $0x38;
	[tilespmem:$0x1E000] =	vst v63  }
0x248: {  	v61 =	vld [tilespmem:s16+$0x10];
	_ =	sdelay $0x4  }
0x249: {  	v0 =	vshll.u32 v61, $0x4  }
0x24a: {  	(v2sf) =	vpush v0, $0x0  }
0x24b: {  	(v2sf) =	vpush v0, $0x1  }
0x24c: {  	(v2sf) =	vpush v0, $0x2;
	_ =	sdelay $0x1  }
0x24d: {  	(v2sf) =	vpush v0, $0x3;
	_ =	sdelay $0x1  }
0x24e: {  	(v2sf) =	vpush v0, $0x4;
	_ =	sdelay $0x1  }
0x24f: {  	(v2sf) =	vpush v0, $0x5;
	_ =	sdelay $0x1  }
0x250: {  	(v2sf) =	vpush v0, $0x6  }
0x251: {  	s6 =	sadd.s32 $0xC00, s15;
	s7 =	sadd.s32 $0x800, s15  }
0x252: {  	s20 =	sadd.s32 $0xD00, s15;
	s22 =	sadd.s32 $0x980, s15;
	s24 =	sadd.s32 $0xA80, s15;
	(v2sf) =	vpush v0, $0x7  }
0x253: {  	s18 =	sadd.s32 $0xE00, s15;
	s21 =	sadd.s32 $0xC80, s15;
	s26 =	sadd.s32 $0x900, s15  }
0x254: {  	s17 =	sadd.s32 $0xE80, s15;
	s23 =	sadd.s32 $0xA00, s15;
	s19 =	sadd.s32 $0xD80, s15;
	(v2sf) =	vpush v0, $0x8  }
0x255: {  	s25 =	sadd.s32 $0x880, s15;
	s1 =	sadd.s32 $0xB80, s15;
	s31 =	spop (v2sf)  }
0x256: {  	s0 =	sadd.s32 $0xB00, s15;
	s28 =	sand.u32 $0x1FFFFFF0, s31;
	s8 =	spop (v2sf);
	(v2sf) =	vpush v0, $0x9  }
0x257: {  	s28 =	sadd.s32 s3, s28;
	s30 =	sand.u32 $0x1FFFFFF0, s8;
	s31 =	spop (v2sf)  }
0x258: {  	(v2sf) =	vpush v0, $0xA;
	[tilespmem:s7], [sflag:s14] =	stream.linear.gather [hbm4b:s28+s2], $0x80, $0x38;
	[tilespmem:$0x1E000] =	vst v63  }
0x259: {  	s9 =	sadd.s32 s3, s30;
	s7 =	sand.u32 $0x1FFFFFF0, s31;
	s8 =	spop (v2sf)  }
0x25a: {  	(v2sf) =	vpush v0, $0xB;
	[tilespmem:s25], [sflag:s14] =	stream.linear.gather [hbm4b:s9+s2], $0x80, $0x38;
	[tilespmem:$0x1E000] =	vst v63  }
0x25b: {  	s30 =	sand.u32 $0x1FFFFFF0, s8;
	s31 =	spop (v2sf);
	s9 =	sadd.s32 s3, s7  }
0x25c: {  	(v2sf) =	vpush v0, $0xC;
	[tilespmem:s26], [sflag:s14] =	stream.linear.gather [hbm4b:s9+s2], $0x80, $0x38;
	[tilespmem:$0x1E000] =	vst v63  }
0x25d: {  	s7 =	sadd.s32 s3, s30;
	s8 =	sand.u32 $0x1FFFFFF0, s31;
	s9 =	spop (v2sf)  }
0x25e: {  	(v2sf) =	vpush v0, $0xD;
	[tilespmem:s22], [sflag:s14] =	stream.linear.gather [hbm4b:s7+s2], $0x80, $0x38;
	[tilespmem:$0x1E000] =	vst v63  }
0x25f: {  	s25 =	sadd.s32 s3, s8;
	s26 =	sand.u32 $0x1FFFFFF0, s9;
	s28 =	spop (v2sf)  }
0x260: {  	(v2sf) =	vpush v0, $0xE;
	[tilespmem:s23], [sflag:s14] =	stream.linear.gather [hbm4b:s25+s2], $0x80, $0x38;
	[tilespmem:$0x1E000] =	vst v63  }
0x261: {  	s29 =	sadd.s32 s3, s26;
	s30 =	sand.u32 $0x1FFFFFF0, s28;
	s31 =	spop (v2sf)  }
0x262: {  	(v2sf) =	vpush v0, $0xF;
	[tilespmem:s24], [sflag:s14] =	stream.linear.gather [hbm4b:s29+s2], $0x80, $0x38;
	[tilespmem:$0x1E000] =	vst v63  }
0x263: {  	s7 =	sadd.s32 s3, s30;
	s8 =	sand.u32 $0x1FFFFFF0, s31;
	s9 =	spop (v2sf)  }
0x264: {  	[tilespmem:s0], [sflag:s14] =	stream.linear.gather [hbm4b:s7+s2], $0x80, $0x38;
	[tilespmem:$0x1E000] =	vst v63  }
0x265: {  	s22 =	sadd.s32 s3, s8;
	s23 =	sand.u32 $0x1FFFFFF0, s9;
	s24 =	spop (v2sf)  }
0x266: {  	[tilespmem:s1], [sflag:s14] =	stream.linear.gather [hbm4b:s22+s2], $0x80, $0x38;
	[tilespmem:$0x1E000] =	vst v63  }
0x267: {  	s25 =	sadd.s32 s3, s23;
	s26 =	sand.u32 $0x1FFFFFF0, s24;
	s28 =	spop (v2sf)  }
0x268: {  	[tilespmem:s6], [sflag:s14] =	stream.linear.gather [hbm4b:s25+s2], $0x80, $0x38;
	[tilespmem:$0x1E000] =	vst v63  }
0x269: {  	s29 =	sadd.s32 s3, s26;
	s30 =	sand.u32 $0x1FFFFFF0, s28;
	s31 =	spop (v2sf)  }
0x26a: {  	[tilespmem:s21], [sflag:s14] =	stream.linear.gather [hbm4b:s29+s2], $0x80, $0x38;
	[tilespmem:$0x1E000] =	vst v63  }
0x26b: {  	s7 =	sadd.s32 s3, s30;
	s8 =	sand.u32 $0x1FFFFFF0, s31;
	s9 =	spop (v2sf)  }
0x26c: {  	[tilespmem:s20], [sflag:s14] =	stream.linear.gather [hbm4b:s7+s2], $0x80, $0x38;
	[tilespmem:$0x1E000] =	vst v63  }
0x26d: {  	s22 =	sand.u32 $0x1FFFFFF0, s9;
	s21 =	sadd.s32 s3, s8;
	s23 =	spop (v2sf)  }
0x26e: {  	[tilespmem:s19], [sflag:s14] =	stream.linear.gather [hbm4b:s21+s2], $0x80, $0x38;
	[tilespmem:$0x1E000] =	vst v63  }
0x26f: {  	s24 =	sadd.s32 s3, s22;
	s25 =	sand.u32 $0x1FFFFFF0, s23;
	s26 =	spop (v2sf)  }
0x270: {  	[tilespmem:s18], [sflag:s14] =	stream.linear.gather [hbm4b:s24+s2], $0x80, $0x38;
	[tilespmem:$0x1E000] =	vst v63  }
0x271: {  	s28 =	sadd.s32 s3, s25;
	s29 =	sand.u32 $0x1FFFFFF0, s26;
	s30 =	spop (v2sf)  }
0x272: {  	[tilespmem:s17], [sflag:s14] =	stream.linear.gather [hbm4b:s28+s2], $0x80, $0x38;
	[tilespmem:$0x1E000] =	vst v63  }
0x273: {  	s31 =	sadd.s32 $0xF00, s15;
	s1 =	sadd.s32 s3, s29;
	s6 =	sand.u32 $0x1FFFFFF0, s30  }
0x274: {  	[tilespmem:s31], [sflag:s14] =	stream.linear.gather [hbm4b:s1+s2], $0x80, $0x38;
	[tilespmem:$0x1E000] =	vst v63  }
0x275: {  	s7 =	sadd.s32 s3, s6;
	s1 =	sadd.s32 $0xF80, s15  }
0x276: {  	[tilespmem:s1], [sflag:s14] =	stream.linear.gather [hbm4b:s7+s2], $0x80, $0x38;
	[tilespmem:$0x1E000] =	vst v63  }
0x277: {  	v62 =	vld [tilespmem:s16+$0x20];
	_ =	sdelay $0x4  }
0x278: {  	v0 =	vshll.u32 v62, $0x4  }
0x279: {  	(v2sf) =	vpush v0, $0x0  }
0x27a: {  	(v2sf) =	vpush v0, $0x1  }
0x27b: {  	(v2sf) =	vpush v0, $0x2;
	_ =	sdelay $0x1  }
0x27c: {  	(v2sf) =	vpush v0, $0x3;
	_ =	sdelay $0x1  }
0x27d: {  	(v2sf) =	vpush v0, $0x4;
	_ =	sdelay $0x1  }
0x27e: {  	(v2sf) =	vpush v0, $0x5;
	_ =	sdelay $0x1  }
0x27f: {  	(v2sf) =	vpush v0, $0x6  }
0x280: {  	s0 =	sadd.s32 $0x1300, s15;
	s9 =	sadd.s32 $0x1000, s15  }
0x281: {  	s22 =	sadd.s32 $0x1180, s15;
	s20 =	sadd.s32 $0x1500, s15;
	s23 =	sadd.s32 $0x1200, s15;
	(v2sf) =	vpush v0, $0x7  }
0x282: {  	s25 =	sadd.s32 $0x1080, s15;
	s26 =	sadd.s32 $0x1100, s15;
	s21 =	sadd.s32 $0x1480, s15  }
0x283: {  	s19 =	sadd.s32 $0x1580, s15;
	s6 =	sadd.s32 $0x1400, s15;
	s18 =	sadd.s32 $0x1600, s15;
	(v2sf) =	vpush v0, $0x8  }
0x284: {  	s24 =	sadd.s32 $0x1280, s15;
	s17 =	sadd.s32 $0x1680, s15;
	s8 =	spop (v2sf)  }
0x285: {  	s1 =	sadd.s32 $0x1380, s15;
	(v2sf) =	vpush v0, $0x9;
	s28 =	sand.u32 $0x1FFFFFF0, s8;
	s7 =	spop (v2sf)  }
0x286: {  	s28 =	sadd.s32 s3, s28;
	s30 =	sand.u32 $0x1FFFFFF0, s7;
	s8 =	spop (v2sf)  }
0x287: {  	(v2sf) =	vpush v0, $0xA;
	[tilespmem:s9], [sflag:s14] =	stream.linear.gather [hbm4b:s28+s2], $0x80, $0x38;
	[tilespmem:$0x1E000] =	vst v63  }
0x288: {  	s9 =	sadd.s32 s3, s30;
	s7 =	sand.u32 $0x1FFFFFF0, s8;
	s8 =	spop (v2sf)  }
0x289: {  	(v2sf) =	vpush v0, $0xB;
	[tilespmem:s25], [sflag:s14] =	stream.linear.gather [hbm4b:s9+s2], $0x80, $0x38;
	[tilespmem:$0x1E000] =	vst v63  }
0x28a: {  	s30 =	sand.u32 $0x1FFFFFF0, s8;
	s31 =	spop (v2sf);
	s9 =	sadd.s32 s3, s7  }
0x28b: {  	(v2sf) =	vpush v0, $0xC;
	[tilespmem:s26], [sflag:s14] =	stream.linear.gather [hbm4b:s9+s2], $0x80, $0x38;
	[tilespmem:$0x1E000] =	vst v63  }
0x28c: {  	s7 =	sadd.s32 s3, s30;
	s8 =	sand.u32 $0x1FFFFFF0, s31;
	s9 =	spop (v2sf)  }
0x28d: {  	(v2sf) =	vpush v0, $0xD;
	[tilespmem:s22], [sflag:s14] =	stream.linear.gather [hbm4b:s7+s2], $0x80, $0x38;
	[tilespmem:$0x1E000] =	vst v63  }
0x28e: {  	s25 =	sadd.s32 s3, s8;
	s26 =	sand.u32 $0x1FFFFFF0, s9;
	s28 =	spop (v2sf)  }
0x28f: {  	(v2sf) =	vpush v0, $0xE;
	[tilespmem:s23], [sflag:s14] =	stream.linear.gather [hbm4b:s25+s2], $0x80, $0x38;
	[tilespmem:$0x1E000] =	vst v63  }
0x290: {  	s29 =	sadd.s32 s3, s26;
	s30 =	sand.u32 $0x1FFFFFF0, s28;
	s31 =	spop (v2sf)  }
0x291: {  	(v2sf) =	vpush v0, $0xF;
	[tilespmem:s24], [sflag:s14] =	stream.linear.gather [hbm4b:s29+s2], $0x80, $0x38;
	[tilespmem:$0x1E000] =	vst v63  }
0x292: {  	s7 =	sadd.s32 s3, s30;
	s8 =	sand.u32 $0x1FFFFFF0, s31;
	s9 =	spop (v2sf)  }
0x293: {  	[tilespmem:s0], [sflag:s14] =	stream.linear.gather [hbm4b:s7+s2], $0x80, $0x38;
	[tilespmem:$0x1E000] =	vst v63  }
0x294: {  	s22 =	sadd.s32 s3, s8;
	s23 =	sand.u32 $0x1FFFFFF0, s9;
	s24 =	spop (v2sf)  }
0x295: {  	[tilespmem:s1], [sflag:s14] =	stream.linear.gather [hbm4b:s22+s2], $0x80, $0x38;
	[tilespmem:$0x1E000] =	vst v63  }
0x296: {  	s25 =	sadd.s32 s3, s23;
	s26 =	sand.u32 $0x1FFFFFF0, s24;
	s28 =	spop (v2sf)  }
0x297: {  	[tilespmem:s6], [sflag:s14] =	stream.linear.gather [hbm4b:s25+s2], $0x80, $0x38;
	[tilespmem:$0x1E000] =	vst v63  }
0x298: {  	s29 =	sadd.s32 s3, s26;
	s30 =	sand.u32 $0x1FFFFFF0, s28;
	s31 =	spop (v2sf)  }
0x299: {  	[tilespmem:s21], [sflag:s14] =	stream.linear.gather [hbm4b:s29+s2], $0x80, $0x38;
	[tilespmem:$0x1E000] =	vst v63  }
0x29a: {  	s1 =	sadd.s32 s3, s30;
	s7 =	sand.u32 $0x1FFFFFF0, s31;
	s8 =	spop (v2sf)  }
0x29b: {  	[tilespmem:s20], [sflag:s14] =	stream.linear.gather [hbm4b:s1+s2], $0x80, $0x38;
	[tilespmem:$0x1E000] =	vst v63  }
0x29c: {  	s9 =	sadd.s32 s3, s7;
	s21 =	spop (v2sf);
	s20 =	sand.u32 $0x1FFFFFF0, s8  }
0x29d: {  	[tilespmem:s19], [sflag:s14] =	stream.linear.gather [hbm4b:s9+s2], $0x80, $0x38;
	[tilespmem:$0x1E000] =	vst v63  }
0x29e: {  	s23 =	sand.u32 $0x1FFFFFF0, s21;
	s24 =	spop (v2sf);
	s22 =	sadd.s32 s3, s20  }
0x29f: {  	[tilespmem:s18], [sflag:s14] =	stream.linear.gather [hbm4b:s22+s2], $0x80, $0x38;
	[tilespmem:$0x1E000] =	vst v63  }
0x2a0: {  	s25 =	sadd.s32 s3, s23;
	s26 =	sand.u32 $0x1FFFFFF0, s24;
	s28 =	spop (v2sf)  }
0x2a1: {  	[tilespmem:s17], [sflag:s14] =	stream.linear.gather [hbm4b:s25+s2], $0x80, $0x38;
	[tilespmem:$0x1E000] =	vst v63  }
0x2a2: {  	s29 =	sadd.s32 $0x1700, s15;
	s1 =	sadd.s32 s3, s26;
	s6 =	sand.u32 $0x1FFFFFF0, s28  }
0x2a3: {  	[tilespmem:s29], [sflag:s14] =	stream.linear.gather [hbm4b:s1+s2], $0x80, $0x38;
	[tilespmem:$0x1E000] =	vst v63  }
0x2a4: {  	s30 =	sadd.s32 $0x1780, s15;
	s31 =	sadd.s32 s3, s6  }
0x2a5: {  	[tilespmem:s30], [sflag:s14] =	stream.linear.gather [hbm4b:s31+s2], $0x80, $0x38;
	[tilespmem:$0x1E000] =	vst v63  }
0x2a6: {  	v63 =	vld [tilespmem:s16+$0x30];
	_ =	sdelay $0x4  }
0x2a7: {  	v0 =	vshll.u32 v63, $0x4  }
0x2a8: {  	(v2sf) =	vpush v0, $0x0  }
0x2a9: {  	(v2sf) =	vpush v0, $0x1;
	_ =	sdelay $0x3  }
0x2aa: {  	s19 =	rddreg [dreg:$0x3];
	s17 =	simm.s32 $0x40  }
0x2ab: {  	s18 =	simm.s32 $0xE000;
	s20 =	sand.u32 $0x180, s17;
	s16 =	simm.s32 $0x7000  }
.LBB2_8:
0x2ac: {  	_ =	sdelay $0x7  }
0x2ad: {  	s0 =	sadd.s32 s20, s19;
	s29 =	spop (v2sf)  }
0x2ae: {  	s6 =	sand.u32 $0x40, s17;
	s19 =	sand.u32 $0x1FFFFFF0, s29;
	s21 =	spop (v2sf)  }
0x2af: {  	s31 =	sadd.s32 $0x1800, s15;
	s19 =	sadd.s32 s3, s19;
	s21 =	sand.u32 $0x1FFFFFF0, s21  }
0x2b0: {  	[tilespmem:s31], [sflag:s14] =	stream.linear.gather [hbm4b:s19+s2], $0x80, $0x38;
	[tilespmem:$0x1E000] =	vst v63  }
0x2b1: {  	s30 =	sadd.s32 $0x1880, s15;
	s19 =	sadd.s32 s6, s0;
	s6 =	sadd.s32 s3, s21  }
0x2b2: {  	[tilespmem:s30], [sflag:s14] =	stream.linear.gather [hbm4b:s6+s2], $0x80, $0x38;
	[tilespmem:$0x1E000] =	vst v63  }
0x2b3: {  	v0 =	vld [tilespmem:s19+$0x0];
	_ =	sdelay $0x4  }
0x2b4: {  	v0 =	vshll.u32 v0, $0x4  }
0x2b5: {  	(v2sf) =	vpush v0, $0x1  }
0x2b6: {  	(v2sf) =	vpush v0, $0x0;
	_ =	sdelay $0x1  }
0x2b7: {  	(v2sf) =	vpush v0, $0x2;
	_ =	sdelay $0x1  }
0x2b8: {  	(v2sf) =	vpush v0, $0x3;
	_ =	sdelay $0x1  }
0x2b9: {  	(v2sf) =	vpush v0, $0x4;
	_ =	sdelay $0x1  }
0x2ba: {  	(v2sf) =	vpush v0, $0x5  }
0x2bb: {  	s7 =	rddreg [dreg:$0x4];
	s8 =	sshra.s32 s16, $0x2  }
0x2bc: {  	s1 =	smov.u32 s18;
	s15 =	sadd.s32 s8, s7;
	(v2sf) =	vpush v0, $0x6  }
0x2bd: {  	s16 =	smov.u32 s1;
	s20 =	sadd.s32 $0x580, s15  }
0x2be: {  	s1 =	sadd.s32 $0x200, s15;
	s26 =	sadd.s32 $0x380, s15;
	s24 =	sadd.s32 $0x400, s15;
	(v2sf) =	vpush v0, $0x7  }
0x2bf: {  	s28 =	sadd.s32 $0x300, s15;
	s25 =	sadd.s32 $0x480, s15;
	s22 =	sadd.s32 $0x600, s15  }
0x2c0: {  	s29 =	sadd.s32 $0x100, s15;
	s0 =	sadd.s32 $0x180, s15;
	(v2sf) =	vpush v0, $0x8;
	s23 =	spop (v2sf)  }
0x2c1: {  	s21 =	sadd.s32 $0x500, s15;
	s6 =	sadd.s32 $0x280, s15;
	s9 =	spop (v2sf)  }
0x2c2: {  	s30 =	sadd.s32 $0x80, s15;
	(v2sf) =	vpush v0, $0x9;
	s31 =	sand.u32 $0x1FFFFFF0, s23;
	s7 =	sand.u32 $0x1FFFFFF0, s9  }
0x2c3: {  	s23 =	sadd.s32 $0x680, s15;
	s8 =	spop (v2sf);
	s7 =	sadd.s32 s3, s7  }
0x2c4: {  	(v2sf) =	vpush v0, $0xA;
	[tilespmem:s15], [sflag:s14] =	stream.linear.gather [hbm4b:s7+s2], $0x80, $0x38;
	[tilespmem:$0x1E000] =	vst v63  }
0x2c5: {  	s8 =	sand.u32 $0x1FFFFFF0, s8;
	s9 =	spop (v2sf);
	s7 =	sadd.s32 s3, s31  }
0x2c6: {  	(v2sf) =	vpush v0, $0xB;
	[tilespmem:s30], [sflag:s14] =	stream.linear.gather [hbm4b:s7+s2], $0x80, $0x38;
	[tilespmem:$0x1E000] =	vst v63  }
0x2c7: {  	s9 =	sand.u32 $0x1FFFFFF0, s9;
	s31 =	spop (v2sf);
	s7 =	sadd.s32 s3, s8  }
0x2c8: {  	(v2sf) =	vpush v0, $0xC;
	[tilespmem:s29], [sflag:s14] =	stream.linear.gather [hbm4b:s7+s2], $0x80, $0x38;
	[tilespmem:$0x1E000] =	vst v63  }
0x2c9: {  	s8 =	sand.u32 $0x1FFFFFF0, s31;
	s31 =	spop (v2sf);
	s7 =	sadd.s32 s3, s9  }
0x2ca: {  	(v2sf) =	vpush v0, $0xD;
	[tilespmem:s0], [sflag:s14] =	stream.linear.gather [hbm4b:s7+s2], $0x80, $0x38;
	[tilespmem:$0x1E000] =	vst v63  }
0x2cb: {  	s30 =	sadd.s32 s3, s8;
	s9 =	sand.u32 $0x1FFFFFF0, s31;
	s31 =	spop (v2sf)  }
0x2cc: {  	(v2sf) =	vpush v0, $0xE;
	[tilespmem:s1], [sflag:s14] =	stream.linear.gather [hbm4b:s30+s2], $0x80, $0x38;
	[tilespmem:$0x1E000] =	vst v63  }
0x2cd: {  	s29 =	sadd.s32 s3, s9;
	s7 =	sand.u32 $0x1FFFFFF0, s31;
	s31 =	spop (v2sf)  }
0x2ce: {  	(v2sf) =	vpush v0, $0xF;
	[tilespmem:s6], [sflag:s14] =	stream.linear.gather [hbm4b:s29+s2], $0x80, $0x38;
	[tilespmem:$0x1E000] =	vst v63  }
0x2cf: {  	s7 =	sadd.s32 s3, s7;
	s30 =	sand.u32 $0x1FFFFFF0, s31;
	s31 =	spop (v2sf)  }
0x2d0: {  	[tilespmem:s28], [sflag:s14] =	stream.linear.gather [hbm4b:s7+s2], $0x80, $0x38;
	[tilespmem:$0x1E000] =	vst v63  }
0x2d1: {  	s8 =	sand.u32 $0x1FFFFFF0, s31;
	s29 =	sadd.s32 s3, s30;
	s9 =	spop (v2sf)  }
0x2d2: {  	[tilespmem:s26], [sflag:s14] =	stream.linear.gather [hbm4b:s29+s2], $0x80, $0x38;
	[tilespmem:$0x1E000] =	vst v63  }
0x2d3: {  	s6 =	sadd.s32 s3, s8;
	s30 =	sand.u32 $0x1FFFFFF0, s9;
	s31 =	spop (v2sf)  }
0x2d4: {  	[tilespmem:s24], [sflag:s14] =	stream.linear.gather [hbm4b:s6+s2], $0x80, $0x38;
	[tilespmem:$0x1E000] =	vst v63  }
0x2d5: {  	s8 =	sand.u32 $0x1FFFFFF0, s31;
	s9 =	spop (v2sf);
	s24 =	sadd.s32 s3, s30  }
0x2d6: {  	[tilespmem:s25], [sflag:s14] =	stream.linear.gather [hbm4b:s24+s2], $0x80, $0x38;
	[tilespmem:$0x1E000] =	vst v63  }
0x2d7: {  	s26 =	sand.u32 $0x1FFFFFF0, s9;
	s28 =	spop (v2sf);
	s29 =	sadd.s32 s3, s8  }
0x2d8: {  	[tilespmem:s21], [sflag:s14] =	stream.linear.gather [hbm4b:s29+s2], $0x80, $0x38;
	[tilespmem:$0x1E000] =	vst v63  }
0x2d9: {  	s30 =	sand.u32 $0x1FFFFFF0, s28;
	s1 =	sadd.s32 s3, s26;
	s31 =	spop (v2sf)  }
0x2da: {  	[tilespmem:s20], [sflag:s14] =	stream.linear.gather [hbm4b:s1+s2], $0x80, $0x38;
	[tilespmem:$0x1E000] =	vst v63  }
0x2db: {  	s8 =	sand.u32 $0x1FFFFFF0, s31;
	s9 =	spop (v2sf);
	s20 =	sadd.s32 s3, s30  }
0x2dc: {  	[tilespmem:s22], [sflag:s14] =	stream.linear.gather [hbm4b:s20+s2], $0x80, $0x38;
	[tilespmem:$0x1E000] =	vst v63  }
0x2dd: {  	s25 =	sadd.s32 s3, s8;
	s21 =	sand.u32 $0x1FFFFFF0, s9;
	s24 =	spop (v2sf)  }
0x2de: {  	[tilespmem:s23], [sflag:s14] =	stream.linear.gather [hbm4b:s25+s2], $0x80, $0x38;
	[tilespmem:$0x1E000] =	vst v63  }
0x2df: {  	s28 =	sadd.s32 $0x700, s15;
	s6 =	sadd.s32 s3, s21;
	s26 =	sand.u32 $0x1FFFFFF0, s24  }
0x2e0: {  	[tilespmem:s28], [sflag:s14] =	stream.linear.gather [hbm4b:s6+s2], $0x80, $0x38;
	[tilespmem:$0x1E000] =	vst v63  }
0x2e1: {  	s29 =	sadd.s32 $0x780, s15;
	s1 =	sadd.s32 s3, s26  }
0x2e2: {  	[tilespmem:s29], [sflag:s14] =	stream.linear.gather [hbm4b:s1+s2], $0x80, $0x38;
	[tilespmem:$0x1E000] =	vst v63  }
0x2e3: {  	v61 =	vld [tilespmem:s19+$0x10];
	_ =	sdelay $0x4  }
0x2e4: {  	v0 =	vshll.u32 v61, $0x4  }
0x2e5: {  	(v2sf) =	vpush v0, $0x0  }
0x2e6: {  	(v2sf) =	vpush v0, $0x1  }
0x2e7: {  	(v2sf) =	vpush v0, $0x2;
	_ =	sdelay $0x1  }
0x2e8: {  	(v2sf) =	vpush v0, $0x3;
	_ =	sdelay $0x1  }
0x2e9: {  	(v2sf) =	vpush v0, $0x4;
	_ =	sdelay $0x1  }
0x2ea: {  	(v2sf) =	vpush v0, $0x5;
	_ =	sdelay $0x1  }
0x2eb: {  	(v2sf) =	vpush v0, $0x6  }
0x2ec: {  	s0 =	sadd.s32 $0x980, s15;
	s7 =	sadd.s32 $0x880, s15  }
0x2ed: {  	s8 =	sadd.s32 $0x900, s15;
	s21 =	sadd.s32 $0xE00, s15;
	s24 =	sadd.s32 $0xC80, s15;
	(v2sf) =	vpush v0, $0x7  }
0x2ee: {  	s26 =	sadd.s32 $0xB80, s15;
	s20 =	sadd.s32 $0xE80, s15;
	s22 =	sadd.s32 $0xD80, s15  }
0x2ef: {  	s23 =	sadd.s32 $0xD00, s15;
	s25 =	sadd.s32 $0xC00, s15;
	s28 =	sadd.s32 $0xB00, s15;
	(v2sf) =	vpush v0, $0x8  }
0x2f0: {  	s6 =	sadd.s32 $0xA80, s15;
	s1 =	sadd.s32 $0xA00, s15;
	s30 =	spop (v2sf)  }
0x2f1: {  	s29 =	sadd.s32 $0x800, s15;
	s9 =	sand.u32 $0x1FFFFFF0, s30;
	s31 =	spop (v2sf);
	(v2sf) =	vpush v0, $0x9  }
0x2f2: {  	s9 =	sadd.s32 s3, s9;
	s30 =	sand.u32 $0x1FFFFFF0, s31;
	s31 =	spop (v2sf)  }
0x2f3: {  	(v2sf) =	vpush v0, $0xA;
	[tilespmem:s29], [sflag:s14] =	stream.linear.gather [hbm4b:s9+s2], $0x80, $0x38;
	[tilespmem:$0x1E000] =	vst v63  }
0x2f4: {  	s9 =	sadd.s32 s3, s30;
	s29 =	sand.u32 $0x1FFFFFF0, s31;
	s31 =	spop (v2sf)  }
0x2f5: {  	(v2sf) =	vpush v0, $0xB;
	[tilespmem:s7], [sflag:s14] =	stream.linear.gather [hbm4b:s9+s2], $0x80, $0x38;
	[tilespmem:$0x1E000] =	vst v63  }
0x2f6: {  	s30 =	sand.u32 $0x1FFFFFF0, s31;
	s31 =	spop (v2sf);
	s9 =	sadd.s32 s3, s29  }
0x2f7: {  	(v2sf) =	vpush v0, $0xC;
	[tilespmem:s8], [sflag:s14] =	stream.linear.gather [hbm4b:s9+s2], $0x80, $0x38;
	[tilespmem:$0x1E000] =	vst v63  }
0x2f8: {  	s9 =	sadd.s32 s3, s30;
	s30 =	sand.u32 $0x1FFFFFF0, s31;
	s31 =	spop (v2sf)  }
0x2f9: {  	(v2sf) =	vpush v0, $0xD;
	[tilespmem:s0], [sflag:s14] =	stream.linear.gather [hbm4b:s9+s2], $0x80, $0x38;
	[tilespmem:$0x1E000] =	vst v63  }
0x2fa: {  	s7 =	sadd.s32 s3, s30;
	s8 =	sand.u32 $0x1FFFFFF0, s31;
	s9 =	spop (v2sf)  }
0x2fb: {  	(v2sf) =	vpush v0, $0xE;
	[tilespmem:s1], [sflag:s14] =	stream.linear.gather [hbm4b:s7+s2], $0x80, $0x38;
	[tilespmem:$0x1E000] =	vst v63  }
0x2fc: {  	s29 =	sadd.s32 s3, s8;
	s30 =	sand.u32 $0x1FFFFFF0, s9;
	s31 =	spop (v2sf)  }
0x2fd: {  	(v2sf) =	vpush v0, $0xF;
	[tilespmem:s6], [sflag:s14] =	stream.linear.gather [hbm4b:s29+s2], $0x80, $0x38;
	[tilespmem:$0x1E000] =	vst v63  }
0x2fe: {  	s8 =	sand.u32 $0x1FFFFFF0, s31;
	s9 =	spop (v2sf);
	s6 =	sadd.s32 s3, s30  }
0x2ff: {  	[tilespmem:s28], [sflag:s14] =	stream.linear.gather [hbm4b:s6+s2], $0x80, $0x38;
	[tilespmem:$0x1E000] =	vst v63  }
0x300: {  	s29 =	sadd.s32 s3, s8;
	s30 =	sand.u32 $0x1FFFFFF0, s9;
	s31 =	spop (v2sf)  }
0x301: {  	[tilespmem:s26], [sflag:s14] =	stream.linear.gather [hbm4b:s29+s2], $0x80, $0x38;
	[tilespmem:$0x1E000] =	vst v63  }
0x302: {  	s7 =	sadd.s32 s3, s30;
	s8 =	sand.u32 $0x1FFFFFF0, s31;
	s9 =	spop (v2sf)  }
0x303: {  	[tilespmem:s25], [sflag:s14] =	stream.linear.gather [hbm4b:s7+s2], $0x80, $0x38;
	[tilespmem:$0x1E000] =	vst v63  }
0x304: {  	s26 =	sand.u32 $0x1FFFFFF0, s9;
	s28 =	spop (v2sf);
	s25 =	sadd.s32 s3, s8  }
0x305: {  	[tilespmem:s24], [sflag:s14] =	stream.linear.gather [hbm4b:s25+s2], $0x80, $0x38;
	[tilespmem:$0x1E000] =	vst v63  }
0x306: {  	s29 =	sadd.s32 s3, s26;
	s30 =	sand.u32 $0x1FFFFFF0, s28;
	s31 =	spop (v2sf)  }
0x307: {  	[tilespmem:s23], [sflag:s14] =	stream.linear.gather [hbm4b:s29+s2], $0x80, $0x38;
	[tilespmem:$0x1E000] =	vst v63  }
0x308: {  	s1 =	sadd.s32 s3, s30;
	s6 =	sand.u32 $0x1FFFFFF0, s31;
	s7 =	spop (v2sf)  }
0x309: {  	[tilespmem:s22], [sflag:s14] =	stream.linear.gather [hbm4b:s1+s2], $0x80, $0x38;
	[tilespmem:$0x1E000] =	vst v63  }
0x30a: {  	s8 =	sadd.s32 s3, s6;
	s9 =	sand.u32 $0x1FFFFFF0, s7;
	s22 =	spop (v2sf)  }
0x30b: {  	[tilespmem:s21], [sflag:s14] =	stream.linear.gather [hbm4b:s8+s2], $0x80, $0x38;
	[tilespmem:$0x1E000] =	vst v63  }
0x30c: {  	s23 =	sadd.s32 s3, s9;
	s24 =	sand.u32 $0x1FFFFFF0, s22;
	s25 =	spop (v2sf)  }
0x30d: {  	[tilespmem:s20], [sflag:s14] =	stream.linear.gather [hbm4b:s23+s2], $0x80, $0x38;
	[tilespmem:$0x1E000] =	vst v63  }
0x30e: {  	s26 =	sadd.s32 $0xF00, s15;
	s1 =	sadd.s32 s3, s24;
	s6 =	sand.u32 $0x1FFFFFF0, s25  }
0x30f: {  	[tilespmem:s26], [sflag:s14] =	stream.linear.gather [hbm4b:s1+s2], $0x80, $0x38;
	[tilespmem:$0x1E000] =	vst v63  }
0x310: {  	s28 =	sadd.s32 $0xF80, s15;
	s29 =	sadd.s32 s3, s6  }
0x311: {  	[tilespmem:s28], [sflag:s14] =	stream.linear.gather [hbm4b:s29+s2], $0x80, $0x38;
	[tilespmem:$0x1E000] =	vst v63  }
0x312: {  	v62 =	vld [tilespmem:s19+$0x20];
	_ =	sdelay $0x4  }
0x313: {  	v0 =	vshll.u32 v62, $0x4  }
0x314: {  	(v2sf) =	vpush v0, $0x0  }
0x315: {  	(v2sf) =	vpush v0, $0x1  }
0x316: {  	(v2sf) =	vpush v0, $0x2;
	_ =	sdelay $0x1  }
0x317: {  	(v2sf) =	vpush v0, $0x3;
	_ =	sdelay $0x1  }
0x318: {  	(v2sf) =	vpush v0, $0x4;
	_ =	sdelay $0x1  }
0x319: {  	(v2sf) =	vpush v0, $0x5;
	_ =	sdelay $0x1  }
0x31a: {  	(v2sf) =	vpush v0, $0x6  }
0x31b: {  	s0 =	sadd.s32 $0x1180, s15;
	s7 =	sadd.s32 $0x1080, s15  }
0x31c: {  	s22 =	sadd.s32 $0x1580, s15;
	s21 =	sadd.s32 $0x1600, s15;
	s24 =	sadd.s32 $0x1480, s15;
	(v2sf) =	vpush v0, $0x7  }
0x31d: {  	s25 =	sadd.s32 $0x1400, s15;
	s8 =	sadd.s32 $0x1100, s15;
	s6 =	sadd.s32 $0x1280, s15  }
0x31e: {  	s20 =	sadd.s32 $0x1680, s15;
	s23 =	sadd.s32 $0x1500, s15;
	s26 =	sadd.s32 $0x1380, s15;
	(v2sf) =	vpush v0, $0x8  }
0x31f: {  	s1 =	sadd.s32 $0x1200, s15;
	s28 =	sadd.s32 $0x1300, s15;
	s30 =	spop (v2sf)  }
0x320: {  	s29 =	sadd.s32 $0x1000, s15;
	s9 =	sand.u32 $0x1FFFFFF0, s30;
	s31 =	spop (v2sf);
	(v2sf) =	vpush v0, $0x9  }
0x321: {  	s9 =	sadd.s32 s3, s9;
	s30 =	sand.u32 $0x1FFFFFF0, s31;
	s31 =	spop (v2sf)  }
0x322: {  	(v2sf) =	vpush v0, $0xA;
	[tilespmem:s29], [sflag:s14] =	stream.linear.gather [hbm4b:s9+s2], $0x80, $0x38;
	[tilespmem:$0x1E000] =	vst v63  }
0x323: {  	s9 =	sadd.s32 s3, s30;
	s29 =	sand.u32 $0x1FFFFFF0, s31;
	s31 =	spop (v2sf)  }
0x324: {  	(v2sf) =	vpush v0, $0xB;
	[tilespmem:s7], [sflag:s14] =	stream.linear.gather [hbm4b:s9+s2], $0x80, $0x38;
	[tilespmem:$0x1E000] =	vst v63  }
0x325: {  	s30 =	sand.u32 $0x1FFFFFF0, s31;
	s31 =	spop (v2sf);
	s9 =	sadd.s32 s3, s29  }
0x326: {  	(v2sf) =	vpush v0, $0xC;
	[tilespmem:s8], [sflag:s14] =	stream.linear.gather [hbm4b:s9+s2], $0x80, $0x38;
	[tilespmem:$0x1E000] =	vst v63  }
0x327: {  	s9 =	sadd.s32 s3, s30;
	s30 =	sand.u32 $0x1FFFFFF0, s31;
	s31 =	spop (v2sf)  }
0x328: {  	(v2sf) =	vpush v0, $0xD;
	[tilespmem:s0], [sflag:s14] =	stream.linear.gather [hbm4b:s9+s2], $0x80, $0x38;
	[tilespmem:$0x1E000] =	vst v63  }
0x329: {  	s7 =	sadd.s32 s3, s30;
	s8 =	sand.u32 $0x1FFFFFF0, s31;
	s9 =	spop (v2sf)  }
0x32a: {  	(v2sf) =	vpush v0, $0xE;
	[tilespmem:s1], [sflag:s14] =	stream.linear.gather [hbm4b:s7+s2], $0x80, $0x38;
	[tilespmem:$0x1E000] =	vst v63  }
0x32b: {  	s29 =	sadd.s32 s3, s8;
	s30 =	sand.u32 $0x1FFFFFF0, s9;
	s31 =	spop (v2sf)  }
0x32c: {  	(v2sf) =	vpush v0, $0xF;
	[tilespmem:s6], [sflag:s14] =	stream.linear.gather [hbm4b:s29+s2], $0x80, $0x38;
	[tilespmem:$0x1E000] =	vst v63  }
0x32d: {  	s8 =	sand.u32 $0x1FFFFFF0, s31;
	s9 =	spop (v2sf);
	s6 =	sadd.s32 s3, s30  }
0x32e: {  	[tilespmem:s28], [sflag:s14] =	stream.linear.gather [hbm4b:s6+s2], $0x80, $0x38;
	[tilespmem:$0x1E000] =	vst v63  }
0x32f: {  	s29 =	sadd.s32 s3, s8;
	s30 =	sand.u32 $0x1FFFFFF0, s9;
	s31 =	spop (v2sf)  }
0x330: {  	[tilespmem:s26], [sflag:s14] =	stream.linear.gather [hbm4b:s29+s2], $0x80, $0x38;
	[tilespmem:$0x1E000] =	vst v63  }
0x331: {  	s7 =	sadd.s32 s3, s30;
	s8 =	sand.u32 $0x1FFFFFF0, s31;
	s9 =	spop (v2sf)  }
0x332: {  	[tilespmem:s25], [sflag:s14] =	stream.linear.gather [hbm4b:s7+s2], $0x80, $0x38;
	[tilespmem:$0x1E000] =	vst v63  }
0x333: {  	s26 =	sand.u32 $0x1FFFFFF0, s9;
	s28 =	spop (v2sf);
	s25 =	sadd.s32 s3, s8  }
0x334: {  	[tilespmem:s24], [sflag:s14] =	stream.linear.gather [hbm4b:s25+s2], $0x80, $0x38;
	[tilespmem:$0x1E000] =	vst v63  }
0x335: {  	s29 =	sadd.s32 s3, s26;
	s30 =	sand.u32 $0x1FFFFFF0, s28;
	s31 =	spop (v2sf)  }
0x336: {  	[tilespmem:s23], [sflag:s14] =	stream.linear.gather [hbm4b:s29+s2], $0x80, $0x38;
	[tilespmem:$0x1E000] =	vst v63  }
0x337: {  	s7 =	sadd.s32 s3, s30;
	s8 =	sand.u32 $0x1FFFFFF0, s31;
	s9 =	spop (v2sf)  }
0x338: {  	[tilespmem:s22], [sflag:s14] =	stream.linear.gather [hbm4b:s7+s2], $0x80, $0x38;
	[tilespmem:$0x1E000] =	vst v63  }
0x339: {  	s23 =	sand.u32 $0x1FFFFFF0, s9;
	s24 =	spop (v2sf);
	s22 =	sadd.s32 s3, s8  }
0x33a: {  	[tilespmem:s21], [sflag:s14] =	stream.linear.gather [hbm4b:s22+s2], $0x80, $0x38;
	[tilespmem:$0x1E000] =	vst v63  }
0x33b: {  	s25 =	sadd.s32 s3, s23;
	s26 =	sand.u32 $0x1FFFFFF0, s24;
	s28 =	spop (v2sf)  }
0x33c: {  	[tilespmem:s20], [sflag:s14] =	stream.linear.gather [hbm4b:s25+s2], $0x80, $0x38;
	[tilespmem:$0x1E000] =	vst v63  }
0x33d: {  	s29 =	sadd.s32 $0x1700, s15;
	s1 =	sadd.s32 s3, s26;
	s6 =	sand.u32 $0x1FFFFFF0, s28  }
0x33e: {  	[tilespmem:s29], [sflag:s14] =	stream.linear.gather [hbm4b:s1+s2], $0x80, $0x38;
	[tilespmem:$0x1E000] =	vst v63  }
0x33f: {  	s30 =	sadd.s32 $0x1780, s15;
	s31 =	sadd.s32 s3, s6  }
0x340: {  	[tilespmem:s30], [sflag:s14] =	stream.linear.gather [hbm4b:s31+s2], $0x80, $0x38;
	[tilespmem:$0x1E000] =	vst v63  }
0x341: {  	v63 =	vld [tilespmem:s19+$0x30];
	_ =	sdelay $0x1  }
0x342: {  	p1 =	sne.s32 s18, $0x31000  }
.Ltmp7:
0x343: {  	_ = 	snop;
	(pc) =	sbr.rel @p1 .LBB2_8-.Ltmp7, $4  }
0x344: {  	_ = 	snop  }
0x345: {  	v0 =	vshll.u32 v63, $0x4  }
0x346: {  	s17 =	sadd.s32 $0x40, s17;
	(v2sf) =	vpush v0, $0x0  }
0x347: {  	s18 =	sadd.s32 $0x7000, s18;
	s20 =	sand.u32 $0x180, s17;
	s19 =	rddreg [dreg:$0x3];
	(v2sf) =	vpush v0, $0x1  }
.Ltmp8:
0x348: {  	_ = 	snop;
	(pc) =	sbr.rel .LBB2_9-.Ltmp8, $1  }
0x349: {  	_ =	sdelay $0x3  }
.LBB2_12:
0x34a: {  	_ =	sfence.sel $0x180000  }
0x34b: {  	[bflag:$0x0] =	sbarrier.arrive $0xFFFF  }
0x34c: {  	_ =	strace $0x90000047  }
0x34d: {  	s0 =	stileid.u32;
	[bflag:$0x2] =	sbarrier.arrive $0xFFFF  }
0x34e: {  	p0 =	sne.s32 s0, $0x0;
	s0 =	rddreg [dreg:$0x2]  }
0x34f: {  	s0 =	sadd.s32 @!p0 $0x100000, s0  }
0x350: {  	[sflag:s0] =	ssyncadd.tile.s32 @!p0 $0x1;
	_ =	shalt  }
.Lfunc_end2:
_tile_overlayer_lowered:
.L_overlay_start_2:
0x351: {  	(tag) =	ssettag $0x2  }
0x352: {  	s0 =	rddreg [dreg:$0x0];
	s2 =	stileid.u32  }
0x353: {  	s1 =	rddreg [dreg:$0x1];
	p0 =	sne.s32 s2, $0x0  }
0x354: {  	s3 =	rddreg [dreg:$0x2];
	[bflag:$0x3] =	sbarrier.arrive $0xFFFF;
	s2 =	simm.s32 @!p0 $0x1C05  }
0x355: {  	[timem:s3], [sflag:s2] =	dma.local @!p0 [hbm:s0], s1  }
0x356: {  	s0 =	simm.s32 @!p0 $0x5  }
0x357: {  	_ =	swait.ge @!p0 [sflag:s0], s1  }
0x358: {  	s1 =	ssub.s32 @!p0 $0x0, s1;
	[sflag:s0] =	ssyncset.done @!p0 $0x0  }
0x359: {  	[sflag:s0] =	ssyncadd.s32 @!p0 s1  }
0x35a: {  	[bflag:$0x3] =	sbarrier.arrive $0xFFFF  }
0x35b: {  	_ =	shalt  }

</sc_bundles>
